<compile_context>
chip_gen: v7x
topology: tpu7x:2x2x1
jax: 0.10.2.dev20260603
libtpu: 0.0.44.dev20260713+nightly
codegen_flags: <defaults>
</compile_context>

<pallas_src>
import functools

import jax
import jax.numpy as jnp
from jax import lax
from jax.experimental import pallas as pl
from jax.experimental.pallas import tpu as pltpu
from jax.experimental.pallas import tpu_sc as plsc

N = 10000
D = 128
G = 32
HEADS = 4
INNER = 64
KV = HEADS * INNER
LAMB = 0.5
SCALE = INNER ** -0.5

NP = 10240
EP = 331776
NWORK = 32
EPW = EP // NWORK
C = 128
NCHUNK = EPW // C
RPS = NP // 16


@functools.cache
def _sc_degcount_kernel():
    mesh = plsc.VectorSubcoreMesh(core_axis_name="c", subcore_axis_name="s")
    return functools.partial(
        pl.kernel,
        mesh=mesh,
        out_type=jax.ShapeDtypeStruct((2, NP, 128), jnp.float32),
        compiler_params=pltpu.CompilerParams(needs_layout_passes=False),
        scratch_types=[
            pltpu.VMEM((C,), jnp.int32),
            pltpu.VMEM((C, 128), jnp.float32),
            pltpu.VMEM_SHARED((NP, 128), jnp.float32),
        ],
    )(_sc_degcount_body)


def _sc_degcount_body(row_hbm, z128_hbm, out_hbm, row_v, ones_v, acc_sh):
    cid = lax.axis_index("c")
    sid = lax.axis_index("s")
    wid = sid * 2 + cid
    pltpu.sync_copy(z128_hbm.at[pl.ds(sid * RPS, RPS)],
                    acc_sh.at[pl.ds(sid * RPS, RPS)])

    def fill(i, carry):
        for j in range(8):
            ones_v[i, pl.ds(j * 16, 16)] = jnp.full((16,), 1.0, jnp.float32)
        return carry

    lax.fori_loop(0, C, fill, 0)
    plsc.subcore_barrier()

    def body(i, carry):
        off = pl.multiple_of(wid * EPW + i * C, 8)
        pltpu.sync_copy(row_hbm.at[pl.ds(off, C)], row_v)
        pltpu.sync_copy(ones_v, acc_sh.at[row_v], add=True)
        return carry

    lax.fori_loop(0, NCHUNK, body, 0)
    plsc.subcore_barrier()
    pltpu.sync_copy(acc_sh.at[pl.ds(sid * RPS, RPS)],
                    out_hbm.at[cid, pl.ds(sid * RPS, RPS)])


@functools.cache
def _sc_aggregate_kernel():
    mesh = plsc.VectorSubcoreMesh(core_axis_name="c", subcore_axis_name="s")
    return functools.partial(
        pl.kernel,
        mesh=mesh,
        out_type=jax.ShapeDtypeStruct((2, NP, 128), jnp.float32),
        compiler_params=pltpu.CompilerParams(needs_layout_passes=False),
        scratch_types=[
            pltpu.VMEM((C,), jnp.int32),
            pltpu.VMEM((C,), jnp.int32),
            pltpu.VMEM((C,), jnp.float32),
            pltpu.VMEM((C, 128), jnp.float32),
            pltpu.VMEM((NP,), jnp.float32),
            pltpu.VMEM((NP,), jnp.float32),
            pltpu.VMEM_SHARED((NP, 128), jnp.float32),
            pltpu.SemaphoreType.DMA,
        ],
    )(_sc_aggregate_body)


def _sc_aggregate_body(xw_hbm, col_hbm, row_hbm, dis_hbm, f_hbm, z128_hbm, out_hbm,
                       col_v, row_v, w_v, rows_v, dis_v, f_v, acc_sh, sem):
    cid = lax.axis_index("c")
    sid = lax.axis_index("s")
    wid = sid * 2 + cid
    pltpu.sync_copy(z128_hbm.at[pl.ds(sid * RPS, RPS)],
                    acc_sh.at[pl.ds(sid * RPS, RPS)])
    pltpu.sync_copy(dis_hbm, dis_v)
    pltpu.sync_copy(f_hbm, f_v.at[pl.ds(0, N)])
    plsc.subcore_barrier()

    def body(i, carry):
        off = pl.multiple_of(wid * EPW + i * C, 8)
        pltpu.sync_copy(col_hbm.at[pl.ds(off, C)], col_v)
        pltpu.sync_copy(row_hbm.at[pl.ds(off, C)], row_v)
        pltpu.async_copy(xw_hbm.at[col_v], rows_v, sem).wait()
        for i16 in range(C // 16):
            rv = row_v[pl.ds(i16 * 16, 16)]
            cv = col_v[pl.ds(i16 * 16, 16)]
            dr = plsc.load_gather(dis_v, [rv])
            dc = plsc.load_gather(dis_v, [cv])
            fr = plsc.load_gather(f_v, [rv])
            w_v[pl.ds(i16 * 16, 16)] = dr * dc + fr

        def scale(e8, c2):
            e = e8 * 8
            ws = [plsc.load_gather(w_v, [jnp.full((16,), d, jnp.int32) + e])
                  for d in range(8)]
            for j in range(8):
                for d in range(8):
                    rows_v[e + d, pl.ds(j * 16, 16)] = \
                        rows_v[e + d, pl.ds(j * 16, 16)] * ws[d]
            return c2

        lax.fori_loop(0, C // 8, scale, 0)
        pltpu.sync_copy(rows_v, acc_sh.at[row_v], add=True)
        return carry

    lax.fori_loop(0, NCHUNK, body, 0)
    plsc.subcore_barrier()
    pltpu.sync_copy(acc_sh.at[pl.ds(sid * RPS, RPS)],
                    out_hbm.at[cid, pl.ds(sid * RPS, RPS)])


def _bn0_body(x_ref, g_ref, b_ref, X_ref):
    x = x_ref[...]
    m = jnp.mean(x, axis=0)
    v = jnp.mean((x - m) ** 2, axis=0)
    X_ref[...] = (x - m) * lax.rsqrt(v + 1e-5) * g_ref[...] + b_ref[...]


def _tc_bn0(x, g, b):
    return pl.pallas_call(
        _bn0_body,
        out_shape=jax.ShapeDtypeStruct((N, D), jnp.float32),
    )(x, g, b)


def _dis_body(deg_ref, dis_ref):
    deg = deg_ref[0, :, :16] + deg_ref[1, :, :16]
    dis_ref[...] = jnp.where(deg > 0.0, lax.rsqrt(jnp.maximum(deg, 1e-30)), 0.0)


def _tc_dis(deg2):
    return pl.pallas_call(
        _dis_body,
        out_shape=jax.ShapeDtypeStruct((NP, 16), jnp.float32),
    )(deg2)


def _bnl_body(xs_ref, g_ref, b_ref, X_ref):
    xsum = xs_ref[0, :N, :] + xs_ref[1, :N, :]
    x = jnp.maximum(xsum, 0.0)
    m = jnp.mean(x, axis=0)
    v = jnp.mean((x - m) ** 2, axis=0)
    X_ref[...] = (x - m) * lax.rsqrt(v + 1e-5) * g_ref[...] + b_ref[...]


def _tc_bnl(xs, g, b):
    return pl.pallas_call(
        _bnl_body,
        out_shape=jax.ShapeDtypeStruct((N, D), jnp.float32),
    )(xs, g, b)


def _cross_body(X_ref, batch_ref, M_ref, kw_ref, vw_ref, qw_ref, wo_ref,
                w1_ref, b1_ref, w2_ref, b2_ref, acc_ref, Mn_ref):
    h = pl.program_id(0)
    X = X_ref[...]
    k = X @ kw_ref[0]
    v = X @ vw_ref[0]
    qh = M_ref[...] @ qw_ref[0]
    sim = lax.dot_general(qh, k, (((1,), (1,)), ((), ()))) * SCALE
    g_iota = lax.broadcasted_iota(jnp.int32, (G, N), 0)
    mask = batch_ref[...] == g_iota
    sim = jnp.where(mask, sim, -1e9)
    mx = jnp.max(sim, axis=1, keepdims=True)
    e = jnp.exp(sim - mx)
    attn = e / jnp.sum(e, axis=1, keepdims=True)
    contrib = (attn @ v) @ wo_ref[0]

    @pl.when(h == 0)
    def _():
        acc_ref[...] = contrib

    @pl.when(h > 0)
    def _():
        acc_ref[...] = acc_ref[...] + contrib

    @pl.when(h == HEADS - 1)
    def _():
        M = M_ref[...] + acc_ref[...]
        M = M + jnp.maximum(M @ w1_ref[...] + b1_ref[...], 0.0) @ w2_ref[...] \
            + b2_ref[...]
        Mn_ref[...] = M


def _tc_cross(X, batch2d, M, tokv, p):
    full = lambda s: pl.BlockSpec(s, lambda h: (0,) * len(s))
    head = lambda s: pl.BlockSpec((1,) + s, lambda h: (h, 0, 0))
    kw4 = tokv[:, :KV].reshape(D, HEADS, INNER).transpose(1, 0, 2)
    vw4 = tokv[:, KV:].reshape(D, HEADS, INNER).transpose(1, 0, 2)
    qw4 = p['Wq'].reshape(D, HEADS, INNER).transpose(1, 0, 2)
    wo4 = p['Wo'].reshape(HEADS, INNER, D)
    acc, Mn = pl.pallas_call(
        _cross_body,
        grid=(HEADS,),
        in_specs=[full((N, D)), full((1, N)), full((G, D)),
                  head((D, INNER)), head((D, INNER)), head((D, INNER)),
                  head((INNER, D)), full((D, 2 * D)),
                  full((1, 2 * D)), full((2 * D, D)), full((1, D))],
        out_specs=(full((G, D)), full((G, D))),
        out_shape=(jax.ShapeDtypeStruct((G, D), jnp.float32),
                   jax.ShapeDtypeStruct((G, D), jnp.float32)),
    )(X, batch2d, M, kw4, vw4, qw4, wo4, p['W1'],
      p['b1'].reshape(1, -1), p['W2'], p['b2'].reshape(1, -1))
    return Mn


def _sim_body(X_ref, batch_ref, M_ref, wq_ref, wk_ref, gw_ref, gb_ref,
              f_ref, xw_ref):
    X = X_ref[...]
    k = X @ wk_ref[...]
    q = M_ref[...] @ wq_ref[...]
    sim = lax.dot_general(q, k, (((1,), (1,)), ((), ()))) * SCALE
    g_iota = lax.broadcasted_iota(jnp.int32, (G, N), 0)
    mask = batch_ref[...] == g_iota
    sim = jnp.where(mask, sim, -1e9)
    mx = jnp.max(sim, axis=1, keepdims=True)
    e = jnp.exp(sim - mx)
    attn = e / jnp.sum(e, axis=1, keepdims=True)
    f_ref[...] = jnp.sum(attn, axis=0, keepdims=True) * LAMB
    xw_ref[...] = X @ gw_ref[...] + gb_ref[...]


def _tc_sim(X, batch2d, M, wq, wk, gw, gb):
    return pl.pallas_call(
        _sim_body,
        out_shape=(jax.ShapeDtypeStruct((1, N), jnp.float32),
                   jax.ShapeDtypeStruct((N, D), jnp.float32)),
    )(X, batch2d, M, wq, wk, gw, gb.reshape(1, -1))


def _head_body(M_ref, w1_ref, b1_ref, w2_ref, b2_ref, out_ref):
    h = jnp.maximum(M_ref[...] @ w1_ref[...] + b1_ref[...], 0.0)
    out_ref[...] = h @ w2_ref[...] + b2_ref[...]


def _tc_head(M, w1, b1, w2, b2):
    nc = w2.shape[1]
    return pl.pallas_call(
        _head_body,
        out_shape=jax.ShapeDtypeStruct((G, nc), jnp.float32),
    )(M, w1, b1.reshape(1, -1), w2, b2.reshape(1, -1))


def kernel(x, edge_index, batch, num_graphs, params):
    p = params
    ei = edge_index.astype(jnp.int32)
    loops = jnp.arange(N, dtype=jnp.int32)
    pad = EP - (ei.shape[1] + N)
    row_p = jnp.concatenate([ei[0], loops, jnp.full((pad,), N, jnp.int32)])
    col_p = jnp.concatenate([ei[1], loops, jnp.zeros((pad,), jnp.int32)])
    batch2d = batch.astype(jnp.int32).reshape(1, N)
    z128 = jnp.zeros((NP, 128), jnp.float32)

    deg2 = _sc_degcount_kernel()(row_p, z128)
    X = _tc_bn0(x, p['bn_feat_g'].reshape(1, -1), p['bn_feat_b'].reshape(1, -1))
    dis_flat = _tc_dis(deg2)[:, 0]

    M = jnp.tile(p['Memory'], (G, 1))
    for l in range(2):
        M = _tc_cross(X, batch2d, M, p['to_kv'][l], p)
        f1d, Xw = _tc_sim(X, batch2d, M, p['sim_q'], p['sim_k'][l],
                          p['gcn_W'][l], p['gcn_b'][l])
        xs = _sc_aggregate_kernel()(Xw, col_p, row_p, dis_flat,
                                    f1d.reshape(-1), z128)
        X = _tc_bnl(xs, p['bn_g'][l].reshape(1, -1), p['bn_b'][l].reshape(1, -1))

    M = _tc_cross(X, batch2d, M, p['to_kv'][2], p)
    return _tc_head(M, p['fc1_W'], p['fc1_b'], p['fc2_W'], p['fc2_b'])

# --- scband reference (transcript-rebuilt; emitter-appended) ---
"""Pipeline reference for scband-gcn-model-6906307411981 (READ-ONLY COPY).

The authoritative reference and input builder live on the scoring server;
editing this copy changes nothing except your own understanding.
"""

import jax, jax.numpy as jnp
import numpy as np

N = 10000
E = 320000
D = 128      # args.input_features (X_0_dim)
XD = 128     # X_dim
MD = 128     # M_dim
INNER = 64
HEADS = 4
KV = HEADS * INNER
G = 32       # num_graphs
LAYERS = 2   # GNN_layers
CROSS_L = 1  # cross_MLP_layers
NC = 10      # num_classes
LAMB = 0.5

def _lin(key, fan_in, fan_out):
    s = 1.0 / np.sqrt(fan_in)
    return jax.random.uniform(key, (fan_in, fan_out), jnp.float32, -s, s)

def setup_inputs(seed: int = 0):
    key = jax.random.key(seed)
    ks = [jax.random.fold_in(key, i) for i in range(40)]
    x = jax.random.normal(ks[0], (N, D), jnp.float32)
    edge_index = jax.random.randint(ks[1], (2, E), 0, N)
    batch = jnp.sort(jax.random.randint(ks[2], (N,), 0, G))
    params = {
        'Memory': jax.random.normal(ks[3], (1, MD), jnp.float32),
        'bn_feat_g': jnp.ones((D,), jnp.float32),
        'bn_feat_b': jnp.zeros((D,), jnp.float32),
        'Wq': _lin(ks[4], MD, KV),
        'Wo': _lin(ks[5], KV, MD),
        'W1': _lin(ks[6], MD, 2 * MD),
        'b1': jnp.zeros((2 * MD,), jnp.float32),
        'W2': _lin(ks[7], 2 * MD, MD),
        'b2': jnp.zeros((MD,), jnp.float32),
        'to_kv': [_lin(ks[8], D, 2 * KV), _lin(ks[9], XD, 2 * KV), _lin(ks[10], XD, 2 * KV)],
        'sim_q': _lin(ks[11], MD, INNER),
        'sim_k': [_lin(ks[12], D, INNER), _lin(ks[13], XD, INNER)],
        'gcn_W': [_lin(ks[14], D, XD), _lin(ks[15], XD, XD)],
        'gcn_b': [jnp.zeros((XD,), jnp.float32), jnp.zeros((XD,), jnp.float32)],
        'bn_g': [jnp.ones((XD,), jnp.float32), jnp.ones((XD,), jnp.float32)],
        'bn_b': [jnp.zeros((XD,), jnp.float32), jnp.zeros((XD,), jnp.float32)],
        'fc1_W': _lin(ks[16], MD, 2 * MD),
        'fc1_b': jnp.zeros((2 * MD,), jnp.float32),
        'fc2_W': _lin(ks[17], 2 * MD, NC),
        'fc2_b': jnp.zeros((NC,), jnp.float32),
    }
    return {'x': x, 'edge_index': edge_index, 'batch': batch, 'num_graphs': G, 'params': params}

def _batchnorm(x, g, b, eps=1e-5):
    m = jnp.mean(x, axis=0)
    v = jnp.var(x, axis=0)
    return (x - m) / jnp.sqrt(v + eps) * g + b

def _cross_layers(M, X, mask, to_kv_w, p):
    kv = X @ to_kv_w
    k, v = jnp.split(kv, 2, axis=-1)
    k = k.reshape(-1, HEADS, INNER)
    v = v.reshape(-1, HEADS, INNER)
    for _ in range(CROSS_L):
        q = (M @ p['Wq']).reshape(-1, HEADS, INNER)
        sim = jnp.einsum('ghd,nhd->ghn', q, k) * (INNER ** -0.5)
        sim = jnp.where(mask[:, None, :], sim, -1e9)
        attn = jax.nn.softmax(sim, axis=-1)
        out = jnp.einsum('ghn,nhd->ghd', attn, v).reshape(-1, KV)
        M = M + out @ p['Wo']
        M = M + jax.nn.relu(M @ p['W1'] + p['b1']) @ p['W2'] + p['b2']
    return M

def _calc_sim(X, M, mask, row, wq, wk):
    q = M @ wq
    k = X @ wk
    sim = (q @ k.T) * (INNER ** -0.5)
    sim = jnp.where(mask, sim, -1e9)
    sim = jax.nn.softmax(sim, axis=-1)
    fuzhi = jnp.sum(sim, axis=0)
    return fuzhi[row]

def _forward(x, params, edge_index, batch, num_graphs):
    p = params
    X = _batchnorm(x, p['bn_feat_g'], p['bn_feat_b'])
    M = jnp.repeat(p['Memory'], G, axis=0) + 0.0 * num_graphs
    loops = jnp.arange(N, dtype=edge_index.dtype)
    row = jnp.concatenate([edge_index[0], loops])
    col = jnp.concatenate([edge_index[1], loops])
    mask = batch[None, :] == jnp.arange(G)[:, None]
    deg = jax.ops.segment_sum(jnp.ones_like(row, dtype=jnp.float32), row, num_segments=N)
    dis = jnp.where(deg > 0, deg ** -0.5, 0.0)
    norm = dis[row] * dis[col]
    for l in range(LAYERS):
        M = _cross_layers(M, X, mask, p['to_kv'][l], p)
        sim_M = _calc_sim(X, M, mask, row, p['sim_q'], p['sim_k'][l])
        sim_M = LAMB * sim_M  # Integration_method == 'Addition'
        w_edge = norm + sim_M
        Xw = X @ p['gcn_W'][l] + p['gcn_b'][l]
        msg = Xw[col] * w_edge[:, None]
        X_ = jax.ops.segment_sum(msg, row, num_segments=N)
        X = _batchnorm(jax.nn.relu(X_), p['bn_g'][l], p['bn_b'][l])
    M_fin = _cross_layers(M, X, mask, p['to_kv'][-1], p)
    h = jax.nn.relu(M_fin @ p['fc1_W'] + p['fc1_b'])
    return h @ p['fc2_W'] + p['fc2_b']

def reference(x, edge_index, batch, num_graphs, params):
    return _forward(x, params, edge_index, batch, num_graphs)

if __name__ == "__main__":
    import jax
    _d = setup_inputs()
    print(jax.jit(kernel)(*tuple(_d.values())))

</pallas_src>

<mosaic_0001>
#map = affine_map<(d0, d1) -> (0)>
#map1 = affine_map<(d0, d1) -> (0, 0)>
#map2 = affine_map<(d0, d1) -> (0, 0, 0)>
module attributes {stable_mosaic.version = 14 : i64} {
  func.func @_sc_degcount_body(%arg0: i32, %arg1: i32, %arg2: memref<331776xi32, #tpu.memory_space<hbm>>, %arg3: memref<10240x128xf32, #tpu.memory_space<hbm>>, %arg4: memref<2x10240x128xf32, #tpu.memory_space<hbm>>, %arg5: memref<128xi32, #tpu.memory_space<vmem>>, %arg6: memref<128x128xf32, #tpu.memory_space<vmem>>, %arg7: memref<10240x128xf32, #tpu.memory_space<vmem_shared>>) attributes {dimension_semantics = [#tpu.dimension_semantics<core_parallel>, #tpu.dimension_semantics<subcore_parallel>], iteration_bounds = array<i64: 2, 16>, scalar_prefetch = 0 : i64, scratch_operands = 3 : i64, tpu.core_type = #tpu.core_type<sc_vector_subcore>, window_params = [{transform_indices = #map}, {transform_indices = #map1}, {transform_indices = #map2}]} {
    %mul3A = arith.constant 2 : i32
    %mul3A_0 = arith.muli %arg1, %mul3A : i32
    %add3A = arith.addi %mul3A_0, %arg0 : i32
    %mul3A_1 = arith.constant 640 : i32
    %mul3A_2 = arith.muli %arg1, %mul3A_1 : i32
    %mul3A_3 = arith.constant 640 : i32
    %mul3A_4 = arith.muli %arg1, %mul3A_3 : i32
    "tpu.region"() ({
      %run_scoped3A = tpu.sem_alloc : memref<!tpu.dma_semaphore, #tpu.memory_space<semaphore_mem>>
      %dma_start3A = arith.constant 0 : i32
      %dma_start3A_21 = tpu.memref_slice %arg7[%mul3A_4, %dma_start3A] : memref<10240x128xf32, #tpu.memory_space<vmem_shared>> -> memref<640x128xf32, #tpu.memory_space<vmem_shared>>
      %dma_start3A_22 = arith.constant 0 : i32
      %dma_start3A_23 = tpu.memref_slice %arg3[%mul3A_2, %dma_start3A_22] : memref<10240x128xf32, #tpu.memory_space<hbm>> -> memref<640x128xf32, #tpu.memory_space<hbm>>
      tpu.enqueue_dma source(%dma_start3A_23 : memref<640x128xf32, #tpu.memory_space<hbm>>) target(%dma_start3A_21 : memref<640x128xf32, #tpu.memory_space<vmem_shared>>) target_semaphore(%run_scoped3A : memref<!tpu.dma_semaphore, #tpu.memory_space<semaphore_mem>>)
      %dma_wait3A = arith.constant 0 : i32
      %dma_wait3A_24 = tpu.memref_slice %arg7[%mul3A_4, %dma_wait3A] : memref<10240x128xf32, #tpu.memory_space<vmem_shared>> -> memref<640x128xf32, #tpu.memory_space<vmem_shared>>
      %dma_wait3A_25 = arith.constant 0 : i32
      %dma_wait3A_26 = tpu.memref_slice %arg3[%mul3A_2, %dma_wait3A_25] : memref<10240x128xf32, #tpu.memory_space<hbm>> -> memref<640x128xf32, #tpu.memory_space<hbm>>
      tpu.wait_dma2 semaphore(%run_scoped3A : memref<!tpu.dma_semaphore, #tpu.memory_space<semaphore_mem>>) src(%dma_wait3A_26 : memref<640x128xf32, #tpu.memory_space<hbm>>) dst(%dma_wait3A_24 : memref<640x128xf32, #tpu.memory_space<vmem_shared>>)
      tpu.yield
    }) : () -> ()
    %scan3A = arith.constant 0 : i32
    %scan3A_5 = arith.constant 0 : i32
    %scan3A_6 = arith.constant 128 : i32
    %scan3A_7 = arith.addi %scan3A_5, %scan3A_6 : i32
    %scan3A_8 = arith.constant 1 : i32
    scf.for %scan3A_21 = %scan3A_5 to %scan3A_7 step %scan3A_8  : i32 {
      %broadcast_in_dim3A = arith.constant 1.000000e+00 : f32
      %broadcast_in_dim3A_22 = vector.broadcast %broadcast_in_dim3A : f32 to vector<16xf32>
      %swap3A = arith.index_cast %scan3A_21 : i32 to index
      %swap3A_23 = arith.constant 0 : index
      %swap3A_24 = tpu.vector_load %arg6[%swap3A, %swap3A_23] {strides = array<i32>} : memref<128x128xf32, #tpu.memory_space<vmem>>, vector<16xf32>,
      tpu.vector_store %arg6[%swap3A, %swap3A_23], %broadcast_in_dim3A_22 {strides = array<i32>} : memref<128x128xf32, #tpu.memory_space<vmem>>, vector<16xf32>,
      %broadcast_in_dim3A_25 = arith.constant 1.000000e+00 : f32
      %broadcast_in_dim3A_26 = vector.broadcast %broadcast_in_dim3A_25 : f32 to vector<16xf32>
      %swap3A_27 = arith.index_cast %scan3A_21 : i32 to index
      %swap3A_28 = arith.constant 16 : index
      %swap3A_29 = tpu.vector_load %arg6[%swap3A_27, %swap3A_28] {strides = array<i32>} : memref<128x128xf32, #tpu.memory_space<vmem>>, vector<16xf32>,
      tpu.vector_store %arg6[%swap3A_27, %swap3A_28], %broadcast_in_dim3A_26 {strides = array<i32>} : memref<128x128xf32, #tpu.memory_space<vmem>>, vector<16xf32>,
      %broadcast_in_dim3A_30 = arith.constant 1.000000e+00 : f32
      %broadcast_in_dim3A_31 = vector.broadcast %broadcast_in_dim3A_30 : f32 to vector<16xf32>
      %swap3A_32 = arith.index_cast %scan3A_21 : i32 to index
      %swap3A_33 = arith.constant 32 : index
      %swap3A_34 = tpu.vector_load %arg6[%swap3A_32, %swap3A_33] {strides = array<i32>} : memref<128x128xf32, #tpu.memory_space<vmem>>, vector<16xf32>,
      tpu.vector_store %arg6[%swap3A_32, %swap3A_33], %broadcast_in_dim3A_31 {strides = array<i32>} : memref<128x128xf32, #tpu.memory_space<vmem>>, vector<16xf32>,
      %broadcast_in_dim3A_35 = arith.constant 1.000000e+00 : f32
      %broadcast_in_dim3A_36 = vector.broadcast %broadcast_in_dim3A_35 : f32 to vector<16xf32>
      %swap3A_37 = arith.index_cast %scan3A_21 : i32 to index
      %swap3A_38 = arith.constant 48 : index
      %swap3A_39 = tpu.vector_load %arg6[%swap3A_37, %swap3A_38] {strides = array<i32>} : memref<128x128xf32, #tpu.memory_space<vmem>>, vector<16xf32>,
      tpu.vector_store %arg6[%swap3A_37, %swap3A_38], %broadcast_in_dim3A_36 {strides = array<i32>} : memref<128x128xf32, #tpu.memory_space<vmem>>, vector<16xf32>,
      %broadcast_in_dim3A_40 = arith.constant 1.000000e+00 : f32
      %broadcast_in_dim3A_41 = vector.broadcast %broadcast_in_dim3A_40 : f32 to vector<16xf32>
      %swap3A_42 = arith.index_cast %scan3A_21 : i32 to index
      %swap3A_43 = arith.constant 64 : index
      %swap3A_44 = tpu.vector_load %arg6[%swap3A_42, %swap3A_43] {strides = array<i32>} : memref<128x128xf32, #tpu.memory_space<vmem>>, vector<16xf32>,
      tpu.vector_store %arg6[%swap3A_42, %swap3A_43], %broadcast_in_dim3A_41 {strides = array<i32>} : memref<128x128xf32, #tpu.memory_space<vmem>>, vector<16xf32>,
      %broadcast_in_dim3A_45 = arith.constant 1.000000e+00 : f32
      %broadcast_in_dim3A_46 = vector.broadcast %broadcast_in_dim3A_45 : f32 to vector<16xf32>
      %swap3A_47 = arith.index_cast %scan3A_21 : i32 to index
      %swap3A_48 = arith.constant 80 : index
      %swap3A_49 = tpu.vector_load %arg6[%swap3A_47, %swap3A_48] {strides = array<i32>} : memref<128x128xf32, #tpu.memory_space<vmem>>, vector<16xf32>,
      tpu.vector_store %arg6[%swap3A_47, %swap3A_48], %broadcast_in_dim3A_46 {strides = array<i32>} : memref<128x128xf32, #tpu.memory_space<vmem>>, vector<16xf32>,
      %broadcast_in_dim3A_50 = arith.constant 1.000000e+00 : f32
      %broadcast_in_dim3A_51 = vector.broadcast %broadcast_in_dim3A_50 : f32 to vector<16xf32>
      %swap3A_52 = arith.index_cast %scan3A_21 : i32 to index
      %swap3A_53 = arith.constant 96 : index
      %swap3A_54 = tpu.vector_load %arg6[%swap3A_52, %swap3A_53] {strides = array<i32>} : memref<128x128xf32, #tpu.memory_space<vmem>>, vector<16xf32>,
      tpu.vector_store %arg6[%swap3A_52, %swap3A_53], %broadcast_in_dim3A_51 {strides = array<i32>} : memref<128x128xf32, #tpu.memory_space<vmem>>, vector<16xf32>,
      %broadcast_in_dim3A_55 = arith.constant 1.000000e+00 : f32
      %broadcast_in_dim3A_56 = vector.broadcast %broadcast_in_dim3A_55 : f32 to vector<16xf32>
      %swap3A_57 = arith.index_cast %scan3A_21 : i32 to index
      %swap3A_58 = arith.constant 112 : index
      %swap3A_59 = tpu.vector_load %arg6[%swap3A_57, %swap3A_58] {strides = array<i32>} : memref<128x128xf32, #tpu.memory_space<vmem>>, vector<16xf32>,
      tpu.vector_store %arg6[%swap3A_57, %swap3A_58], %broadcast_in_dim3A_56 {strides = array<i32>} : memref<128x128xf32, #tpu.memory_space<vmem>>, vector<16xf32>,
    }
    %scan3A_9 = arith.constant 128 : i32
    %barrier3A = arith.constant 0 : index
    tpu.barrier barrier_id(%barrier3A)
    %scan3A_10 = arith.constant 0 : i32
    %scan3A_11 = arith.constant 0 : i32
    %scan3A_12 = arith.constant 81 : i32
    %scan3A_13 = arith.addi %scan3A_11, %scan3A_12 : i32
    %scan3A_14 = arith.constant 1 : i32
    scf.for %scan3A_21 = %scan3A_11 to %scan3A_13 step %scan3A_14  : i32 {
      %mul3A_22 = arith.constant 10368 : i32
      %mul3A_23 = arith.muli %add3A, %mul3A_22 : i32
      %mul3A_24 = arith.constant 128 : i32
      %mul3A_25 = arith.muli %scan3A_21, %mul3A_24 : i32
      %add3A_26 = arith.addi %mul3A_23, %mul3A_25 : i32
      %multiple_of3A = tpu.assume_multiple %add3A_26, 8 : i32
      "tpu.region"() ({
        %run_scoped3A = tpu.sem_alloc : memref<!tpu.dma_semaphore, #tpu.memory_space<semaphore_mem>>
        %dma_start3A = tpu.memref_slice %arg2[%multiple_of3A] : memref<331776xi32, #tpu.memory_space<hbm>> -> memref<128xi32, #tpu.memory_space<hbm>>
        %dma_start3A_27 = tpu.memref_slice %arg2[%multiple_of3A] : memref<331776xi32, #tpu.memory_space<hbm>> -> memref<128xi32, #tpu.memory_space<hbm>>
        tpu.enqueue_dma source(%dma_start3A_27 : memref<128xi32, #tpu.memory_space<hbm>>) target(%arg5 : memref<128xi32, #tpu.memory_space<vmem>>) target_semaphore(%run_scoped3A : memref<!tpu.dma_semaphore, #tpu.memory_space<semaphore_mem>>)
        %dma_wait3A = tpu.memref_slice %arg2[%multiple_of3A] : memref<331776xi32, #tpu.memory_space<hbm>> -> memref<128xi32, #tpu.memory_space<hbm>>
        %dma_wait3A_28 = tpu.memref_slice %arg2[%multiple_of3A] : memref<331776xi32, #tpu.memory_space<hbm>> -> memref<128xi32, #tpu.memory_space<hbm>>
        tpu.wait_dma2 semaphore(%run_scoped3A : memref<!tpu.dma_semaphore, #tpu.memory_space<semaphore_mem>>) src(%dma_wait3A_28 : memref<128xi32, #tpu.memory_space<hbm>>) dst(%arg5 : memref<128xi32, #tpu.memory_space<vmem>>)
        tpu.yield
      }) : () -> ()
      "tpu.region"() ({
        %run_scoped3A = tpu.sem_alloc : memref<!tpu.dma_semaphore, #tpu.memory_space<semaphore_mem>>
        %dma_start3A = arith.constant 0 : i32
        %dma_start3A_27 = arith.constant 0 : i32
        %dma_start3A_28 = tpu.memref_slice %arg7[%dma_start3A, %dma_start3A_27] : memref<10240x128xf32, #tpu.memory_space<vmem_shared>> -> memref<10240x128xf32, #tpu.memory_space<vmem_shared>>
        tpu.enqueue_indirect_dma source(%arg6 : memref<128x128xf32, #tpu.memory_space<vmem>>) target(%dma_start3A_28 : memref<10240x128xf32, #tpu.memory_space<vmem_shared>>) offsets(%arg5 : memref<128xi32, #tpu.memory_space<vmem>>) semaphore(%run_scoped3A : memref<!tpu.dma_semaphore, #tpu.memory_space<semaphore_mem>>) {add = true}
        %dma_wait3A = arith.constant 0 : i32
        %dma_wait3A_29 = arith.constant 0 : i32
        %dma_wait3A_30 = tpu.memref_slice %arg7[%dma_wait3A, %dma_wait3A_29] : memref<10240x128xf32, #tpu.memory_space<vmem_shared>> -> memref<10240x128xf32, #tpu.memory_space<vmem_shared>>
        tpu.wait_indirect_dma semaphore(%run_scoped3A : memref<!tpu.dma_semaphore, #tpu.memory_space<semaphore_mem>>) src(%arg6 : memref<128x128xf32, #tpu.memory_space<vmem>>) dst(%dma_wait3A_30 : memref<10240x128xf32, #tpu.memory_space<vmem_shared>>)
        tpu.yield
      }) : () -> ()
    }
    %scan3A_15 = arith.constant 81 : i32
    %barrier3A_16 = arith.constant 0 : index
    tpu.barrier barrier_id(%barrier3A_16)
    %mul3A_17 = arith.constant 640 : i32
    %mul3A_18 = arith.muli %arg1, %mul3A_17 : i32
    %mul3A_19 = arith.constant 640 : i32
    %mul3A_20 = arith.muli %arg1, %mul3A_19 : i32
    "tpu.region"() ({
      %run_scoped3A = tpu.sem_alloc : memref<!tpu.dma_semaphore, #tpu.memory_space<semaphore_mem>>
      %dma_start3A = arith.constant 0 : i32
      %dma_start3A_21 = tpu.memref_slice %arg4[%arg0, %mul3A_20, %dma_start3A] : memref<2x10240x128xf32, #tpu.memory_space<hbm>> -> memref<1x640x128xf32, #tpu.memory_space<hbm>>
      %dma_start3A_22 = tpu.memref_squeeze %dma_start3A_21 : memref<1x640x128xf32, #tpu.memory_space<hbm>> -> memref<640x128xf32, #tpu.memory_space<hbm>>
      %dma_start3A_23 = arith.constant 0 : i32
      %dma_start3A_24 = tpu.memref_slice %arg7[%mul3A_18, %dma_start3A_23] : memref<10240x128xf32, #tpu.memory_space<vmem_shared>> -> memref<640x128xf32, #tpu.memory_space<vmem_shared>>
      tpu.enqueue_dma source(%dma_start3A_24 : memref<640x128xf32, #tpu.memory_space<vmem_shared>>) target(%dma_start3A_22 : memref<640x128xf32, #tpu.memory_space<hbm>>) target_semaphore(%run_scoped3A : memref<!tpu.dma_semaphore, #tpu.memory_space<semaphore_mem>>)
      %dma_wait3A = arith.constant 0 : i32
      %dma_wait3A_25 = tpu.memref_slice %arg4[%arg0, %mul3A_20, %dma_wait3A] : memref<2x10240x128xf32, #tpu.memory_space<hbm>> -> memref<1x640x128xf32, #tpu.memory_space<hbm>>
      %dma_wait3A_26 = tpu.memref_squeeze %dma_wait3A_25 : memref<1x640x128xf32, #tpu.memory_space<hbm>> -> memref<640x128xf32, #tpu.memory_space<hbm>>
      %dma_wait3A_27 = arith.constant 0 : i32
      %dma_wait3A_28 = tpu.memref_slice %arg7[%mul3A_18, %dma_wait3A_27] : memref<10240x128xf32, #tpu.memory_space<vmem_shared>> -> memref<640x128xf32, #tpu.memory_space<vmem_shared>>
      tpu.wait_dma2 semaphore(%run_scoped3A : memref<!tpu.dma_semaphore, #tpu.memory_space<semaphore_mem>>) src(%dma_wait3A_28 : memref<640x128xf32, #tpu.memory_space<vmem_shared>>) dst(%dma_wait3A_26 : memref<640x128xf32, #tpu.memory_space<hbm>>)
      tpu.yield
    }) : () -> ()
    return
  }
}

#map = affine_map<(d0, d1) -> (0, 0)>
#map1 = affine_map<(d0, d1) -> (0)>
#map2 = affine_map<(d0, d1) -> (0, 0, 0)>
module attributes {stable_mosaic.version = 14 : i64} {
  func.func @_sc_aggregate_body(%arg0: i32, %arg1: i32, %arg2: memref<10000x128xf32, #tpu.memory_space<hbm>>, %arg3: memref<331776xi32, #tpu.memory_space<hbm>>, %arg4: memref<331776xi32, #tpu.memory_space<hbm>>, %arg5: memref<10240xf32, #tpu.memory_space<hbm>>, %arg6: memref<10000xf32, #tpu.memory_space<hbm>>, %arg7: memref<10240x128xf32, #tpu.memory_space<hbm>>, %arg8: memref<2x10240x128xf32, #tpu.memory_space<hbm>>, %arg9: memref<128xi32, #tpu.memory_space<vmem>>, %arg10: memref<128xi32, #tpu.memory_space<vmem>>, %arg11: memref<128xf32, #tpu.memory_space<vmem>>, %arg12: memref<128x128xf32, #tpu.memory_space<vmem>>, %arg13: memref<10240xf32, #tpu.memory_space<vmem>>, %arg14: memref<10240xf32, #tpu.memory_space<vmem>>, %arg15: memref<10240x128xf32, #tpu.memory_space<vmem_shared>>, %arg16: memref<!tpu.dma_semaphore, #tpu.memory_space<semaphore_mem>>) attributes {dimension_semantics = [#tpu.dimension_semantics<core_parallel>, #tpu.dimension_semantics<subcore_parallel>], iteration_bounds = array<i64: 2, 16>, scalar_prefetch = 0 : i64, scratch_operands = 8 : i64, tpu.core_type = #tpu.core_type<sc_vector_subcore>, window_params = [{transform_indices = #map}, {transform_indices = #map1}, {transform_indices = #map1}, {transform_indices = #map1}, {transform_indices = #map1}, {transform_indices = #map}, {transform_indices = #map2}]} {
    %mul3A = arith.constant 2 : i32
    %mul3A_0 = arith.muli %arg1, %mul3A : i32
    %add3A = arith.addi %mul3A_0, %arg0 : i32
    %mul3A_1 = arith.constant 640 : i32
    %mul3A_2 = arith.muli %arg1, %mul3A_1 : i32
    %mul3A_3 = arith.constant 640 : i32
    %mul3A_4 = arith.muli %arg1, %mul3A_3 : i32
    "tpu.region"() ({
      %run_scoped3A = tpu.sem_alloc : memref<!tpu.dma_semaphore, #tpu.memory_space<semaphore_mem>>
      %dma_start3A = arith.constant 0 : i32
      %dma_start3A_15 = tpu.memref_slice %arg15[%mul3A_4, %dma_start3A] : memref<10240x128xf32, #tpu.memory_space<vmem_shared>> -> memref<640x128xf32, #tpu.memory_space<vmem_shared>>
      %dma_start3A_16 = arith.constant 0 : i32
      %dma_start3A_17 = tpu.memref_slice %arg7[%mul3A_2, %dma_start3A_16] : memref<10240x128xf32, #tpu.memory_space<hbm>> -> memref<640x128xf32, #tpu.memory_space<hbm>>
      tpu.enqueue_dma source(%dma_start3A_17 : memref<640x128xf32, #tpu.memory_space<hbm>>) target(%dma_start3A_15 : memref<640x128xf32, #tpu.memory_space<vmem_shared>>) target_semaphore(%run_scoped3A : memref<!tpu.dma_semaphore, #tpu.memory_space<semaphore_mem>>)
      %dma_wait3A = arith.constant 0 : i32
      %dma_wait3A_18 = tpu.memref_slice %arg15[%mul3A_4, %dma_wait3A] : memref<10240x128xf32, #tpu.memory_space<vmem_shared>> -> memref<640x128xf32, #tpu.memory_space<vmem_shared>>
      %dma_wait3A_19 = arith.constant 0 : i32
      %dma_wait3A_20 = tpu.memref_slice %arg7[%mul3A_2, %dma_wait3A_19] : memref<10240x128xf32, #tpu.memory_space<hbm>> -> memref<640x128xf32, #tpu.memory_space<hbm>>
      tpu.wait_dma2 semaphore(%run_scoped3A : memref<!tpu.dma_semaphore, #tpu.memory_space<semaphore_mem>>) src(%dma_wait3A_20 : memref<640x128xf32, #tpu.memory_space<hbm>>) dst(%dma_wait3A_18 : memref<640x128xf32, #tpu.memory_space<vmem_shared>>)
      tpu.yield
    }) : () -> ()
    "tpu.region"() ({
      %run_scoped3A = tpu.sem_alloc : memref<!tpu.dma_semaphore, #tpu.memory_space<semaphore_mem>>
      tpu.enqueue_dma source(%arg5 : memref<10240xf32, #tpu.memory_space<hbm>>) target(%arg13 : memref<10240xf32, #tpu.memory_space<vmem>>) target_semaphore(%run_scoped3A : memref<!tpu.dma_semaphore, #tpu.memory_space<semaphore_mem>>)
      tpu.wait_dma2 semaphore(%run_scoped3A : memref<!tpu.dma_semaphore, #tpu.memory_space<semaphore_mem>>) src(%arg5 : memref<10240xf32, #tpu.memory_space<hbm>>) dst(%arg13 : memref<10240xf32, #tpu.memory_space<vmem>>)
      tpu.yield
    }) : () -> ()
    "tpu.region"() ({
      %run_scoped3A = tpu.sem_alloc : memref<!tpu.dma_semaphore, #tpu.memory_space<semaphore_mem>>
      %dma_start3A = arith.constant 0 : i32
      %dma_start3A_15 = tpu.memref_slice %arg14[%dma_start3A] : memref<10240xf32, #tpu.memory_space<vmem>> -> memref<10000xf32, #tpu.memory_space<vmem>>
      %dma_start3A_16 = arith.constant 0 : i32
      %dma_start3A_17 = tpu.memref_slice %arg14[%dma_start3A_16] : memref<10240xf32, #tpu.memory_space<vmem>> -> memref<10000xf32, #tpu.memory_space<vmem>>
      tpu.enqueue_dma source(%arg6 : memref<10000xf32, #tpu.memory_space<hbm>>) target(%dma_start3A_17 : memref<10000xf32, #tpu.memory_space<vmem>>) target_semaphore(%run_scoped3A : memref<!tpu.dma_semaphore, #tpu.memory_space<semaphore_mem>>)
      %dma_wait3A = arith.constant 0 : i32
      %dma_wait3A_18 = tpu.memref_slice %arg14[%dma_wait3A] : memref<10240xf32, #tpu.memory_space<vmem>> -> memref<10000xf32, #tpu.memory_space<vmem>>
      %dma_wait3A_19 = arith.constant 0 : i32
      %dma_wait3A_20 = tpu.memref_slice %arg14[%dma_wait3A_19] : memref<10240xf32, #tpu.memory_space<vmem>> -> memref<10000xf32, #tpu.memory_space<vmem>>
      tpu.wait_dma2 semaphore(%run_scoped3A : memref<!tpu.dma_semaphore, #tpu.memory_space<semaphore_mem>>) src(%arg6 : memref<10000xf32, #tpu.memory_space<hbm>>) dst(%dma_wait3A_20 : memref<10000xf32, #tpu.memory_space<vmem>>)
      tpu.yield
    }) : () -> ()
    %barrier3A = arith.constant 0 : index
    tpu.barrier barrier_id(%barrier3A)
    %scan3A = arith.constant 0 : i32
    %scan3A_5 = arith.constant 0 : i32
    %scan3A_6 = arith.constant 81 : i32
    %scan3A_7 = arith.addi %scan3A_5, %scan3A_6 : i32
    %scan3A_8 = arith.constant 1 : i32
    scf.for %scan3A_15 = %scan3A_5 to %scan3A_7 step %scan3A_8  : i32 {
      %mul3A_16 = arith.constant 10368 : i32
      %mul3A_17 = arith.muli %add3A, %mul3A_16 : i32
      %mul3A_18 = arith.constant 128 : i32
      %mul3A_19 = arith.muli %scan3A_15, %mul3A_18 : i32
      %add3A_20 = arith.addi %mul3A_17, %mul3A_19 : i32
      %multiple_of3A = tpu.assume_multiple %add3A_20, 8 : i32
      "tpu.region"() ({
        %run_scoped3A = tpu.sem_alloc : memref<!tpu.dma_semaphore, #tpu.memory_space<semaphore_mem>>
        %dma_start3A_116 = tpu.memref_slice %arg3[%multiple_of3A] : memref<331776xi32, #tpu.memory_space<hbm>> -> memref<128xi32, #tpu.memory_space<hbm>>
        %dma_start3A_117 = tpu.memref_slice %arg3[%multiple_of3A] : memref<331776xi32, #tpu.memory_space<hbm>> -> memref<128xi32, #tpu.memory_space<hbm>>
        tpu.enqueue_dma source(%dma_start3A_117 : memref<128xi32, #tpu.memory_space<hbm>>) target(%arg9 : memref<128xi32, #tpu.memory_space<vmem>>) target_semaphore(%run_scoped3A : memref<!tpu.dma_semaphore, #tpu.memory_space<semaphore_mem>>)
        %dma_wait3A_118 = tpu.memref_slice %arg3[%multiple_of3A] : memref<331776xi32, #tpu.memory_space<hbm>> -> memref<128xi32, #tpu.memory_space<hbm>>
        %dma_wait3A_119 = tpu.memref_slice %arg3[%multiple_of3A] : memref<331776xi32, #tpu.memory_space<hbm>> -> memref<128xi32, #tpu.memory_space<hbm>>
        tpu.wait_dma2 semaphore(%run_scoped3A : memref<!tpu.dma_semaphore, #tpu.memory_space<semaphore_mem>>) src(%dma_wait3A_119 : memref<128xi32, #tpu.memory_space<hbm>>) dst(%arg9 : memref<128xi32, #tpu.memory_space<vmem>>)
        tpu.yield
      }) : () -> ()
      "tpu.region"() ({
        %run_scoped3A = tpu.sem_alloc : memref<!tpu.dma_semaphore, #tpu.memory_space<semaphore_mem>>
        %dma_start3A_116 = tpu.memref_slice %arg4[%multiple_of3A] : memref<331776xi32, #tpu.memory_space<hbm>> -> memref<128xi32, #tpu.memory_space<hbm>>
        %dma_start3A_117 = tpu.memref_slice %arg4[%multiple_of3A] : memref<331776xi32, #tpu.memory_space<hbm>> -> memref<128xi32, #tpu.memory_space<hbm>>
        tpu.enqueue_dma source(%dma_start3A_117 : memref<128xi32, #tpu.memory_space<hbm>>) target(%arg10 : memref<128xi32, #tpu.memory_space<vmem>>) target_semaphore(%run_scoped3A : memref<!tpu.dma_semaphore, #tpu.memory_space<semaphore_mem>>)
        %dma_wait3A_118 = tpu.memref_slice %arg4[%multiple_of3A] : memref<331776xi32, #tpu.memory_space<hbm>> -> memref<128xi32, #tpu.memory_space<hbm>>
        %dma_wait3A_119 = tpu.memref_slice %arg4[%multiple_of3A] : memref<331776xi32, #tpu.memory_space<hbm>> -> memref<128xi32, #tpu.memory_space<hbm>>
        tpu.wait_dma2 semaphore(%run_scoped3A : memref<!tpu.dma_semaphore, #tpu.memory_space<semaphore_mem>>) src(%dma_wait3A_119 : memref<128xi32, #tpu.memory_space<hbm>>) dst(%arg10 : memref<128xi32, #tpu.memory_space<vmem>>)
        tpu.yield
      }) : () -> ()
      %dma_start3A = arith.constant 0 : i32
      %dma_start3A_21 = arith.constant 0 : i32
      %dma_start3A_22 = tpu.memref_slice %arg2[%dma_start3A, %dma_start3A_21] : memref<10000x128xf32, #tpu.memory_space<hbm>> -> memref<10000x128xf32, #tpu.memory_space<hbm>>
      tpu.enqueue_indirect_dma source(%dma_start3A_22 : memref<10000x128xf32, #tpu.memory_space<hbm>>) target(%arg12 : memref<128x128xf32, #tpu.memory_space<vmem>>) offsets(%arg9 : memref<128xi32, #tpu.memory_space<vmem>>) semaphore(%arg16 : memref<!tpu.dma_semaphore, #tpu.memory_space<semaphore_mem>>)
      %dma_wait3A = arith.constant 0 : i32
      %dma_wait3A_23 = arith.constant 0 : i32
      %dma_wait3A_24 = tpu.memref_slice %arg2[%dma_wait3A, %dma_wait3A_23] : memref<10000x128xf32, #tpu.memory_space<hbm>> -> memref<10000x128xf32, #tpu.memory_space<hbm>>
      tpu.wait_indirect_dma semaphore(%arg16 : memref<!tpu.dma_semaphore, #tpu.memory_space<semaphore_mem>>) src(%dma_wait3A_24 : memref<10000x128xf32, #tpu.memory_space<hbm>>) dst(%arg12 : memref<128x128xf32, #tpu.memory_space<vmem>>)
      %get3A = arith.constant 0 : index
      %get3A_25 = tpu.vector_load %arg10[%get3A] {strides = array<i32>} : memref<128xi32, #tpu.memory_space<vmem>>, vector<16xi32>,
      %get3A_26 = arith.constant 0 : index
      %get3A_27 = tpu.vector_load %arg9[%get3A_26] {strides = array<i32>} : memref<128xi32, #tpu.memory_space<vmem>>, vector<16xi32>,
      %gather3A = tpu.vector_load_idx %arg13[%get3A_25] : memref<10240xf32, #tpu.memory_space<vmem>>[vector<16xi32>], vector<16xf32>,
      %gather3A_28 = tpu.vector_load_idx %arg13[%get3A_27] : memref<10240xf32, #tpu.memory_space<vmem>>[vector<16xi32>], vector<16xf32>,
      %gather3A_29 = tpu.vector_load_idx %arg14[%get3A_25] : memref<10240xf32, #tpu.memory_space<vmem>>[vector<16xi32>], vector<16xf32>,
      %mul3A_30 = arith.mulf %gather3A, %gather3A_28 : vector<16xf32>
      %add3A_31 = arith.addf %mul3A_30, %gather3A_29 : vector<16xf32>
      %swap3A = arith.constant 0 : index
      %swap3A_32 = tpu.vector_load %arg11[%swap3A] {strides = array<i32>} : memref<128xf32, #tpu.memory_space<vmem>>, vector<16xf32>,
      tpu.vector_store %arg11[%swap3A], %add3A_31 {strides = array<i32>} : memref<128xf32, #tpu.memory_space<vmem>>, vector<16xf32>,
      %get3A_33 = arith.constant 16 : index
      %get3A_34 = tpu.vector_load %arg10[%get3A_33] {strides = array<i32>} : memref<128xi32, #tpu.memory_space<vmem>>, vector<16xi32>,
      %get3A_35 = arith.constant 16 : index
      %get3A_36 = tpu.vector_load %arg9[%get3A_35] {strides = array<i32>} : memref<128xi32, #tpu.memory_space<vmem>>, vector<16xi32>,
      %gather3A_37 = tpu.vector_load_idx %arg13[%get3A_34] : memref<10240xf32, #tpu.memory_space<vmem>>[vector<16xi32>], vector<16xf32>,
      %gather3A_38 = tpu.vector_load_idx %arg13[%get3A_36] : memref<10240xf32, #tpu.memory_space<vmem>>[vector<16xi32>], vector<16xf32>,
      %gather3A_39 = tpu.vector_load_idx %arg14[%get3A_34] : memref<10240xf32, #tpu.memory_space<vmem>>[vector<16xi32>], vector<16xf32>,
      %mul3A_40 = arith.mulf %gather3A_37, %gather3A_38 : vector<16xf32>
      %add3A_41 = arith.addf %mul3A_40, %gather3A_39 : vector<16xf32>
      %swap3A_42 = arith.constant 16 : index
      %swap3A_43 = tpu.vector_load %arg11[%swap3A_42] {strides = array<i32>} : memref<128xf32, #tpu.memory_space<vmem>>, vector<16xf32>,
      tpu.vector_store %arg11[%swap3A_42], %add3A_41 {strides = array<i32>} : memref<128xf32, #tpu.memory_space<vmem>>, vector<16xf32>,
      %get3A_44 = arith.constant 32 : index
      %get3A_45 = tpu.vector_load %arg10[%get3A_44] {strides = array<i32>} : memref<128xi32, #tpu.memory_space<vmem>>, vector<16xi32>,
      %get3A_46 = arith.constant 32 : index
      %get3A_47 = tpu.vector_load %arg9[%get3A_46] {strides = array<i32>} : memref<128xi32, #tpu.memory_space<vmem>>, vector<16xi32>,
      %gather3A_48 = tpu.vector_load_idx %arg13[%get3A_45] : memref<10240xf32, #tpu.memory_space<vmem>>[vector<16xi32>], vector<16xf32>,
      %gather3A_49 = tpu.vector_load_idx %arg13[%get3A_47] : memref<10240xf32, #tpu.memory_space<vmem>>[vector<16xi32>], vector<16xf32>,
      %gather3A_50 = tpu.vector_load_idx %arg14[%get3A_45] : memref<10240xf32, #tpu.memory_space<vmem>>[vector<16xi32>], vector<16xf32>,
      %mul3A_51 = arith.mulf %gather3A_48, %gather3A_49 : vector<16xf32>
      %add3A_52 = arith.addf %mul3A_51, %gather3A_50 : vector<16xf32>
      %swap3A_53 = arith.constant 32 : index
      %swap3A_54 = tpu.vector_load %arg11[%swap3A_53] {strides = array<i32>} : memref<128xf32, #tpu.memory_space<vmem>>, vector<16xf32>,
      tpu.vector_store %arg11[%swap3A_53], %add3A_52 {strides = array<i32>} : memref<128xf32, #tpu.memory_space<vmem>>, vector<16xf32>,
      %get3A_55 = arith.constant 48 : index
      %get3A_56 = tpu.vector_load %arg10[%get3A_55] {strides = array<i32>} : memref<128xi32, #tpu.memory_space<vmem>>, vector<16xi32>,
      %get3A_57 = arith.constant 48 : index
      %get3A_58 = tpu.vector_load %arg9[%get3A_57] {strides = array<i32>} : memref<128xi32, #tpu.memory_space<vmem>>, vector<16xi32>,
      %gather3A_59 = tpu.vector_load_idx %arg13[%get3A_56] : memref<10240xf32, #tpu.memory_space<vmem>>[vector<16xi32>], vector<16xf32>,
      %gather3A_60 = tpu.vector_load_idx %arg13[%get3A_58] : memref<10240xf32, #tpu.memory_space<vmem>>[vector<16xi32>], vector<16xf32>,
      %gather3A_61 = tpu.vector_load_idx %arg14[%get3A_56] : memref<10240xf32, #tpu.memory_space<vmem>>[vector<16xi32>], vector<16xf32>,
      %mul3A_62 = arith.mulf %gather3A_59, %gather3A_60 : vector<16xf32>
      %add3A_63 = arith.addf %mul3A_62, %gather3A_61 : vector<16xf32>
      %swap3A_64 = arith.constant 48 : index
      %swap3A_65 = tpu.vector_load %arg11[%swap3A_64] {strides = array<i32>} : memref<128xf32, #tpu.memory_space<vmem>>, vector<16xf32>,
      tpu.vector_store %arg11[%swap3A_64], %add3A_63 {strides = array<i32>} : memref<128xf32, #tpu.memory_space<vmem>>, vector<16xf32>,
      %get3A_66 = arith.constant 64 : index
      %get3A_67 = tpu.vector_load %arg10[%get3A_66] {strides = array<i32>} : memref<128xi32, #tpu.memory_space<vmem>>, vector<16xi32>,
      %get3A_68 = arith.constant 64 : index
      %get3A_69 = tpu.vector_load %arg9[%get3A_68] {strides = array<i32>} : memref<128xi32, #tpu.memory_space<vmem>>, vector<16xi32>,
      %gather3A_70 = tpu.vector_load_idx %arg13[%get3A_67] : memref<10240xf32, #tpu.memory_space<vmem>>[vector<16xi32>], vector<16xf32>,
      %gather3A_71 = tpu.vector_load_idx %arg13[%get3A_69] : memref<10240xf32, #tpu.memory_space<vmem>>[vector<16xi32>], vector<16xf32>,
      %gather3A_72 = tpu.vector_load_idx %arg14[%get3A_67] : memref<10240xf32, #tpu.memory_space<vmem>>[vector<16xi32>], vector<16xf32>,
      %mul3A_73 = arith.mulf %gather3A_70, %gather3A_71 : vector<16xf32>
      %add3A_74 = arith.addf %mul3A_73, %gather3A_72 : vector<16xf32>
      %swap3A_75 = arith.constant 64 : index
      %swap3A_76 = tpu.vector_load %arg11[%swap3A_75] {strides = array<i32>} : memref<128xf32, #tpu.memory_space<vmem>>, vector<16xf32>,
      tpu.vector_store %arg11[%swap3A_75], %add3A_74 {strides = array<i32>} : memref<128xf32, #tpu.memory_space<vmem>>, vector<16xf32>,
      %get3A_77 = arith.constant 80 : index
      %get3A_78 = tpu.vector_load %arg10[%get3A_77] {strides = array<i32>} : memref<128xi32, #tpu.memory_space<vmem>>, vector<16xi32>,
      %get3A_79 = arith.constant 80 : index
      %get3A_80 = tpu.vector_load %arg9[%get3A_79] {strides = array<i32>} : memref<128xi32, #tpu.memory_space<vmem>>, vector<16xi32>,
      %gather3A_81 = tpu.vector_load_idx %arg13[%get3A_78] : memref<10240xf32, #tpu.memory_space<vmem>>[vector<16xi32>], vector<16xf32>,
      %gather3A_82 = tpu.vector_load_idx %arg13[%get3A_80] : memref<10240xf32, #tpu.memory_space<vmem>>[vector<16xi32>], vector<16xf32>,
      %gather3A_83 = tpu.vector_load_idx %arg14[%get3A_78] : memref<10240xf32, #tpu.memory_space<vmem>>[vector<16xi32>], vector<16xf32>,
      %mul3A_84 = arith.mulf %gather3A_81, %gather3A_82 : vector<16xf32>
      %add3A_85 = arith.addf %mul3A_84, %gather3A_83 : vector<16xf32>
      %swap3A_86 = arith.constant 80 : index
      %swap3A_87 = tpu.vector_load %arg11[%swap3A_86] {strides = array<i32>} : memref<128xf32, #tpu.memory_space<vmem>>, vector<16xf32>,
      tpu.vector_store %arg11[%swap3A_86], %add3A_85 {strides = array<i32>} : memref<128xf32, #tpu.memory_space<vmem>>, vector<16xf32>,
      %get3A_88 = arith.constant 96 : index
      %get3A_89 = tpu.vector_load %arg10[%get3A_88] {strides = array<i32>} : memref<128xi32, #tpu.memory_space<vmem>>, vector<16xi32>,
      %get3A_90 = arith.constant 96 : index
      %get3A_91 = tpu.vector_load %arg9[%get3A_90] {strides = array<i32>} : memref<128xi32, #tpu.memory_space<vmem>>, vector<16xi32>,
      %gather3A_92 = tpu.vector_load_idx %arg13[%get3A_89] : memref<10240xf32, #tpu.memory_space<vmem>>[vector<16xi32>], vector<16xf32>,
      %gather3A_93 = tpu.vector_load_idx %arg13[%get3A_91] : memref<10240xf32, #tpu.memory_space<vmem>>[vector<16xi32>], vector<16xf32>,
      %gather3A_94 = tpu.vector_load_idx %arg14[%get3A_89] : memref<10240xf32, #tpu.memory_space<vmem>>[vector<16xi32>], vector<16xf32>,
      %mul3A_95 = arith.mulf %gather3A_92, %gather3A_93 : vector<16xf32>
      %add3A_96 = arith.addf %mul3A_95, %gather3A_94 : vector<16xf32>
      %swap3A_97 = arith.constant 96 : index
      %swap3A_98 = tpu.vector_load %arg11[%swap3A_97] {strides = array<i32>} : memref<128xf32, #tpu.memory_space<vmem>>, vector<16xf32>,
      tpu.vector_store %arg11[%swap3A_97], %add3A_96 {strides = array<i32>} : memref<128xf32, #tpu.memory_space<vmem>>, vector<16xf32>,
      %get3A_99 = arith.constant 112 : index
      %get3A_100 = tpu.vector_load %arg10[%get3A_99] {strides = array<i32>} : memref<128xi32, #tpu.memory_space<vmem>>, vector<16xi32>,
      %get3A_101 = arith.constant 112 : index
      %get3A_102 = tpu.vector_load %arg9[%get3A_101] {strides = array<i32>} : memref<128xi32, #tpu.memory_space<vmem>>, vector<16xi32>,
      %gather3A_103 = tpu.vector_load_idx %arg13[%get3A_100] : memref<10240xf32, #tpu.memory_space<vmem>>[vector<16xi32>], vector<16xf32>,
      %gather3A_104 = tpu.vector_load_idx %arg13[%get3A_102] : memref<10240xf32, #tpu.memory_space<vmem>>[vector<16xi32>], vector<16xf32>,
      %gather3A_105 = tpu.vector_load_idx %arg14[%get3A_100] : memref<10240xf32, #tpu.memory_space<vmem>>[vector<16xi32>], vector<16xf32>,
      %mul3A_106 = arith.mulf %gather3A_103, %gather3A_104 : vector<16xf32>
      %add3A_107 = arith.addf %mul3A_106, %gather3A_105 : vector<16xf32>
      %swap3A_108 = arith.constant 112 : index
      %swap3A_109 = tpu.vector_load %arg11[%swap3A_108] {strides = array<i32>} : memref<128xf32, #tpu.memory_space<vmem>>, vector<16xf32>,
      tpu.vector_store %arg11[%swap3A_108], %add3A_107 {strides = array<i32>} : memref<128xf32, #tpu.memory_space<vmem>>, vector<16xf32>,
      %scan3A_110 = arith.constant 0 : i32
      %scan3A_111 = arith.constant 0 : i32
      %scan3A_112 = arith.constant 16 : i32
      %scan3A_113 = arith.addi %scan3A_111, %scan3A_112 : i32
      %scan3A_114 = arith.constant 1 : i32
      scf.for %scan3A_116 = %scan3A_111 to %scan3A_113 step %scan3A_114  : i32 {
        %mul3A_117 = arith.constant 8 : i32
        %mul3A_118 = arith.muli %scan3A_116, %mul3A_117 : i32
        %broadcast_in_dim3A = arith.constant 0 : i32
        %broadcast_in_dim3A_119 = vector.broadcast %broadcast_in_dim3A : i32 to vector<16xi32>
        %add3A_120 = vector.broadcast %mul3A_118 : i32 to vector<16xi32>
        %add3A_121 = arith.addi %broadcast_in_dim3A_119, %add3A_120 : vector<16xi32>
        %gather3A_122 = tpu.vector_load_idx %arg11[%add3A_121] : memref<128xf32, #tpu.memory_space<vmem>>[vector<16xi32>], vector<16xf32>,
        %broadcast_in_dim3A_123 = arith.constant 1 : i32
        %broadcast_in_dim3A_124 = vector.broadcast %broadcast_in_dim3A_123 : i32 to vector<16xi32>
        %add3A_125 = vector.broadcast %mul3A_118 : i32 to vector<16xi32>
        %add3A_126 = arith.addi %broadcast_in_dim3A_124, %add3A_125 : vector<16xi32>
        %gather3A_127 = tpu.vector_load_idx %arg11[%add3A_126] : memref<128xf32, #tpu.memory_space<vmem>>[vector<16xi32>], vector<16xf32>,
        %broadcast_in_dim3A_128 = arith.constant 2 : i32
        %broadcast_in_dim3A_129 = vector.broadcast %broadcast_in_dim3A_128 : i32 to vector<16xi32>
        %add3A_130 = vector.broadcast %mul3A_118 : i32 to vector<16xi32>
        %add3A_131 = arith.addi %broadcast_in_dim3A_129, %add3A_130 : vector<16xi32>
        %gather3A_132 = tpu.vector_load_idx %arg11[%add3A_131] : memref<128xf32, #tpu.memory_space<vmem>>[vector<16xi32>], vector<16xf32>,
        %broadcast_in_dim3A_133 = arith.constant 3 : i32
        %broadcast_in_dim3A_134 = vector.broadcast %broadcast_in_dim3A_133 : i32 to vector<16xi32>
        %add3A_135 = vector.broadcast %mul3A_118 : i32 to vector<16xi32>
        %add3A_136 = arith.addi %broadcast_in_dim3A_134, %add3A_135 : vector<16xi32>
        %gather3A_137 = tpu.vector_load_idx %arg11[%add3A_136] : memref<128xf32, #tpu.memory_space<vmem>>[vector<16xi32>], vector<16xf32>,
        %broadcast_in_dim3A_138 = arith.constant 4 : i32
        %broadcast_in_dim3A_139 = vector.broadcast %broadcast_in_dim3A_138 : i32 to vector<16xi32>
        %add3A_140 = vector.broadcast %mul3A_118 : i32 to vector<16xi32>
        %add3A_141 = arith.addi %broadcast_in_dim3A_139, %add3A_140 : vector<16xi32>
        %gather3A_142 = tpu.vector_load_idx %arg11[%add3A_141] : memref<128xf32, #tpu.memory_space<vmem>>[vector<16xi32>], vector<16xf32>,
        %broadcast_in_dim3A_143 = arith.constant 5 : i32
        %broadcast_in_dim3A_144 = vector.broadcast %broadcast_in_dim3A_143 : i32 to vector<16xi32>
        %add3A_145 = vector.broadcast %mul3A_118 : i32 to vector<16xi32>
        %add3A_146 = arith.addi %broadcast_in_dim3A_144, %add3A_145 : vector<16xi32>
        %gather3A_147 = tpu.vector_load_idx %arg11[%add3A_146] : memref<128xf32, #tpu.memory_space<vmem>>[vector<16xi32>], vector<16xf32>,
        %broadcast_in_dim3A_148 = arith.constant 6 : i32
        %broadcast_in_dim3A_149 = vector.broadcast %broadcast_in_dim3A_148 : i32 to vector<16xi32>
        %add3A_150 = vector.broadcast %mul3A_118 : i32 to vector<16xi32>
        %add3A_151 = arith.addi %broadcast_in_dim3A_149, %add3A_150 : vector<16xi32>
        %gather3A_152 = tpu.vector_load_idx %arg11[%add3A_151] : memref<128xf32, #tpu.memory_space<vmem>>[vector<16xi32>], vector<16xf32>,
        %broadcast_in_dim3A_153 = arith.constant 7 : i32
        %broadcast_in_dim3A_154 = vector.broadcast %broadcast_in_dim3A_153 : i32 to vector<16xi32>
        %add3A_155 = vector.broadcast %mul3A_118 : i32 to vector<16xi32>
        %add3A_156 = arith.addi %broadcast_in_dim3A_154, %add3A_155 : vector<16xi32>
        %gather3A_157 = tpu.vector_load_idx %arg11[%add3A_156] : memref<128xf32, #tpu.memory_space<vmem>>[vector<16xi32>], vector<16xf32>,
        %add3A_158 = arith.constant 0 : i32
        %add3A_159 = arith.addi %mul3A_118, %add3A_158 : i32
        %get3A_160 = arith.index_cast %add3A_159 : i32 to index
        %get3A_161 = arith.constant 0 : index
        %get3A_162 = tpu.vector_load %arg12[%get3A_160, %get3A_161] {strides = array<i32>} : memref<128x128xf32, #tpu.memory_space<vmem>>, vector<16xf32>,
        %mul3A_163 = arith.mulf %get3A_162, %gather3A_122 : vector<16xf32>
        %add3A_164 = arith.constant 0 : i32
        %add3A_165 = arith.addi %mul3A_118, %add3A_164 : i32
        %swap3A_166 = arith.index_cast %add3A_165 : i32 to index
        %swap3A_167 = arith.constant 0 : index
        %swap3A_168 = tpu.vector_load %arg12[%swap3A_166, %swap3A_167] {strides = array<i32>} : memref<128x128xf32, #tpu.memory_space<vmem>>, vector<16xf32>,
        tpu.vector_store %arg12[%swap3A_166, %swap3A_167], %mul3A_163 {strides = array<i32>} : memref<128x128xf32, #tpu.memory_space<vmem>>, vector<16xf32>,
        %add3A_169 = arith.constant 1 : i32
        %add3A_170 = arith.addi %mul3A_118, %add3A_169 : i32
        %get3A_171 = arith.index_cast %add3A_170 : i32 to index
        %get3A_172 = arith.constant 0 : index
        %get3A_173 = tpu.vector_load %arg12[%get3A_171, %get3A_172] {strides = array<i32>} : memref<128x128xf32, #tpu.memory_space<vmem>>, vector<16xf32>,
        %mul3A_174 = arith.mulf %get3A_173, %gather3A_127 : vector<16xf32>
        %add3A_175 = arith.constant 1 : i32
        %add3A_176 = arith.addi %mul3A_118, %add3A_175 : i32
        %swap3A_177 = arith.index_cast %add3A_176 : i32 to index
        %swap3A_178 = arith.constant 0 : index
        %swap3A_179 = tpu.vector_load %arg12[%swap3A_177, %swap3A_178] {strides = array<i32>} : memref<128x128xf32, #tpu.memory_space<vmem>>, vector<16xf32>,
        tpu.vector_store %arg12[%swap3A_177, %swap3A_178], %mul3A_174 {strides = array<i32>} : memref<128x128xf32, #tpu.memory_space<vmem>>, vector<16xf32>,
        %add3A_180 = arith.constant 2 : i32
        %add3A_181 = arith.addi %mul3A_118, %add3A_180 : i32
        %get3A_182 = arith.index_cast %add3A_181 : i32 to index
        %get3A_183 = arith.constant 0 : index
        %get3A_184 = tpu.vector_load %arg12[%get3A_182, %get3A_183] {strides = array<i32>} : memref<128x128xf32, #tpu.memory_space<vmem>>, vector<16xf32>,
        %mul3A_185 = arith.mulf %get3A_184, %gather3A_132 : vector<16xf32>
        %add3A_186 = arith.constant 2 : i32
        %add3A_187 = arith.addi %mul3A_118, %add3A_186 : i32
        %swap3A_188 = arith.index_cast %add3A_187 : i32 to index
        %swap3A_189 = arith.constant 0 : index
        %swap3A_190 = tpu.vector_load %arg12[%swap3A_188, %swap3A_189] {strides = array<i32>} : memref<128x128xf32, #tpu.memory_space<vmem>>, vector<16xf32>,
        tpu.vector_store %arg12[%swap3A_188, %swap3A_189], %mul3A_185 {strides = array<i32>} : memref<128x128xf32, #tpu.memory_space<vmem>>, vector<16xf32>,
        %add3A_191 = arith.constant 3 : i32
        %add3A_192 = arith.addi %mul3A_118, %add3A_191 : i32
        %get3A_193 = arith.index_cast %add3A_192 : i32 to index
        %get3A_194 = arith.constant 0 : index
        %get3A_195 = tpu.vector_load %arg12[%get3A_193, %get3A_194] {strides = array<i32>} : memref<128x128xf32, #tpu.memory_space<vmem>>, vector<16xf32>,
        %mul3A_196 = arith.mulf %get3A_195, %gather3A_137 : vector<16xf32>
        %add3A_197 = arith.constant 3 : i32
        %add3A_198 = arith.addi %mul3A_118, %add3A_197 : i32
        %swap3A_199 = arith.index_cast %add3A_198 : i32 to index
        %swap3A_200 = arith.constant 0 : index
        %swap3A_201 = tpu.vector_load %arg12[%swap3A_199, %swap3A_200] {strides = array<i32>} : memref<128x128xf32, #tpu.memory_space<vmem>>, vector<16xf32>,
        tpu.vector_store %arg12[%swap3A_199, %swap3A_200], %mul3A_196 {strides = array<i32>} : memref<128x128xf32, #tpu.memory_space<vmem>>, vector<16xf32>,
        %add3A_202 = arith.constant 4 : i32
        %add3A_203 = arith.addi %mul3A_118, %add3A_202 : i32
        %get3A_204 = arith.index_cast %add3A_203 : i32 to index
        %get3A_205 = arith.constant 0 : index
        %get3A_206 = tpu.vector_load %arg12[%get3A_204, %get3A_205] {strides = array<i32>} : memref<128x128xf32, #tpu.memory_space<vmem>>, vector<16xf32>,
        %mul3A_207 = arith.mulf %get3A_206, %gather3A_142 : vector<16xf32>
        %add3A_208 = arith.constant 4 : i32
        %add3A_209 = arith.addi %mul3A_118, %add3A_208 : i32
        %swap3A_210 = arith.index_cast %add3A_209 : i32 to index
        %swap3A_211 = arith.constant 0 : index
        %swap3A_212 = tpu.vector_load %arg12[%swap3A_210, %swap3A_211] {strides = array<i32>} : memref<128x128xf32, #tpu.memory_space<vmem>>, vector<16xf32>,
        tpu.vector_store %arg12[%swap3A_210, %swap3A_211], %mul3A_207 {strides = array<i32>} : memref<128x128xf32, #tpu.memory_space<vmem>>, vector<16xf32>,
        %add3A_213 = arith.constant 5 : i32
        %add3A_214 = arith.addi %mul3A_118, %add3A_213 : i32
        %get3A_215 = arith.index_cast %add3A_214 : i32 to index
        %get3A_216 = arith.constant 0 : index
        %get3A_217 = tpu.vector_load %arg12[%get3A_215, %get3A_216] {strides = array<i32>} : memref<128x128xf32, #tpu.memory_space<vmem>>, vector<16xf32>,
        %mul3A_218 = arith.mulf %get3A_217, %gather3A_147 : vector<16xf32>
        %add3A_219 = arith.constant 5 : i32
        %add3A_220 = arith.addi %mul3A_118, %add3A_219 : i32
        %swap3A_221 = arith.index_cast %add3A_220 : i32 to index
        %swap3A_222 = arith.constant 0 : index
        %swap3A_223 = tpu.vector_load %arg12[%swap3A_221, %swap3A_222] {strides = array<i32>} : memref<128x128xf32, #tpu.memory_space<vmem>>, vector<16xf32>,
        tpu.vector_store %arg12[%swap3A_221, %swap3A_222], %mul3A_218 {strides = array<i32>} : memref<128x128xf32, #tpu.memory_space<vmem>>, vector<16xf32>,
        %add3A_224 = arith.constant 6 : i32
        %add3A_225 = arith.addi %mul3A_118, %add3A_224 : i32
        %get3A_226 = arith.index_cast %add3A_225 : i32 to index
        %get3A_227 = arith.constant 0 : index
        %get3A_228 = tpu.vector_load %arg12[%get3A_226, %get3A_227] {strides = array<i32>} : memref<128x128xf32, #tpu.memory_space<vmem>>, vector<16xf32>,
        %mul3A_229 = arith.mulf %get3A_228, %gather3A_152 : vector<16xf32>
        %add3A_230 = arith.constant 6 : i32
        %add3A_231 = arith.addi %mul3A_118, %add3A_230 : i32
        %swap3A_232 = arith.index_cast %add3A_231 : i32 to index
        %swap3A_233 = arith.constant 0 : index
        %swap3A_234 = tpu.vector_load %arg12[%swap3A_232, %swap3A_233] {strides = array<i32>} : memref<128x128xf32, #tpu.memory_space<vmem>>, vector<16xf32>,
        tpu.vector_store %arg12[%swap3A_232, %swap3A_233], %mul3A_229 {strides = array<i32>} : memref<128x128xf32, #tpu.memory_space<vmem>>, vector<16xf32>,
        %add3A_235 = arith.constant 7 : i32
        %add3A_236 = arith.addi %mul3A_118, %add3A_235 : i32
        %get3A_237 = arith.index_cast %add3A_236 : i32 to index
        %get3A_238 = arith.constant 0 : index
        %get3A_239 = tpu.vector_load %arg12[%get3A_237, %get3A_238] {strides = array<i32>} : memref<128x128xf32, #tpu.memory_space<vmem>>, vector<16xf32>,
        %mul3A_240 = arith.mulf %get3A_239, %gather3A_157 : vector<16xf32>
        %add3A_241 = arith.constant 7 : i32
        %add3A_242 = arith.addi %mul3A_118, %add3A_241 : i32
        %swap3A_243 = arith.index_cast %add3A_242 : i32 to index
        %swap3A_244 = arith.constant 0 : index
        %swap3A_245 = tpu.vector_load %arg12[%swap3A_243, %swap3A_244] {strides = array<i32>} : memref<128x128xf32, #tpu.memory_space<vmem>>, vector<16xf32>,
        tpu.vector_store %arg12[%swap3A_243, %swap3A_244], %mul3A_240 {strides = array<i32>} : memref<128x128xf32, #tpu.memory_space<vmem>>, vector<16xf32>,
        %add3A_246 = arith.constant 0 : i32
        %add3A_247 = arith.addi %mul3A_118, %add3A_246 : i32
        %get3A_248 = arith.index_cast %add3A_247 : i32 to index
        %get3A_249 = arith.constant 16 : index
        %get3A_250 = tpu.vector_load %arg12[%get3A_248, %get3A_249] {strides = array<i32>} : memref<128x128xf32, #tpu.memory_space<vmem>>, vector<16xf32>,
        %mul3A_251 = arith.mulf %get3A_250, %gather3A_122 : vector<16xf32>
        %add3A_252 = arith.constant 0 : i32
        %add3A_253 = arith.addi %mul3A_118, %add3A_252 : i32
        %swap3A_254 = arith.index_cast %add3A_253 : i32 to index
        %swap3A_255 = arith.constant 16 : index
        %swap3A_256 = tpu.vector_load %arg12[%swap3A_254, %swap3A_255] {strides = array<i32>} : memref<128x128xf32, #tpu.memory_space<vmem>>, vector<16xf32>,
        tpu.vector_store %arg12[%swap3A_254, %swap3A_255], %mul3A_251 {strides = array<i32>} : memref<128x128xf32, #tpu.memory_space<vmem>>, vector<16xf32>,
        %add3A_257 = arith.constant 1 : i32
        %add3A_258 = arith.addi %mul3A_118, %add3A_257 : i32
        %get3A_259 = arith.index_cast %add3A_258 : i32 to index
        %get3A_260 = arith.constant 16 : index
        %get3A_261 = tpu.vector_load %arg12[%get3A_259, %get3A_260] {strides = array<i32>} : memref<128x128xf32, #tpu.memory_space<vmem>>, vector<16xf32>,
        %mul3A_262 = arith.mulf %get3A_261, %gather3A_127 : vector<16xf32>
        %add3A_263 = arith.constant 1 : i32
        %add3A_264 = arith.addi %mul3A_118, %add3A_263 : i32
        %swap3A_265 = arith.index_cast %add3A_264 : i32 to index
        %swap3A_266 = arith.constant 16 : index
        %swap3A_267 = tpu.vector_load %arg12[%swap3A_265, %swap3A_266] {strides = array<i32>} : memref<128x128xf32, #tpu.memory_space<vmem>>, vector<16xf32>,
        tpu.vector_store %arg12[%swap3A_265, %swap3A_266], %mul3A_262 {strides = array<i32>} : memref<128x128xf32, #tpu.memory_space<vmem>>, vector<16xf32>,
        %add3A_268 = arith.constant 2 : i32
        %add3A_269 = arith.addi %mul3A_118, %add3A_268 : i32
        %get3A_270 = arith.index_cast %add3A_269 : i32 to index
        %get3A_271 = arith.constant 16 : index
        %get3A_272 = tpu.vector_load %arg12[%get3A_270, %get3A_271] {strides = array<i32>} : memref<128x128xf32, #tpu.memory_space<vmem>>, vector<16xf32>,
        %mul3A_273 = arith.mulf %get3A_272, %gather3A_132 : vector<16xf32>
        %add3A_274 = arith.constant 2 : i32
        %add3A_275 = arith.addi %mul3A_118, %add3A_274 : i32
        %swap3A_276 = arith.index_cast %add3A_275 : i32 to index
        %swap3A_277 = arith.constant 16 : index
        %swap3A_278 = tpu.vector_load %arg12[%swap3A_276, %swap3A_277] {strides = array<i32>} : memref<128x128xf32, #tpu.memory_space<vmem>>, vector<16xf32>,
        tpu.vector_store %arg12[%swap3A_276, %swap3A_277], %mul3A_273 {strides = array<i32>} : memref<128x128xf32, #tpu.memory_space<vmem>>, vector<16xf32>,
        %add3A_279 = arith.constant 3 : i32
        %add3A_280 = arith.addi %mul3A_118, %add3A_279 : i32
        %get3A_281 = arith.index_cast %add3A_280 : i32 to index
        %get3A_282 = arith.constant 16 : index
        %get3A_283 = tpu.vector_load %arg12[%get3A_281, %get3A_282] {strides = array<i32>} : memref<128x128xf32, #tpu.memory_space<vmem>>, vector<16xf32>,
        %mul3A_284 = arith.mulf %get3A_283, %gather3A_137 : vector<16xf32>
        %add3A_285 = arith.constant 3 : i32
        %add3A_286 = arith.addi %mul3A_118, %add3A_285 : i32
        %swap3A_287 = arith.index_cast %add3A_286 : i32 to index
        %swap3A_288 = arith.constant 16 : index
        %swap3A_289 = tpu.vector_load %arg12[%swap3A_287, %swap3A_288] {strides = array<i32>} : memref<128x128xf32, #tpu.memory_space<vmem>>, vector<16xf32>,
        tpu.vector_store %arg12[%swap3A_287, %swap3A_288], %mul3A_284 {strides = array<i32>} : memref<128x128xf32, #tpu.memory_space<vmem>>, vector<16xf32>,
        %add3A_290 = arith.constant 4 : i32
        %add3A_291 = arith.addi %mul3A_118, %add3A_290 : i32
        %get3A_292 = arith.index_cast %add3A_291 : i32 to index
        %get3A_293 = arith.constant 16 : index
        %get3A_294 = tpu.vector_load %arg12[%get3A_292, %get3A_293] {strides = array<i32>} : memref<128x128xf32, #tpu.memory_space<vmem>>, vector<16xf32>,
        %mul3A_295 = arith.mulf %get3A_294, %gather3A_142 : vector<16xf32>
        %add3A_296 = arith.constant 4 : i32
        %add3A_297 = arith.addi %mul3A_118, %add3A_296 : i32
        %swap3A_298 = arith.index_cast %add3A_297 : i32 to index
        %swap3A_299 = arith.constant 16 : index
        %swap3A_300 = tpu.vector_load %arg12[%swap3A_298, %swap3A_299] {strides = array<i32>} : memref<128x128xf32, #tpu.memory_space<vmem>>, vector<16xf32>,
        tpu.vector_store %arg12[%swap3A_298, %swap3A_299], %mul3A_295 {strides = array<i32>} : memref<128x128xf32, #tpu.memory_space<vmem>>, vector<16xf32>,
        %add3A_301 = arith.constant 5 : i32
        %add3A_302 = arith.addi %mul3A_118, %add3A_301 : i32
        %get3A_303 = arith.index_cast %add3A_302 : i32 to index
        %get3A_304 = arith.constant 16 : index
        %get3A_305 = tpu.vector_load %arg12[%get3A_303, %get3A_304] {strides = array<i32>} : memref<128x128xf32, #tpu.memory_space<vmem>>, vector<16xf32>,
        %mul3A_306 = arith.mulf %get3A_305, %gather3A_147 : vector<16xf32>
        %add3A_307 = arith.constant 5 : i32
        %add3A_308 = arith.addi %mul3A_118, %add3A_307 : i32
        %swap3A_309 = arith.index_cast %add3A_308 : i32 to index
        %swap3A_310 = arith.constant 16 : index
        %swap3A_311 = tpu.vector_load %arg12[%swap3A_309, %swap3A_310] {strides = array<i32>} : memref<128x128xf32, #tpu.memory_space<vmem>>, vector<16xf32>,
        tpu.vector_store %arg12[%swap3A_309, %swap3A_310], %mul3A_306 {strides = array<i32>} : memref<128x128xf32, #tpu.memory_space<vmem>>, vector<16xf32>,
        %add3A_312 = arith.constant 6 : i32
        %add3A_313 = arith.addi %mul3A_118, %add3A_312 : i32
        %get3A_314 = arith.index_cast %add3A_313 : i32 to index
        %get3A_315 = arith.constant 16 : index
        %get3A_316 = tpu.vector_load %arg12[%get3A_314, %get3A_315] {strides = array<i32>} : memref<128x128xf32, #tpu.memory_space<vmem>>, vector<16xf32>,
        %mul3A_317 = arith.mulf %get3A_316, %gather3A_152 : vector<16xf32>
        %add3A_318 = arith.constant 6 : i32
        %add3A_319 = arith.addi %mul3A_118, %add3A_318 : i32
        %swap3A_320 = arith.index_cast %add3A_319 : i32 to index
        %swap3A_321 = arith.constant 16 : index
        %swap3A_322 = tpu.vector_load %arg12[%swap3A_320, %swap3A_321] {strides = array<i32>} : memref<128x128xf32, #tpu.memory_space<vmem>>, vector<16xf32>,
        tpu.vector_store %arg12[%swap3A_320, %swap3A_321], %mul3A_317 {strides = array<i32>} : memref<128x128xf32, #tpu.memory_space<vmem>>, vector<16xf32>,
        %add3A_323 = arith.constant 7 : i32
        %add3A_324 = arith.addi %mul3A_118, %add3A_323 : i32
        %get3A_325 = arith.index_cast %add3A_324 : i32 to index
        %get3A_326 = arith.constant 16 : index
        %get3A_327 = tpu.vector_load %arg12[%get3A_325, %get3A_326] {strides = array<i32>} : memref<128x128xf32, #tpu.memory_space<vmem>>, vector<16xf32>,
        %mul3A_328 = arith.mulf %get3A_327, %gather3A_157 : vector<16xf32>
        %add3A_329 = arith.constant 7 : i32
        %add3A_330 = arith.addi %mul3A_118, %add3A_329 : i32
        %swap3A_331 = arith.index_cast %add3A_330 : i32 to index
        %swap3A_332 = arith.constant 16 : index
        %swap3A_333 = tpu.vector_load %arg12[%swap3A_331, %swap3A_332] {strides = array<i32>} : memref<128x128xf32, #tpu.memory_space<vmem>>, vector<16xf32>,
        tpu.vector_store %arg12[%swap3A_331, %swap3A_332], %mul3A_328 {strides = array<i32>} : memref<128x128xf32, #tpu.memory_space<vmem>>, vector<16xf32>,
        %add3A_334 = arith.constant 0 : i32
        %add3A_335 = arith.addi %mul3A_118, %add3A_334 : i32
        %get3A_336 = arith.index_cast %add3A_335 : i32 to index
        %get3A_337 = arith.constant 32 : index
        %get3A_338 = tpu.vector_load %arg12[%get3A_336, %get3A_337] {strides = array<i32>} : memref<128x128xf32, #tpu.memory_space<vmem>>, vector<16xf32>,
        %mul3A_339 = arith.mulf %get3A_338, %gather3A_122 : vector<16xf32>
        %add3A_340 = arith.constant 0 : i32
        %add3A_341 = arith.addi %mul3A_118, %add3A_340 : i32
        %swap3A_342 = arith.index_cast %add3A_341 : i32 to index
        %swap3A_343 = arith.constant 32 : index
        %swap3A_344 = tpu.vector_load %arg12[%swap3A_342, %swap3A_343] {strides = array<i32>} : memref<128x128xf32, #tpu.memory_space<vmem>>, vector<16xf32>,
        tpu.vector_store %arg12[%swap3A_342, %swap3A_343], %mul3A_339 {strides = array<i32>} : memref<128x128xf32, #tpu.memory_space<vmem>>, vector<16xf32>,
        %add3A_345 = arith.constant 1 : i32
        %add3A_346 = arith.addi %mul3A_118, %add3A_345 : i32
        %get3A_347 = arith.index_cast %add3A_346 : i32 to index
        %get3A_348 = arith.constant 32 : index
        %get3A_349 = tpu.vector_load %arg12[%get3A_347, %get3A_348] {strides = array<i32>} : memref<128x128xf32, #tpu.memory_space<vmem>>, vector<16xf32>,
        %mul3A_350 = arith.mulf %get3A_349, %gather3A_127 : vector<16xf32>
        %add3A_351 = arith.constant 1 : i32
        %add3A_352 = arith.addi %mul3A_118, %add3A_351 : i32
        %swap3A_353 = arith.index_cast %add3A_352 : i32 to index
        %swap3A_354 = arith.constant 32 : index
        %swap3A_355 = tpu.vector_load %arg12[%swap3A_353, %swap3A_354] {strides = array<i32>} : memref<128x128xf32, #tpu.memory_space<vmem>>, vector<16xf32>,
        tpu.vector_store %arg12[%swap3A_353, %swap3A_354], %mul3A_350 {strides = array<i32>} : memref<128x128xf32, #tpu.memory_space<vmem>>, vector<16xf32>,
        %add3A_356 = arith.constant 2 : i32
        %add3A_357 = arith.addi %mul3A_118, %add3A_356 : i32
        %get3A_358 = arith.index_cast %add3A_357 : i32 to index
        %get3A_359 = arith.constant 32 : index
        %get3A_360 = tpu.vector_load %arg12[%get3A_358, %get3A_359] {strides = array<i32>} : memref<128x128xf32, #tpu.memory_space<vmem>>, vector<16xf32>,
        %mul3A_361 = arith.mulf %get3A_360, %gather3A_132 : vector<16xf32>
        %add3A_362 = arith.constant 2 : i32
        %add3A_363 = arith.addi %mul3A_118, %add3A_362 : i32
        %swap3A_364 = arith.index_cast %add3A_363 : i32 to index
        %swap3A_365 = arith.constant 32 : index
        %swap3A_366 = tpu.vector_load %arg12[%swap3A_364, %swap3A_365] {strides = array<i32>} : memref<128x128xf32, #tpu.memory_space<vmem>>, vector<16xf32>,
        tpu.vector_store %arg12[%swap3A_364, %swap3A_365], %mul3A_361 {strides = array<i32>} : memref<128x128xf32, #tpu.memory_space<vmem>>, vector<16xf32>,
        %add3A_367 = arith.constant 3 : i32
        %add3A_368 = arith.addi %mul3A_118, %add3A_367 : i32
        %get3A_369 = arith.index_cast %add3A_368 : i32 to index
        %get3A_370 = arith.constant 32 : index
        %get3A_371 = tpu.vector_load %arg12[%get3A_369, %get3A_370] {strides = array<i32>} : memref<128x128xf32, #tpu.memory_space<vmem>>, vector<16xf32>,
        %mul3A_372 = arith.mulf %get3A_371, %gather3A_137 : vector<16xf32>
        %add3A_373 = arith.constant 3 : i32
        %add3A_374 = arith.addi %mul3A_118, %add3A_373 : i32
        %swap3A_375 = arith.index_cast %add3A_374 : i32 to index
        %swap3A_376 = arith.constant 32 : index
        %swap3A_377 = tpu.vector_load %arg12[%swap3A_375, %swap3A_376] {strides = array<i32>} : memref<128x128xf32, #tpu.memory_space<vmem>>, vector<16xf32>,
        tpu.vector_store %arg12[%swap3A_375, %swap3A_376], %mul3A_372 {strides = array<i32>} : memref<128x128xf32, #tpu.memory_space<vmem>>, vector<16xf32>,
        %add3A_378 = arith.constant 4 : i32
        %add3A_379 = arith.addi %mul3A_118, %add3A_378 : i32
        %get3A_380 = arith.index_cast %add3A_379 : i32 to index
        %get3A_381 = arith.constant 32 : index
        %get3A_382 = tpu.vector_load %arg12[%get3A_380, %get3A_381] {strides = array<i32>} : memref<128x128xf32, #tpu.memory_space<vmem>>, vector<16xf32>,
        %mul3A_383 = arith.mulf %get3A_382, %gather3A_142 : vector<16xf32>
        %add3A_384 = arith.constant 4 : i32
        %add3A_385 = arith.addi %mul3A_118, %add3A_384 : i32
        %swap3A_386 = arith.index_cast %add3A_385 : i32 to index
        %swap3A_387 = arith.constant 32 : index
        %swap3A_388 = tpu.vector_load %arg12[%swap3A_386, %swap3A_387] {strides = array<i32>} : memref<128x128xf32, #tpu.memory_space<vmem>>, vector<16xf32>,
        tpu.vector_store %arg12[%swap3A_386, %swap3A_387], %mul3A_383 {strides = array<i32>} : memref<128x128xf32, #tpu.memory_space<vmem>>, vector<16xf32>,
        %add3A_389 = arith.constant 5 : i32
        %add3A_390 = arith.addi %mul3A_118, %add3A_389 : i32
        %get3A_391 = arith.index_cast %add3A_390 : i32 to index
        %get3A_392 = arith.constant 32 : index
        %get3A_393 = tpu.vector_load %arg12[%get3A_391, %get3A_392] {strides = array<i32>} : memref<128x128xf32, #tpu.memory_space<vmem>>, vector<16xf32>,
        %mul3A_394 = arith.mulf %get3A_393, %gather3A_147 : vector<16xf32>
        %add3A_395 = arith.constant 5 : i32
        %add3A_396 = arith.addi %mul3A_118, %add3A_395 : i32
        %swap3A_397 = arith.index_cast %add3A_396 : i32 to index
        %swap3A_398 = arith.constant 32 : index
        %swap3A_399 = tpu.vector_load %arg12[%swap3A_397, %swap3A_398] {strides = array<i32>} : memref<128x128xf32, #tpu.memory_space<vmem>>, vector<16xf32>,
        tpu.vector_store %arg12[%swap3A_397, %swap3A_398], %mul3A_394 {strides = array<i32>} : memref<128x128xf32, #tpu.memory_space<vmem>>, vector<16xf32>,
        %add3A_400 = arith.constant 6 : i32
        %add3A_401 = arith.addi %mul3A_118, %add3A_400 : i32
        %get3A_402 = arith.index_cast %add3A_401 : i32 to index
        %get3A_403 = arith.constant 32 : index
        %get3A_404 = tpu.vector_load %arg12[%get3A_402, %get3A_403] {strides = array<i32>} : memref<128x128xf32, #tpu.memory_space<vmem>>, vector<16xf32>,
        %mul3A_405 = arith.mulf %get3A_404, %gather3A_152 : vector<16xf32>
        %add3A_406 = arith.constant 6 : i32
        %add3A_407 = arith.addi %mul3A_118, %add3A_406 : i32
        %swap3A_408 = arith.index_cast %add3A_407 : i32 to index
        %swap3A_409 = arith.constant 32 : index
        %swap3A_410 = tpu.vector_load %arg12[%swap3A_408, %swap3A_409] {strides = array<i32>} : memref<128x128xf32, #tpu.memory_space<vmem>>, vector<16xf32>,
        tpu.vector_store %arg12[%swap3A_408, %swap3A_409], %mul3A_405 {strides = array<i32>} : memref<128x128xf32, #tpu.memory_space<vmem>>, vector<16xf32>,
        %add3A_411 = arith.constant 7 : i32
        %add3A_412 = arith.addi %mul3A_118, %add3A_411 : i32
        %get3A_413 = arith.index_cast %add3A_412 : i32 to index
        %get3A_414 = arith.constant 32 : index
        %get3A_415 = tpu.vector_load %arg12[%get3A_413, %get3A_414] {strides = array<i32>} : memref<128x128xf32, #tpu.memory_space<vmem>>, vector<16xf32>,
        %mul3A_416 = arith.mulf %get3A_415, %gather3A_157 : vector<16xf32>
        %add3A_417 = arith.constant 7 : i32
        %add3A_418 = arith.addi %mul3A_118, %add3A_417 : i32
        %swap3A_419 = arith.index_cast %add3A_418 : i32 to index
        %swap3A_420 = arith.constant 32 : index
        %swap3A_421 = tpu.vector_load %arg12[%swap3A_419, %swap3A_420] {strides = array<i32>} : memref<128x128xf32, #tpu.memory_space<vmem>>, vector<16xf32>,
        tpu.vector_store %arg12[%swap3A_419, %swap3A_420], %mul3A_416 {strides = array<i32>} : memref<128x128xf32, #tpu.memory_space<vmem>>, vector<16xf32>,
        %add3A_422 = arith.constant 0 : i32
        %add3A_423 = arith.addi %mul3A_118, %add3A_422 : i32
        %get3A_424 = arith.index_cast %add3A_423 : i32 to index
        %get3A_425 = arith.constant 48 : index
        %get3A_426 = tpu.vector_load %arg12[%get3A_424, %get3A_425] {strides = array<i32>} : memref<128x128xf32, #tpu.memory_space<vmem>>, vector<16xf32>,
        %mul3A_427 = arith.mulf %get3A_426, %gather3A_122 : vector<16xf32>
        %add3A_428 = arith.constant 0 : i32
        %add3A_429 = arith.addi %mul3A_118, %add3A_428 : i32
        %swap3A_430 = arith.index_cast %add3A_429 : i32 to index
        %swap3A_431 = arith.constant 48 : index
        %swap3A_432 = tpu.vector_load %arg12[%swap3A_430, %swap3A_431] {strides = array<i32>} : memref<128x128xf32, #tpu.memory_space<vmem>>, vector<16xf32>,
        tpu.vector_store %arg12[%swap3A_430, %swap3A_431], %mul3A_427 {strides = array<i32>} : memref<128x128xf32, #tpu.memory_space<vmem>>, vector<16xf32>,
        %add3A_433 = arith.constant 1 : i32
        %add3A_434 = arith.addi %mul3A_118, %add3A_433 : i32
        %get3A_435 = arith.index_cast %add3A_434 : i32 to index
        %get3A_436 = arith.constant 48 : index
        %get3A_437 = tpu.vector_load %arg12[%get3A_435, %get3A_436] {strides = array<i32>} : memref<128x128xf32, #tpu.memory_space<vmem>>, vector<16xf32>,
        %mul3A_438 = arith.mulf %get3A_437, %gather3A_127 : vector<16xf32>
        %add3A_439 = arith.constant 1 : i32
        %add3A_440 = arith.addi %mul3A_118, %add3A_439 : i32
        %swap3A_441 = arith.index_cast %add3A_440 : i32 to index
        %swap3A_442 = arith.constant 48 : index
        %swap3A_443 = tpu.vector_load %arg12[%swap3A_441, %swap3A_442] {strides = array<i32>} : memref<128x128xf32, #tpu.memory_space<vmem>>, vector<16xf32>,
        tpu.vector_store %arg12[%swap3A_441, %swap3A_442], %mul3A_438 {strides = array<i32>} : memref<128x128xf32, #tpu.memory_space<vmem>>, vector<16xf32>,
        %add3A_444 = arith.constant 2 : i32
        %add3A_445 = arith.addi %mul3A_118, %add3A_444 : i32
        %get3A_446 = arith.index_cast %add3A_445 : i32 to index
        %get3A_447 = arith.constant 48 : index
        %get3A_448 = tpu.vector_load %arg12[%get3A_446, %get3A_447] {strides = array<i32>} : memref<128x128xf32, #tpu.memory_space<vmem>>, vector<16xf32>,
        %mul3A_449 = arith.mulf %get3A_448, %gather3A_132 : vector<16xf32>
        %add3A_450 = arith.constant 2 : i32
        %add3A_451 = arith.addi %mul3A_118, %add3A_450 : i32
        %swap3A_452 = arith.index_cast %add3A_451 : i32 to index
        %swap3A_453 = arith.constant 48 : index
        %swap3A_454 = tpu.vector_load %arg12[%swap3A_452, %swap3A_453] {strides = array<i32>} : memref<128x128xf32, #tpu.memory_space<vmem>>, vector<16xf32>,
        tpu.vector_store %arg12[%swap3A_452, %swap3A_453], %mul3A_449 {strides = array<i32>} : memref<128x128xf32, #tpu.memory_space<vmem>>, vector<16xf32>,
        %add3A_455 = arith.constant 3 : i32
        %add3A_456 = arith.addi %mul3A_118, %add3A_455 : i32
        %get3A_457 = arith.index_cast %add3A_456 : i32 to index
        %get3A_458 = arith.constant 48 : index
        %get3A_459 = tpu.vector_load %arg12[%get3A_457, %get3A_458] {strides = array<i32>} : memref<128x128xf32, #tpu.memory_space<vmem>>, vector<16xf32>,
        %mul3A_460 = arith.mulf %get3A_459, %gather3A_137 : vector<16xf32>
        %add3A_461 = arith.constant 3 : i32
        %add3A_462 = arith.addi %mul3A_118, %add3A_461 : i32
        %swap3A_463 = arith.index_cast %add3A_462 : i32 to index
        %swap3A_464 = arith.constant 48 : index
        %swap3A_465 = tpu.vector_load %arg12[%swap3A_463, %swap3A_464] {strides = array<i32>} : memref<128x128xf32, #tpu.memory_space<vmem>>, vector<16xf32>,
        tpu.vector_store %arg12[%swap3A_463, %swap3A_464], %mul3A_460 {strides = array<i32>} : memref<128x128xf32, #tpu.memory_space<vmem>>, vector<16xf32>,
        %add3A_466 = arith.constant 4 : i32
        %add3A_467 = arith.addi %mul3A_118, %add3A_466 : i32
        %get3A_468 = arith.index_cast %add3A_467 : i32 to index
        %get3A_469 = arith.constant 48 : index
        %get3A_470 = tpu.vector_load %arg12[%get3A_468, %get3A_469] {strides = array<i32>} : memref<128x128xf32, #tpu.memory_space<vmem>>, vector<16xf32>,
        %mul3A_471 = arith.mulf %get3A_470, %gather3A_142 : vector<16xf32>
        %add3A_472 = arith.constant 4 : i32
        %add3A_473 = arith.addi %mul3A_118, %add3A_472 : i32
        %swap3A_474 = arith.index_cast %add3A_473 : i32 to index
        %swap3A_475 = arith.constant 48 : index
        %swap3A_476 = tpu.vector_load %arg12[%swap3A_474, %swap3A_475] {strides = array<i32>} : memref<128x128xf32, #tpu.memory_space<vmem>>, vector<16xf32>,
        tpu.vector_store %arg12[%swap3A_474, %swap3A_475], %mul3A_471 {strides = array<i32>} : memref<128x128xf32, #tpu.memory_space<vmem>>, vector<16xf32>,
        %add3A_477 = arith.constant 5 : i32
        %add3A_478 = arith.addi %mul3A_118, %add3A_477 : i32
        %get3A_479 = arith.index_cast %add3A_478 : i32 to index
        %get3A_480 = arith.constant 48 : index
        %get3A_481 = tpu.vector_load %arg12[%get3A_479, %get3A_480] {strides = array<i32>} : memref<128x128xf32, #tpu.memory_space<vmem>>, vector<16xf32>,
        %mul3A_482 = arith.mulf %get3A_481, %gather3A_147 : vector<16xf32>
        %add3A_483 = arith.constant 5 : i32
        %add3A_484 = arith.addi %mul3A_118, %add3A_483 : i32
        %swap3A_485 = arith.index_cast %add3A_484 : i32 to index
        %swap3A_486 = arith.constant 48 : index
        %swap3A_487 = tpu.vector_load %arg12[%swap3A_485, %swap3A_486] {strides = array<i32>} : memref<128x128xf32, #tpu.memory_space<vmem>>, vector<16xf32>,
        tpu.vector_store %arg12[%swap3A_485, %swap3A_486], %mul3A_482 {strides = array<i32>} : memref<128x128xf32, #tpu.memory_space<vmem>>, vector<16xf32>,
        %add3A_488 = arith.constant 6 : i32
        %add3A_489 = arith.addi %mul3A_118, %add3A_488 : i32
        %get3A_490 = arith.index_cast %add3A_489 : i32 to index
        %get3A_491 = arith.constant 48 : index
        %get3A_492 = tpu.vector_load %arg12[%get3A_490, %get3A_491] {strides = array<i32>} : memref<128x128xf32, #tpu.memory_space<vmem>>, vector<16xf32>,
        %mul3A_493 = arith.mulf %get3A_492, %gather3A_152 : vector<16xf32>
        %add3A_494 = arith.constant 6 : i32
        %add3A_495 = arith.addi %mul3A_118, %add3A_494 : i32
        %swap3A_496 = arith.index_cast %add3A_495 : i32 to index
        %swap3A_497 = arith.constant 48 : index
        %swap3A_498 = tpu.vector_load %arg12[%swap3A_496, %swap3A_497] {strides = array<i32>} : memref<128x128xf32, #tpu.memory_space<vmem>>, vector<16xf32>,
        tpu.vector_store %arg12[%swap3A_496, %swap3A_497], %mul3A_493 {strides = array<i32>} : memref<128x128xf32, #tpu.memory_space<vmem>>, vector<16xf32>,
        %add3A_499 = arith.constant 7 : i32
        %add3A_500 = arith.addi %mul3A_118, %add3A_499 : i32
        %get3A_501 = arith.index_cast %add3A_500 : i32 to index
        %get3A_502 = arith.constant 48 : index
        %get3A_503 = tpu.vector_load %arg12[%get3A_501, %get3A_502] {strides = array<i32>} : memref<128x128xf32, #tpu.memory_space<vmem>>, vector<16xf32>,
        %mul3A_504 = arith.mulf %get3A_503, %gather3A_157 : vector<16xf32>
        %add3A_505 = arith.constant 7 : i32
        %add3A_506 = arith.addi %mul3A_118, %add3A_505 : i32
        %swap3A_507 = arith.index_cast %add3A_506 : i32 to index
        %swap3A_508 = arith.constant 48 : index
        %swap3A_509 = tpu.vector_load %arg12[%swap3A_507, %swap3A_508] {strides = array<i32>} : memref<128x128xf32, #tpu.memory_space<vmem>>, vector<16xf32>,
        tpu.vector_store %arg12[%swap3A_507, %swap3A_508], %mul3A_504 {strides = array<i32>} : memref<128x128xf32, #tpu.memory_space<vmem>>, vector<16xf32>,
        %add3A_510 = arith.constant 0 : i32
        %add3A_511 = arith.addi %mul3A_118, %add3A_510 : i32
        %get3A_512 = arith.index_cast %add3A_511 : i32 to index
        %get3A_513 = arith.constant 64 : index
        %get3A_514 = tpu.vector_load %arg12[%get3A_512, %get3A_513] {strides = array<i32>} : memref<128x128xf32, #tpu.memory_space<vmem>>, vector<16xf32>,
        %mul3A_515 = arith.mulf %get3A_514, %gather3A_122 : vector<16xf32>
        %add3A_516 = arith.constant 0 : i32
        %add3A_517 = arith.addi %mul3A_118, %add3A_516 : i32
        %swap3A_518 = arith.index_cast %add3A_517 : i32 to index
        %swap3A_519 = arith.constant 64 : index
        %swap3A_520 = tpu.vector_load %arg12[%swap3A_518, %swap3A_519] {strides = array<i32>} : memref<128x128xf32, #tpu.memory_space<vmem>>, vector<16xf32>,
        tpu.vector_store %arg12[%swap3A_518, %swap3A_519], %mul3A_515 {strides = array<i32>} : memref<128x128xf32, #tpu.memory_space<vmem>>, vector<16xf32>,
        %add3A_521 = arith.constant 1 : i32
        %add3A_522 = arith.addi %mul3A_118, %add3A_521 : i32
        %get3A_523 = arith.index_cast %add3A_522 : i32 to index
        %get3A_524 = arith.constant 64 : index
        %get3A_525 = tpu.vector_load %arg12[%get3A_523, %get3A_524] {strides = array<i32>} : memref<128x128xf32, #tpu.memory_space<vmem>>, vector<16xf32>,
        %mul3A_526 = arith.mulf %get3A_525, %gather3A_127 : vector<16xf32>
        %add3A_527 = arith.constant 1 : i32
        %add3A_528 = arith.addi %mul3A_118, %add3A_527 : i32
        %swap3A_529 = arith.index_cast %add3A_528 : i32 to index
        %swap3A_530 = arith.constant 64 : index
        %swap3A_531 = tpu.vector_load %arg12[%swap3A_529, %swap3A_530] {strides = array<i32>} : memref<128x128xf32, #tpu.memory_space<vmem>>, vector<16xf32>,
        tpu.vector_store %arg12[%swap3A_529, %swap3A_530], %mul3A_526 {strides = array<i32>} : memref<128x128xf32, #tpu.memory_space<vmem>>, vector<16xf32>,
        %add3A_532 = arith.constant 2 : i32
        %add3A_533 = arith.addi %mul3A_118, %add3A_532 : i32
        %get3A_534 = arith.index_cast %add3A_533 : i32 to index
        %get3A_535 = arith.constant 64 : index
        %get3A_536 = tpu.vector_load %arg12[%get3A_534, %get3A_535] {strides = array<i32>} : memref<128x128xf32, #tpu.memory_space<vmem>>, vector<16xf32>,
        %mul3A_537 = arith.mulf %get3A_536, %gather3A_132 : vector<16xf32>
        %add3A_538 = arith.constant 2 : i32
        %add3A_539 = arith.addi %mul3A_118, %add3A_538 : i32
        %swap3A_540 = arith.index_cast %add3A_539 : i32 to index
        %swap3A_541 = arith.constant 64 : index
        %swap3A_542 = tpu.vector_load %arg12[%swap3A_540, %swap3A_541] {strides = array<i32>} : memref<128x128xf32, #tpu.memory_space<vmem>>, vector<16xf32>,
        tpu.vector_store %arg12[%swap3A_540, %swap3A_541], %mul3A_537 {strides = array<i32>} : memref<128x128xf32, #tpu.memory_space<vmem>>, vector<16xf32>,
        %add3A_543 = arith.constant 3 : i32
        %add3A_544 = arith.addi %mul3A_118, %add3A_543 : i32
        %get3A_545 = arith.index_cast %add3A_544 : i32 to index
        %get3A_546 = arith.constant 64 : index
        %get3A_547 = tpu.vector_load %arg12[%get3A_545, %get3A_546] {strides = array<i32>} : memref<128x128xf32, #tpu.memory_space<vmem>>, vector<16xf32>,
        %mul3A_548 = arith.mulf %get3A_547, %gather3A_137 : vector<16xf32>
        %add3A_549 = arith.constant 3 : i32
        %add3A_550 = arith.addi %mul3A_118, %add3A_549 : i32
        %swap3A_551 = arith.index_cast %add3A_550 : i32 to index
        %swap3A_552 = arith.constant 64 : index
        %swap3A_553 = tpu.vector_load %arg12[%swap3A_551, %swap3A_552] {strides = array<i32>} : memref<128x128xf32, #tpu.memory_space<vmem>>, vector<16xf32>,
        tpu.vector_store %arg12[%swap3A_551, %swap3A_552], %mul3A_548 {strides = array<i32>} : memref<128x128xf32, #tpu.memory_space<vmem>>, vector<16xf32>,
        %add3A_554 = arith.constant 4 : i32
        %add3A_555 = arith.addi %mul3A_118, %add3A_554 : i32
        %get3A_556 = arith.index_cast %add3A_555 : i32 to index
        %get3A_557 = arith.constant 64 : index
        %get3A_558 = tpu.vector_load %arg12[%get3A_556, %get3A_557] {strides = array<i32>} : memref<128x128xf32, #tpu.memory_space<vmem>>, vector<16xf32>,
        %mul3A_559 = arith.mulf %get3A_558, %gather3A_142 : vector<16xf32>
        %add3A_560 = arith.constant 4 : i32
        %add3A_561 = arith.addi %mul3A_118, %add3A_560 : i32
        %swap3A_562 = arith.index_cast %add3A_561 : i32 to index
        %swap3A_563 = arith.constant 64 : index
        %swap3A_564 = tpu.vector_load %arg12[%swap3A_562, %swap3A_563] {strides = array<i32>} : memref<128x128xf32, #tpu.memory_space<vmem>>, vector<16xf32>,
        tpu.vector_store %arg12[%swap3A_562, %swap3A_563], %mul3A_559 {strides = array<i32>} : memref<128x128xf32, #tpu.memory_space<vmem>>, vector<16xf32>,
        %add3A_565 = arith.constant 5 : i32
        %add3A_566 = arith.addi %mul3A_118, %add3A_565 : i32
        %get3A_567 = arith.index_cast %add3A_566 : i32 to index
        %get3A_568 = arith.constant 64 : index
        %get3A_569 = tpu.vector_load %arg12[%get3A_567, %get3A_568] {strides = array<i32>} : memref<128x128xf32, #tpu.memory_space<vmem>>, vector<16xf32>,
        %mul3A_570 = arith.mulf %get3A_569, %gather3A_147 : vector<16xf32>
        %add3A_571 = arith.constant 5 : i32
        %add3A_572 = arith.addi %mul3A_118, %add3A_571 : i32
        %swap3A_573 = arith.index_cast %add3A_572 : i32 to index
        %swap3A_574 = arith.constant 64 : index
        %swap3A_575 = tpu.vector_load %arg12[%swap3A_573, %swap3A_574] {strides = array<i32>} : memref<128x128xf32, #tpu.memory_space<vmem>>, vector<16xf32>,
        tpu.vector_store %arg12[%swap3A_573, %swap3A_574], %mul3A_570 {strides = array<i32>} : memref<128x128xf32, #tpu.memory_space<vmem>>, vector<16xf32>,
        %add3A_576 = arith.constant 6 : i32
        %add3A_577 = arith.addi %mul3A_118, %add3A_576 : i32
        %get3A_578 = arith.index_cast %add3A_577 : i32 to index
        %get3A_579 = arith.constant 64 : index
        %get3A_580 = tpu.vector_load %arg12[%get3A_578, %get3A_579] {strides = array<i32>} : memref<128x128xf32, #tpu.memory_space<vmem>>, vector<16xf32>,
        %mul3A_581 = arith.mulf %get3A_580, %gather3A_152 : vector<16xf32>
        %add3A_582 = arith.constant 6 : i32
        %add3A_583 = arith.addi %mul3A_118, %add3A_582 : i32
        %swap3A_584 = arith.index_cast %add3A_583 : i32 to index
        %swap3A_585 = arith.constant 64 : index
        %swap3A_586 = tpu.vector_load %arg12[%swap3A_584, %swap3A_585] {strides = array<i32>} : memref<128x128xf32, #tpu.memory_space<vmem>>, vector<16xf32>,
        tpu.vector_store %arg12[%swap3A_584, %swap3A_585], %mul3A_581 {strides = array<i32>} : memref<128x128xf32, #tpu.memory_space<vmem>>, vector<16xf32>,
        %add3A_587 = arith.constant 7 : i32
        %add3A_588 = arith.addi %mul3A_118, %add3A_587 : i32
        %get3A_589 = arith.index_cast %add3A_588 : i32 to index
        %get3A_590 = arith.constant 64 : index
        %get3A_591 = tpu.vector_load %arg12[%get3A_589, %get3A_590] {strides = array<i32>} : memref<128x128xf32, #tpu.memory_space<vmem>>, vector<16xf32>,
        %mul3A_592 = arith.mulf %get3A_591, %gather3A_157 : vector<16xf32>
        %add3A_593 = arith.constant 7 : i32
        %add3A_594 = arith.addi %mul3A_118, %add3A_593 : i32
        %swap3A_595 = arith.index_cast %add3A_594 : i32 to index
        %swap3A_596 = arith.constant 64 : index
        %swap3A_597 = tpu.vector_load %arg12[%swap3A_595, %swap3A_596] {strides = array<i32>} : memref<128x128xf32, #tpu.memory_space<vmem>>, vector<16xf32>,
        tpu.vector_store %arg12[%swap3A_595, %swap3A_596], %mul3A_592 {strides = array<i32>} : memref<128x128xf32, #tpu.memory_space<vmem>>, vector<16xf32>,
        %add3A_598 = arith.constant 0 : i32
        %add3A_599 = arith.addi %mul3A_118, %add3A_598 : i32
        %get3A_600 = arith.index_cast %add3A_599 : i32 to index
        %get3A_601 = arith.constant 80 : index
        %get3A_602 = tpu.vector_load %arg12[%get3A_600, %get3A_601] {strides = array<i32>} : memref<128x128xf32, #tpu.memory_space<vmem>>, vector<16xf32>,
        %mul3A_603 = arith.mulf %get3A_602, %gather3A_122 : vector<16xf32>
        %add3A_604 = arith.constant 0 : i32
        %add3A_605 = arith.addi %mul3A_118, %add3A_604 : i32
        %swap3A_606 = arith.index_cast %add3A_605 : i32 to index
        %swap3A_607 = arith.constant 80 : index
        %swap3A_608 = tpu.vector_load %arg12[%swap3A_606, %swap3A_607] {strides = array<i32>} : memref<128x128xf32, #tpu.memory_space<vmem>>, vector<16xf32>,
        tpu.vector_store %arg12[%swap3A_606, %swap3A_607], %mul3A_603 {strides = array<i32>} : memref<128x128xf32, #tpu.memory_space<vmem>>, vector<16xf32>,
        %add3A_609 = arith.constant 1 : i32
        %add3A_610 = arith.addi %mul3A_118, %add3A_609 : i32
        %get3A_611 = arith.index_cast %add3A_610 : i32 to index
        %get3A_612 = arith.constant 80 : index
        %get3A_613 = tpu.vector_load %arg12[%get3A_611, %get3A_612] {strides = array<i32>} : memref<128x128xf32, #tpu.memory_space<vmem>>, vector<16xf32>,
        %mul3A_614 = arith.mulf %get3A_613, %gather3A_127 : vector<16xf32>
        %add3A_615 = arith.constant 1 : i32
        %add3A_616 = arith.addi %mul3A_118, %add3A_615 : i32
        %swap3A_617 = arith.index_cast %add3A_616 : i32 to index
        %swap3A_618 = arith.constant 80 : index
        %swap3A_619 = tpu.vector_load %arg12[%swap3A_617, %swap3A_618] {strides = array<i32>} : memref<128x128xf32, #tpu.memory_space<vmem>>, vector<16xf32>,
        tpu.vector_store %arg12[%swap3A_617, %swap3A_618], %mul3A_614 {strides = array<i32>} : memref<128x128xf32, #tpu.memory_space<vmem>>, vector<16xf32>,
        %add3A_620 = arith.constant 2 : i32
        %add3A_621 = arith.addi %mul3A_118, %add3A_620 : i32
        %get3A_622 = arith.index_cast %add3A_621 : i32 to index
        %get3A_623 = arith.constant 80 : index
        %get3A_624 = tpu.vector_load %arg12[%get3A_622, %get3A_623] {strides = array<i32>} : memref<128x128xf32, #tpu.memory_space<vmem>>, vector<16xf32>,
        %mul3A_625 = arith.mulf %get3A_624, %gather3A_132 : vector<16xf32>
        %add3A_626 = arith.constant 2 : i32
        %add3A_627 = arith.addi %mul3A_118, %add3A_626 : i32
        %swap3A_628 = arith.index_cast %add3A_627 : i32 to index
        %swap3A_629 = arith.constant 80 : index
        %swap3A_630 = tpu.vector_load %arg12[%swap3A_628, %swap3A_629] {strides = array<i32>} : memref<128x128xf32, #tpu.memory_space<vmem>>, vector<16xf32>,
        tpu.vector_store %arg12[%swap3A_628, %swap3A_629], %mul3A_625 {strides = array<i32>} : memref<128x128xf32, #tpu.memory_space<vmem>>, vector<16xf32>,
        %add3A_631 = arith.constant 3 : i32
        %add3A_632 = arith.addi %mul3A_118, %add3A_631 : i32
        %get3A_633 = arith.index_cast %add3A_632 : i32 to index
        %get3A_634 = arith.constant 80 : index
        %get3A_635 = tpu.vector_load %arg12[%get3A_633, %get3A_634] {strides = array<i32>} : memref<128x128xf32, #tpu.memory_space<vmem>>, vector<16xf32>,
        %mul3A_636 = arith.mulf %get3A_635, %gather3A_137 : vector<16xf32>
        %add3A_637 = arith.constant 3 : i32
        %add3A_638 = arith.addi %mul3A_118, %add3A_637 : i32
        %swap3A_639 = arith.index_cast %add3A_638 : i32 to index
        %swap3A_640 = arith.constant 80 : index
        %swap3A_641 = tpu.vector_load %arg12[%swap3A_639, %swap3A_640] {strides = array<i32>} : memref<128x128xf32, #tpu.memory_space<vmem>>, vector<16xf32>,
        tpu.vector_store %arg12[%swap3A_639, %swap3A_640], %mul3A_636 {strides = array<i32>} : memref<128x128xf32, #tpu.memory_space<vmem>>, vector<16xf32>,
        %add3A_642 = arith.constant 4 : i32
        %add3A_643 = arith.addi %mul3A_118, %add3A_642 : i32
        %get3A_644 = arith.index_cast %add3A_643 : i32 to index
        %get3A_645 = arith.constant 80 : index
        %get3A_646 = tpu.vector_load %arg12[%get3A_644, %get3A_645] {strides = array<i32>} : memref<128x128xf32, #tpu.memory_space<vmem>>, vector<16xf32>,
        %mul3A_647 = arith.mulf %get3A_646, %gather3A_142 : vector<16xf32>
        %add3A_648 = arith.constant 4 : i32
        %add3A_649 = arith.addi %mul3A_118, %add3A_648 : i32
        %swap3A_650 = arith.index_cast %add3A_649 : i32 to index
        %swap3A_651 = arith.constant 80 : index
        %swap3A_652 = tpu.vector_load %arg12[%swap3A_650, %swap3A_651] {strides = array<i32>} : memref<128x128xf32, #tpu.memory_space<vmem>>, vector<16xf32>,
        tpu.vector_store %arg12[%swap3A_650, %swap3A_651], %mul3A_647 {strides = array<i32>} : memref<128x128xf32, #tpu.memory_space<vmem>>, vector<16xf32>,
        %add3A_653 = arith.constant 5 : i32
        %add3A_654 = arith.addi %mul3A_118, %add3A_653 : i32
        %get3A_655 = arith.index_cast %add3A_654 : i32 to index
        %get3A_656 = arith.constant 80 : index
        %get3A_657 = tpu.vector_load %arg12[%get3A_655, %get3A_656] {strides = array<i32>} : memref<128x128xf32, #tpu.memory_space<vmem>>, vector<16xf32>,
        %mul3A_658 = arith.mulf %get3A_657, %gather3A_147 : vector<16xf32>
        %add3A_659 = arith.constant 5 : i32
        %add3A_660 = arith.addi %mul3A_118, %add3A_659 : i32
        %swap3A_661 = arith.index_cast %add3A_660 : i32 to index
        %swap3A_662 = arith.constant 80 : index
        %swap3A_663 = tpu.vector_load %arg12[%swap3A_661, %swap3A_662] {strides = array<i32>} : memref<128x128xf32, #tpu.memory_space<vmem>>, vector<16xf32>,
        tpu.vector_store %arg12[%swap3A_661, %swap3A_662], %mul3A_658 {strides = array<i32>} : memref<128x128xf32, #tpu.memory_space<vmem>>, vector<16xf32>,
        %add3A_664 = arith.constant 6 : i32
        %add3A_665 = arith.addi %mul3A_118, %add3A_664 : i32
        %get3A_666 = arith.index_cast %add3A_665 : i32 to index
        %get3A_667 = arith.constant 80 : index
        %get3A_668 = tpu.vector_load %arg12[%get3A_666, %get3A_667] {strides = array<i32>} : memref<128x128xf32, #tpu.memory_space<vmem>>, vector<16xf32>,
        %mul3A_669 = arith.mulf %get3A_668, %gather3A_152 : vector<16xf32>
        %add3A_670 = arith.constant 6 : i32
        %add3A_671 = arith.addi %mul3A_118, %add3A_670 : i32
        %swap3A_672 = arith.index_cast %add3A_671 : i32 to index
        %swap3A_673 = arith.constant 80 : index
        %swap3A_674 = tpu.vector_load %arg12[%swap3A_672, %swap3A_673] {strides = array<i32>} : memref<128x128xf32, #tpu.memory_space<vmem>>, vector<16xf32>,
        tpu.vector_store %arg12[%swap3A_672, %swap3A_673], %mul3A_669 {strides = array<i32>} : memref<128x128xf32, #tpu.memory_space<vmem>>, vector<16xf32>,
        %add3A_675 = arith.constant 7 : i32
        %add3A_676 = arith.addi %mul3A_118, %add3A_675 : i32
        %get3A_677 = arith.index_cast %add3A_676 : i32 to index
        %get3A_678 = arith.constant 80 : index
        %get3A_679 = tpu.vector_load %arg12[%get3A_677, %get3A_678] {strides = array<i32>} : memref<128x128xf32, #tpu.memory_space<vmem>>, vector<16xf32>,
        %mul3A_680 = arith.mulf %get3A_679, %gather3A_157 : vector<16xf32>
        %add3A_681 = arith.constant 7 : i32
        %add3A_682 = arith.addi %mul3A_118, %add3A_681 : i32
        %swap3A_683 = arith.index_cast %add3A_682 : i32 to index
        %swap3A_684 = arith.constant 80 : index
        %swap3A_685 = tpu.vector_load %arg12[%swap3A_683, %swap3A_684] {strides = array<i32>} : memref<128x128xf32, #tpu.memory_space<vmem>>, vector<16xf32>,
        tpu.vector_store %arg12[%swap3A_683, %swap3A_684], %mul3A_680 {strides = array<i32>} : memref<128x128xf32, #tpu.memory_space<vmem>>, vector<16xf32>,
        %add3A_686 = arith.constant 0 : i32
        %add3A_687 = arith.addi %mul3A_118, %add3A_686 : i32
        %get3A_688 = arith.index_cast %add3A_687 : i32 to index
        %get3A_689 = arith.constant 96 : index
        %get3A_690 = tpu.vector_load %arg12[%get3A_688, %get3A_689] {strides = array<i32>} : memref<128x128xf32, #tpu.memory_space<vmem>>, vector<16xf32>,
        %mul3A_691 = arith.mulf %get3A_690, %gather3A_122 : vector<16xf32>
        %add3A_692 = arith.constant 0 : i32
        %add3A_693 = arith.addi %mul3A_118, %add3A_692 : i32
        %swap3A_694 = arith.index_cast %add3A_693 : i32 to index
        %swap3A_695 = arith.constant 96 : index
        %swap3A_696 = tpu.vector_load %arg12[%swap3A_694, %swap3A_695] {strides = array<i32>} : memref<128x128xf32, #tpu.memory_space<vmem>>, vector<16xf32>,
        tpu.vector_store %arg12[%swap3A_694, %swap3A_695], %mul3A_691 {strides = array<i32>} : memref<128x128xf32, #tpu.memory_space<vmem>>, vector<16xf32>,
        %add3A_697 = arith.constant 1 : i32
        %add3A_698 = arith.addi %mul3A_118, %add3A_697 : i32
        %get3A_699 = arith.index_cast %add3A_698 : i32 to index
        %get3A_700 = arith.constant 96 : index
        %get3A_701 = tpu.vector_load %arg12[%get3A_699, %get3A_700] {strides = array<i32>} : memref<128x128xf32, #tpu.memory_space<vmem>>, vector<16xf32>,
        %mul3A_702 = arith.mulf %get3A_701, %gather3A_127 : vector<16xf32>
        %add3A_703 = arith.constant 1 : i32
        %add3A_704 = arith.addi %mul3A_118, %add3A_703 : i32
        %swap3A_705 = arith.index_cast %add3A_704 : i32 to index
        %swap3A_706 = arith.constant 96 : index
        %swap3A_707 = tpu.vector_load %arg12[%swap3A_705, %swap3A_706] {strides = array<i32>} : memref<128x128xf32, #tpu.memory_space<vmem>>, vector<16xf32>,
        tpu.vector_store %arg12[%swap3A_705, %swap3A_706], %mul3A_702 {strides = array<i32>} : memref<128x128xf32, #tpu.memory_space<vmem>>, vector<16xf32>,
        %add3A_708 = arith.constant 2 : i32
        %add3A_709 = arith.addi %mul3A_118, %add3A_708 : i32
        %get3A_710 = arith.index_cast %add3A_709 : i32 to index
        %get3A_711 = arith.constant 96 : index
        %get3A_712 = tpu.vector_load %arg12[%get3A_710, %get3A_711] {strides = array<i32>} : memref<128x128xf32, #tpu.memory_space<vmem>>, vector<16xf32>,
        %mul3A_713 = arith.mulf %get3A_712, %gather3A_132 : vector<16xf32>
        %add3A_714 = arith.constant 2 : i32
        %add3A_715 = arith.addi %mul3A_118, %add3A_714 : i32
        %swap3A_716 = arith.index_cast %add3A_715 : i32 to index
        %swap3A_717 = arith.constant 96 : index
        %swap3A_718 = tpu.vector_load %arg12[%swap3A_716, %swap3A_717] {strides = array<i32>} : memref<128x128xf32, #tpu.memory_space<vmem>>, vector<16xf32>,
        tpu.vector_store %arg12[%swap3A_716, %swap3A_717], %mul3A_713 {strides = array<i32>} : memref<128x128xf32, #tpu.memory_space<vmem>>, vector<16xf32>,
        %add3A_719 = arith.constant 3 : i32
        %add3A_720 = arith.addi %mul3A_118, %add3A_719 : i32
        %get3A_721 = arith.index_cast %add3A_720 : i32 to index
        %get3A_722 = arith.constant 96 : index
        %get3A_723 = tpu.vector_load %arg12[%get3A_721, %get3A_722] {strides = array<i32>} : memref<128x128xf32, #tpu.memory_space<vmem>>, vector<16xf32>,
        %mul3A_724 = arith.mulf %get3A_723, %gather3A_137 : vector<16xf32>
        %add3A_725 = arith.constant 3 : i32
        %add3A_726 = arith.addi %mul3A_118, %add3A_725 : i32
        %swap3A_727 = arith.index_cast %add3A_726 : i32 to index
        %swap3A_728 = arith.constant 96 : index
        %swap3A_729 = tpu.vector_load %arg12[%swap3A_727, %swap3A_728] {strides = array<i32>} : memref<128x128xf32, #tpu.memory_space<vmem>>, vector<16xf32>,
        tpu.vector_store %arg12[%swap3A_727, %swap3A_728], %mul3A_724 {strides = array<i32>} : memref<128x128xf32, #tpu.memory_space<vmem>>, vector<16xf32>,
        %add3A_730 = arith.constant 4 : i32
        %add3A_731 = arith.addi %mul3A_118, %add3A_730 : i32
        %get3A_732 = arith.index_cast %add3A_731 : i32 to index
        %get3A_733 = arith.constant 96 : index
        %get3A_734 = tpu.vector_load %arg12[%get3A_732, %get3A_733] {strides = array<i32>} : memref<128x128xf32, #tpu.memory_space<vmem>>, vector<16xf32>,
        %mul3A_735 = arith.mulf %get3A_734, %gather3A_142 : vector<16xf32>
        %add3A_736 = arith.constant 4 : i32
        %add3A_737 = arith.addi %mul3A_118, %add3A_736 : i32
        %swap3A_738 = arith.index_cast %add3A_737 : i32 to index
        %swap3A_739 = arith.constant 96 : index
        %swap3A_740 = tpu.vector_load %arg12[%swap3A_738, %swap3A_739] {strides = array<i32>} : memref<128x128xf32, #tpu.memory_space<vmem>>, vector<16xf32>,
        tpu.vector_store %arg12[%swap3A_738, %swap3A_739], %mul3A_735 {strides = array<i32>} : memref<128x128xf32, #tpu.memory_space<vmem>>, vector<16xf32>,
        %add3A_741 = arith.constant 5 : i32
        %add3A_742 = arith.addi %mul3A_118, %add3A_741 : i32
        %get3A_743 = arith.index_cast %add3A_742 : i32 to index
        %get3A_744 = arith.constant 96 : index
        %get3A_745 = tpu.vector_load %arg12[%get3A_743, %get3A_744] {strides = array<i32>} : memref<128x128xf32, #tpu.memory_space<vmem>>, vector<16xf32>,
        %mul3A_746 = arith.mulf %get3A_745, %gather3A_147 : vector<16xf32>
        %add3A_747 = arith.constant 5 : i32
        %add3A_748 = arith.addi %mul3A_118, %add3A_747 : i32
        %swap3A_749 = arith.index_cast %add3A_748 : i32 to index
        %swap3A_750 = arith.constant 96 : index
        %swap3A_751 = tpu.vector_load %arg12[%swap3A_749, %swap3A_750] {strides = array<i32>} : memref<128x128xf32, #tpu.memory_space<vmem>>, vector<16xf32>,
        tpu.vector_store %arg12[%swap3A_749, %swap3A_750], %mul3A_746 {strides = array<i32>} : memref<128x128xf32, #tpu.memory_space<vmem>>, vector<16xf32>,
        %add3A_752 = arith.constant 6 : i32
        %add3A_753 = arith.addi %mul3A_118, %add3A_752 : i32
        %get3A_754 = arith.index_cast %add3A_753 : i32 to index
        %get3A_755 = arith.constant 96 : index
        %get3A_756 = tpu.vector_load %arg12[%get3A_754, %get3A_755] {strides = array<i32>} : memref<128x128xf32, #tpu.memory_space<vmem>>, vector<16xf32>,
        %mul3A_757 = arith.mulf %get3A_756, %gather3A_152 : vector<16xf32>
        %add3A_758 = arith.constant 6 : i32
        %add3A_759 = arith.addi %mul3A_118, %add3A_758 : i32
        %swap3A_760 = arith.index_cast %add3A_759 : i32 to index
        %swap3A_761 = arith.constant 96 : index
        %swap3A_762 = tpu.vector_load %arg12[%swap3A_760, %swap3A_761] {strides = array<i32>} : memref<128x128xf32, #tpu.memory_space<vmem>>, vector<16xf32>,
        tpu.vector_store %arg12[%swap3A_760, %swap3A_761], %mul3A_757 {strides = array<i32>} : memref<128x128xf32, #tpu.memory_space<vmem>>, vector<16xf32>,
        %add3A_763 = arith.constant 7 : i32
        %add3A_764 = arith.addi %mul3A_118, %add3A_763 : i32
        %get3A_765 = arith.index_cast %add3A_764 : i32 to index
        %get3A_766 = arith.constant 96 : index
        %get3A_767 = tpu.vector_load %arg12[%get3A_765, %get3A_766] {strides = array<i32>} : memref<128x128xf32, #tpu.memory_space<vmem>>, vector<16xf32>,
        %mul3A_768 = arith.mulf %get3A_767, %gather3A_157 : vector<16xf32>
        %add3A_769 = arith.constant 7 : i32
        %add3A_770 = arith.addi %mul3A_118, %add3A_769 : i32
        %swap3A_771 = arith.index_cast %add3A_770 : i32 to index
        %swap3A_772 = arith.constant 96 : index
        %swap3A_773 = tpu.vector_load %arg12[%swap3A_771, %swap3A_772] {strides = array<i32>} : memref<128x128xf32, #tpu.memory_space<vmem>>, vector<16xf32>,
        tpu.vector_store %arg12[%swap3A_771, %swap3A_772], %mul3A_768 {strides = array<i32>} : memref<128x128xf32, #tpu.memory_space<vmem>>, vector<16xf32>,
        %add3A_774 = arith.constant 0 : i32
        %add3A_775 = arith.addi %mul3A_118, %add3A_774 : i32
        %get3A_776 = arith.index_cast %add3A_775 : i32 to index
        %get3A_777 = arith.constant 112 : index
        %get3A_778 = tpu.vector_load %arg12[%get3A_776, %get3A_777] {strides = array<i32>} : memref<128x128xf32, #tpu.memory_space<vmem>>, vector<16xf32>,
        %mul3A_779 = arith.mulf %get3A_778, %gather3A_122 : vector<16xf32>
        %add3A_780 = arith.constant 0 : i32
        %add3A_781 = arith.addi %mul3A_118, %add3A_780 : i32
        %swap3A_782 = arith.index_cast %add3A_781 : i32 to index
        %swap3A_783 = arith.constant 112 : index
        %swap3A_784 = tpu.vector_load %arg12[%swap3A_782, %swap3A_783] {strides = array<i32>} : memref<128x128xf32, #tpu.memory_space<vmem>>, vector<16xf32>,
        tpu.vector_store %arg12[%swap3A_782, %swap3A_783], %mul3A_779 {strides = array<i32>} : memref<128x128xf32, #tpu.memory_space<vmem>>, vector<16xf32>,
        %add3A_785 = arith.constant 1 : i32
        %add3A_786 = arith.addi %mul3A_118, %add3A_785 : i32
        %get3A_787 = arith.index_cast %add3A_786 : i32 to index
        %get3A_788 = arith.constant 112 : index
        %get3A_789 = tpu.vector_load %arg12[%get3A_787, %get3A_788] {strides = array<i32>} : memref<128x128xf32, #tpu.memory_space<vmem>>, vector<16xf32>,
        %mul3A_790 = arith.mulf %get3A_789, %gather3A_127 : vector<16xf32>
        %add3A_791 = arith.constant 1 : i32
        %add3A_792 = arith.addi %mul3A_118, %add3A_791 : i32
        %swap3A_793 = arith.index_cast %add3A_792 : i32 to index
        %swap3A_794 = arith.constant 112 : index
        %swap3A_795 = tpu.vector_load %arg12[%swap3A_793, %swap3A_794] {strides = array<i32>} : memref<128x128xf32, #tpu.memory_space<vmem>>, vector<16xf32>,
        tpu.vector_store %arg12[%swap3A_793, %swap3A_794], %mul3A_790 {strides = array<i32>} : memref<128x128xf32, #tpu.memory_space<vmem>>, vector<16xf32>,
        %add3A_796 = arith.constant 2 : i32
        %add3A_797 = arith.addi %mul3A_118, %add3A_796 : i32
        %get3A_798 = arith.index_cast %add3A_797 : i32 to index
        %get3A_799 = arith.constant 112 : index
        %get3A_800 = tpu.vector_load %arg12[%get3A_798, %get3A_799] {strides = array<i32>} : memref<128x128xf32, #tpu.memory_space<vmem>>, vector<16xf32>,
        %mul3A_801 = arith.mulf %get3A_800, %gather3A_132 : vector<16xf32>
        %add3A_802 = arith.constant 2 : i32
        %add3A_803 = arith.addi %mul3A_118, %add3A_802 : i32
        %swap3A_804 = arith.index_cast %add3A_803 : i32 to index
        %swap3A_805 = arith.constant 112 : index
        %swap3A_806 = tpu.vector_load %arg12[%swap3A_804, %swap3A_805] {strides = array<i32>} : memref<128x128xf32, #tpu.memory_space<vmem>>, vector<16xf32>,
        tpu.vector_store %arg12[%swap3A_804, %swap3A_805], %mul3A_801 {strides = array<i32>} : memref<128x128xf32, #tpu.memory_space<vmem>>, vector<16xf32>,
        %add3A_807 = arith.constant 3 : i32
        %add3A_808 = arith.addi %mul3A_118, %add3A_807 : i32
        %get3A_809 = arith.index_cast %add3A_808 : i32 to index
        %get3A_810 = arith.constant 112 : index
        %get3A_811 = tpu.vector_load %arg12[%get3A_809, %get3A_810] {strides = array<i32>} : memref<128x128xf32, #tpu.memory_space<vmem>>, vector<16xf32>,
        %mul3A_812 = arith.mulf %get3A_811, %gather3A_137 : vector<16xf32>
        %add3A_813 = arith.constant 3 : i32
        %add3A_814 = arith.addi %mul3A_118, %add3A_813 : i32
        %swap3A_815 = arith.index_cast %add3A_814 : i32 to index
        %swap3A_816 = arith.constant 112 : index
        %swap3A_817 = tpu.vector_load %arg12[%swap3A_815, %swap3A_816] {strides = array<i32>} : memref<128x128xf32, #tpu.memory_space<vmem>>, vector<16xf32>,
        tpu.vector_store %arg12[%swap3A_815, %swap3A_816], %mul3A_812 {strides = array<i32>} : memref<128x128xf32, #tpu.memory_space<vmem>>, vector<16xf32>,
        %add3A_818 = arith.constant 4 : i32
        %add3A_819 = arith.addi %mul3A_118, %add3A_818 : i32
        %get3A_820 = arith.index_cast %add3A_819 : i32 to index
        %get3A_821 = arith.constant 112 : index
        %get3A_822 = tpu.vector_load %arg12[%get3A_820, %get3A_821] {strides = array<i32>} : memref<128x128xf32, #tpu.memory_space<vmem>>, vector<16xf32>,
        %mul3A_823 = arith.mulf %get3A_822, %gather3A_142 : vector<16xf32>
        %add3A_824 = arith.constant 4 : i32
        %add3A_825 = arith.addi %mul3A_118, %add3A_824 : i32
        %swap3A_826 = arith.index_cast %add3A_825 : i32 to index
        %swap3A_827 = arith.constant 112 : index
        %swap3A_828 = tpu.vector_load %arg12[%swap3A_826, %swap3A_827] {strides = array<i32>} : memref<128x128xf32, #tpu.memory_space<vmem>>, vector<16xf32>,
        tpu.vector_store %arg12[%swap3A_826, %swap3A_827], %mul3A_823 {strides = array<i32>} : memref<128x128xf32, #tpu.memory_space<vmem>>, vector<16xf32>,
        %add3A_829 = arith.constant 5 : i32
        %add3A_830 = arith.addi %mul3A_118, %add3A_829 : i32
        %get3A_831 = arith.index_cast %add3A_830 : i32 to index
        %get3A_832 = arith.constant 112 : index
        %get3A_833 = tpu.vector_load %arg12[%get3A_831, %get3A_832] {strides = array<i32>} : memref<128x128xf32, #tpu.memory_space<vmem>>, vector<16xf32>,
        %mul3A_834 = arith.mulf %get3A_833, %gather3A_147 : vector<16xf32>
        %add3A_835 = arith.constant 5 : i32
        %add3A_836 = arith.addi %mul3A_118, %add3A_835 : i32
        %swap3A_837 = arith.index_cast %add3A_836 : i32 to index
        %swap3A_838 = arith.constant 112 : index
        %swap3A_839 = tpu.vector_load %arg12[%swap3A_837, %swap3A_838] {strides = array<i32>} : memref<128x128xf32, #tpu.memory_space<vmem>>, vector<16xf32>,
        tpu.vector_store %arg12[%swap3A_837, %swap3A_838], %mul3A_834 {strides = array<i32>} : memref<128x128xf32, #tpu.memory_space<vmem>>, vector<16xf32>,
        %add3A_840 = arith.constant 6 : i32
        %add3A_841 = arith.addi %mul3A_118, %add3A_840 : i32
        %get3A_842 = arith.index_cast %add3A_841 : i32 to index
        %get3A_843 = arith.constant 112 : index
        %get3A_844 = tpu.vector_load %arg12[%get3A_842, %get3A_843] {strides = array<i32>} : memref<128x128xf32, #tpu.memory_space<vmem>>, vector<16xf32>,
        %mul3A_845 = arith.mulf %get3A_844, %gather3A_152 : vector<16xf32>
        %add3A_846 = arith.constant 6 : i32
        %add3A_847 = arith.addi %mul3A_118, %add3A_846 : i32
        %swap3A_848 = arith.index_cast %add3A_847 : i32 to index
        %swap3A_849 = arith.constant 112 : index
        %swap3A_850 = tpu.vector_load %arg12[%swap3A_848, %swap3A_849] {strides = array<i32>} : memref<128x128xf32, #tpu.memory_space<vmem>>, vector<16xf32>,
        tpu.vector_store %arg12[%swap3A_848, %swap3A_849], %mul3A_845 {strides = array<i32>} : memref<128x128xf32, #tpu.memory_space<vmem>>, vector<16xf32>,
        %add3A_851 = arith.constant 7 : i32
        %add3A_852 = arith.addi %mul3A_118, %add3A_851 : i32
        %get3A_853 = arith.index_cast %add3A_852 : i32 to index
        %get3A_854 = arith.constant 112 : index
        %get3A_855 = tpu.vector_load %arg12[%get3A_853, %get3A_854] {strides = array<i32>} : memref<128x128xf32, #tpu.memory_space<vmem>>, vector<16xf32>,
        %mul3A_856 = arith.mulf %get3A_855, %gather3A_157 : vector<16xf32>
        %add3A_857 = arith.constant 7 : i32
        %add3A_858 = arith.addi %mul3A_118, %add3A_857 : i32
        %swap3A_859 = arith.index_cast %add3A_858 : i32 to index
        %swap3A_860 = arith.constant 112 : index
        %swap3A_861 = tpu.vector_load %arg12[%swap3A_859, %swap3A_860] {strides = array<i32>} : memref<128x128xf32, #tpu.memory_space<vmem>>, vector<16xf32>,
        tpu.vector_store %arg12[%swap3A_859, %swap3A_860], %mul3A_856 {strides = array<i32>} : memref<128x128xf32, #tpu.memory_space<vmem>>, vector<16xf32>,
      }
      %scan3A_115 = arith.constant 16 : i32
      "tpu.region"() ({
        %run_scoped3A = tpu.sem_alloc : memref<!tpu.dma_semaphore, #tpu.memory_space<semaphore_mem>>
        %dma_start3A_116 = arith.constant 0 : i32
        %dma_start3A_117 = arith.constant 0 : i32
        %dma_start3A_118 = tpu.memref_slice %arg15[%dma_start3A_116, %dma_start3A_117] : memref<10240x128xf32, #tpu.memory_space<vmem_shared>> -> memref<10240x128xf32, #tpu.memory_space<vmem_shared>>
        tpu.enqueue_indirect_dma source(%arg12 : memref<128x128xf32, #tpu.memory_space<vmem>>) target(%dma_start3A_118 : memref<10240x128xf32, #tpu.memory_space<vmem_shared>>) offsets(%arg10 : memref<128xi32, #tpu.memory_space<vmem>>) semaphore(%run_scoped3A : memref<!tpu.dma_semaphore, #tpu.memory_space<semaphore_mem>>) {add = true}
        %dma_wait3A_119 = arith.constant 0 : i32
        %dma_wait3A_120 = arith.constant 0 : i32
        %dma_wait3A_121 = tpu.memref_slice %arg15[%dma_wait3A_119, %dma_wait3A_120] : memref<10240x128xf32, #tpu.memory_space<vmem_shared>> -> memref<10240x128xf32, #tpu.memory_space<vmem_shared>>
        tpu.wait_indirect_dma semaphore(%run_scoped3A : memref<!tpu.dma_semaphore, #tpu.memory_space<semaphore_mem>>) src(%arg12 : memref<128x128xf32, #tpu.memory_space<vmem>>) dst(%dma_wait3A_121 : memref<10240x128xf32, #tpu.memory_space<vmem_shared>>)
        tpu.yield
      }) : () -> ()
    }
    %scan3A_9 = arith.constant 81 : i32
    %barrier3A_10 = arith.constant 0 : index
    tpu.barrier barrier_id(%barrier3A_10)
    %mul3A_11 = arith.constant 640 : i32
    %mul3A_12 = arith.muli %arg1, %mul3A_11 : i32
    %mul3A_13 = arith.constant 640 : i32
    %mul3A_14 = arith.muli %arg1, %mul3A_13 : i32
    "tpu.region"() ({
      %run_scoped3A = tpu.sem_alloc : memref<!tpu.dma_semaphore, #tpu.memory_space<semaphore_mem>>
      %dma_start3A = arith.constant 0 : i32
      %dma_start3A_15 = tpu.memref_slice %arg8[%arg0, %mul3A_14, %dma_start3A] : memref<2x10240x128xf32, #tpu.memory_space<hbm>> -> memref<1x640x128xf32, #tpu.memory_space<hbm>>
      %dma_start3A_16 = tpu.memref_squeeze %dma_start3A_15 : memref<1x640x128xf32, #tpu.memory_space<hbm>> -> memref<640x128xf32, #tpu.memory_space<hbm>>
      %dma_start3A_17 = arith.constant 0 : i32
      %dma_start3A_18 = tpu.memref_slice %arg15[%mul3A_12, %dma_start3A_17] : memref<10240x128xf32, #tpu.memory_space<vmem_shared>> -> memref<640x128xf32, #tpu.memory_space<vmem_shared>>
      tpu.enqueue_dma source(%dma_start3A_18 : memref<640x128xf32, #tpu.memory_space<vmem_shared>>) target(%dma_start3A_16 : memref<640x128xf32, #tpu.memory_space<hbm>>) target_semaphore(%run_scoped3A : memref<!tpu.dma_semaphore, #tpu.memory_space<semaphore_mem>>)
      %dma_wait3A = arith.constant 0 : i32
      %dma_wait3A_19 = tpu.memref_slice %arg8[%arg0, %mul3A_14, %dma_wait3A] : memref<2x10240x128xf32, #tpu.memory_space<hbm>> -> memref<1x640x128xf32, #tpu.memory_space<hbm>>
      %dma_wait3A_20 = tpu.memref_squeeze %dma_wait3A_19 : memref<1x640x128xf32, #tpu.memory_space<hbm>> -> memref<640x128xf32, #tpu.memory_space<hbm>>
      %dma_wait3A_21 = arith.constant 0 : i32
      %dma_wait3A_22 = tpu.memref_slice %arg15[%mul3A_12, %dma_wait3A_21] : memref<10240x128xf32, #tpu.memory_space<vmem_shared>> -> memref<640x128xf32, #tpu.memory_space<vmem_shared>>
      tpu.wait_dma2 semaphore(%run_scoped3A : memref<!tpu.dma_semaphore, #tpu.memory_space<semaphore_mem>>) src(%dma_wait3A_22 : memref<640x128xf32, #tpu.memory_space<vmem_shared>>) dst(%dma_wait3A_20 : memref<640x128xf32, #tpu.memory_space<hbm>>)
      tpu.yield
    }) : () -> ()
    return
  }
}

#map = affine_map<(d0, d1) -> (0, 0)>
#map1 = affine_map<(d0, d1) -> (0)>
#map2 = affine_map<(d0, d1) -> (0, 0, 0)>
module attributes {stable_mosaic.version = 14 : i64} {
  func.func @_sc_aggregate_body(%arg0: i32, %arg1: i32, %arg2: memref<10000x128xf32, #tpu.memory_space<hbm>>, %arg3: memref<331776xi32, #tpu.memory_space<hbm>>, %arg4: memref<331776xi32, #tpu.memory_space<hbm>>, %arg5: memref<10240xf32, #tpu.memory_space<hbm>>, %arg6: memref<10000xf32, #tpu.memory_space<hbm>>, %arg7: memref<10240x128xf32, #tpu.memory_space<hbm>>, %arg8: memref<2x10240x128xf32, #tpu.memory_space<hbm>>, %arg9: memref<128xi32, #tpu.memory_space<vmem>>, %arg10: memref<128xi32, #tpu.memory_space<vmem>>, %arg11: memref<128xf32, #tpu.memory_space<vmem>>, %arg12: memref<128x128xf32, #tpu.memory_space<vmem>>, %arg13: memref<10240xf32, #tpu.memory_space<vmem>>, %arg14: memref<10240xf32, #tpu.memory_space<vmem>>, %arg15: memref<10240x128xf32, #tpu.memory_space<vmem_shared>>, %arg16: memref<!tpu.dma_semaphore, #tpu.memory_space<semaphore_mem>>) attributes {dimension_semantics = [#tpu.dimension_semantics<core_parallel>, #tpu.dimension_semantics<subcore_parallel>], iteration_bounds = array<i64: 2, 16>, scalar_prefetch = 0 : i64, scratch_operands = 8 : i64, tpu.core_type = #tpu.core_type<sc_vector_subcore>, window_params = [{transform_indices = #map}, {transform_indices = #map1}, {transform_indices = #map1}, {transform_indices = #map1}, {transform_indices = #map1}, {transform_indices = #map}, {transform_indices = #map2}]} {
    %mul3A = arith.constant 2 : i32
    %mul3A_0 = arith.muli %arg1, %mul3A : i32
    %add3A = arith.addi %mul3A_0, %arg0 : i32
    %mul3A_1 = arith.constant 640 : i32
    %mul3A_2 = arith.muli %arg1, %mul3A_1 : i32
    %mul3A_3 = arith.constant 640 : i32
    %mul3A_4 = arith.muli %arg1, %mul3A_3 : i32
    "tpu.region"() ({
      %run_scoped3A = tpu.sem_alloc : memref<!tpu.dma_semaphore, #tpu.memory_space<semaphore_mem>>
      %dma_start3A = arith.constant 0 : i32
      %dma_start3A_15 = tpu.memref_slice %arg15[%mul3A_4, %dma_start3A] : memref<10240x128xf32, #tpu.memory_space<vmem_shared>> -> memref<640x128xf32, #tpu.memory_space<vmem_shared>>
      %dma_start3A_16 = arith.constant 0 : i32
      %dma_start3A_17 = tpu.memref_slice %arg7[%mul3A_2, %dma_start3A_16] : memref<10240x128xf32, #tpu.memory_space<hbm>> -> memref<640x128xf32, #tpu.memory_space<hbm>>
      tpu.enqueue_dma source(%dma_start3A_17 : memref<640x128xf32, #tpu.memory_space<hbm>>) target(%dma_start3A_15 : memref<640x128xf32, #tpu.memory_space<vmem_shared>>) target_semaphore(%run_scoped3A : memref<!tpu.dma_semaphore, #tpu.memory_space<semaphore_mem>>)
      %dma_wait3A = arith.constant 0 : i32
      %dma_wait3A_18 = tpu.memref_slice %arg15[%mul3A_4, %dma_wait3A] : memref<10240x128xf32, #tpu.memory_space<vmem_shared>> -> memref<640x128xf32, #tpu.memory_space<vmem_shared>>
      %dma_wait3A_19 = arith.constant 0 : i32
      %dma_wait3A_20 = tpu.memref_slice %arg7[%mul3A_2, %dma_wait3A_19] : memref<10240x128xf32, #tpu.memory_space<hbm>> -> memref<640x128xf32, #tpu.memory_space<hbm>>
      tpu.wait_dma2 semaphore(%run_scoped3A : memref<!tpu.dma_semaphore, #tpu.memory_space<semaphore_mem>>) src(%dma_wait3A_20 : memref<640x128xf32, #tpu.memory_space<hbm>>) dst(%dma_wait3A_18 : memref<640x128xf32, #tpu.memory_space<vmem_shared>>)
      tpu.yield
    }) : () -> ()
    "tpu.region"() ({
      %run_scoped3A = tpu.sem_alloc : memref<!tpu.dma_semaphore, #tpu.memory_space<semaphore_mem>>
      tpu.enqueue_dma source(%arg5 : memref<10240xf32, #tpu.memory_space<hbm>>) target(%arg13 : memref<10240xf32, #tpu.memory_space<vmem>>) target_semaphore(%run_scoped3A : memref<!tpu.dma_semaphore, #tpu.memory_space<semaphore_mem>>)
      tpu.wait_dma2 semaphore(%run_scoped3A : memref<!tpu.dma_semaphore, #tpu.memory_space<semaphore_mem>>) src(%arg5 : memref<10240xf32, #tpu.memory_space<hbm>>) dst(%arg13 : memref<10240xf32, #tpu.memory_space<vmem>>)
      tpu.yield
    }) : () -> ()
    "tpu.region"() ({
      %run_scoped3A = tpu.sem_alloc : memref<!tpu.dma_semaphore, #tpu.memory_space<semaphore_mem>>
      %dma_start3A = arith.constant 0 : i32
      %dma_start3A_15 = tpu.memref_slice %arg14[%dma_start3A] : memref<10240xf32, #tpu.memory_space<vmem>> -> memref<10000xf32, #tpu.memory_space<vmem>>
      %dma_start3A_16 = arith.constant 0 : i32
      %dma_start3A_17 = tpu.memref_slice %arg14[%dma_start3A_16] : memref<10240xf32, #tpu.memory_space<vmem>> -> memref<10000xf32, #tpu.memory_space<vmem>>
      tpu.enqueue_dma source(%arg6 : memref<10000xf32, #tpu.memory_space<hbm>>) target(%dma_start3A_17 : memref<10000xf32, #tpu.memory_space<vmem>>) target_semaphore(%run_scoped3A : memref<!tpu.dma_semaphore, #tpu.memory_space<semaphore_mem>>)
      %dma_wait3A = arith.constant 0 : i32
      %dma_wait3A_18 = tpu.memref_slice %arg14[%dma_wait3A] : memref<10240xf32, #tpu.memory_space<vmem>> -> memref<10000xf32, #tpu.memory_space<vmem>>
      %dma_wait3A_19 = arith.constant 0 : i32
      %dma_wait3A_20 = tpu.memref_slice %arg14[%dma_wait3A_19] : memref<10240xf32, #tpu.memory_space<vmem>> -> memref<10000xf32, #tpu.memory_space<vmem>>
      tpu.wait_dma2 semaphore(%run_scoped3A : memref<!tpu.dma_semaphore, #tpu.memory_space<semaphore_mem>>) src(%arg6 : memref<10000xf32, #tpu.memory_space<hbm>>) dst(%dma_wait3A_20 : memref<10000xf32, #tpu.memory_space<vmem>>)
      tpu.yield
    }) : () -> ()
    %barrier3A = arith.constant 0 : index
    tpu.barrier barrier_id(%barrier3A)
    %scan3A = arith.constant 0 : i32
    %scan3A_5 = arith.constant 0 : i32
    %scan3A_6 = arith.constant 81 : i32
    %scan3A_7 = arith.addi %scan3A_5, %scan3A_6 : i32
    %scan3A_8 = arith.constant 1 : i32
    scf.for %scan3A_15 = %scan3A_5 to %scan3A_7 step %scan3A_8  : i32 {
      %mul3A_16 = arith.constant 10368 : i32
      %mul3A_17 = arith.muli %add3A, %mul3A_16 : i32
      %mul3A_18 = arith.constant 128 : i32
      %mul3A_19 = arith.muli %scan3A_15, %mul3A_18 : i32
      %add3A_20 = arith.addi %mul3A_17, %mul3A_19 : i32
      %multiple_of3A = tpu.assume_multiple %add3A_20, 8 : i32
      "tpu.region"() ({
        %run_scoped3A = tpu.sem_alloc : memref<!tpu.dma_semaphore, #tpu.memory_space<semaphore_mem>>
        %dma_start3A_116 = tpu.memref_slice %arg3[%multiple_of3A] : memref<331776xi32, #tpu.memory_space<hbm>> -> memref<128xi32, #tpu.memory_space<hbm>>
        %dma_start3A_117 = tpu.memref_slice %arg3[%multiple_of3A] : memref<331776xi32, #tpu.memory_space<hbm>> -> memref<128xi32, #tpu.memory_space<hbm>>
        tpu.enqueue_dma source(%dma_start3A_117 : memref<128xi32, #tpu.memory_space<hbm>>) target(%arg9 : memref<128xi32, #tpu.memory_space<vmem>>) target_semaphore(%run_scoped3A : memref<!tpu.dma_semaphore, #tpu.memory_space<semaphore_mem>>)
        %dma_wait3A_118 = tpu.memref_slice %arg3[%multiple_of3A] : memref<331776xi32, #tpu.memory_space<hbm>> -> memref<128xi32, #tpu.memory_space<hbm>>
        %dma_wait3A_119 = tpu.memref_slice %arg3[%multiple_of3A] : memref<331776xi32, #tpu.memory_space<hbm>> -> memref<128xi32, #tpu.memory_space<hbm>>
        tpu.wait_dma2 semaphore(%run_scoped3A : memref<!tpu.dma_semaphore, #tpu.memory_space<semaphore_mem>>) src(%dma_wait3A_119 : memref<128xi32, #tpu.memory_space<hbm>>) dst(%arg9 : memref<128xi32, #tpu.memory_space<vmem>>)
        tpu.yield
      }) : () -> ()
      "tpu.region"() ({
        %run_scoped3A = tpu.sem_alloc : memref<!tpu.dma_semaphore, #tpu.memory_space<semaphore_mem>>
        %dma_start3A_116 = tpu.memref_slice %arg4[%multiple_of3A] : memref<331776xi32, #tpu.memory_space<hbm>> -> memref<128xi32, #tpu.memory_space<hbm>>
        %dma_start3A_117 = tpu.memref_slice %arg4[%multiple_of3A] : memref<331776xi32, #tpu.memory_space<hbm>> -> memref<128xi32, #tpu.memory_space<hbm>>
        tpu.enqueue_dma source(%dma_start3A_117 : memref<128xi32, #tpu.memory_space<hbm>>) target(%arg10 : memref<128xi32, #tpu.memory_space<vmem>>) target_semaphore(%run_scoped3A : memref<!tpu.dma_semaphore, #tpu.memory_space<semaphore_mem>>)
        %dma_wait3A_118 = tpu.memref_slice %arg4[%multiple_of3A] : memref<331776xi32, #tpu.memory_space<hbm>> -> memref<128xi32, #tpu.memory_space<hbm>>
        %dma_wait3A_119 = tpu.memref_slice %arg4[%multiple_of3A] : memref<331776xi32, #tpu.memory_space<hbm>> -> memref<128xi32, #tpu.memory_space<hbm>>
        tpu.wait_dma2 semaphore(%run_scoped3A : memref<!tpu.dma_semaphore, #tpu.memory_space<semaphore_mem>>) src(%dma_wait3A_119 : memref<128xi32, #tpu.memory_space<hbm>>) dst(%arg10 : memref<128xi32, #tpu.memory_space<vmem>>)
        tpu.yield
      }) : () -> ()
      %dma_start3A = arith.constant 0 : i32
      %dma_start3A_21 = arith.constant 0 : i32
      %dma_start3A_22 = tpu.memref_slice %arg2[%dma_start3A, %dma_start3A_21] : memref<10000x128xf32, #tpu.memory_space<hbm>> -> memref<10000x128xf32, #tpu.memory_space<hbm>>
      tpu.enqueue_indirect_dma source(%dma_start3A_22 : memref<10000x128xf32, #tpu.memory_space<hbm>>) target(%arg12 : memref<128x128xf32, #tpu.memory_space<vmem>>) offsets(%arg9 : memref<128xi32, #tpu.memory_space<vmem>>) semaphore(%arg16 : memref<!tpu.dma_semaphore, #tpu.memory_space<semaphore_mem>>)
      %dma_wait3A = arith.constant 0 : i32
      %dma_wait3A_23 = arith.constant 0 : i32
      %dma_wait3A_24 = tpu.memref_slice %arg2[%dma_wait3A, %dma_wait3A_23] : memref<10000x128xf32, #tpu.memory_space<hbm>> -> memref<10000x128xf32, #tpu.memory_space<hbm>>
      tpu.wait_indirect_dma semaphore(%arg16 : memref<!tpu.dma_semaphore, #tpu.memory_space<semaphore_mem>>) src(%dma_wait3A_24 : memref<10000x128xf32, #tpu.memory_space<hbm>>) dst(%arg12 : memref<128x128xf32, #tpu.memory_space<vmem>>)
      %get3A = arith.constant 0 : index
      %get3A_25 = tpu.vector_load %arg10[%get3A] {strides = array<i32>} : memref<128xi32, #tpu.memory_space<vmem>>, vector<16xi32>,
      %get3A_26 = arith.constant 0 : index
      %get3A_27 = tpu.vector_load %arg9[%get3A_26] {strides = array<i32>} : memref<128xi32, #tpu.memory_space<vmem>>, vector<16xi32>,
      %gather3A = tpu.vector_load_idx %arg13[%get3A_25] : memref<10240xf32, #tpu.memory_space<vmem>>[vector<16xi32>], vector<16xf32>,
      %gather3A_28 = tpu.vector_load_idx %arg13[%get3A_27] : memref<10240xf32, #tpu.memory_space<vmem>>[vector<16xi32>], vector<16xf32>,
      %gather3A_29 = tpu.vector_load_idx %arg14[%get3A_25] : memref<10240xf32, #tpu.memory_space<vmem>>[vector<16xi32>], vector<16xf32>,
      %mul3A_30 = arith.mulf %gather3A, %gather3A_28 : vector<16xf32>
      %add3A_31 = arith.addf %mul3A_30, %gather3A_29 : vector<16xf32>
      %swap3A = arith.constant 0 : index
      %swap3A_32 = tpu.vector_load %arg11[%swap3A] {strides = array<i32>} : memref<128xf32, #tpu.memory_space<vmem>>, vector<16xf32>,
      tpu.vector_store %arg11[%swap3A], %add3A_31 {strides = array<i32>} : memref<128xf32, #tpu.memory_space<vmem>>, vector<16xf32>,
      %get3A_33 = arith.constant 16 : index
      %get3A_34 = tpu.vector_load %arg10[%get3A_33] {strides = array<i32>} : memref<128xi32, #tpu.memory_space<vmem>>, vector<16xi32>,
      %get3A_35 = arith.constant 16 : index
      %get3A_36 = tpu.vector_load %arg9[%get3A_35] {strides = array<i32>} : memref<128xi32, #tpu.memory_space<vmem>>, vector<16xi32>,
      %gather3A_37 = tpu.vector_load_idx %arg13[%get3A_34] : memref<10240xf32, #tpu.memory_space<vmem>>[vector<16xi32>], vector<16xf32>,
      %gather3A_38 = tpu.vector_load_idx %arg13[%get3A_36] : memref<10240xf32, #tpu.memory_space<vmem>>[vector<16xi32>], vector<16xf32>,
      %gather3A_39 = tpu.vector_load_idx %arg14[%get3A_34] : memref<10240xf32, #tpu.memory_space<vmem>>[vector<16xi32>], vector<16xf32>,
      %mul3A_40 = arith.mulf %gather3A_37, %gather3A_38 : vector<16xf32>
      %add3A_41 = arith.addf %mul3A_40, %gather3A_39 : vector<16xf32>
      %swap3A_42 = arith.constant 16 : index
      %swap3A_43 = tpu.vector_load %arg11[%swap3A_42] {strides = array<i32>} : memref<128xf32, #tpu.memory_space<vmem>>, vector<16xf32>,
      tpu.vector_store %arg11[%swap3A_42], %add3A_41 {strides = array<i32>} : memref<128xf32, #tpu.memory_space<vmem>>, vector<16xf32>,
      %get3A_44 = arith.constant 32 : index
      %get3A_45 = tpu.vector_load %arg10[%get3A_44] {strides = array<i32>} : memref<128xi32, #tpu.memory_space<vmem>>, vector<16xi32>,
      %get3A_46 = arith.constant 32 : index
      %get3A_47 = tpu.vector_load %arg9[%get3A_46] {strides = array<i32>} : memref<128xi32, #tpu.memory_space<vmem>>, vector<16xi32>,
      %gather3A_48 = tpu.vector_load_idx %arg13[%get3A_45] : memref<10240xf32, #tpu.memory_space<vmem>>[vector<16xi32>], vector<16xf32>,
      %gather3A_49 = tpu.vector_load_idx %arg13[%get3A_47] : memref<10240xf32, #tpu.memory_space<vmem>>[vector<16xi32>], vector<16xf32>,
      %gather3A_50 = tpu.vector_load_idx %arg14[%get3A_45] : memref<10240xf32, #tpu.memory_space<vmem>>[vector<16xi32>], vector<16xf32>,
      %mul3A_51 = arith.mulf %gather3A_48, %gather3A_49 : vector<16xf32>
      %add3A_52 = arith.addf %mul3A_51, %gather3A_50 : vector<16xf32>
      %swap3A_53 = arith.constant 32 : index
      %swap3A_54 = tpu.vector_load %arg11[%swap3A_53] {strides = array<i32>} : memref<128xf32, #tpu.memory_space<vmem>>, vector<16xf32>,
      tpu.vector_store %arg11[%swap3A_53], %add3A_52 {strides = array<i32>} : memref<128xf32, #tpu.memory_space<vmem>>, vector<16xf32>,
      %get3A_55 = arith.constant 48 : index
      %get3A_56 = tpu.vector_load %arg10[%get3A_55] {strides = array<i32>} : memref<128xi32, #tpu.memory_space<vmem>>, vector<16xi32>,
      %get3A_57 = arith.constant 48 : index
      %get3A_58 = tpu.vector_load %arg9[%get3A_57] {strides = array<i32>} : memref<128xi32, #tpu.memory_space<vmem>>, vector<16xi32>,
      %gather3A_59 = tpu.vector_load_idx %arg13[%get3A_56] : memref<10240xf32, #tpu.memory_space<vmem>>[vector<16xi32>], vector<16xf32>,
      %gather3A_60 = tpu.vector_load_idx %arg13[%get3A_58] : memref<10240xf32, #tpu.memory_space<vmem>>[vector<16xi32>], vector<16xf32>,
      %gather3A_61 = tpu.vector_load_idx %arg14[%get3A_56] : memref<10240xf32, #tpu.memory_space<vmem>>[vector<16xi32>], vector<16xf32>,
      %mul3A_62 = arith.mulf %gather3A_59, %gather3A_60 : vector<16xf32>
      %add3A_63 = arith.addf %mul3A_62, %gather3A_61 : vector<16xf32>
      %swap3A_64 = arith.constant 48 : index
      %swap3A_65 = tpu.vector_load %arg11[%swap3A_64] {strides = array<i32>} : memref<128xf32, #tpu.memory_space<vmem>>, vector<16xf32>,
      tpu.vector_store %arg11[%swap3A_64], %add3A_63 {strides = array<i32>} : memref<128xf32, #tpu.memory_space<vmem>>, vector<16xf32>,
      %get3A_66 = arith.constant 64 : index
      %get3A_67 = tpu.vector_load %arg10[%get3A_66] {strides = array<i32>} : memref<128xi32, #tpu.memory_space<vmem>>, vector<16xi32>,
      %get3A_68 = arith.constant 64 : index
      %get3A_69 = tpu.vector_load %arg9[%get3A_68] {strides = array<i32>} : memref<128xi32, #tpu.memory_space<vmem>>, vector<16xi32>,
      %gather3A_70 = tpu.vector_load_idx %arg13[%get3A_67] : memref<10240xf32, #tpu.memory_space<vmem>>[vector<16xi32>], vector<16xf32>,
      %gather3A_71 = tpu.vector_load_idx %arg13[%get3A_69] : memref<10240xf32, #tpu.memory_space<vmem>>[vector<16xi32>], vector<16xf32>,
      %gather3A_72 = tpu.vector_load_idx %arg14[%get3A_67] : memref<10240xf32, #tpu.memory_space<vmem>>[vector<16xi32>], vector<16xf32>,
      %mul3A_73 = arith.mulf %gather3A_70, %gather3A_71 : vector<16xf32>
      %add3A_74 = arith.addf %mul3A_73, %gather3A_72 : vector<16xf32>
      %swap3A_75 = arith.constant 64 : index
      %swap3A_76 = tpu.vector_load %arg11[%swap3A_75] {strides = array<i32>} : memref<128xf32, #tpu.memory_space<vmem>>, vector<16xf32>,
      tpu.vector_store %arg11[%swap3A_75], %add3A_74 {strides = array<i32>} : memref<128xf32, #tpu.memory_space<vmem>>, vector<16xf32>,
      %get3A_77 = arith.constant 80 : index
      %get3A_78 = tpu.vector_load %arg10[%get3A_77] {strides = array<i32>} : memref<128xi32, #tpu.memory_space<vmem>>, vector<16xi32>,
      %get3A_79 = arith.constant 80 : index
      %get3A_80 = tpu.vector_load %arg9[%get3A_79] {strides = array<i32>} : memref<128xi32, #tpu.memory_space<vmem>>, vector<16xi32>,
      %gather3A_81 = tpu.vector_load_idx %arg13[%get3A_78] : memref<10240xf32, #tpu.memory_space<vmem>>[vector<16xi32>], vector<16xf32>,
      %gather3A_82 = tpu.vector_load_idx %arg13[%get3A_80] : memref<10240xf32, #tpu.memory_space<vmem>>[vector<16xi32>], vector<16xf32>,
      %gather3A_83 = tpu.vector_load_idx %arg14[%get3A_78] : memref<10240xf32, #tpu.memory_space<vmem>>[vector<16xi32>], vector<16xf32>,
      %mul3A_84 = arith.mulf %gather3A_81, %gather3A_82 : vector<16xf32>
      %add3A_85 = arith.addf %mul3A_84, %gather3A_83 : vector<16xf32>
      %swap3A_86 = arith.constant 80 : index
      %swap3A_87 = tpu.vector_load %arg11[%swap3A_86] {strides = array<i32>} : memref<128xf32, #tpu.memory_space<vmem>>, vector<16xf32>,
      tpu.vector_store %arg11[%swap3A_86], %add3A_85 {strides = array<i32>} : memref<128xf32, #tpu.memory_space<vmem>>, vector<16xf32>,
      %get3A_88 = arith.constant 96 : index
      %get3A_89 = tpu.vector_load %arg10[%get3A_88] {strides = array<i32>} : memref<128xi32, #tpu.memory_space<vmem>>, vector<16xi32>,
      %get3A_90 = arith.constant 96 : index
      %get3A_91 = tpu.vector_load %arg9[%get3A_90] {strides = array<i32>} : memref<128xi32, #tpu.memory_space<vmem>>, vector<16xi32>,
      %gather3A_92 = tpu.vector_load_idx %arg13[%get3A_89] : memref<10240xf32, #tpu.memory_space<vmem>>[vector<16xi32>], vector<16xf32>,
      %gather3A_93 = tpu.vector_load_idx %arg13[%get3A_91] : memref<10240xf32, #tpu.memory_space<vmem>>[vector<16xi32>], vector<16xf32>,
      %gather3A_94 = tpu.vector_load_idx %arg14[%get3A_89] : memref<10240xf32, #tpu.memory_space<vmem>>[vector<16xi32>], vector<16xf32>,
      %mul3A_95 = arith.mulf %gather3A_92, %gather3A_93 : vector<16xf32>
      %add3A_96 = arith.addf %mul3A_95, %gather3A_94 : vector<16xf32>
      %swap3A_97 = arith.constant 96 : index
      %swap3A_98 = tpu.vector_load %arg11[%swap3A_97] {strides = array<i32>} : memref<128xf32, #tpu.memory_space<vmem>>, vector<16xf32>,
      tpu.vector_store %arg11[%swap3A_97], %add3A_96 {strides = array<i32>} : memref<128xf32, #tpu.memory_space<vmem>>, vector<16xf32>,
      %get3A_99 = arith.constant 112 : index
      %get3A_100 = tpu.vector_load %arg10[%get3A_99] {strides = array<i32>} : memref<128xi32, #tpu.memory_space<vmem>>, vector<16xi32>,
      %get3A_101 = arith.constant 112 : index
      %get3A_102 = tpu.vector_load %arg9[%get3A_101] {strides = array<i32>} : memref<128xi32, #tpu.memory_space<vmem>>, vector<16xi32>,
      %gather3A_103 = tpu.vector_load_idx %arg13[%get3A_100] : memref<10240xf32, #tpu.memory_space<vmem>>[vector<16xi32>], vector<16xf32>,
      %gather3A_104 = tpu.vector_load_idx %arg13[%get3A_102] : memref<10240xf32, #tpu.memory_space<vmem>>[vector<16xi32>], vector<16xf32>,
      %gather3A_105 = tpu.vector_load_idx %arg14[%get3A_100] : memref<10240xf32, #tpu.memory_space<vmem>>[vector<16xi32>], vector<16xf32>,
      %mul3A_106 = arith.mulf %gather3A_103, %gather3A_104 : vector<16xf32>
      %add3A_107 = arith.addf %mul3A_106, %gather3A_105 : vector<16xf32>
      %swap3A_108 = arith.constant 112 : index
      %swap3A_109 = tpu.vector_load %arg11[%swap3A_108] {strides = array<i32>} : memref<128xf32, #tpu.memory_space<vmem>>, vector<16xf32>,
      tpu.vector_store %arg11[%swap3A_108], %add3A_107 {strides = array<i32>} : memref<128xf32, #tpu.memory_space<vmem>>, vector<16xf32>,
      %scan3A_110 = arith.constant 0 : i32
      %scan3A_111 = arith.constant 0 : i32
      %scan3A_112 = arith.constant 16 : i32
      %scan3A_113 = arith.addi %scan3A_111, %scan3A_112 : i32
      %scan3A_114 = arith.constant 1 : i32
      scf.for %scan3A_116 = %scan3A_111 to %scan3A_113 step %scan3A_114  : i32 {
        %mul3A_117 = arith.constant 8 : i32
        %mul3A_118 = arith.muli %scan3A_116, %mul3A_117 : i32
        %broadcast_in_dim3A = arith.constant 0 : i32
        %broadcast_in_dim3A_119 = vector.broadcast %broadcast_in_dim3A : i32 to vector<16xi32>
        %add3A_120 = vector.broadcast %mul3A_118 : i32 to vector<16xi32>
        %add3A_121 = arith.addi %broadcast_in_dim3A_119, %add3A_120 : vector<16xi32>
        %gather3A_122 = tpu.vector_load_idx %arg11[%add3A_121] : memref<128xf32, #tpu.memory_space<vmem>>[vector<16xi32>], vector<16xf32>,
        %broadcast_in_dim3A_123 = arith.constant 1 : i32
        %broadcast_in_dim3A_124 = vector.broadcast %broadcast_in_dim3A_123 : i32 to vector<16xi32>
        %add3A_125 = vector.broadcast %mul3A_118 : i32 to vector<16xi32>
        %add3A_126 = arith.addi %broadcast_in_dim3A_124, %add3A_125 : vector<16xi32>
        %gather3A_127 = tpu.vector_load_idx %arg11[%add3A_126] : memref<128xf32, #tpu.memory_space<vmem>>[vector<16xi32>], vector<16xf32>,
        %broadcast_in_dim3A_128 = arith.constant 2 : i32
        %broadcast_in_dim3A_129 = vector.broadcast %broadcast_in_dim3A_128 : i32 to vector<16xi32>
        %add3A_130 = vector.broadcast %mul3A_118 : i32 to vector<16xi32>
        %add3A_131 = arith.addi %broadcast_in_dim3A_129, %add3A_130 : vector<16xi32>
        %gather3A_132 = tpu.vector_load_idx %arg11[%add3A_131] : memref<128xf32, #tpu.memory_space<vmem>>[vector<16xi32>], vector<16xf32>,
        %broadcast_in_dim3A_133 = arith.constant 3 : i32
        %broadcast_in_dim3A_134 = vector.broadcast %broadcast_in_dim3A_133 : i32 to vector<16xi32>
        %add3A_135 = vector.broadcast %mul3A_118 : i32 to vector<16xi32>
        %add3A_136 = arith.addi %broadcast_in_dim3A_134, %add3A_135 : vector<16xi32>
        %gather3A_137 = tpu.vector_load_idx %arg11[%add3A_136] : memref<128xf32, #tpu.memory_space<vmem>>[vector<16xi32>], vector<16xf32>,
        %broadcast_in_dim3A_138 = arith.constant 4 : i32
        %broadcast_in_dim3A_139 = vector.broadcast %broadcast_in_dim3A_138 : i32 to vector<16xi32>
        %add3A_140 = vector.broadcast %mul3A_118 : i32 to vector<16xi32>
        %add3A_141 = arith.addi %broadcast_in_dim3A_139, %add3A_140 : vector<16xi32>
        %gather3A_142 = tpu.vector_load_idx %arg11[%add3A_141] : memref<128xf32, #tpu.memory_space<vmem>>[vector<16xi32>], vector<16xf32>,
        %broadcast_in_dim3A_143 = arith.constant 5 : i32
        %broadcast_in_dim3A_144 = vector.broadcast %broadcast_in_dim3A_143 : i32 to vector<16xi32>
        %add3A_145 = vector.broadcast %mul3A_118 : i32 to vector<16xi32>
        %add3A_146 = arith.addi %broadcast_in_dim3A_144, %add3A_145 : vector<16xi32>
        %gather3A_147 = tpu.vector_load_idx %arg11[%add3A_146] : memref<128xf32, #tpu.memory_space<vmem>>[vector<16xi32>], vector<16xf32>,
        %broadcast_in_dim3A_148 = arith.constant 6 : i32
        %broadcast_in_dim3A_149 = vector.broadcast %broadcast_in_dim3A_148 : i32 to vector<16xi32>
        %add3A_150 = vector.broadcast %mul3A_118 : i32 to vector<16xi32>
        %add3A_151 = arith.addi %broadcast_in_dim3A_149, %add3A_150 : vector<16xi32>
        %gather3A_152 = tpu.vector_load_idx %arg11[%add3A_151] : memref<128xf32, #tpu.memory_space<vmem>>[vector<16xi32>], vector<16xf32>,
        %broadcast_in_dim3A_153 = arith.constant 7 : i32
        %broadcast_in_dim3A_154 = vector.broadcast %broadcast_in_dim3A_153 : i32 to vector<16xi32>
        %add3A_155 = vector.broadcast %mul3A_118 : i32 to vector<16xi32>
        %add3A_156 = arith.addi %broadcast_in_dim3A_154, %add3A_155 : vector<16xi32>
        %gather3A_157 = tpu.vector_load_idx %arg11[%add3A_156] : memref<128xf32, #tpu.memory_space<vmem>>[vector<16xi32>], vector<16xf32>,
        %add3A_158 = arith.constant 0 : i32
        %add3A_159 = arith.addi %mul3A_118, %add3A_158 : i32
        %get3A_160 = arith.index_cast %add3A_159 : i32 to index
        %get3A_161 = arith.constant 0 : index
        %get3A_162 = tpu.vector_load %arg12[%get3A_160, %get3A_161] {strides = array<i32>} : memref<128x128xf32, #tpu.memory_space<vmem>>, vector<16xf32>,
        %mul3A_163 = arith.mulf %get3A_162, %gather3A_122 : vector<16xf32>
        %add3A_164 = arith.constant 0 : i32
        %add3A_165 = arith.addi %mul3A_118, %add3A_164 : i32
        %swap3A_166 = arith.index_cast %add3A_165 : i32 to index
        %swap3A_167 = arith.constant 0 : index
        %swap3A_168 = tpu.vector_load %arg12[%swap3A_166, %swap3A_167] {strides = array<i32>} : memref<128x128xf32, #tpu.memory_space<vmem>>, vector<16xf32>,
        tpu.vector_store %arg12[%swap3A_166, %swap3A_167], %mul3A_163 {strides = array<i32>} : memref<128x128xf32, #tpu.memory_space<vmem>>, vector<16xf32>,
        %add3A_169 = arith.constant 1 : i32
        %add3A_170 = arith.addi %mul3A_118, %add3A_169 : i32
        %get3A_171 = arith.index_cast %add3A_170 : i32 to index
        %get3A_172 = arith.constant 0 : index
        %get3A_173 = tpu.vector_load %arg12[%get3A_171, %get3A_172] {strides = array<i32>} : memref<128x128xf32, #tpu.memory_space<vmem>>, vector<16xf32>,
        %mul3A_174 = arith.mulf %get3A_173, %gather3A_127 : vector<16xf32>
        %add3A_175 = arith.constant 1 : i32
        %add3A_176 = arith.addi %mul3A_118, %add3A_175 : i32
        %swap3A_177 = arith.index_cast %add3A_176 : i32 to index
        %swap3A_178 = arith.constant 0 : index
        %swap3A_179 = tpu.vector_load %arg12[%swap3A_177, %swap3A_178] {strides = array<i32>} : memref<128x128xf32, #tpu.memory_space<vmem>>, vector<16xf32>,
        tpu.vector_store %arg12[%swap3A_177, %swap3A_178], %mul3A_174 {strides = array<i32>} : memref<128x128xf32, #tpu.memory_space<vmem>>, vector<16xf32>,
        %add3A_180 = arith.constant 2 : i32
        %add3A_181 = arith.addi %mul3A_118, %add3A_180 : i32
        %get3A_182 = arith.index_cast %add3A_181 : i32 to index
        %get3A_183 = arith.constant 0 : index
        %get3A_184 = tpu.vector_load %arg12[%get3A_182, %get3A_183] {strides = array<i32>} : memref<128x128xf32, #tpu.memory_space<vmem>>, vector<16xf32>,
        %mul3A_185 = arith.mulf %get3A_184, %gather3A_132 : vector<16xf32>
        %add3A_186 = arith.constant 2 : i32
        %add3A_187 = arith.addi %mul3A_118, %add3A_186 : i32
        %swap3A_188 = arith.index_cast %add3A_187 : i32 to index
        %swap3A_189 = arith.constant 0 : index
        %swap3A_190 = tpu.vector_load %arg12[%swap3A_188, %swap3A_189] {strides = array<i32>} : memref<128x128xf32, #tpu.memory_space<vmem>>, vector<16xf32>,
        tpu.vector_store %arg12[%swap3A_188, %swap3A_189], %mul3A_185 {strides = array<i32>} : memref<128x128xf32, #tpu.memory_space<vmem>>, vector<16xf32>,
        %add3A_191 = arith.constant 3 : i32
        %add3A_192 = arith.addi %mul3A_118, %add3A_191 : i32
        %get3A_193 = arith.index_cast %add3A_192 : i32 to index
        %get3A_194 = arith.constant 0 : index
        %get3A_195 = tpu.vector_load %arg12[%get3A_193, %get3A_194] {strides = array<i32>} : memref<128x128xf32, #tpu.memory_space<vmem>>, vector<16xf32>,
        %mul3A_196 = arith.mulf %get3A_195, %gather3A_137 : vector<16xf32>
        %add3A_197 = arith.constant 3 : i32
        %add3A_198 = arith.addi %mul3A_118, %add3A_197 : i32
        %swap3A_199 = arith.index_cast %add3A_198 : i32 to index
        %swap3A_200 = arith.constant 0 : index
        %swap3A_201 = tpu.vector_load %arg12[%swap3A_199, %swap3A_200] {strides = array<i32>} : memref<128x128xf32, #tpu.memory_space<vmem>>, vector<16xf32>,
        tpu.vector_store %arg12[%swap3A_199, %swap3A_200], %mul3A_196 {strides = array<i32>} : memref<128x128xf32, #tpu.memory_space<vmem>>, vector<16xf32>,
        %add3A_202 = arith.constant 4 : i32
        %add3A_203 = arith.addi %mul3A_118, %add3A_202 : i32
        %get3A_204 = arith.index_cast %add3A_203 : i32 to index
        %get3A_205 = arith.constant 0 : index
        %get3A_206 = tpu.vector_load %arg12[%get3A_204, %get3A_205] {strides = array<i32>} : memref<128x128xf32, #tpu.memory_space<vmem>>, vector<16xf32>,
        %mul3A_207 = arith.mulf %get3A_206, %gather3A_142 : vector<16xf32>
        %add3A_208 = arith.constant 4 : i32
        %add3A_209 = arith.addi %mul3A_118, %add3A_208 : i32
        %swap3A_210 = arith.index_cast %add3A_209 : i32 to index
        %swap3A_211 = arith.constant 0 : index
        %swap3A_212 = tpu.vector_load %arg12[%swap3A_210, %swap3A_211] {strides = array<i32>} : memref<128x128xf32, #tpu.memory_space<vmem>>, vector<16xf32>,
        tpu.vector_store %arg12[%swap3A_210, %swap3A_211], %mul3A_207 {strides = array<i32>} : memref<128x128xf32, #tpu.memory_space<vmem>>, vector<16xf32>,
        %add3A_213 = arith.constant 5 : i32
        %add3A_214 = arith.addi %mul3A_118, %add3A_213 : i32
        %get3A_215 = arith.index_cast %add3A_214 : i32 to index
        %get3A_216 = arith.constant 0 : index
        %get3A_217 = tpu.vector_load %arg12[%get3A_215, %get3A_216] {strides = array<i32>} : memref<128x128xf32, #tpu.memory_space<vmem>>, vector<16xf32>,
        %mul3A_218 = arith.mulf %get3A_217, %gather3A_147 : vector<16xf32>
        %add3A_219 = arith.constant 5 : i32
        %add3A_220 = arith.addi %mul3A_118, %add3A_219 : i32
        %swap3A_221 = arith.index_cast %add3A_220 : i32 to index
        %swap3A_222 = arith.constant 0 : index
        %swap3A_223 = tpu.vector_load %arg12[%swap3A_221, %swap3A_222] {strides = array<i32>} : memref<128x128xf32, #tpu.memory_space<vmem>>, vector<16xf32>,
        tpu.vector_store %arg12[%swap3A_221, %swap3A_222], %mul3A_218 {strides = array<i32>} : memref<128x128xf32, #tpu.memory_space<vmem>>, vector<16xf32>,
        %add3A_224 = arith.constant 6 : i32
        %add3A_225 = arith.addi %mul3A_118, %add3A_224 : i32
        %get3A_226 = arith.index_cast %add3A_225 : i32 to index
        %get3A_227 = arith.constant 0 : index
        %get3A_228 = tpu.vector_load %arg12[%get3A_226, %get3A_227] {strides = array<i32>} : memref<128x128xf32, #tpu.memory_space<vmem>>, vector<16xf32>,
        %mul3A_229 = arith.mulf %get3A_228, %gather3A_152 : vector<16xf32>
        %add3A_230 = arith.constant 6 : i32
        %add3A_231 = arith.addi %mul3A_118, %add3A_230 : i32
        %swap3A_232 = arith.index_cast %add3A_231 : i32 to index
        %swap3A_233 = arith.constant 0 : index
        %swap3A_234 = tpu.vector_load %arg12[%swap3A_232, %swap3A_233] {strides = array<i32>} : memref<128x128xf32, #tpu.memory_space<vmem>>, vector<16xf32>,
        tpu.vector_store %arg12[%swap3A_232, %swap3A_233], %mul3A_229 {strides = array<i32>} : memref<128x128xf32, #tpu.memory_space<vmem>>, vector<16xf32>,
        %add3A_235 = arith.constant 7 : i32
        %add3A_236 = arith.addi %mul3A_118, %add3A_235 : i32
        %get3A_237 = arith.index_cast %add3A_236 : i32 to index
        %get3A_238 = arith.constant 0 : index
        %get3A_239 = tpu.vector_load %arg12[%get3A_237, %get3A_238] {strides = array<i32>} : memref<128x128xf32, #tpu.memory_space<vmem>>, vector<16xf32>,
        %mul3A_240 = arith.mulf %get3A_239, %gather3A_157 : vector<16xf32>
        %add3A_241 = arith.constant 7 : i32
        %add3A_242 = arith.addi %mul3A_118, %add3A_241 : i32
        %swap3A_243 = arith.index_cast %add3A_242 : i32 to index
        %swap3A_244 = arith.constant 0 : index
        %swap3A_245 = tpu.vector_load %arg12[%swap3A_243, %swap3A_244] {strides = array<i32>} : memref<128x128xf32, #tpu.memory_space<vmem>>, vector<16xf32>,
        tpu.vector_store %arg12[%swap3A_243, %swap3A_244], %mul3A_240 {strides = array<i32>} : memref<128x128xf32, #tpu.memory_space<vmem>>, vector<16xf32>,
        %add3A_246 = arith.constant 0 : i32
        %add3A_247 = arith.addi %mul3A_118, %add3A_246 : i32
        %get3A_248 = arith.index_cast %add3A_247 : i32 to index
        %get3A_249 = arith.constant 16 : index
        %get3A_250 = tpu.vector_load %arg12[%get3A_248, %get3A_249] {strides = array<i32>} : memref<128x128xf32, #tpu.memory_space<vmem>>, vector<16xf32>,
        %mul3A_251 = arith.mulf %get3A_250, %gather3A_122 : vector<16xf32>
        %add3A_252 = arith.constant 0 : i32
        %add3A_253 = arith.addi %mul3A_118, %add3A_252 : i32
        %swap3A_254 = arith.index_cast %add3A_253 : i32 to index
        %swap3A_255 = arith.constant 16 : index
        %swap3A_256 = tpu.vector_load %arg12[%swap3A_254, %swap3A_255] {strides = array<i32>} : memref<128x128xf32, #tpu.memory_space<vmem>>, vector<16xf32>,
        tpu.vector_store %arg12[%swap3A_254, %swap3A_255], %mul3A_251 {strides = array<i32>} : memref<128x128xf32, #tpu.memory_space<vmem>>, vector<16xf32>,
        %add3A_257 = arith.constant 1 : i32
        %add3A_258 = arith.addi %mul3A_118, %add3A_257 : i32
        %get3A_259 = arith.index_cast %add3A_258 : i32 to index
        %get3A_260 = arith.constant 16 : index
        %get3A_261 = tpu.vector_load %arg12[%get3A_259, %get3A_260] {strides = array<i32>} : memref<128x128xf32, #tpu.memory_space<vmem>>, vector<16xf32>,
        %mul3A_262 = arith.mulf %get3A_261, %gather3A_127 : vector<16xf32>
        %add3A_263 = arith.constant 1 : i32
        %add3A_264 = arith.addi %mul3A_118, %add3A_263 : i32
        %swap3A_265 = arith.index_cast %add3A_264 : i32 to index
        %swap3A_266 = arith.constant 16 : index
        %swap3A_267 = tpu.vector_load %arg12[%swap3A_265, %swap3A_266] {strides = array<i32>} : memref<128x128xf32, #tpu.memory_space<vmem>>, vector<16xf32>,
        tpu.vector_store %arg12[%swap3A_265, %swap3A_266], %mul3A_262 {strides = array<i32>} : memref<128x128xf32, #tpu.memory_space<vmem>>, vector<16xf32>,
        %add3A_268 = arith.constant 2 : i32
        %add3A_269 = arith.addi %mul3A_118, %add3A_268 : i32
        %get3A_270 = arith.index_cast %add3A_269 : i32 to index
        %get3A_271 = arith.constant 16 : index
        %get3A_272 = tpu.vector_load %arg12[%get3A_270, %get3A_271] {strides = array<i32>} : memref<128x128xf32, #tpu.memory_space<vmem>>, vector<16xf32>,
        %mul3A_273 = arith.mulf %get3A_272, %gather3A_132 : vector<16xf32>
        %add3A_274 = arith.constant 2 : i32
        %add3A_275 = arith.addi %mul3A_118, %add3A_274 : i32
        %swap3A_276 = arith.index_cast %add3A_275 : i32 to index
        %swap3A_277 = arith.constant 16 : index
        %swap3A_278 = tpu.vector_load %arg12[%swap3A_276, %swap3A_277] {strides = array<i32>} : memref<128x128xf32, #tpu.memory_space<vmem>>, vector<16xf32>,
        tpu.vector_store %arg12[%swap3A_276, %swap3A_277], %mul3A_273 {strides = array<i32>} : memref<128x128xf32, #tpu.memory_space<vmem>>, vector<16xf32>,
        %add3A_279 = arith.constant 3 : i32
        %add3A_280 = arith.addi %mul3A_118, %add3A_279 : i32
        %get3A_281 = arith.index_cast %add3A_280 : i32 to index
        %get3A_282 = arith.constant 16 : index
        %get3A_283 = tpu.vector_load %arg12[%get3A_281, %get3A_282] {strides = array<i32>} : memref<128x128xf32, #tpu.memory_space<vmem>>, vector<16xf32>,
        %mul3A_284 = arith.mulf %get3A_283, %gather3A_137 : vector<16xf32>
        %add3A_285 = arith.constant 3 : i32
        %add3A_286 = arith.addi %mul3A_118, %add3A_285 : i32
        %swap3A_287 = arith.index_cast %add3A_286 : i32 to index
        %swap3A_288 = arith.constant 16 : index
        %swap3A_289 = tpu.vector_load %arg12[%swap3A_287, %swap3A_288] {strides = array<i32>} : memref<128x128xf32, #tpu.memory_space<vmem>>, vector<16xf32>,
        tpu.vector_store %arg12[%swap3A_287, %swap3A_288], %mul3A_284 {strides = array<i32>} : memref<128x128xf32, #tpu.memory_space<vmem>>, vector<16xf32>,
        %add3A_290 = arith.constant 4 : i32
        %add3A_291 = arith.addi %mul3A_118, %add3A_290 : i32
        %get3A_292 = arith.index_cast %add3A_291 : i32 to index
        %get3A_293 = arith.constant 16 : index
        %get3A_294 = tpu.vector_load %arg12[%get3A_292, %get3A_293] {strides = array<i32>} : memref<128x128xf32, #tpu.memory_space<vmem>>, vector<16xf32>,
        %mul3A_295 = arith.mulf %get3A_294, %gather3A_142 : vector<16xf32>
        %add3A_296 = arith.constant 4 : i32
        %add3A_297 = arith.addi %mul3A_118, %add3A_296 : i32
        %swap3A_298 = arith.index_cast %add3A_297 : i32 to index
        %swap3A_299 = arith.constant 16 : index
        %swap3A_300 = tpu.vector_load %arg12[%swap3A_298, %swap3A_299] {strides = array<i32>} : memref<128x128xf32, #tpu.memory_space<vmem>>, vector<16xf32>,
        tpu.vector_store %arg12[%swap3A_298, %swap3A_299], %mul3A_295 {strides = array<i32>} : memref<128x128xf32, #tpu.memory_space<vmem>>, vector<16xf32>,
        %add3A_301 = arith.constant 5 : i32
        %add3A_302 = arith.addi %mul3A_118, %add3A_301 : i32
        %get3A_303 = arith.index_cast %add3A_302 : i32 to index
        %get3A_304 = arith.constant 16 : index
        %get3A_305 = tpu.vector_load %arg12[%get3A_303, %get3A_304] {strides = array<i32>} : memref<128x128xf32, #tpu.memory_space<vmem>>, vector<16xf32>,
        %mul3A_306 = arith.mulf %get3A_305, %gather3A_147 : vector<16xf32>
        %add3A_307 = arith.constant 5 : i32
        %add3A_308 = arith.addi %mul3A_118, %add3A_307 : i32
        %swap3A_309 = arith.index_cast %add3A_308 : i32 to index
        %swap3A_310 = arith.constant 16 : index
        %swap3A_311 = tpu.vector_load %arg12[%swap3A_309, %swap3A_310] {strides = array<i32>} : memref<128x128xf32, #tpu.memory_space<vmem>>, vector<16xf32>,
        tpu.vector_store %arg12[%swap3A_309, %swap3A_310], %mul3A_306 {strides = array<i32>} : memref<128x128xf32, #tpu.memory_space<vmem>>, vector<16xf32>,
        %add3A_312 = arith.constant 6 : i32
        %add3A_313 = arith.addi %mul3A_118, %add3A_312 : i32
        %get3A_314 = arith.index_cast %add3A_313 : i32 to index
        %get3A_315 = arith.constant 16 : index
        %get3A_316 = tpu.vector_load %arg12[%get3A_314, %get3A_315] {strides = array<i32>} : memref<128x128xf32, #tpu.memory_space<vmem>>, vector<16xf32>,
        %mul3A_317 = arith.mulf %get3A_316, %gather3A_152 : vector<16xf32>
        %add3A_318 = arith.constant 6 : i32
        %add3A_319 = arith.addi %mul3A_118, %add3A_318 : i32
        %swap3A_320 = arith.index_cast %add3A_319 : i32 to index
        %swap3A_321 = arith.constant 16 : index
        %swap3A_322 = tpu.vector_load %arg12[%swap3A_320, %swap3A_321] {strides = array<i32>} : memref<128x128xf32, #tpu.memory_space<vmem>>, vector<16xf32>,
        tpu.vector_store %arg12[%swap3A_320, %swap3A_321], %mul3A_317 {strides = array<i32>} : memref<128x128xf32, #tpu.memory_space<vmem>>, vector<16xf32>,
        %add3A_323 = arith.constant 7 : i32
        %add3A_324 = arith.addi %mul3A_118, %add3A_323 : i32
        %get3A_325 = arith.index_cast %add3A_324 : i32 to index
        %get3A_326 = arith.constant 16 : index
        %get3A_327 = tpu.vector_load %arg12[%get3A_325, %get3A_326] {strides = array<i32>} : memref<128x128xf32, #tpu.memory_space<vmem>>, vector<16xf32>,
        %mul3A_328 = arith.mulf %get3A_327, %gather3A_157 : vector<16xf32>
        %add3A_329 = arith.constant 7 : i32
        %add3A_330 = arith.addi %mul3A_118, %add3A_329 : i32
        %swap3A_331 = arith.index_cast %add3A_330 : i32 to index
        %swap3A_332 = arith.constant 16 : index
        %swap3A_333 = tpu.vector_load %arg12[%swap3A_331, %swap3A_332] {strides = array<i32>} : memref<128x128xf32, #tpu.memory_space<vmem>>, vector<16xf32>,
        tpu.vector_store %arg12[%swap3A_331, %swap3A_332], %mul3A_328 {strides = array<i32>} : memref<128x128xf32, #tpu.memory_space<vmem>>, vector<16xf32>,
        %add3A_334 = arith.constant 0 : i32
        %add3A_335 = arith.addi %mul3A_118, %add3A_334 : i32
        %get3A_336 = arith.index_cast %add3A_335 : i32 to index
        %get3A_337 = arith.constant 32 : index
        %get3A_338 = tpu.vector_load %arg12[%get3A_336, %get3A_337] {strides = array<i32>} : memref<128x128xf32, #tpu.memory_space<vmem>>, vector<16xf32>,
        %mul3A_339 = arith.mulf %get3A_338, %gather3A_122 : vector<16xf32>
        %add3A_340 = arith.constant 0 : i32
        %add3A_341 = arith.addi %mul3A_118, %add3A_340 : i32
        %swap3A_342 = arith.index_cast %add3A_341 : i32 to index
        %swap3A_343 = arith.constant 32 : index
        %swap3A_344 = tpu.vector_load %arg12[%swap3A_342, %swap3A_343] {strides = array<i32>} : memref<128x128xf32, #tpu.memory_space<vmem>>, vector<16xf32>,
        tpu.vector_store %arg12[%swap3A_342, %swap3A_343], %mul3A_339 {strides = array<i32>} : memref<128x128xf32, #tpu.memory_space<vmem>>, vector<16xf32>,
        %add3A_345 = arith.constant 1 : i32
        %add3A_346 = arith.addi %mul3A_118, %add3A_345 : i32
        %get3A_347 = arith.index_cast %add3A_346 : i32 to index
        %get3A_348 = arith.constant 32 : index
        %get3A_349 = tpu.vector_load %arg12[%get3A_347, %get3A_348] {strides = array<i32>} : memref<128x128xf32, #tpu.memory_space<vmem>>, vector<16xf32>,
        %mul3A_350 = arith.mulf %get3A_349, %gather3A_127 : vector<16xf32>
        %add3A_351 = arith.constant 1 : i32
        %add3A_352 = arith.addi %mul3A_118, %add3A_351 : i32
        %swap3A_353 = arith.index_cast %add3A_352 : i32 to index
        %swap3A_354 = arith.constant 32 : index
        %swap3A_355 = tpu.vector_load %arg12[%swap3A_353, %swap3A_354] {strides = array<i32>} : memref<128x128xf32, #tpu.memory_space<vmem>>, vector<16xf32>,
        tpu.vector_store %arg12[%swap3A_353, %swap3A_354], %mul3A_350 {strides = array<i32>} : memref<128x128xf32, #tpu.memory_space<vmem>>, vector<16xf32>,
        %add3A_356 = arith.constant 2 : i32
        %add3A_357 = arith.addi %mul3A_118, %add3A_356 : i32
        %get3A_358 = arith.index_cast %add3A_357 : i32 to index
        %get3A_359 = arith.constant 32 : index
        %get3A_360 = tpu.vector_load %arg12[%get3A_358, %get3A_359] {strides = array<i32>} : memref<128x128xf32, #tpu.memory_space<vmem>>, vector<16xf32>,
        %mul3A_361 = arith.mulf %get3A_360, %gather3A_132 : vector<16xf32>
        %add3A_362 = arith.constant 2 : i32
        %add3A_363 = arith.addi %mul3A_118, %add3A_362 : i32
        %swap3A_364 = arith.index_cast %add3A_363 : i32 to index
        %swap3A_365 = arith.constant 32 : index
        %swap3A_366 = tpu.vector_load %arg12[%swap3A_364, %swap3A_365] {strides = array<i32>} : memref<128x128xf32, #tpu.memory_space<vmem>>, vector<16xf32>,
        tpu.vector_store %arg12[%swap3A_364, %swap3A_365], %mul3A_361 {strides = array<i32>} : memref<128x128xf32, #tpu.memory_space<vmem>>, vector<16xf32>,
        %add3A_367 = arith.constant 3 : i32
        %add3A_368 = arith.addi %mul3A_118, %add3A_367 : i32
        %get3A_369 = arith.index_cast %add3A_368 : i32 to index
        %get3A_370 = arith.constant 32 : index
        %get3A_371 = tpu.vector_load %arg12[%get3A_369, %get3A_370] {strides = array<i32>} : memref<128x128xf32, #tpu.memory_space<vmem>>, vector<16xf32>,
        %mul3A_372 = arith.mulf %get3A_371, %gather3A_137 : vector<16xf32>
        %add3A_373 = arith.constant 3 : i32
        %add3A_374 = arith.addi %mul3A_118, %add3A_373 : i32
        %swap3A_375 = arith.index_cast %add3A_374 : i32 to index
        %swap3A_376 = arith.constant 32 : index
        %swap3A_377 = tpu.vector_load %arg12[%swap3A_375, %swap3A_376] {strides = array<i32>} : memref<128x128xf32, #tpu.memory_space<vmem>>, vector<16xf32>,
        tpu.vector_store %arg12[%swap3A_375, %swap3A_376], %mul3A_372 {strides = array<i32>} : memref<128x128xf32, #tpu.memory_space<vmem>>, vector<16xf32>,
        %add3A_378 = arith.constant 4 : i32
        %add3A_379 = arith.addi %mul3A_118, %add3A_378 : i32
        %get3A_380 = arith.index_cast %add3A_379 : i32 to index
        %get3A_381 = arith.constant 32 : index
        %get3A_382 = tpu.vector_load %arg12[%get3A_380, %get3A_381] {strides = array<i32>} : memref<128x128xf32, #tpu.memory_space<vmem>>, vector<16xf32>,
        %mul3A_383 = arith.mulf %get3A_382, %gather3A_142 : vector<16xf32>
        %add3A_384 = arith.constant 4 : i32
        %add3A_385 = arith.addi %mul3A_118, %add3A_384 : i32
        %swap3A_386 = arith.index_cast %add3A_385 : i32 to index
        %swap3A_387 = arith.constant 32 : index
        %swap3A_388 = tpu.vector_load %arg12[%swap3A_386, %swap3A_387] {strides = array<i32>} : memref<128x128xf32, #tpu.memory_space<vmem>>, vector<16xf32>,
        tpu.vector_store %arg12[%swap3A_386, %swap3A_387], %mul3A_383 {strides = array<i32>} : memref<128x128xf32, #tpu.memory_space<vmem>>, vector<16xf32>,
        %add3A_389 = arith.constant 5 : i32
        %add3A_390 = arith.addi %mul3A_118, %add3A_389 : i32
        %get3A_391 = arith.index_cast %add3A_390 : i32 to index
        %get3A_392 = arith.constant 32 : index
        %get3A_393 = tpu.vector_load %arg12[%get3A_391, %get3A_392] {strides = array<i32>} : memref<128x128xf32, #tpu.memory_space<vmem>>, vector<16xf32>,
        %mul3A_394 = arith.mulf %get3A_393, %gather3A_147 : vector<16xf32>
        %add3A_395 = arith.constant 5 : i32
        %add3A_396 = arith.addi %mul3A_118, %add3A_395 : i32
        %swap3A_397 = arith.index_cast %add3A_396 : i32 to index
        %swap3A_398 = arith.constant 32 : index
        %swap3A_399 = tpu.vector_load %arg12[%swap3A_397, %swap3A_398] {strides = array<i32>} : memref<128x128xf32, #tpu.memory_space<vmem>>, vector<16xf32>,
        tpu.vector_store %arg12[%swap3A_397, %swap3A_398], %mul3A_394 {strides = array<i32>} : memref<128x128xf32, #tpu.memory_space<vmem>>, vector<16xf32>,
        %add3A_400 = arith.constant 6 : i32
        %add3A_401 = arith.addi %mul3A_118, %add3A_400 : i32
        %get3A_402 = arith.index_cast %add3A_401 : i32 to index
        %get3A_403 = arith.constant 32 : index
        %get3A_404 = tpu.vector_load %arg12[%get3A_402, %get3A_403] {strides = array<i32>} : memref<128x128xf32, #tpu.memory_space<vmem>>, vector<16xf32>,
        %mul3A_405 = arith.mulf %get3A_404, %gather3A_152 : vector<16xf32>
        %add3A_406 = arith.constant 6 : i32
        %add3A_407 = arith.addi %mul3A_118, %add3A_406 : i32
        %swap3A_408 = arith.index_cast %add3A_407 : i32 to index
        %swap3A_409 = arith.constant 32 : index
        %swap3A_410 = tpu.vector_load %arg12[%swap3A_408, %swap3A_409] {strides = array<i32>} : memref<128x128xf32, #tpu.memory_space<vmem>>, vector<16xf32>,
        tpu.vector_store %arg12[%swap3A_408, %swap3A_409], %mul3A_405 {strides = array<i32>} : memref<128x128xf32, #tpu.memory_space<vmem>>, vector<16xf32>,
        %add3A_411 = arith.constant 7 : i32
        %add3A_412 = arith.addi %mul3A_118, %add3A_411 : i32
        %get3A_413 = arith.index_cast %add3A_412 : i32 to index
        %get3A_414 = arith.constant 32 : index
        %get3A_415 = tpu.vector_load %arg12[%get3A_413, %get3A_414] {strides = array<i32>} : memref<128x128xf32, #tpu.memory_space<vmem>>, vector<16xf32>,
        %mul3A_416 = arith.mulf %get3A_415, %gather3A_157 : vector<16xf32>
        %add3A_417 = arith.constant 7 : i32
        %add3A_418 = arith.addi %mul3A_118, %add3A_417 : i32
        %swap3A_419 = arith.index_cast %add3A_418 : i32 to index
        %swap3A_420 = arith.constant 32 : index
        %swap3A_421 = tpu.vector_load %arg12[%swap3A_419, %swap3A_420] {strides = array<i32>} : memref<128x128xf32, #tpu.memory_space<vmem>>, vector<16xf32>,
        tpu.vector_store %arg12[%swap3A_419, %swap3A_420], %mul3A_416 {strides = array<i32>} : memref<128x128xf32, #tpu.memory_space<vmem>>, vector<16xf32>,
        %add3A_422 = arith.constant 0 : i32
        %add3A_423 = arith.addi %mul3A_118, %add3A_422 : i32
        %get3A_424 = arith.index_cast %add3A_423 : i32 to index
        %get3A_425 = arith.constant 48 : index
        %get3A_426 = tpu.vector_load %arg12[%get3A_424, %get3A_425] {strides = array<i32>} : memref<128x128xf32, #tpu.memory_space<vmem>>, vector<16xf32>,
        %mul3A_427 = arith.mulf %get3A_426, %gather3A_122 : vector<16xf32>
        %add3A_428 = arith.constant 0 : i32
        %add3A_429 = arith.addi %mul3A_118, %add3A_428 : i32
        %swap3A_430 = arith.index_cast %add3A_429 : i32 to index
        %swap3A_431 = arith.constant 48 : index
        %swap3A_432 = tpu.vector_load %arg12[%swap3A_430, %swap3A_431] {strides = array<i32>} : memref<128x128xf32, #tpu.memory_space<vmem>>, vector<16xf32>,
        tpu.vector_store %arg12[%swap3A_430, %swap3A_431], %mul3A_427 {strides = array<i32>} : memref<128x128xf32, #tpu.memory_space<vmem>>, vector<16xf32>,
        %add3A_433 = arith.constant 1 : i32
        %add3A_434 = arith.addi %mul3A_118, %add3A_433 : i32
        %get3A_435 = arith.index_cast %add3A_434 : i32 to index
        %get3A_436 = arith.constant 48 : index
        %get3A_437 = tpu.vector_load %arg12[%get3A_435, %get3A_436] {strides = array<i32>} : memref<128x128xf32, #tpu.memory_space<vmem>>, vector<16xf32>,
        %mul3A_438 = arith.mulf %get3A_437, %gather3A_127 : vector<16xf32>
        %add3A_439 = arith.constant 1 : i32
        %add3A_440 = arith.addi %mul3A_118, %add3A_439 : i32
        %swap3A_441 = arith.index_cast %add3A_440 : i32 to index
        %swap3A_442 = arith.constant 48 : index
        %swap3A_443 = tpu.vector_load %arg12[%swap3A_441, %swap3A_442] {strides = array<i32>} : memref<128x128xf32, #tpu.memory_space<vmem>>, vector<16xf32>,
        tpu.vector_store %arg12[%swap3A_441, %swap3A_442], %mul3A_438 {strides = array<i32>} : memref<128x128xf32, #tpu.memory_space<vmem>>, vector<16xf32>,
        %add3A_444 = arith.constant 2 : i32
        %add3A_445 = arith.addi %mul3A_118, %add3A_444 : i32
        %get3A_446 = arith.index_cast %add3A_445 : i32 to index
        %get3A_447 = arith.constant 48 : index
        %get3A_448 = tpu.vector_load %arg12[%get3A_446, %get3A_447] {strides = array<i32>} : memref<128x128xf32, #tpu.memory_space<vmem>>, vector<16xf32>,
        %mul3A_449 = arith.mulf %get3A_448, %gather3A_132 : vector<16xf32>
        %add3A_450 = arith.constant 2 : i32
        %add3A_451 = arith.addi %mul3A_118, %add3A_450 : i32
        %swap3A_452 = arith.index_cast %add3A_451 : i32 to index
        %swap3A_453 = arith.constant 48 : index
        %swap3A_454 = tpu.vector_load %arg12[%swap3A_452, %swap3A_453] {strides = array<i32>} : memref<128x128xf32, #tpu.memory_space<vmem>>, vector<16xf32>,
        tpu.vector_store %arg12[%swap3A_452, %swap3A_453], %mul3A_449 {strides = array<i32>} : memref<128x128xf32, #tpu.memory_space<vmem>>, vector<16xf32>,
        %add3A_455 = arith.constant 3 : i32
        %add3A_456 = arith.addi %mul3A_118, %add3A_455 : i32
        %get3A_457 = arith.index_cast %add3A_456 : i32 to index
        %get3A_458 = arith.constant 48 : index
        %get3A_459 = tpu.vector_load %arg12[%get3A_457, %get3A_458] {strides = array<i32>} : memref<128x128xf32, #tpu.memory_space<vmem>>, vector<16xf32>,
        %mul3A_460 = arith.mulf %get3A_459, %gather3A_137 : vector<16xf32>
        %add3A_461 = arith.constant 3 : i32
        %add3A_462 = arith.addi %mul3A_118, %add3A_461 : i32
        %swap3A_463 = arith.index_cast %add3A_462 : i32 to index
        %swap3A_464 = arith.constant 48 : index
        %swap3A_465 = tpu.vector_load %arg12[%swap3A_463, %swap3A_464] {strides = array<i32>} : memref<128x128xf32, #tpu.memory_space<vmem>>, vector<16xf32>,
        tpu.vector_store %arg12[%swap3A_463, %swap3A_464], %mul3A_460 {strides = array<i32>} : memref<128x128xf32, #tpu.memory_space<vmem>>, vector<16xf32>,
        %add3A_466 = arith.constant 4 : i32
        %add3A_467 = arith.addi %mul3A_118, %add3A_466 : i32
        %get3A_468 = arith.index_cast %add3A_467 : i32 to index
        %get3A_469 = arith.constant 48 : index
        %get3A_470 = tpu.vector_load %arg12[%get3A_468, %get3A_469] {strides = array<i32>} : memref<128x128xf32, #tpu.memory_space<vmem>>, vector<16xf32>,
        %mul3A_471 = arith.mulf %get3A_470, %gather3A_142 : vector<16xf32>
        %add3A_472 = arith.constant 4 : i32
        %add3A_473 = arith.addi %mul3A_118, %add3A_472 : i32
        %swap3A_474 = arith.index_cast %add3A_473 : i32 to index
        %swap3A_475 = arith.constant 48 : index
        %swap3A_476 = tpu.vector_load %arg12[%swap3A_474, %swap3A_475] {strides = array<i32>} : memref<128x128xf32, #tpu.memory_space<vmem>>, vector<16xf32>,
        tpu.vector_store %arg12[%swap3A_474, %swap3A_475], %mul3A_471 {strides = array<i32>} : memref<128x128xf32, #tpu.memory_space<vmem>>, vector<16xf32>,
        %add3A_477 = arith.constant 5 : i32
        %add3A_478 = arith.addi %mul3A_118, %add3A_477 : i32
        %get3A_479 = arith.index_cast %add3A_478 : i32 to index
        %get3A_480 = arith.constant 48 : index
        %get3A_481 = tpu.vector_load %arg12[%get3A_479, %get3A_480] {strides = array<i32>} : memref<128x128xf32, #tpu.memory_space<vmem>>, vector<16xf32>,
        %mul3A_482 = arith.mulf %get3A_481, %gather3A_147 : vector<16xf32>
        %add3A_483 = arith.constant 5 : i32
        %add3A_484 = arith.addi %mul3A_118, %add3A_483 : i32
        %swap3A_485 = arith.index_cast %add3A_484 : i32 to index
        %swap3A_486 = arith.constant 48 : index
        %swap3A_487 = tpu.vector_load %arg12[%swap3A_485, %swap3A_486] {strides = array<i32>} : memref<128x128xf32, #tpu.memory_space<vmem>>, vector<16xf32>,
        tpu.vector_store %arg12[%swap3A_485, %swap3A_486], %mul3A_482 {strides = array<i32>} : memref<128x128xf32, #tpu.memory_space<vmem>>, vector<16xf32>,
        %add3A_488 = arith.constant 6 : i32
        %add3A_489 = arith.addi %mul3A_118, %add3A_488 : i32
        %get3A_490 = arith.index_cast %add3A_489 : i32 to index
        %get3A_491 = arith.constant 48 : index
        %get3A_492 = tpu.vector_load %arg12[%get3A_490, %get3A_491] {strides = array<i32>} : memref<128x128xf32, #tpu.memory_space<vmem>>, vector<16xf32>,
        %mul3A_493 = arith.mulf %get3A_492, %gather3A_152 : vector<16xf32>
        %add3A_494 = arith.constant 6 : i32
        %add3A_495 = arith.addi %mul3A_118, %add3A_494 : i32
        %swap3A_496 = arith.index_cast %add3A_495 : i32 to index
        %swap3A_497 = arith.constant 48 : index
        %swap3A_498 = tpu.vector_load %arg12[%swap3A_496, %swap3A_497] {strides = array<i32>} : memref<128x128xf32, #tpu.memory_space<vmem>>, vector<16xf32>,
        tpu.vector_store %arg12[%swap3A_496, %swap3A_497], %mul3A_493 {strides = array<i32>} : memref<128x128xf32, #tpu.memory_space<vmem>>, vector<16xf32>,
        %add3A_499 = arith.constant 7 : i32
        %add3A_500 = arith.addi %mul3A_118, %add3A_499 : i32
        %get3A_501 = arith.index_cast %add3A_500 : i32 to index
        %get3A_502 = arith.constant 48 : index
        %get3A_503 = tpu.vector_load %arg12[%get3A_501, %get3A_502] {strides = array<i32>} : memref<128x128xf32, #tpu.memory_space<vmem>>, vector<16xf32>,
        %mul3A_504 = arith.mulf %get3A_503, %gather3A_157 : vector<16xf32>
        %add3A_505 = arith.constant 7 : i32
        %add3A_506 = arith.addi %mul3A_118, %add3A_505 : i32
        %swap3A_507 = arith.index_cast %add3A_506 : i32 to index
        %swap3A_508 = arith.constant 48 : index
        %swap3A_509 = tpu.vector_load %arg12[%swap3A_507, %swap3A_508] {strides = array<i32>} : memref<128x128xf32, #tpu.memory_space<vmem>>, vector<16xf32>,
        tpu.vector_store %arg12[%swap3A_507, %swap3A_508], %mul3A_504 {strides = array<i32>} : memref<128x128xf32, #tpu.memory_space<vmem>>, vector<16xf32>,
        %add3A_510 = arith.constant 0 : i32
        %add3A_511 = arith.addi %mul3A_118, %add3A_510 : i32
        %get3A_512 = arith.index_cast %add3A_511 : i32 to index
        %get3A_513 = arith.constant 64 : index
        %get3A_514 = tpu.vector_load %arg12[%get3A_512, %get3A_513] {strides = array<i32>} : memref<128x128xf32, #tpu.memory_space<vmem>>, vector<16xf32>,
        %mul3A_515 = arith.mulf %get3A_514, %gather3A_122 : vector<16xf32>
        %add3A_516 = arith.constant 0 : i32
        %add3A_517 = arith.addi %mul3A_118, %add3A_516 : i32
        %swap3A_518 = arith.index_cast %add3A_517 : i32 to index
        %swap3A_519 = arith.constant 64 : index
        %swap3A_520 = tpu.vector_load %arg12[%swap3A_518, %swap3A_519] {strides = array<i32>} : memref<128x128xf32, #tpu.memory_space<vmem>>, vector<16xf32>,
        tpu.vector_store %arg12[%swap3A_518, %swap3A_519], %mul3A_515 {strides = array<i32>} : memref<128x128xf32, #tpu.memory_space<vmem>>, vector<16xf32>,
        %add3A_521 = arith.constant 1 : i32
        %add3A_522 = arith.addi %mul3A_118, %add3A_521 : i32
        %get3A_523 = arith.index_cast %add3A_522 : i32 to index
        %get3A_524 = arith.constant 64 : index
        %get3A_525 = tpu.vector_load %arg12[%get3A_523, %get3A_524] {strides = array<i32>} : memref<128x128xf32, #tpu.memory_space<vmem>>, vector<16xf32>,
        %mul3A_526 = arith.mulf %get3A_525, %gather3A_127 : vector<16xf32>
        %add3A_527 = arith.constant 1 : i32
        %add3A_528 = arith.addi %mul3A_118, %add3A_527 : i32
        %swap3A_529 = arith.index_cast %add3A_528 : i32 to index
        %swap3A_530 = arith.constant 64 : index
        %swap3A_531 = tpu.vector_load %arg12[%swap3A_529, %swap3A_530] {strides = array<i32>} : memref<128x128xf32, #tpu.memory_space<vmem>>, vector<16xf32>,
        tpu.vector_store %arg12[%swap3A_529, %swap3A_530], %mul3A_526 {strides = array<i32>} : memref<128x128xf32, #tpu.memory_space<vmem>>, vector<16xf32>,
        %add3A_532 = arith.constant 2 : i32
        %add3A_533 = arith.addi %mul3A_118, %add3A_532 : i32
        %get3A_534 = arith.index_cast %add3A_533 : i32 to index
        %get3A_535 = arith.constant 64 : index
        %get3A_536 = tpu.vector_load %arg12[%get3A_534, %get3A_535] {strides = array<i32>} : memref<128x128xf32, #tpu.memory_space<vmem>>, vector<16xf32>,
        %mul3A_537 = arith.mulf %get3A_536, %gather3A_132 : vector<16xf32>
        %add3A_538 = arith.constant 2 : i32
        %add3A_539 = arith.addi %mul3A_118, %add3A_538 : i32
        %swap3A_540 = arith.index_cast %add3A_539 : i32 to index
        %swap3A_541 = arith.constant 64 : index
        %swap3A_542 = tpu.vector_load %arg12[%swap3A_540, %swap3A_541] {strides = array<i32>} : memref<128x128xf32, #tpu.memory_space<vmem>>, vector<16xf32>,
        tpu.vector_store %arg12[%swap3A_540, %swap3A_541], %mul3A_537 {strides = array<i32>} : memref<128x128xf32, #tpu.memory_space<vmem>>, vector<16xf32>,
        %add3A_543 = arith.constant 3 : i32
        %add3A_544 = arith.addi %mul3A_118, %add3A_543 : i32
        %get3A_545 = arith.index_cast %add3A_544 : i32 to index
        %get3A_546 = arith.constant 64 : index
        %get3A_547 = tpu.vector_load %arg12[%get3A_545, %get3A_546] {strides = array<i32>} : memref<128x128xf32, #tpu.memory_space<vmem>>, vector<16xf32>,
        %mul3A_548 = arith.mulf %get3A_547, %gather3A_137 : vector<16xf32>
        %add3A_549 = arith.constant 3 : i32
        %add3A_550 = arith.addi %mul3A_118, %add3A_549 : i32
        %swap3A_551 = arith.index_cast %add3A_550 : i32 to index
        %swap3A_552 = arith.constant 64 : index
        %swap3A_553 = tpu.vector_load %arg12[%swap3A_551, %swap3A_552] {strides = array<i32>} : memref<128x128xf32, #tpu.memory_space<vmem>>, vector<16xf32>,
        tpu.vector_store %arg12[%swap3A_551, %swap3A_552], %mul3A_548 {strides = array<i32>} : memref<128x128xf32, #tpu.memory_space<vmem>>, vector<16xf32>,
        %add3A_554 = arith.constant 4 : i32
        %add3A_555 = arith.addi %mul3A_118, %add3A_554 : i32
        %get3A_556 = arith.index_cast %add3A_555 : i32 to index
        %get3A_557 = arith.constant 64 : index
        %get3A_558 = tpu.vector_load %arg12[%get3A_556, %get3A_557] {strides = array<i32>} : memref<128x128xf32, #tpu.memory_space<vmem>>, vector<16xf32>,
        %mul3A_559 = arith.mulf %get3A_558, %gather3A_142 : vector<16xf32>
        %add3A_560 = arith.constant 4 : i32
        %add3A_561 = arith.addi %mul3A_118, %add3A_560 : i32
        %swap3A_562 = arith.index_cast %add3A_561 : i32 to index
        %swap3A_563 = arith.constant 64 : index
        %swap3A_564 = tpu.vector_load %arg12[%swap3A_562, %swap3A_563] {strides = array<i32>} : memref<128x128xf32, #tpu.memory_space<vmem>>, vector<16xf32>,
        tpu.vector_store %arg12[%swap3A_562, %swap3A_563], %mul3A_559 {strides = array<i32>} : memref<128x128xf32, #tpu.memory_space<vmem>>, vector<16xf32>,
        %add3A_565 = arith.constant 5 : i32
        %add3A_566 = arith.addi %mul3A_118, %add3A_565 : i32
        %get3A_567 = arith.index_cast %add3A_566 : i32 to index
        %get3A_568 = arith.constant 64 : index
        %get3A_569 = tpu.vector_load %arg12[%get3A_567, %get3A_568] {strides = array<i32>} : memref<128x128xf32, #tpu.memory_space<vmem>>, vector<16xf32>,
        %mul3A_570 = arith.mulf %get3A_569, %gather3A_147 : vector<16xf32>
        %add3A_571 = arith.constant 5 : i32
        %add3A_572 = arith.addi %mul3A_118, %add3A_571 : i32
        %swap3A_573 = arith.index_cast %add3A_572 : i32 to index
        %swap3A_574 = arith.constant 64 : index
        %swap3A_575 = tpu.vector_load %arg12[%swap3A_573, %swap3A_574] {strides = array<i32>} : memref<128x128xf32, #tpu.memory_space<vmem>>, vector<16xf32>,
        tpu.vector_store %arg12[%swap3A_573, %swap3A_574], %mul3A_570 {strides = array<i32>} : memref<128x128xf32, #tpu.memory_space<vmem>>, vector<16xf32>,
        %add3A_576 = arith.constant 6 : i32
        %add3A_577 = arith.addi %mul3A_118, %add3A_576 : i32
        %get3A_578 = arith.index_cast %add3A_577 : i32 to index
        %get3A_579 = arith.constant 64 : index
        %get3A_580 = tpu.vector_load %arg12[%get3A_578, %get3A_579] {strides = array<i32>} : memref<128x128xf32, #tpu.memory_space<vmem>>, vector<16xf32>,
        %mul3A_581 = arith.mulf %get3A_580, %gather3A_152 : vector<16xf32>
        %add3A_582 = arith.constant 6 : i32
        %add3A_583 = arith.addi %mul3A_118, %add3A_582 : i32
        %swap3A_584 = arith.index_cast %add3A_583 : i32 to index
        %swap3A_585 = arith.constant 64 : index
        %swap3A_586 = tpu.vector_load %arg12[%swap3A_584, %swap3A_585] {strides = array<i32>} : memref<128x128xf32, #tpu.memory_space<vmem>>, vector<16xf32>,
        tpu.vector_store %arg12[%swap3A_584, %swap3A_585], %mul3A_581 {strides = array<i32>} : memref<128x128xf32, #tpu.memory_space<vmem>>, vector<16xf32>,
        %add3A_587 = arith.constant 7 : i32
        %add3A_588 = arith.addi %mul3A_118, %add3A_587 : i32
        %get3A_589 = arith.index_cast %add3A_588 : i32 to index
        %get3A_590 = arith.constant 64 : index
        %get3A_591 = tpu.vector_load %arg12[%get3A_589, %get3A_590] {strides = array<i32>} : memref<128x128xf32, #tpu.memory_space<vmem>>, vector<16xf32>,
        %mul3A_592 = arith.mulf %get3A_591, %gather3A_157 : vector<16xf32>
        %add3A_593 = arith.constant 7 : i32
        %add3A_594 = arith.addi %mul3A_118, %add3A_593 : i32
        %swap3A_595 = arith.index_cast %add3A_594 : i32 to index
        %swap3A_596 = arith.constant 64 : index
        %swap3A_597 = tpu.vector_load %arg12[%swap3A_595, %swap3A_596] {strides = array<i32>} : memref<128x128xf32, #tpu.memory_space<vmem>>, vector<16xf32>,
        tpu.vector_store %arg12[%swap3A_595, %swap3A_596], %mul3A_592 {strides = array<i32>} : memref<128x128xf32, #tpu.memory_space<vmem>>, vector<16xf32>,
        %add3A_598 = arith.constant 0 : i32
        %add3A_599 = arith.addi %mul3A_118, %add3A_598 : i32
        %get3A_600 = arith.index_cast %add3A_599 : i32 to index
        %get3A_601 = arith.constant 80 : index
        %get3A_602 = tpu.vector_load %arg12[%get3A_600, %get3A_601] {strides = array<i32>} : memref<128x128xf32, #tpu.memory_space<vmem>>, vector<16xf32>,
        %mul3A_603 = arith.mulf %get3A_602, %gather3A_122 : vector<16xf32>
        %add3A_604 = arith.constant 0 : i32
        %add3A_605 = arith.addi %mul3A_118, %add3A_604 : i32
        %swap3A_606 = arith.index_cast %add3A_605 : i32 to index
        %swap3A_607 = arith.constant 80 : index
        %swap3A_608 = tpu.vector_load %arg12[%swap3A_606, %swap3A_607] {strides = array<i32>} : memref<128x128xf32, #tpu.memory_space<vmem>>, vector<16xf32>,
        tpu.vector_store %arg12[%swap3A_606, %swap3A_607], %mul3A_603 {strides = array<i32>} : memref<128x128xf32, #tpu.memory_space<vmem>>, vector<16xf32>,
        %add3A_609 = arith.constant 1 : i32
        %add3A_610 = arith.addi %mul3A_118, %add3A_609 : i32
        %get3A_611 = arith.index_cast %add3A_610 : i32 to index
        %get3A_612 = arith.constant 80 : index
        %get3A_613 = tpu.vector_load %arg12[%get3A_611, %get3A_612] {strides = array<i32>} : memref<128x128xf32, #tpu.memory_space<vmem>>, vector<16xf32>,
        %mul3A_614 = arith.mulf %get3A_613, %gather3A_127 : vector<16xf32>
        %add3A_615 = arith.constant 1 : i32
        %add3A_616 = arith.addi %mul3A_118, %add3A_615 : i32
        %swap3A_617 = arith.index_cast %add3A_616 : i32 to index
        %swap3A_618 = arith.constant 80 : index
        %swap3A_619 = tpu.vector_load %arg12[%swap3A_617, %swap3A_618] {strides = array<i32>} : memref<128x128xf32, #tpu.memory_space<vmem>>, vector<16xf32>,
        tpu.vector_store %arg12[%swap3A_617, %swap3A_618], %mul3A_614 {strides = array<i32>} : memref<128x128xf32, #tpu.memory_space<vmem>>, vector<16xf32>,
        %add3A_620 = arith.constant 2 : i32
        %add3A_621 = arith.addi %mul3A_118, %add3A_620 : i32
        %get3A_622 = arith.index_cast %add3A_621 : i32 to index
        %get3A_623 = arith.constant 80 : index
        %get3A_624 = tpu.vector_load %arg12[%get3A_622, %get3A_623] {strides = array<i32>} : memref<128x128xf32, #tpu.memory_space<vmem>>, vector<16xf32>,
        %mul3A_625 = arith.mulf %get3A_624, %gather3A_132 : vector<16xf32>
        %add3A_626 = arith.constant 2 : i32
        %add3A_627 = arith.addi %mul3A_118, %add3A_626 : i32
        %swap3A_628 = arith.index_cast %add3A_627 : i32 to index
        %swap3A_629 = arith.constant 80 : index
        %swap3A_630 = tpu.vector_load %arg12[%swap3A_628, %swap3A_629] {strides = array<i32>} : memref<128x128xf32, #tpu.memory_space<vmem>>, vector<16xf32>,
        tpu.vector_store %arg12[%swap3A_628, %swap3A_629], %mul3A_625 {strides = array<i32>} : memref<128x128xf32, #tpu.memory_space<vmem>>, vector<16xf32>,
        %add3A_631 = arith.constant 3 : i32
        %add3A_632 = arith.addi %mul3A_118, %add3A_631 : i32
        %get3A_633 = arith.index_cast %add3A_632 : i32 to index
        %get3A_634 = arith.constant 80 : index
        %get3A_635 = tpu.vector_load %arg12[%get3A_633, %get3A_634] {strides = array<i32>} : memref<128x128xf32, #tpu.memory_space<vmem>>, vector<16xf32>,
        %mul3A_636 = arith.mulf %get3A_635, %gather3A_137 : vector<16xf32>
        %add3A_637 = arith.constant 3 : i32
        %add3A_638 = arith.addi %mul3A_118, %add3A_637 : i32
        %swap3A_639 = arith.index_cast %add3A_638 : i32 to index
        %swap3A_640 = arith.constant 80 : index
        %swap3A_641 = tpu.vector_load %arg12[%swap3A_639, %swap3A_640] {strides = array<i32>} : memref<128x128xf32, #tpu.memory_space<vmem>>, vector<16xf32>,
        tpu.vector_store %arg12[%swap3A_639, %swap3A_640], %mul3A_636 {strides = array<i32>} : memref<128x128xf32, #tpu.memory_space<vmem>>, vector<16xf32>,
        %add3A_642 = arith.constant 4 : i32
        %add3A_643 = arith.addi %mul3A_118, %add3A_642 : i32
        %get3A_644 = arith.index_cast %add3A_643 : i32 to index
        %get3A_645 = arith.constant 80 : index
        %get3A_646 = tpu.vector_load %arg12[%get3A_644, %get3A_645] {strides = array<i32>} : memref<128x128xf32, #tpu.memory_space<vmem>>, vector<16xf32>,
        %mul3A_647 = arith.mulf %get3A_646, %gather3A_142 : vector<16xf32>
        %add3A_648 = arith.constant 4 : i32
        %add3A_649 = arith.addi %mul3A_118, %add3A_648 : i32
        %swap3A_650 = arith.index_cast %add3A_649 : i32 to index
        %swap3A_651 = arith.constant 80 : index
        %swap3A_652 = tpu.vector_load %arg12[%swap3A_650, %swap3A_651] {strides = array<i32>} : memref<128x128xf32, #tpu.memory_space<vmem>>, vector<16xf32>,
        tpu.vector_store %arg12[%swap3A_650, %swap3A_651], %mul3A_647 {strides = array<i32>} : memref<128x128xf32, #tpu.memory_space<vmem>>, vector<16xf32>,
        %add3A_653 = arith.constant 5 : i32
        %add3A_654 = arith.addi %mul3A_118, %add3A_653 : i32
        %get3A_655 = arith.index_cast %add3A_654 : i32 to index
        %get3A_656 = arith.constant 80 : index
        %get3A_657 = tpu.vector_load %arg12[%get3A_655, %get3A_656] {strides = array<i32>} : memref<128x128xf32, #tpu.memory_space<vmem>>, vector<16xf32>,
        %mul3A_658 = arith.mulf %get3A_657, %gather3A_147 : vector<16xf32>
        %add3A_659 = arith.constant 5 : i32
        %add3A_660 = arith.addi %mul3A_118, %add3A_659 : i32
        %swap3A_661 = arith.index_cast %add3A_660 : i32 to index
        %swap3A_662 = arith.constant 80 : index
        %swap3A_663 = tpu.vector_load %arg12[%swap3A_661, %swap3A_662] {strides = array<i32>} : memref<128x128xf32, #tpu.memory_space<vmem>>, vector<16xf32>,
        tpu.vector_store %arg12[%swap3A_661, %swap3A_662], %mul3A_658 {strides = array<i32>} : memref<128x128xf32, #tpu.memory_space<vmem>>, vector<16xf32>,
        %add3A_664 = arith.constant 6 : i32
        %add3A_665 = arith.addi %mul3A_118, %add3A_664 : i32
        %get3A_666 = arith.index_cast %add3A_665 : i32 to index
        %get3A_667 = arith.constant 80 : index
        %get3A_668 = tpu.vector_load %arg12[%get3A_666, %get3A_667] {strides = array<i32>} : memref<128x128xf32, #tpu.memory_space<vmem>>, vector<16xf32>,
        %mul3A_669 = arith.mulf %get3A_668, %gather3A_152 : vector<16xf32>
        %add3A_670 = arith.constant 6 : i32
        %add3A_671 = arith.addi %mul3A_118, %add3A_670 : i32
        %swap3A_672 = arith.index_cast %add3A_671 : i32 to index
        %swap3A_673 = arith.constant 80 : index
        %swap3A_674 = tpu.vector_load %arg12[%swap3A_672, %swap3A_673] {strides = array<i32>} : memref<128x128xf32, #tpu.memory_space<vmem>>, vector<16xf32>,
        tpu.vector_store %arg12[%swap3A_672, %swap3A_673], %mul3A_669 {strides = array<i32>} : memref<128x128xf32, #tpu.memory_space<vmem>>, vector<16xf32>,
        %add3A_675 = arith.constant 7 : i32
        %add3A_676 = arith.addi %mul3A_118, %add3A_675 : i32
        %get3A_677 = arith.index_cast %add3A_676 : i32 to index
        %get3A_678 = arith.constant 80 : index
        %get3A_679 = tpu.vector_load %arg12[%get3A_677, %get3A_678] {strides = array<i32>} : memref<128x128xf32, #tpu.memory_space<vmem>>, vector<16xf32>,
        %mul3A_680 = arith.mulf %get3A_679, %gather3A_157 : vector<16xf32>
        %add3A_681 = arith.constant 7 : i32
        %add3A_682 = arith.addi %mul3A_118, %add3A_681 : i32
        %swap3A_683 = arith.index_cast %add3A_682 : i32 to index
        %swap3A_684 = arith.constant 80 : index
        %swap3A_685 = tpu.vector_load %arg12[%swap3A_683, %swap3A_684] {strides = array<i32>} : memref<128x128xf32, #tpu.memory_space<vmem>>, vector<16xf32>,
        tpu.vector_store %arg12[%swap3A_683, %swap3A_684], %mul3A_680 {strides = array<i32>} : memref<128x128xf32, #tpu.memory_space<vmem>>, vector<16xf32>,
        %add3A_686 = arith.constant 0 : i32
        %add3A_687 = arith.addi %mul3A_118, %add3A_686 : i32
        %get3A_688 = arith.index_cast %add3A_687 : i32 to index
        %get3A_689 = arith.constant 96 : index
        %get3A_690 = tpu.vector_load %arg12[%get3A_688, %get3A_689] {strides = array<i32>} : memref<128x128xf32, #tpu.memory_space<vmem>>, vector<16xf32>,
        %mul3A_691 = arith.mulf %get3A_690, %gather3A_122 : vector<16xf32>
        %add3A_692 = arith.constant 0 : i32
        %add3A_693 = arith.addi %mul3A_118, %add3A_692 : i32
        %swap3A_694 = arith.index_cast %add3A_693 : i32 to index
        %swap3A_695 = arith.constant 96 : index
        %swap3A_696 = tpu.vector_load %arg12[%swap3A_694, %swap3A_695] {strides = array<i32>} : memref<128x128xf32, #tpu.memory_space<vmem>>, vector<16xf32>,
        tpu.vector_store %arg12[%swap3A_694, %swap3A_695], %mul3A_691 {strides = array<i32>} : memref<128x128xf32, #tpu.memory_space<vmem>>, vector<16xf32>,
        %add3A_697 = arith.constant 1 : i32
        %add3A_698 = arith.addi %mul3A_118, %add3A_697 : i32
        %get3A_699 = arith.index_cast %add3A_698 : i32 to index
        %get3A_700 = arith.constant 96 : index
        %get3A_701 = tpu.vector_load %arg12[%get3A_699, %get3A_700] {strides = array<i32>} : memref<128x128xf32, #tpu.memory_space<vmem>>, vector<16xf32>,
        %mul3A_702 = arith.mulf %get3A_701, %gather3A_127 : vector<16xf32>
        %add3A_703 = arith.constant 1 : i32
        %add3A_704 = arith.addi %mul3A_118, %add3A_703 : i32
        %swap3A_705 = arith.index_cast %add3A_704 : i32 to index
        %swap3A_706 = arith.constant 96 : index
        %swap3A_707 = tpu.vector_load %arg12[%swap3A_705, %swap3A_706] {strides = array<i32>} : memref<128x128xf32, #tpu.memory_space<vmem>>, vector<16xf32>,
        tpu.vector_store %arg12[%swap3A_705, %swap3A_706], %mul3A_702 {strides = array<i32>} : memref<128x128xf32, #tpu.memory_space<vmem>>, vector<16xf32>,
        %add3A_708 = arith.constant 2 : i32
        %add3A_709 = arith.addi %mul3A_118, %add3A_708 : i32
        %get3A_710 = arith.index_cast %add3A_709 : i32 to index
        %get3A_711 = arith.constant 96 : index
        %get3A_712 = tpu.vector_load %arg12[%get3A_710, %get3A_711] {strides = array<i32>} : memref<128x128xf32, #tpu.memory_space<vmem>>, vector<16xf32>,
        %mul3A_713 = arith.mulf %get3A_712, %gather3A_132 : vector<16xf32>
        %add3A_714 = arith.constant 2 : i32
        %add3A_715 = arith.addi %mul3A_118, %add3A_714 : i32
        %swap3A_716 = arith.index_cast %add3A_715 : i32 to index
        %swap3A_717 = arith.constant 96 : index
        %swap3A_718 = tpu.vector_load %arg12[%swap3A_716, %swap3A_717] {strides = array<i32>} : memref<128x128xf32, #tpu.memory_space<vmem>>, vector<16xf32>,
        tpu.vector_store %arg12[%swap3A_716, %swap3A_717], %mul3A_713 {strides = array<i32>} : memref<128x128xf32, #tpu.memory_space<vmem>>, vector<16xf32>,
        %add3A_719 = arith.constant 3 : i32
        %add3A_720 = arith.addi %mul3A_118, %add3A_719 : i32
        %get3A_721 = arith.index_cast %add3A_720 : i32 to index
        %get3A_722 = arith.constant 96 : index
        %get3A_723 = tpu.vector_load %arg12[%get3A_721, %get3A_722] {strides = array<i32>} : memref<128x128xf32, #tpu.memory_space<vmem>>, vector<16xf32>,
        %mul3A_724 = arith.mulf %get3A_723, %gather3A_137 : vector<16xf32>
        %add3A_725 = arith.constant 3 : i32
        %add3A_726 = arith.addi %mul3A_118, %add3A_725 : i32
        %swap3A_727 = arith.index_cast %add3A_726 : i32 to index
        %swap3A_728 = arith.constant 96 : index
        %swap3A_729 = tpu.vector_load %arg12[%swap3A_727, %swap3A_728] {strides = array<i32>} : memref<128x128xf32, #tpu.memory_space<vmem>>, vector<16xf32>,
        tpu.vector_store %arg12[%swap3A_727, %swap3A_728], %mul3A_724 {strides = array<i32>} : memref<128x128xf32, #tpu.memory_space<vmem>>, vector<16xf32>,
        %add3A_730 = arith.constant 4 : i32
        %add3A_731 = arith.addi %mul3A_118, %add3A_730 : i32
        %get3A_732 = arith.index_cast %add3A_731 : i32 to index
        %get3A_733 = arith.constant 96 : index
        %get3A_734 = tpu.vector_load %arg12[%get3A_732, %get3A_733] {strides = array<i32>} : memref<128x128xf32, #tpu.memory_space<vmem>>, vector<16xf32>,
        %mul3A_735 = arith.mulf %get3A_734, %gather3A_142 : vector<16xf32>
        %add3A_736 = arith.constant 4 : i32
        %add3A_737 = arith.addi %mul3A_118, %add3A_736 : i32
        %swap3A_738 = arith.index_cast %add3A_737 : i32 to index
        %swap3A_739 = arith.constant 96 : index
        %swap3A_740 = tpu.vector_load %arg12[%swap3A_738, %swap3A_739] {strides = array<i32>} : memref<128x128xf32, #tpu.memory_space<vmem>>, vector<16xf32>,
        tpu.vector_store %arg12[%swap3A_738, %swap3A_739], %mul3A_735 {strides = array<i32>} : memref<128x128xf32, #tpu.memory_space<vmem>>, vector<16xf32>,
        %add3A_741 = arith.constant 5 : i32
        %add3A_742 = arith.addi %mul3A_118, %add3A_741 : i32
        %get3A_743 = arith.index_cast %add3A_742 : i32 to index
        %get3A_744 = arith.constant 96 : index
        %get3A_745 = tpu.vector_load %arg12[%get3A_743, %get3A_744] {strides = array<i32>} : memref<128x128xf32, #tpu.memory_space<vmem>>, vector<16xf32>,
        %mul3A_746 = arith.mulf %get3A_745, %gather3A_147 : vector<16xf32>
        %add3A_747 = arith.constant 5 : i32
        %add3A_748 = arith.addi %mul3A_118, %add3A_747 : i32
        %swap3A_749 = arith.index_cast %add3A_748 : i32 to index
        %swap3A_750 = arith.constant 96 : index
        %swap3A_751 = tpu.vector_load %arg12[%swap3A_749, %swap3A_750] {strides = array<i32>} : memref<128x128xf32, #tpu.memory_space<vmem>>, vector<16xf32>,
        tpu.vector_store %arg12[%swap3A_749, %swap3A_750], %mul3A_746 {strides = array<i32>} : memref<128x128xf32, #tpu.memory_space<vmem>>, vector<16xf32>,
        %add3A_752 = arith.constant 6 : i32
        %add3A_753 = arith.addi %mul3A_118, %add3A_752 : i32
        %get3A_754 = arith.index_cast %add3A_753 : i32 to index
        %get3A_755 = arith.constant 96 : index
        %get3A_756 = tpu.vector_load %arg12[%get3A_754, %get3A_755] {strides = array<i32>} : memref<128x128xf32, #tpu.memory_space<vmem>>, vector<16xf32>,
        %mul3A_757 = arith.mulf %get3A_756, %gather3A_152 : vector<16xf32>
        %add3A_758 = arith.constant 6 : i32
        %add3A_759 = arith.addi %mul3A_118, %add3A_758 : i32
        %swap3A_760 = arith.index_cast %add3A_759 : i32 to index
        %swap3A_761 = arith.constant 96 : index
        %swap3A_762 = tpu.vector_load %arg12[%swap3A_760, %swap3A_761] {strides = array<i32>} : memref<128x128xf32, #tpu.memory_space<vmem>>, vector<16xf32>,
        tpu.vector_store %arg12[%swap3A_760, %swap3A_761], %mul3A_757 {strides = array<i32>} : memref<128x128xf32, #tpu.memory_space<vmem>>, vector<16xf32>,
        %add3A_763 = arith.constant 7 : i32
        %add3A_764 = arith.addi %mul3A_118, %add3A_763 : i32
        %get3A_765 = arith.index_cast %add3A_764 : i32 to index
        %get3A_766 = arith.constant 96 : index
        %get3A_767 = tpu.vector_load %arg12[%get3A_765, %get3A_766] {strides = array<i32>} : memref<128x128xf32, #tpu.memory_space<vmem>>, vector<16xf32>,
        %mul3A_768 = arith.mulf %get3A_767, %gather3A_157 : vector<16xf32>
        %add3A_769 = arith.constant 7 : i32
        %add3A_770 = arith.addi %mul3A_118, %add3A_769 : i32
        %swap3A_771 = arith.index_cast %add3A_770 : i32 to index
        %swap3A_772 = arith.constant 96 : index
        %swap3A_773 = tpu.vector_load %arg12[%swap3A_771, %swap3A_772] {strides = array<i32>} : memref<128x128xf32, #tpu.memory_space<vmem>>, vector<16xf32>,
        tpu.vector_store %arg12[%swap3A_771, %swap3A_772], %mul3A_768 {strides = array<i32>} : memref<128x128xf32, #tpu.memory_space<vmem>>, vector<16xf32>,
        %add3A_774 = arith.constant 0 : i32
        %add3A_775 = arith.addi %mul3A_118, %add3A_774 : i32
        %get3A_776 = arith.index_cast %add3A_775 : i32 to index
        %get3A_777 = arith.constant 112 : index
        %get3A_778 = tpu.vector_load %arg12[%get3A_776, %get3A_777] {strides = array<i32>} : memref<128x128xf32, #tpu.memory_space<vmem>>, vector<16xf32>,
        %mul3A_779 = arith.mulf %get3A_778, %gather3A_122 : vector<16xf32>
        %add3A_780 = arith.constant 0 : i32
        %add3A_781 = arith.addi %mul3A_118, %add3A_780 : i32
        %swap3A_782 = arith.index_cast %add3A_781 : i32 to index
        %swap3A_783 = arith.constant 112 : index
        %swap3A_784 = tpu.vector_load %arg12[%swap3A_782, %swap3A_783] {strides = array<i32>} : memref<128x128xf32, #tpu.memory_space<vmem>>, vector<16xf32>,
        tpu.vector_store %arg12[%swap3A_782, %swap3A_783], %mul3A_779 {strides = array<i32>} : memref<128x128xf32, #tpu.memory_space<vmem>>, vector<16xf32>,
        %add3A_785 = arith.constant 1 : i32
        %add3A_786 = arith.addi %mul3A_118, %add3A_785 : i32
        %get3A_787 = arith.index_cast %add3A_786 : i32 to index
        %get3A_788 = arith.constant 112 : index
        %get3A_789 = tpu.vector_load %arg12[%get3A_787, %get3A_788] {strides = array<i32>} : memref<128x128xf32, #tpu.memory_space<vmem>>, vector<16xf32>,
        %mul3A_790 = arith.mulf %get3A_789, %gather3A_127 : vector<16xf32>
        %add3A_791 = arith.constant 1 : i32
        %add3A_792 = arith.addi %mul3A_118, %add3A_791 : i32
        %swap3A_793 = arith.index_cast %add3A_792 : i32 to index
        %swap3A_794 = arith.constant 112 : index
        %swap3A_795 = tpu.vector_load %arg12[%swap3A_793, %swap3A_794] {strides = array<i32>} : memref<128x128xf32, #tpu.memory_space<vmem>>, vector<16xf32>,
        tpu.vector_store %arg12[%swap3A_793, %swap3A_794], %mul3A_790 {strides = array<i32>} : memref<128x128xf32, #tpu.memory_space<vmem>>, vector<16xf32>,
        %add3A_796 = arith.constant 2 : i32
        %add3A_797 = arith.addi %mul3A_118, %add3A_796 : i32
        %get3A_798 = arith.index_cast %add3A_797 : i32 to index
        %get3A_799 = arith.constant 112 : index
        %get3A_800 = tpu.vector_load %arg12[%get3A_798, %get3A_799] {strides = array<i32>} : memref<128x128xf32, #tpu.memory_space<vmem>>, vector<16xf32>,
        %mul3A_801 = arith.mulf %get3A_800, %gather3A_132 : vector<16xf32>
        %add3A_802 = arith.constant 2 : i32
        %add3A_803 = arith.addi %mul3A_118, %add3A_802 : i32
        %swap3A_804 = arith.index_cast %add3A_803 : i32 to index
        %swap3A_805 = arith.constant 112 : index
        %swap3A_806 = tpu.vector_load %arg12[%swap3A_804, %swap3A_805] {strides = array<i32>} : memref<128x128xf32, #tpu.memory_space<vmem>>, vector<16xf32>,
        tpu.vector_store %arg12[%swap3A_804, %swap3A_805], %mul3A_801 {strides = array<i32>} : memref<128x128xf32, #tpu.memory_space<vmem>>, vector<16xf32>,
        %add3A_807 = arith.constant 3 : i32
        %add3A_808 = arith.addi %mul3A_118, %add3A_807 : i32
        %get3A_809 = arith.index_cast %add3A_808 : i32 to index
        %get3A_810 = arith.constant 112 : index
        %get3A_811 = tpu.vector_load %arg12[%get3A_809, %get3A_810] {strides = array<i32>} : memref<128x128xf32, #tpu.memory_space<vmem>>, vector<16xf32>,
        %mul3A_812 = arith.mulf %get3A_811, %gather3A_137 : vector<16xf32>
        %add3A_813 = arith.constant 3 : i32
        %add3A_814 = arith.addi %mul3A_118, %add3A_813 : i32
        %swap3A_815 = arith.index_cast %add3A_814 : i32 to index
        %swap3A_816 = arith.constant 112 : index
        %swap3A_817 = tpu.vector_load %arg12[%swap3A_815, %swap3A_816] {strides = array<i32>} : memref<128x128xf32, #tpu.memory_space<vmem>>, vector<16xf32>,
        tpu.vector_store %arg12[%swap3A_815, %swap3A_816], %mul3A_812 {strides = array<i32>} : memref<128x128xf32, #tpu.memory_space<vmem>>, vector<16xf32>,
        %add3A_818 = arith.constant 4 : i32
        %add3A_819 = arith.addi %mul3A_118, %add3A_818 : i32
        %get3A_820 = arith.index_cast %add3A_819 : i32 to index
        %get3A_821 = arith.constant 112 : index
        %get3A_822 = tpu.vector_load %arg12[%get3A_820, %get3A_821] {strides = array<i32>} : memref<128x128xf32, #tpu.memory_space<vmem>>, vector<16xf32>,
        %mul3A_823 = arith.mulf %get3A_822, %gather3A_142 : vector<16xf32>
        %add3A_824 = arith.constant 4 : i32
        %add3A_825 = arith.addi %mul3A_118, %add3A_824 : i32
        %swap3A_826 = arith.index_cast %add3A_825 : i32 to index
        %swap3A_827 = arith.constant 112 : index
        %swap3A_828 = tpu.vector_load %arg12[%swap3A_826, %swap3A_827] {strides = array<i32>} : memref<128x128xf32, #tpu.memory_space<vmem>>, vector<16xf32>,
        tpu.vector_store %arg12[%swap3A_826, %swap3A_827], %mul3A_823 {strides = array<i32>} : memref<128x128xf32, #tpu.memory_space<vmem>>, vector<16xf32>,
        %add3A_829 = arith.constant 5 : i32
        %add3A_830 = arith.addi %mul3A_118, %add3A_829 : i32
        %get3A_831 = arith.index_cast %add3A_830 : i32 to index
        %get3A_832 = arith.constant 112 : index
        %get3A_833 = tpu.vector_load %arg12[%get3A_831, %get3A_832] {strides = array<i32>} : memref<128x128xf32, #tpu.memory_space<vmem>>, vector<16xf32>,
        %mul3A_834 = arith.mulf %get3A_833, %gather3A_147 : vector<16xf32>
        %add3A_835 = arith.constant 5 : i32
        %add3A_836 = arith.addi %mul3A_118, %add3A_835 : i32
        %swap3A_837 = arith.index_cast %add3A_836 : i32 to index
        %swap3A_838 = arith.constant 112 : index
        %swap3A_839 = tpu.vector_load %arg12[%swap3A_837, %swap3A_838] {strides = array<i32>} : memref<128x128xf32, #tpu.memory_space<vmem>>, vector<16xf32>,
        tpu.vector_store %arg12[%swap3A_837, %swap3A_838], %mul3A_834 {strides = array<i32>} : memref<128x128xf32, #tpu.memory_space<vmem>>, vector<16xf32>,
        %add3A_840 = arith.constant 6 : i32
        %add3A_841 = arith.addi %mul3A_118, %add3A_840 : i32
        %get3A_842 = arith.index_cast %add3A_841 : i32 to index
        %get3A_843 = arith.constant 112 : index
        %get3A_844 = tpu.vector_load %arg12[%get3A_842, %get3A_843] {strides = array<i32>} : memref<128x128xf32, #tpu.memory_space<vmem>>, vector<16xf32>,
        %mul3A_845 = arith.mulf %get3A_844, %gather3A_152 : vector<16xf32>
        %add3A_846 = arith.constant 6 : i32
        %add3A_847 = arith.addi %mul3A_118, %add3A_846 : i32
        %swap3A_848 = arith.index_cast %add3A_847 : i32 to index
        %swap3A_849 = arith.constant 112 : index
        %swap3A_850 = tpu.vector_load %arg12[%swap3A_848, %swap3A_849] {strides = array<i32>} : memref<128x128xf32, #tpu.memory_space<vmem>>, vector<16xf32>,
        tpu.vector_store %arg12[%swap3A_848, %swap3A_849], %mul3A_845 {strides = array<i32>} : memref<128x128xf32, #tpu.memory_space<vmem>>, vector<16xf32>,
        %add3A_851 = arith.constant 7 : i32
        %add3A_852 = arith.addi %mul3A_118, %add3A_851 : i32
        %get3A_853 = arith.index_cast %add3A_852 : i32 to index
        %get3A_854 = arith.constant 112 : index
        %get3A_855 = tpu.vector_load %arg12[%get3A_853, %get3A_854] {strides = array<i32>} : memref<128x128xf32, #tpu.memory_space<vmem>>, vector<16xf32>,
        %mul3A_856 = arith.mulf %get3A_855, %gather3A_157 : vector<16xf32>
        %add3A_857 = arith.constant 7 : i32
        %add3A_858 = arith.addi %mul3A_118, %add3A_857 : i32
        %swap3A_859 = arith.index_cast %add3A_858 : i32 to index
        %swap3A_860 = arith.constant 112 : index
        %swap3A_861 = tpu.vector_load %arg12[%swap3A_859, %swap3A_860] {strides = array<i32>} : memref<128x128xf32, #tpu.memory_space<vmem>>, vector<16xf32>,
        tpu.vector_store %arg12[%swap3A_859, %swap3A_860], %mul3A_856 {strides = array<i32>} : memref<128x128xf32, #tpu.memory_space<vmem>>, vector<16xf32>,
      }
      %scan3A_115 = arith.constant 16 : i32
      "tpu.region"() ({
        %run_scoped3A = tpu.sem_alloc : memref<!tpu.dma_semaphore, #tpu.memory_space<semaphore_mem>>
        %dma_start3A_116 = arith.constant 0 : i32
        %dma_start3A_117 = arith.constant 0 : i32
        %dma_start3A_118 = tpu.memref_slice %arg15[%dma_start3A_116, %dma_start3A_117] : memref<10240x128xf32, #tpu.memory_space<vmem_shared>> -> memref<10240x128xf32, #tpu.memory_space<vmem_shared>>
        tpu.enqueue_indirect_dma source(%arg12 : memref<128x128xf32, #tpu.memory_space<vmem>>) target(%dma_start3A_118 : memref<10240x128xf32, #tpu.memory_space<vmem_shared>>) offsets(%arg10 : memref<128xi32, #tpu.memory_space<vmem>>) semaphore(%run_scoped3A : memref<!tpu.dma_semaphore, #tpu.memory_space<semaphore_mem>>) {add = true}
        %dma_wait3A_119 = arith.constant 0 : i32
        %dma_wait3A_120 = arith.constant 0 : i32
        %dma_wait3A_121 = tpu.memref_slice %arg15[%dma_wait3A_119, %dma_wait3A_120] : memref<10240x128xf32, #tpu.memory_space<vmem_shared>> -> memref<10240x128xf32, #tpu.memory_space<vmem_shared>>
        tpu.wait_indirect_dma semaphore(%run_scoped3A : memref<!tpu.dma_semaphore, #tpu.memory_space<semaphore_mem>>) src(%arg12 : memref<128x128xf32, #tpu.memory_space<vmem>>) dst(%dma_wait3A_121 : memref<10240x128xf32, #tpu.memory_space<vmem_shared>>)
        tpu.yield
      }) : () -> ()
    }
    %scan3A_9 = arith.constant 81 : i32
    %barrier3A_10 = arith.constant 0 : index
    tpu.barrier barrier_id(%barrier3A_10)
    %mul3A_11 = arith.constant 640 : i32
    %mul3A_12 = arith.muli %arg1, %mul3A_11 : i32
    %mul3A_13 = arith.constant 640 : i32
    %mul3A_14 = arith.muli %arg1, %mul3A_13 : i32
    "tpu.region"() ({
      %run_scoped3A = tpu.sem_alloc : memref<!tpu.dma_semaphore, #tpu.memory_space<semaphore_mem>>
      %dma_start3A = arith.constant 0 : i32
      %dma_start3A_15 = tpu.memref_slice %arg8[%arg0, %mul3A_14, %dma_start3A] : memref<2x10240x128xf32, #tpu.memory_space<hbm>> -> memref<1x640x128xf32, #tpu.memory_space<hbm>>
      %dma_start3A_16 = tpu.memref_squeeze %dma_start3A_15 : memref<1x640x128xf32, #tpu.memory_space<hbm>> -> memref<640x128xf32, #tpu.memory_space<hbm>>
      %dma_start3A_17 = arith.constant 0 : i32
      %dma_start3A_18 = tpu.memref_slice %arg15[%mul3A_12, %dma_start3A_17] : memref<10240x128xf32, #tpu.memory_space<vmem_shared>> -> memref<640x128xf32, #tpu.memory_space<vmem_shared>>
      tpu.enqueue_dma source(%dma_start3A_18 : memref<640x128xf32, #tpu.memory_space<vmem_shared>>) target(%dma_start3A_16 : memref<640x128xf32, #tpu.memory_space<hbm>>) target_semaphore(%run_scoped3A : memref<!tpu.dma_semaphore, #tpu.memory_space<semaphore_mem>>)
      %dma_wait3A = arith.constant 0 : i32
      %dma_wait3A_19 = tpu.memref_slice %arg8[%arg0, %mul3A_14, %dma_wait3A] : memref<2x10240x128xf32, #tpu.memory_space<hbm>> -> memref<1x640x128xf32, #tpu.memory_space<hbm>>
      %dma_wait3A_20 = tpu.memref_squeeze %dma_wait3A_19 : memref<1x640x128xf32, #tpu.memory_space<hbm>> -> memref<640x128xf32, #tpu.memory_space<hbm>>
      %dma_wait3A_21 = arith.constant 0 : i32
      %dma_wait3A_22 = tpu.memref_slice %arg15[%mul3A_12, %dma_wait3A_21] : memref<10240x128xf32, #tpu.memory_space<vmem_shared>> -> memref<640x128xf32, #tpu.memory_space<vmem_shared>>
      tpu.wait_dma2 semaphore(%run_scoped3A : memref<!tpu.dma_semaphore, #tpu.memory_space<semaphore_mem>>) src(%dma_wait3A_22 : memref<640x128xf32, #tpu.memory_space<vmem_shared>>) dst(%dma_wait3A_20 : memref<640x128xf32, #tpu.memory_space<hbm>>)
      tpu.yield
    }) : () -> ()
    return
  }
}

module attributes {stable_mosaic.version = 14 : i64} {
  func.func @_bn0_body(%arg0: memref<10000x128xf32, #tpu.memory_space<vmem>>, %arg1: memref<1x128xf32, #tpu.memory_space<vmem>>, %arg2: memref<1x128xf32, #tpu.memory_space<vmem>>, %arg3: memref<10000x128xf32, #tpu.memory_space<vmem>>) attributes {dimension_semantics = [], scalar_prefetch = 0 : i64, scratch_operands = 0 : i64, tpu.core_type = #tpu.core_type<tc>} {
    %get3A = arith.constant 0 : index
    %get3A_0 = arith.constant 0 : index
    %get3A_1 = vector.load %arg0[%get3A, %get3A_0] : memref<10000x128xf32, #tpu.memory_space<vmem>>, vector<10000x128xf32>
    %reduce_sum3A = arith.constant dense<0.000000e+00> : vector<128xf32>
    %reduce_sum3A_2 = vector.multi_reduction <add>, %get3A_1, %reduce_sum3A [0] : vector<10000x128xf32> to vector<128xf32>
    %div3A = arith.constant 1.000000e+04 : f32
    %div3A_3 = vector.broadcast %div3A : f32 to vector<128xf32>
    %div3A_4 = arith.divf %reduce_sum3A_2, %div3A_3 : vector<128xf32>
    %broadcast_in_dim3A = vector.shape_cast %div3A_4 : vector<128xf32> to vector<1x128xf32>
    %sub3A = vector.broadcast %broadcast_in_dim3A : vector<1x128xf32> to vector<10000x128xf32>
    %sub3A_5 = arith.subf %get3A_1, %sub3A : vector<10000x128xf32>
    %integer_pow3A = arith.mulf %sub3A_5, %sub3A_5 : vector<10000x128xf32>
    %reduce_sum3A_6 = arith.constant dense<0.000000e+00> : vector<128xf32>
    %reduce_sum3A_7 = vector.multi_reduction <add>, %integer_pow3A, %reduce_sum3A_6 [0] : vector<10000x128xf32> to vector<128xf32>
    %div3A_8 = arith.constant 1.000000e+04 : f32
    %div3A_9 = vector.broadcast %div3A_8 : f32 to vector<128xf32>
    %div3A_10 = arith.divf %reduce_sum3A_7, %div3A_9 : vector<128xf32>
    %broadcast_in_dim3A_11 = vector.shape_cast %div3A_4 : vector<128xf32> to vector<1x128xf32>
    %sub3A_12 = vector.broadcast %broadcast_in_dim3A_11 : vector<1x128xf32> to vector<10000x128xf32>
    %sub3A_13 = arith.subf %get3A_1, %sub3A_12 : vector<10000x128xf32>
    %add3A = arith.constant 9.99999974E-6 : f32
    %add3A_14 = vector.broadcast %add3A : f32 to vector<128xf32>
    %add3A_15 = arith.addf %div3A_10, %add3A_14 : vector<128xf32>
    %rsqrt3A = math.rsqrt %add3A_15 : vector<128xf32>
    %broadcast_in_dim3A_16 = vector.shape_cast %rsqrt3A : vector<128xf32> to vector<1x128xf32>
    %mul3A = vector.broadcast %broadcast_in_dim3A_16 : vector<1x128xf32> to vector<10000x128xf32>
    %mul3A_17 = arith.mulf %sub3A_13, %mul3A : vector<10000x128xf32>
    %get3A_18 = arith.constant 0 : index
    %get3A_19 = arith.constant 0 : index
    %get3A_20 = vector.load %arg1[%get3A_18, %get3A_19] : memref<1x128xf32, #tpu.memory_space<vmem>>, vector<1x128xf32>
    %mul3A_21 = vector.broadcast %get3A_20 : vector<1x128xf32> to vector<10000x128xf32>
    %mul3A_22 = arith.mulf %mul3A_17, %mul3A_21 : vector<10000x128xf32>
    %get3A_23 = arith.constant 0 : index
    %get3A_24 = arith.constant 0 : index
    %get3A_25 = vector.load %arg2[%get3A_23, %get3A_24] : memref<1x128xf32, #tpu.memory_space<vmem>>, vector<1x128xf32>
    %add3A_26 = vector.broadcast %get3A_25 : vector<1x128xf32> to vector<10000x128xf32>
    %add3A_27 = arith.addf %mul3A_22, %add3A_26 : vector<10000x128xf32>
    %swap3A = arith.constant 0 : index
    %swap3A_28 = arith.constant 0 : index
    %swap3A_29 = vector.load %arg3[%swap3A, %swap3A_28] : memref<10000x128xf32, #tpu.memory_space<vmem>>, vector<10000x128xf32>
    tpu.vector_store %arg3[%swap3A, %swap3A_28], %add3A_27 {strides = array<i32>} : memref<10000x128xf32, #tpu.memory_space<vmem>>, vector<10000x128xf32>,
    return
  }
}

module attributes {stable_mosaic.version = 14 : i64} {
  func.func @_sim_body(%arg0: memref<10000x128xf32, #tpu.memory_space<vmem>>, %arg1: memref<1x10000xi32, #tpu.memory_space<vmem>>, %arg2: memref<32x128xf32, #tpu.memory_space<vmem>>, %arg3: memref<128x64xf32, #tpu.memory_space<vmem>>, %arg4: memref<128x64xf32, #tpu.memory_space<vmem>>, %arg5: memref<128x128xf32, #tpu.memory_space<vmem>>, %arg6: memref<1x128xf32, #tpu.memory_space<vmem>>, %arg7: memref<1x10000xf32, #tpu.memory_space<vmem>>, %arg8: memref<10000x128xf32, #tpu.memory_space<vmem>>) attributes {dimension_semantics = [], scalar_prefetch = 0 : i64, scratch_operands = 0 : i64, tpu.core_type = #tpu.core_type<tc>} {
    %get3A = arith.constant 0 : index
    %get3A_0 = arith.constant 0 : index
    %get3A_1 = vector.load %arg0[%get3A, %get3A_0] : memref<10000x128xf32, #tpu.memory_space<vmem>>, vector<10000x128xf32>
    %get3A_2 = arith.constant 0 : index
    %get3A_3 = arith.constant 0 : index
    %get3A_4 = vector.load %arg4[%get3A_2, %get3A_3] : memref<128x64xf32, #tpu.memory_space<vmem>>, vector<128x64xf32>
    %dot_general3A = arith.constant dense<0.000000e+00> : vector<10000x64xf32>
    %dot_general3A_5 = tpu.matmul %get3A_1, %get3A_4, %dot_general3A {dimension_numbers = #tpu.dot_dimension_numbers<[1], [0], [0], [1], [0, 0, 1, 1], [], []>, transpose_lhs_hint = false} : vector<10000x128xf32>, vector<128x64xf32>, vector<10000x64xf32> -> vector<10000x64xf32>
    %get3A_6 = arith.constant 0 : index
    %get3A_7 = arith.constant 0 : index
    %get3A_8 = vector.load %arg2[%get3A_6, %get3A_7] : memref<32x128xf32, #tpu.memory_space<vmem>>, vector<32x128xf32>
    %get3A_9 = arith.constant 0 : index
    %get3A_10 = arith.constant 0 : index
    %get3A_11 = vector.load %arg3[%get3A_9, %get3A_10] : memref<128x64xf32, #tpu.memory_space<vmem>>, vector<128x64xf32>
    %dot_general3A_12 = arith.constant dense<0.000000e+00> : vector<32x64xf32>
    %dot_general3A_13 = tpu.matmul %get3A_8, %get3A_11, %dot_general3A_12 {dimension_numbers = #tpu.dot_dimension_numbers<[1], [0], [0], [1], [0, 0, 1, 1], [], []>, transpose_lhs_hint = false} : vector<32x128xf32>, vector<128x64xf32>, vector<32x64xf32> -> vector<32x64xf32>
    %dot_general3A_14 = arith.constant dense<0.000000e+00> : vector<32x10000xf32>
    %dot_general3A_15 = tpu.matmul %dot_general3A_13, %dot_general3A_5, %dot_general3A_14 {dimension_numbers = #tpu.dot_dimension_numbers<[1], [1], [0], [0], [0, 0, 1, 0], [], []>, transpose_lhs_hint = false} : vector<32x64xf32>, vector<10000x64xf32>, vector<32x10000xf32> -> vector<32x10000xf32>
    %mul3A = arith.constant 1.250000e-01 : f32
    %mul3A_16 = vector.broadcast %mul3A : f32 to vector<32x10000xf32>
    %mul3A_17 = arith.mulf %dot_general3A_15, %mul3A_16 : vector<32x10000xf32>
    %iota3A = tpu.iota {dimensions = array<i32: 0>} : vector<32x10000xi32>
    %get3A_18 = arith.constant 0 : index
    %get3A_19 = arith.constant 0 : index
    %get3A_20 = vector.load %arg1[%get3A_18, %get3A_19] : memref<1x10000xi32, #tpu.memory_space<vmem>>, vector<1x10000xi32>
    %eq3A = vector.broadcast %get3A_20 : vector<1x10000xi32> to vector<32x10000xi32>
    %eq3A_21 = arith.cmpi eq, %eq3A, %iota3A : vector<32x10000xi32>
    %jit3A = arith.constant -1.000000e+09 : f32
    %broadcast_in_dim3A = vector.broadcast %jit3A : f32 to vector<32x10000xf32>
    %select_n3A = arith.select %eq3A_21, %mul3A_17, %broadcast_in_dim3A : vector<32x10000xi1>, vector<32x10000xf32>
    %reduce_max3A = arith.constant dense<0xFF800000> : vector<32xf32>
    %reduce_max3A_22 = vector.multi_reduction <maximumf>, %select_n3A, %reduce_max3A [1] : vector<32x10000xf32> to vector<32xf32>
    %broadcast_in_dim3A_23 = vector.shape_cast %reduce_max3A_22 : vector<32xf32> to vector<32x1xf32>
    %sub3A = vector.broadcast %broadcast_in_dim3A_23 : vector<32x1xf32> to vector<32x10000xf32>
    %sub3A_24 = arith.subf %select_n3A, %sub3A : vector<32x10000xf32>
    %exp3A = math.exp %sub3A_24 : vector<32x10000xf32>
    %reduce_sum3A = arith.constant dense<0.000000e+00> : vector<32xf32>
    %reduce_sum3A_25 = vector.multi_reduction <add>, %exp3A, %reduce_sum3A [1] : vector<32x10000xf32> to vector<32xf32>
    %broadcast_in_dim3A_26 = vector.shape_cast %reduce_sum3A_25 : vector<32xf32> to vector<32x1xf32>
    %div3A = vector.broadcast %broadcast_in_dim3A_26 : vector<32x1xf32> to vector<32x10000xf32>
    %div3A_27 = arith.divf %exp3A, %div3A : vector<32x10000xf32>
    %reduce_sum3A_28 = arith.constant dense<0.000000e+00> : vector<10000xf32>
    %reduce_sum3A_29 = vector.multi_reduction <add>, %div3A_27, %reduce_sum3A_28 [0] : vector<32x10000xf32> to vector<10000xf32>
    %broadcast_in_dim3A_30 = vector.shape_cast %reduce_sum3A_29 : vector<10000xf32> to vector<1x10000xf32>
    %mul3A_31 = arith.constant 5.000000e-01 : f32
    %mul3A_32 = vector.broadcast %mul3A_31 : f32 to vector<1x10000xf32>
    %mul3A_33 = arith.mulf %broadcast_in_dim3A_30, %mul3A_32 : vector<1x10000xf32>
    %swap3A = arith.constant 0 : index
    %swap3A_34 = arith.constant 0 : index
    %swap3A_35 = vector.load %arg7[%swap3A, %swap3A_34] : memref<1x10000xf32, #tpu.memory_space<vmem>>, vector<1x10000xf32>
    tpu.vector_store %arg7[%swap3A, %swap3A_34], %mul3A_33 {strides = array<i32>} : memref<1x10000xf32, #tpu.memory_space<vmem>>, vector<1x10000xf32>,
    %get3A_36 = arith.constant 0 : index
    %get3A_37 = arith.constant 0 : index
    %get3A_38 = vector.load %arg5[%get3A_36, %get3A_37] : memref<128x128xf32, #tpu.memory_space<vmem>>, vector<128x128xf32>
    %dot_general3A_39 = arith.constant dense<0.000000e+00> : vector<10000x128xf32>
    %dot_general3A_40 = tpu.matmul %get3A_1, %get3A_38, %dot_general3A_39 {dimension_numbers = #tpu.dot_dimension_numbers<[1], [0], [0], [1], [0, 0, 1, 1], [], []>, transpose_lhs_hint = false} : vector<10000x128xf32>, vector<128x128xf32>, vector<10000x128xf32> -> vector<10000x128xf32>
    %get3A_41 = arith.constant 0 : index
    %get3A_42 = arith.constant 0 : index
    %get3A_43 = vector.load %arg6[%get3A_41, %get3A_42] : memref<1x128xf32, #tpu.memory_space<vmem>>, vector<1x128xf32>
    %add3A = vector.broadcast %get3A_43 : vector<1x128xf32> to vector<10000x128xf32>
    %add3A_44 = arith.addf %dot_general3A_40, %add3A : vector<10000x128xf32>
    %swap3A_45 = arith.constant 0 : index
    %swap3A_46 = arith.constant 0 : index
    %swap3A_47 = vector.load %arg8[%swap3A_45, %swap3A_46] : memref<10000x128xf32, #tpu.memory_space<vmem>>, vector<10000x128xf32>
    tpu.vector_store %arg8[%swap3A_45, %swap3A_46], %add3A_44 {strides = array<i32>} : memref<10000x128xf32, #tpu.memory_space<vmem>>, vector<10000x128xf32>,
    return
  }
}

module attributes {stable_mosaic.version = 14 : i64} {
  func.func @_cross_body(%arg0: i32, %arg1: memref<10000x128xf32, #tpu.memory_space<vmem>>, %arg2: memref<1x10000xi32, #tpu.memory_space<vmem>>, %arg3: memref<32x128xf32, #tpu.memory_space<vmem>>, %arg4: memref<1x128x64xf32, #tpu.memory_space<vmem>>, %arg5: memref<1x128x64xf32, #tpu.memory_space<vmem>>, %arg6: memref<1x128x64xf32, #tpu.memory_space<vmem>>, %arg7: memref<1x64x128xf32, #tpu.memory_space<vmem>>, %arg8: memref<128x256xf32, #tpu.memory_space<vmem>>, %arg9: memref<1x256xf32, #tpu.memory_space<vmem>>, %arg10: memref<256x128xf32, #tpu.memory_space<vmem>>, %arg11: memref<1x128xf32, #tpu.memory_space<vmem>>, %arg12: memref<32x128xf32, #tpu.memory_space<vmem>>, %arg13: memref<32x128xf32, #tpu.memory_space<vmem>>) attributes {dimension_semantics = [#tpu.dimension_semantics<arbitrary>], iteration_bounds = array<i64: 4>, scalar_prefetch = 0 : i64, scratch_operands = 0 : i64, tpu.core_type = #tpu.core_type<tc>, window_params = [{pipeline_mode = #tpu.pipeline_mode<synchronous>, transform_indices = @transform_0, window_bounds = array<i64: 10000, 128>}, {pipeline_mode = #tpu.pipeline_mode<synchronous>, transform_indices = @transform_1, window_bounds = array<i64: 1, 10000>}, {pipeline_mode = #tpu.pipeline_mode<synchronous>, transform_indices = @transform_2, window_bounds = array<i64: 32, 128>}, {transform_indices = @transform_3, window_bounds = array<i64: 1, 128, 64>}, {transform_indices = @transform_4, window_bounds = array<i64: 1, 128, 64>}, {transform_indices = @transform_5, window_bounds = array<i64: 1, 128, 64>}, {transform_indices = @transform_6, window_bounds = array<i64: 1, 64, 128>}, {pipeline_mode = #tpu.pipeline_mode<synchronous>, transform_indices = @transform_7, window_bounds = array<i64: 128, 256>}, {pipeline_mode = #tpu.pipeline_mode<synchronous>, transform_indices = @transform_8, window_bounds = array<i64: 1, 256>}, {pipeline_mode = #tpu.pipeline_mode<synchronous>, transform_indices = @transform_9, window_bounds = array<i64: 256, 128>}, {pipeline_mode = #tpu.pipeline_mode<synchronous>, transform_indices = @transform_10, window_bounds = array<i64: 1, 128>}, {pipeline_mode = #tpu.pipeline_mode<synchronous>, transform_indices = @transform_11, window_bounds = array<i64: 32, 128>}, {pipeline_mode = #tpu.pipeline_mode<synchronous>, transform_indices = @transform_12, window_bounds = array<i64: 32, 128>}]} {
    %get3A = arith.constant 0 : index
    %get3A_0 = arith.constant 0 : index
    %get3A_1 = vector.load %arg1[%get3A, %get3A_0] : memref<10000x128xf32, #tpu.memory_space<vmem>>, vector<10000x128xf32>
    %get3A_2 = arith.constant 0 : index
    %get3A_3 = arith.constant 0 : index
    %get3A_4 = arith.constant 0 : index
    %get3A_5 = vector.load %arg4[%get3A_2, %get3A_3, %get3A_4] : memref<1x128x64xf32, #tpu.memory_space<vmem>>, vector<1x128x64xf32>
    %get3A_6 = vector.shape_cast %get3A_5 : vector<1x128x64xf32> to vector<128x64xf32>
    %dot_general3A = arith.constant dense<0.000000e+00> : vector<10000x64xf32>
    %dot_general3A_7 = tpu.matmul %get3A_1, %get3A_6, %dot_general3A {dimension_numbers = #tpu.dot_dimension_numbers<[1], [0], [0], [1], [0, 0, 1, 1], [], []>, transpose_lhs_hint = false} : vector<10000x128xf32>, vector<128x64xf32>, vector<10000x64xf32> -> vector<10000x64xf32>
    %get3A_8 = arith.constant 0 : index
    %get3A_9 = arith.constant 0 : index
    %get3A_10 = arith.constant 0 : index
    %get3A_11 = vector.load %arg5[%get3A_8, %get3A_9, %get3A_10] : memref<1x128x64xf32, #tpu.memory_space<vmem>>, vector<1x128x64xf32>
    %get3A_12 = vector.shape_cast %get3A_11 : vector<1x128x64xf32> to vector<128x64xf32>
    %dot_general3A_13 = arith.constant dense<0.000000e+00> : vector<10000x64xf32>
    %dot_general3A_14 = tpu.matmul %get3A_1, %get3A_12, %dot_general3A_13 {dimension_numbers = #tpu.dot_dimension_numbers<[1], [0], [0], [1], [0, 0, 1, 1], [], []>, transpose_lhs_hint = false} : vector<10000x128xf32>, vector<128x64xf32>, vector<10000x64xf32> -> vector<10000x64xf32>
    %get3A_15 = arith.constant 0 : index
    %get3A_16 = arith.constant 0 : index
    %get3A_17 = vector.load %arg3[%get3A_15, %get3A_16] : memref<32x128xf32, #tpu.memory_space<vmem>>, vector<32x128xf32>
    %get3A_18 = arith.constant 0 : index
    %get3A_19 = arith.constant 0 : index
    %get3A_20 = arith.constant 0 : index
    %get3A_21 = vector.load %arg6[%get3A_18, %get3A_19, %get3A_20] : memref<1x128x64xf32, #tpu.memory_space<vmem>>, vector<1x128x64xf32>
    %get3A_22 = vector.shape_cast %get3A_21 : vector<1x128x64xf32> to vector<128x64xf32>
    %dot_general3A_23 = arith.constant dense<0.000000e+00> : vector<32x64xf32>
    %dot_general3A_24 = tpu.matmul %get3A_17, %get3A_22, %dot_general3A_23 {dimension_numbers = #tpu.dot_dimension_numbers<[1], [0], [0], [1], [0, 0, 1, 1], [], []>, transpose_lhs_hint = false} : vector<32x128xf32>, vector<128x64xf32>, vector<32x64xf32> -> vector<32x64xf32>
    %dot_general3A_25 = arith.constant dense<0.000000e+00> : vector<32x10000xf32>
    %dot_general3A_26 = tpu.matmul %dot_general3A_24, %dot_general3A_7, %dot_general3A_25 {dimension_numbers = #tpu.dot_dimension_numbers<[1], [1], [0], [0], [0, 0, 1, 0], [], []>, transpose_lhs_hint = false} : vector<32x64xf32>, vector<10000x64xf32>, vector<32x10000xf32> -> vector<32x10000xf32>
    %mul3A = arith.constant 1.250000e-01 : f32
    %mul3A_27 = vector.broadcast %mul3A : f32 to vector<32x10000xf32>
    %mul3A_28 = arith.mulf %dot_general3A_26, %mul3A_27 : vector<32x10000xf32>
    %iota3A = tpu.iota {dimensions = array<i32: 0>} : vector<32x10000xi32>
    %get3A_29 = arith.constant 0 : index
    %get3A_30 = arith.constant 0 : index
    %get3A_31 = vector.load %arg2[%get3A_29, %get3A_30] : memref<1x10000xi32, #tpu.memory_space<vmem>>, vector<1x10000xi32>
    %eq3A = vector.broadcast %get3A_31 : vector<1x10000xi32> to vector<32x10000xi32>
    %eq3A_32 = arith.cmpi eq, %eq3A, %iota3A : vector<32x10000xi32>
    %jit3A = arith.constant -1.000000e+09 : f32
    %broadcast_in_dim3A = vector.broadcast %jit3A : f32 to vector<32x10000xf32>
    %select_n3A = arith.select %eq3A_32, %mul3A_28, %broadcast_in_dim3A : vector<32x10000xi1>, vector<32x10000xf32>
    %reduce_max3A = arith.constant dense<0xFF800000> : vector<32xf32>
    %reduce_max3A_33 = vector.multi_reduction <maximumf>, %select_n3A, %reduce_max3A [1] : vector<32x10000xf32> to vector<32xf32>
    %broadcast_in_dim3A_34 = vector.shape_cast %reduce_max3A_33 : vector<32xf32> to vector<32x1xf32>
    %sub3A = vector.broadcast %broadcast_in_dim3A_34 : vector<32x1xf32> to vector<32x10000xf32>
    %sub3A_35 = arith.subf %select_n3A, %sub3A : vector<32x10000xf32>
    %exp3A = math.exp %sub3A_35 : vector<32x10000xf32>
    %reduce_sum3A = arith.constant dense<0.000000e+00> : vector<32xf32>
    %reduce_sum3A_36 = vector.multi_reduction <add>, %exp3A, %reduce_sum3A [1] : vector<32x10000xf32> to vector<32xf32>
    %broadcast_in_dim3A_37 = vector.shape_cast %reduce_sum3A_36 : vector<32xf32> to vector<32x1xf32>
    %div3A = vector.broadcast %broadcast_in_dim3A_37 : vector<32x1xf32> to vector<32x10000xf32>
    %div3A_38 = arith.divf %exp3A, %div3A : vector<32x10000xf32>
    %dot_general3A_39 = arith.constant dense<0.000000e+00> : vector<32x64xf32>
    %dot_general3A_40 = tpu.matmul %div3A_38, %dot_general3A_14, %dot_general3A_39 {dimension_numbers = #tpu.dot_dimension_numbers<[1], [0], [0], [1], [0, 0, 1, 1], [], []>, transpose_lhs_hint = false} : vector<32x10000xf32>, vector<10000x64xf32>, vector<32x64xf32> -> vector<32x64xf32>
    %get3A_41 = arith.constant 0 : index
    %get3A_42 = arith.constant 0 : index
    %get3A_43 = arith.constant 0 : index
    %get3A_44 = vector.load %arg7[%get3A_41, %get3A_42, %get3A_43] : memref<1x64x128xf32, #tpu.memory_space<vmem>>, vector<1x64x128xf32>
    %get3A_45 = vector.shape_cast %get3A_44 : vector<1x64x128xf32> to vector<64x128xf32>
    %dot_general3A_46 = arith.constant dense<0.000000e+00> : vector<32x128xf32>
    %dot_general3A_47 = tpu.matmul %dot_general3A_40, %get3A_45, %dot_general3A_46 {dimension_numbers = #tpu.dot_dimension_numbers<[1], [0], [0], [1], [0, 0, 1, 1], [], []>, transpose_lhs_hint = false} : vector<32x64xf32>, vector<64x128xf32>, vector<32x128xf32> -> vector<32x128xf32>
    %eq3A_48 = arith.constant 0 : i32
    %eq3A_49 = arith.cmpi eq, %arg0, %eq3A_48 : i32
    %convert_element_type3A = arith.extui %eq3A_49 : i1 to i32
    %cond3A = arith.constant 0 : i32
    %cond3A_50 = arith.cmpi ne, %convert_element_type3A, %cond3A : i32
    scf.if %cond3A_50 {
      %swap3A = arith.constant 0 : index
      %swap3A_60 = arith.constant 0 : index
      %swap3A_61 = vector.load %arg12[%swap3A, %swap3A_60] : memref<32x128xf32, #tpu.memory_space<vmem>>, vector<32x128xf32>
      tpu.vector_store %arg12[%swap3A, %swap3A_60], %dot_general3A_47 {strides = array<i32>} : memref<32x128xf32, #tpu.memory_space<vmem>>, vector<32x128xf32>,
    } else {
    }
    %gt3A = arith.constant 0 : i32
    %gt3A_51 = arith.cmpi sgt, %arg0, %gt3A : i32
    %convert_element_type3A_52 = arith.extui %gt3A_51 : i1 to i32
    %cond3A_53 = arith.constant 0 : i32
    %cond3A_54 = arith.cmpi ne, %convert_element_type3A_52, %cond3A_53 : i32
    scf.if %cond3A_54 {
      %get3A_60 = arith.constant 0 : index
      %get3A_61 = arith.constant 0 : index
      %get3A_62 = vector.load %arg12[%get3A_60, %get3A_61] : memref<32x128xf32, #tpu.memory_space<vmem>>, vector<32x128xf32>
      %add3A = arith.addf %get3A_62, %dot_general3A_47 : vector<32x128xf32>
      %swap3A = arith.constant 0 : index
      %swap3A_63 = arith.constant 0 : index
      %swap3A_64 = vector.load %arg12[%swap3A, %swap3A_63] : memref<32x128xf32, #tpu.memory_space<vmem>>, vector<32x128xf32>
      tpu.vector_store %arg12[%swap3A, %swap3A_63], %add3A {strides = array<i32>} : memref<32x128xf32, #tpu.memory_space<vmem>>, vector<32x128xf32>,
    } else {
    }
    %eq3A_55 = arith.constant 3 : i32
    %eq3A_56 = arith.cmpi eq, %arg0, %eq3A_55 : i32
    %convert_element_type3A_57 = arith.extui %eq3A_56 : i1 to i32
    %cond3A_58 = arith.constant 0 : i32
    %cond3A_59 = arith.cmpi ne, %convert_element_type3A_57, %cond3A_58 : i32
    scf.if %cond3A_59 {
      %get3A_60 = arith.constant 0 : index
      %get3A_61 = arith.constant 0 : index
      %get3A_62 = vector.load %arg3[%get3A_60, %get3A_61] : memref<32x128xf32, #tpu.memory_space<vmem>>, vector<32x128xf32>
      %get3A_63 = arith.constant 0 : index
      %get3A_64 = arith.constant 0 : index
      %get3A_65 = vector.load %arg12[%get3A_63, %get3A_64] : memref<32x128xf32, #tpu.memory_space<vmem>>, vector<32x128xf32>
      %add3A = arith.addf %get3A_62, %get3A_65 : vector<32x128xf32>
      %get3A_66 = arith.constant 0 : index
      %get3A_67 = arith.constant 0 : index
      %get3A_68 = vector.load %arg8[%get3A_66, %get3A_67] : memref<128x256xf32, #tpu.memory_space<vmem>>, vector<128x256xf32>
      %dot_general3A_69 = arith.constant dense<0.000000e+00> : vector<32x256xf32>
      %dot_general3A_70 = tpu.matmul %add3A, %get3A_68, %dot_general3A_69 {dimension_numbers = #tpu.dot_dimension_numbers<[1], [0], [0], [1], [0, 0, 1, 1], [], []>, transpose_lhs_hint = false} : vector<32x128xf32>, vector<128x256xf32>, vector<32x256xf32> -> vector<32x256xf32>
      %get3A_71 = arith.constant 0 : index
      %get3A_72 = arith.constant 0 : index
      %get3A_73 = vector.load %arg9[%get3A_71, %get3A_72] : memref<1x256xf32, #tpu.memory_space<vmem>>, vector<1x256xf32>
      %add3A_74 = vector.broadcast %get3A_73 : vector<1x256xf32> to vector<32x256xf32>
      %add3A_75 = arith.addf %dot_general3A_70, %add3A_74 : vector<32x256xf32>
      %max3A = arith.constant 0.000000e+00 : f32
      %max3A_76 = vector.broadcast %max3A : f32 to vector<32x256xf32>
      %max3A_77 = arith.maximumf %add3A_75, %max3A_76 : vector<32x256xf32>
      %get3A_78 = arith.constant 0 : index
      %get3A_79 = arith.constant 0 : index
      %get3A_80 = vector.load %arg10[%get3A_78, %get3A_79] : memref<256x128xf32, #tpu.memory_space<vmem>>, vector<256x128xf32>
      %dot_general3A_81 = arith.constant dense<0.000000e+00> : vector<32x128xf32>
      %dot_general3A_82 = tpu.matmul %max3A_77, %get3A_80, %dot_general3A_81 {dimension_numbers = #tpu.dot_dimension_numbers<[1], [0], [0], [1], [0, 0, 1, 1], [], []>, transpose_lhs_hint = false} : vector<32x256xf32>, vector<256x128xf32>, vector<32x128xf32> -> vector<32x128xf32>
      %add3A_83 = arith.addf %add3A, %dot_general3A_82 : vector<32x128xf32>
      %get3A_84 = arith.constant 0 : index
      %get3A_85 = arith.constant 0 : index
      %get3A_86 = vector.load %arg11[%get3A_84, %get3A_85] : memref<1x128xf32, #tpu.memory_space<vmem>>, vector<1x128xf32>
      %add3A_87 = vector.broadcast %get3A_86 : vector<1x128xf32> to vector<32x128xf32>
      %add3A_88 = arith.addf %add3A_83, %add3A_87 : vector<32x128xf32>
      %swap3A = arith.constant 0 : index
      %swap3A_89 = arith.constant 0 : index
      %swap3A_90 = vector.load %arg13[%swap3A, %swap3A_89] : memref<32x128xf32, #tpu.memory_space<vmem>>, vector<32x128xf32>
      tpu.vector_store %arg13[%swap3A, %swap3A_89], %add3A_88 {strides = array<i32>} : memref<32x128xf32, #tpu.memory_space<vmem>>, vector<32x128xf32>,
    } else {
    }
    return
  }
  func.func @transform_0(%arg0: i32) -> (i32, i32) {
    %c0_i32 = arith.constant 0 : i32
    %c0_i32_0 = arith.constant 0 : i32
    %c0_i32_1 = arith.constant 0 : i32
    return %c0_i32, %c0_i32_0 : i32, i32
  }
  func.func @transform_1(%arg0: i32) -> (i32, i32) {
    %c0_i32 = arith.constant 0 : i32
    %c0_i32_0 = arith.constant 0 : i32
    %c0_i32_1 = arith.constant 0 : i32
    return %c0_i32, %c0_i32_0 : i32, i32
  }
  func.func @transform_2(%arg0: i32) -> (i32, i32) {
    %c0_i32 = arith.constant 0 : i32
    %c0_i32_0 = arith.constant 0 : i32
    %c0_i32_1 = arith.constant 0 : i32
    return %c0_i32, %c0_i32_0 : i32, i32
  }
  func.func @transform_3(%arg0: i32) -> (i32, i32, i32) {
    %c0_i32 = arith.constant 0 : i32
    %c0_i32_0 = arith.constant 0 : i32
    %c0_i32_1 = arith.constant 0 : i32
    return %arg0, %c0_i32, %c0_i32_0 : i32, i32, i32
  }
  func.func @transform_4(%arg0: i32) -> (i32, i32, i32) {
    %c0_i32 = arith.constant 0 : i32
    %c0_i32_0 = arith.constant 0 : i32
    %c0_i32_1 = arith.constant 0 : i32
    return %arg0, %c0_i32, %c0_i32_0 : i32, i32, i32
  }
  func.func @transform_5(%arg0: i32) -> (i32, i32, i32) {
    %c0_i32 = arith.constant 0 : i32
    %c0_i32_0 = arith.constant 0 : i32
    %c0_i32_1 = arith.constant 0 : i32
    return %arg0, %c0_i32, %c0_i32_0 : i32, i32, i32
  }
  func.func @transform_6(%arg0: i32) -> (i32, i32, i32) {
    %c0_i32 = arith.constant 0 : i32
    %c0_i32_0 = arith.constant 0 : i32
    %c0_i32_1 = arith.constant 0 : i32
    return %arg0, %c0_i32, %c0_i32_0 : i32, i32, i32
  }
  func.func @transform_7(%arg0: i32) -> (i32, i32) {
    %c0_i32 = arith.constant 0 : i32
    %c0_i32_0 = arith.constant 0 : i32
    %c0_i32_1 = arith.constant 0 : i32
    return %c0_i32, %c0_i32_0 : i32, i32
  }
  func.func @transform_8(%arg0: i32) -> (i32, i32) {
    %c0_i32 = arith.constant 0 : i32
    %c0_i32_0 = arith.constant 0 : i32
    %c0_i32_1 = arith.constant 0 : i32
    return %c0_i32, %c0_i32_0 : i32, i32
  }
  func.func @transform_9(%arg0: i32) -> (i32, i32) {
    %c0_i32 = arith.constant 0 : i32
    %c0_i32_0 = arith.constant 0 : i32
    %c0_i32_1 = arith.constant 0 : i32
    return %c0_i32, %c0_i32_0 : i32, i32
  }
  func.func @transform_10(%arg0: i32) -> (i32, i32) {
    %c0_i32 = arith.constant 0 : i32
    %c0_i32_0 = arith.constant 0 : i32
    %c0_i32_1 = arith.constant 0 : i32
    return %c0_i32, %c0_i32_0 : i32, i32
  }
  func.func @transform_11(%arg0: i32) -> (i32, i32) {
    %c0_i32 = arith.constant 0 : i32
    %c0_i32_0 = arith.constant 0 : i32
    %c0_i32_1 = arith.constant 0 : i32
    return %c0_i32, %c0_i32_0 : i32, i32
  }
  func.func @transform_12(%arg0: i32) -> (i32, i32) {
    %c0_i32 = arith.constant 0 : i32
    %c0_i32_0 = arith.constant 0 : i32
    %c0_i32_1 = arith.constant 0 : i32
    return %c0_i32, %c0_i32_0 : i32, i32
  }
}

module attributes {stable_mosaic.version = 14 : i64} {
  func.func @_dis_body(%arg0: memref<2x10240x128xf32, #tpu.memory_space<vmem>>, %arg1: memref<10240x16xf32, #tpu.memory_space<vmem>>) attributes {dimension_semantics = [], scalar_prefetch = 0 : i64, scratch_operands = 0 : i64, tpu.core_type = #tpu.core_type<tc>} {
    %get3A = arith.constant 0 : index
    %get3A_0 = arith.constant 0 : index
    %get3A_1 = arith.constant 0 : index
    %get3A_2 = vector.load %arg0[%get3A, %get3A_0, %get3A_1] : memref<2x10240x128xf32, #tpu.memory_space<vmem>>, vector<1x10240x16xf32>
    %get3A_3 = vector.shape_cast %get3A_2 : vector<1x10240x16xf32> to vector<10240x16xf32>
    %get3A_4 = arith.constant 1 : index
    %get3A_5 = arith.constant 0 : index
    %get3A_6 = arith.constant 0 : index
    %get3A_7 = vector.load %arg0[%get3A_4, %get3A_5, %get3A_6] : memref<2x10240x128xf32, #tpu.memory_space<vmem>>, vector<1x10240x16xf32>
    %get3A_8 = vector.shape_cast %get3A_7 : vector<1x10240x16xf32> to vector<10240x16xf32>
    %add3A = arith.addf %get3A_3, %get3A_8 : vector<10240x16xf32>
    %gt3A = arith.constant 0.000000e+00 : f32
    %gt3A_9 = vector.broadcast %gt3A : f32 to vector<10240x16xf32>
    %gt3A_10 = arith.cmpf ogt, %add3A, %gt3A_9 : vector<10240x16xf32>
    %max3A = arith.constant 1.000000e-30 : f32
    %max3A_11 = vector.broadcast %max3A : f32 to vector<10240x16xf32>
    %max3A_12 = arith.maximumf %add3A, %max3A_11 : vector<10240x16xf32>
    %rsqrt3A = math.rsqrt %max3A_12 : vector<10240x16xf32>
    %jit3A = arith.constant 0.000000e+00 : f32
    %broadcast_in_dim3A = vector.broadcast %jit3A : f32 to vector<10240x16xf32>
    %select_n3A = arith.select %gt3A_10, %rsqrt3A, %broadcast_in_dim3A : vector<10240x16xi1>, vector<10240x16xf32>
    %swap3A = arith.constant 0 : index
    %swap3A_13 = arith.constant 0 : index
    %swap3A_14 = vector.load %arg1[%swap3A, %swap3A_13] : memref<10240x16xf32, #tpu.memory_space<vmem>>, vector<10240x16xf32>
    tpu.vector_store %arg1[%swap3A, %swap3A_13], %select_n3A {strides = array<i32>} : memref<10240x16xf32, #tpu.memory_space<vmem>>, vector<10240x16xf32>,
    return
  }
}

module attributes {stable_mosaic.version = 14 : i64} {
  func.func @_bnl_body(%arg0: memref<2x10240x128xf32, #tpu.memory_space<vmem>>, %arg1: memref<1x128xf32, #tpu.memory_space<vmem>>, %arg2: memref<1x128xf32, #tpu.memory_space<vmem>>, %arg3: memref<10000x128xf32, #tpu.memory_space<vmem>>) attributes {dimension_semantics = [], scalar_prefetch = 0 : i64, scratch_operands = 0 : i64, tpu.core_type = #tpu.core_type<tc>} {
    %get3A = arith.constant 0 : index
    %get3A_0 = arith.constant 0 : index
    %get3A_1 = arith.constant 0 : index
    %get3A_2 = vector.load %arg0[%get3A, %get3A_0, %get3A_1] : memref<2x10240x128xf32, #tpu.memory_space<vmem>>, vector<1x10000x128xf32>
    %get3A_3 = vector.shape_cast %get3A_2 : vector<1x10000x128xf32> to vector<10000x128xf32>
    %get3A_4 = arith.constant 1 : index
    %get3A_5 = arith.constant 0 : index
    %get3A_6 = arith.constant 0 : index
    %get3A_7 = vector.load %arg0[%get3A_4, %get3A_5, %get3A_6] : memref<2x10240x128xf32, #tpu.memory_space<vmem>>, vector<1x10000x128xf32>
    %get3A_8 = vector.shape_cast %get3A_7 : vector<1x10000x128xf32> to vector<10000x128xf32>
    %add3A = arith.addf %get3A_3, %get3A_8 : vector<10000x128xf32>
    %max3A = arith.constant 0.000000e+00 : f32
    %max3A_9 = vector.broadcast %max3A : f32 to vector<10000x128xf32>
    %max3A_10 = arith.maximumf %add3A, %max3A_9 : vector<10000x128xf32>
    %reduce_sum3A = arith.constant dense<0.000000e+00> : vector<128xf32>
    %reduce_sum3A_11 = vector.multi_reduction <add>, %max3A_10, %reduce_sum3A [0] : vector<10000x128xf32> to vector<128xf32>
    %div3A = arith.constant 1.000000e+04 : f32
    %div3A_12 = vector.broadcast %div3A : f32 to vector<128xf32>
    %div3A_13 = arith.divf %reduce_sum3A_11, %div3A_12 : vector<128xf32>
    %broadcast_in_dim3A = vector.shape_cast %div3A_13 : vector<128xf32> to vector<1x128xf32>
    %sub3A = vector.broadcast %broadcast_in_dim3A : vector<1x128xf32> to vector<10000x128xf32>
    %sub3A_14 = arith.subf %max3A_10, %sub3A : vector<10000x128xf32>
    %integer_pow3A = arith.mulf %sub3A_14, %sub3A_14 : vector<10000x128xf32>
    %reduce_sum3A_15 = arith.constant dense<0.000000e+00> : vector<128xf32>
    %reduce_sum3A_16 = vector.multi_reduction <add>, %integer_pow3A, %reduce_sum3A_15 [0] : vector<10000x128xf32> to vector<128xf32>
    %div3A_17 = arith.constant 1.000000e+04 : f32
    %div3A_18 = vector.broadcast %div3A_17 : f32 to vector<128xf32>
    %div3A_19 = arith.divf %reduce_sum3A_16, %div3A_18 : vector<128xf32>
    %broadcast_in_dim3A_20 = vector.shape_cast %div3A_13 : vector<128xf32> to vector<1x128xf32>
    %sub3A_21 = vector.broadcast %broadcast_in_dim3A_20 : vector<1x128xf32> to vector<10000x128xf32>
    %sub3A_22 = arith.subf %max3A_10, %sub3A_21 : vector<10000x128xf32>
    %add3A_23 = arith.constant 9.99999974E-6 : f32
    %add3A_24 = vector.broadcast %add3A_23 : f32 to vector<128xf32>
    %add3A_25 = arith.addf %div3A_19, %add3A_24 : vector<128xf32>
    %rsqrt3A = math.rsqrt %add3A_25 : vector<128xf32>
    %broadcast_in_dim3A_26 = vector.shape_cast %rsqrt3A : vector<128xf32> to vector<1x128xf32>
    %mul3A = vector.broadcast %broadcast_in_dim3A_26 : vector<1x128xf32> to vector<10000x128xf32>
    %mul3A_27 = arith.mulf %sub3A_22, %mul3A : vector<10000x128xf32>
    %get3A_28 = arith.constant 0 : index
    %get3A_29 = arith.constant 0 : index
    %get3A_30 = vector.load %arg1[%get3A_28, %get3A_29] : memref<1x128xf32, #tpu.memory_space<vmem>>, vector<1x128xf32>
    %mul3A_31 = vector.broadcast %get3A_30 : vector<1x128xf32> to vector<10000x128xf32>
    %mul3A_32 = arith.mulf %mul3A_27, %mul3A_31 : vector<10000x128xf32>
    %get3A_33 = arith.constant 0 : index
    %get3A_34 = arith.constant 0 : index
    %get3A_35 = vector.load %arg2[%get3A_33, %get3A_34] : memref<1x128xf32, #tpu.memory_space<vmem>>, vector<1x128xf32>
    %add3A_36 = vector.broadcast %get3A_35 : vector<1x128xf32> to vector<10000x128xf32>
    %add3A_37 = arith.addf %mul3A_32, %add3A_36 : vector<10000x128xf32>
    %swap3A = arith.constant 0 : index
    %swap3A_38 = arith.constant 0 : index
    %swap3A_39 = vector.load %arg3[%swap3A, %swap3A_38] : memref<10000x128xf32, #tpu.memory_space<vmem>>, vector<10000x128xf32>
    tpu.vector_store %arg3[%swap3A, %swap3A_38], %add3A_37 {strides = array<i32>} : memref<10000x128xf32, #tpu.memory_space<vmem>>, vector<10000x128xf32>,
    return
  }
}

module attributes {stable_mosaic.version = 14 : i64} {
  func.func @_head_body(%arg0: memref<32x128xf32, #tpu.memory_space<vmem>>, %arg1: memref<128x256xf32, #tpu.memory_space<vmem>>, %arg2: memref<1x256xf32, #tpu.memory_space<vmem>>, %arg3: memref<256x10xf32, #tpu.memory_space<vmem>>, %arg4: memref<1x10xf32, #tpu.memory_space<vmem>>, %arg5: memref<32x10xf32, #tpu.memory_space<vmem>>) attributes {dimension_semantics = [], scalar_prefetch = 0 : i64, scratch_operands = 0 : i64, tpu.core_type = #tpu.core_type<tc>} {
    %get3A = arith.constant 0 : index
    %get3A_0 = arith.constant 0 : index
    %get3A_1 = vector.load %arg0[%get3A, %get3A_0] : memref<32x128xf32, #tpu.memory_space<vmem>>, vector<32x128xf32>
    %get3A_2 = arith.constant 0 : index
    %get3A_3 = arith.constant 0 : index
    %get3A_4 = vector.load %arg1[%get3A_2, %get3A_3] : memref<128x256xf32, #tpu.memory_space<vmem>>, vector<128x256xf32>
    %dot_general3A = arith.constant dense<0.000000e+00> : vector<32x256xf32>
    %dot_general3A_5 = tpu.matmul %get3A_1, %get3A_4, %dot_general3A {dimension_numbers = #tpu.dot_dimension_numbers<[1], [0], [0], [1], [0, 0, 1, 1], [], []>, transpose_lhs_hint = false} : vector<32x128xf32>, vector<128x256xf32>, vector<32x256xf32> -> vector<32x256xf32>
    %get3A_6 = arith.constant 0 : index
    %get3A_7 = arith.constant 0 : index
    %get3A_8 = vector.load %arg2[%get3A_6, %get3A_7] : memref<1x256xf32, #tpu.memory_space<vmem>>, vector<1x256xf32>
    %add3A = vector.broadcast %get3A_8 : vector<1x256xf32> to vector<32x256xf32>
    %add3A_9 = arith.addf %dot_general3A_5, %add3A : vector<32x256xf32>
    %max3A = arith.constant 0.000000e+00 : f32
    %max3A_10 = vector.broadcast %max3A : f32 to vector<32x256xf32>
    %max3A_11 = arith.maximumf %add3A_9, %max3A_10 : vector<32x256xf32>
    %get3A_12 = arith.constant 0 : index
    %get3A_13 = arith.constant 0 : index
    %get3A_14 = vector.load %arg3[%get3A_12, %get3A_13] : memref<256x10xf32, #tpu.memory_space<vmem>>, vector<256x10xf32>
    %dot_general3A_15 = arith.constant dense<0.000000e+00> : vector<32x10xf32>
    %dot_general3A_16 = tpu.matmul %max3A_11, %get3A_14, %dot_general3A_15 {dimension_numbers = #tpu.dot_dimension_numbers<[1], [0], [0], [1], [0, 0, 1, 1], [], []>, transpose_lhs_hint = false} : vector<32x256xf32>, vector<256x10xf32>, vector<32x10xf32> -> vector<32x10xf32>
    %get3A_17 = arith.constant 0 : index
    %get3A_18 = arith.constant 0 : index
    %get3A_19 = vector.load %arg4[%get3A_17, %get3A_18] : memref<1x10xf32, #tpu.memory_space<vmem>>, vector<1x10xf32>
    %add3A_20 = vector.broadcast %get3A_19 : vector<1x10xf32> to vector<32x10xf32>
    %add3A_21 = arith.addf %dot_general3A_16, %add3A_20 : vector<32x10xf32>
    %swap3A = arith.constant 0 : index
    %swap3A_22 = arith.constant 0 : index
    %swap3A_23 = vector.load %arg5[%swap3A, %swap3A_22] : memref<32x10xf32, #tpu.memory_space<vmem>>, vector<32x10xf32>
    tpu.vector_store %arg5[%swap3A, %swap3A_22], %add3A_21 {strides = array<i32>} : memref<32x10xf32, #tpu.memory_space<vmem>>, vector<32x10xf32>,
    return
  }
}

</mosaic_0001>

<sc_bundles>
// kernel: kernel.15.cloned.1.call-start
scs
__scs_entry_jumppad:
0x0: {  	(pc) =	sbr.rel $0x88, $3  }
0x1: {  	(tag) =	ssettag $0x0;
	lr =	simm.s32 $0x1  }
0x2: {  	[smem:$0x3F83] =	sst lr;
	_ =	strace $0xD0000000  }
0x3: {  	_ = 	snop  }
0x4: {  	_ = 	snop  }
0x5: {  	_ = 	snop  }
0x6: {  	_ = 	snop  }
0x7: {  	_ = 	snop  }
__scs_overlays_trampoline_lowered:
0x8: {  	[smem:$0x3F92] =	sst s0  }
0x9: {  	[smem:$0x3F93] =	sst s1  }
0xa: {  	[smem:$0x3F94] =	sst s2  }
0xb: {  	[smem:$0x3F95] =	sst s3  }
0xc: {  	[smem:$0x3F96] =	sst s4  }
0xd: {  	[smem:$0x3F97] =	sst s5  }
0xe: {  	[smem:$0x3F98] =	sst s6  }
0xf: {  	[smem:$0x3F99] =	sst s7  }
0x10: {  	[smem:$0x3F9A] =	sst s8  }
0x11: {  	[smem:$0x3F9B] =	sst s9;
	s0 =	simm.s32 @!p0 $0x0  }
0x12: {  	s1 =	sld [smem:$0x3F81];
	s0 =	simm.s32 @p0 $0x1  }
0x13: {  	[smem:$0x3F9C] =	sst s0;
	s0 =	simm.s32 @!p1 $0x0  }
0x14: {  	s2 =	sld [smem:$0x3F80];
	s0 =	simm.s32 @p1 $0x1  }
0x15: {  	[smem:$0x3F9D] =	sst s0;
	s0 =	simm.s32 @!p2 $0x0  }
0x16: {  	s3 =	sld [smem:$0x3FDB];
	s0 =	simm.s32 @p2 $0x1  }
0x17: {  	s4 =	simm.s32 $0x1BF5;
	[smem:$0x3F9F] =	sst s0  }
0x18: {  	s0 =	sld [smem:$0x3F82];
	_ =	swait.ge [sflag:s4], $0x0  }
0x19: {  	s7 =	sld [smem:$0x3F83]  }
0x1a: {  	s8 =	sadd.s32 $0xFFFFE003, lr  }
0x1b: {  	s9 =	sadd.s32 $0xFFFFFEF7, lr;
	s5 =	simm.s32 $0xFFFFFFFF;
	p2 =	slt.u32 s8, $0xFFFFF086  }
0x1c: {  	p1 =	slt.u32 s9, $0xF7A;
	s5 =	simm.s32 @!p2 $0x0  }
0x1d: {  	s5 =	simm.s32 @p1 $0x1;
	p0 =	seq.s32 s7, s2  }
0x1e: {  	s7 =	smul.u32 @!p0 $0xF7A, s2;
	p2 =	seq.s32 @!p0 s5, $0x0  }
0x1f: {  	s9 =	smul.u32 $0xF7A, s1;
	s8 =	simm.s32 @!p0 $0x1BF5;
	p2 =	por !p2, p0  }
0x20: {  	[sflag:s8] =	ssyncset.s32 @!p0 $0xFFFFF086;
	s6 =	sadd.s32 @!p0 s3, s7;
	s7 =	simm.s32 @!p0 $0x108  }
0x21: {  	s3 =	sadd.s32 s3, s9;
	s6 =	sadd.s32 @!p0 $0x88, s6;
	s7 =	simm.s32 @p2 $0x1082  }
0x22: {  	[simem:s7], [sflag:s8] =	dma.local @!p0 [hbm:s6], $0xF7A  }
0x23: {  	s9 =	sor.u32 $0xD0000000, s2;
	s6 =	simm.s32 $0x108;
	_ =	swait.ge @!p0 [sflag:s8], $0x0  }
0x24: {  	s3 =	sadd.s32 $0x88, s3;
	s6 =	simm.s32 @!p1 $0x1082;
	[sflag:s4] =	ssyncset.s32 $0xFFFFF086  }
0x25: {  	[simem:s6], [sflag:s4] =	dma.local [hbm:s3], $0xF7A  }
0x26: {  	[smem:$0x3F83] =	sst s1;
	(tag) =	ssettag s2;
	_ =	strace s9  }
0x27: {  	s1 =	sld [smem:$0x3F93]  }
0x28: {  	s2 =	sld [smem:$0x3F94]  }
0x29: {  	s4 =	sld [smem:$0x3F96]  }
0x2a: {  	p0 =	seq.s32 s5, $0x0;
	s5 =	sld [smem:$0x3F97]  }
0x2b: {  	s6 =	sld [smem:$0x3F98]  }
0x2c: {  	s7 =	sld [smem:$0x3F99]  }
0x2d: {  	s3 =	simm.s32 $0x108;
	s8 =	sld [smem:$0x3F9A]  }
0x2e: {  	s3 =	simm.s32 @!p0 $0x1082;
	s9 =	sld [smem:$0x3F9B]  }
0x2f: {  	lr =	sadd.s32 s0, s3;
	s0 =	sld [smem:$0x3F92]  }
0x30: {  	s3 =	sld [smem:$0x3F95]  }
0x31: {  	[smem:$0x3F9E] =	sst s10  }
0x32: {  	s10 =	sld [smem:$0x3F9C];
	_ =	sdelay $0x3  }
0x33: {  	p0 =	seq.s32 s10, $0x1;
	s10 =	sld [smem:$0x3F9E];
	_ =	sdelay $0x3  }
0x34: {  	[smem:$0x3F9E] =	sst s10  }
0x35: {  	s10 =	sld [smem:$0x3F9D];
	_ =	sdelay $0x3  }
0x36: {  	p1 =	seq.s32 s10, $0x1;
	s10 =	sld [smem:$0x3F9E];
	_ =	sdelay $0x3  }
0x37: {  	[smem:$0x3F9E] =	sst s10  }
0x38: {  	s10 =	sld [smem:$0x3F9F]  }
0x39: {  	_ = 	snop;
	(pc) =	sbr.ind lr, $3  }
0x3a: {  	_ = 	snop  }
0x3b: {  	_ = 	snop  }
0x3c: {  	p2 =	seq.s32 s10, $0x1;
	s10 =	sld [smem:$0x3F9E]  }
0x3d: {  	_ =	shalt  }
0x3e: {  	_ =	shalt  }
0x3f: {  	_ =	shalt  }
0x40: {  	_ =	shalt  }
0x41: {  	_ =	shalt  }
0x42: {  	_ =	shalt  }
0x43: {  	_ =	shalt  }
0x44: {  	_ =	shalt  }
0x45: {  	_ =	shalt  }
0x46: {  	_ =	shalt  }
0x47: {  	_ =	shalt  }
0x48: {  	_ =	shalt  }
0x49: {  	_ =	shalt  }
0x4a: {  	_ =	shalt  }
0x4b: {  	_ =	shalt  }
0x4c: {  	_ =	shalt  }
0x4d: {  	_ =	shalt  }
0x4e: {  	_ =	shalt  }
0x4f: {  	_ =	shalt  }
0x50: {  	_ =	shalt  }
0x51: {  	_ =	shalt  }
0x52: {  	_ =	shalt  }
0x53: {  	_ =	shalt  }
0x54: {  	_ =	shalt  }
0x55: {  	_ =	shalt  }
0x56: {  	_ =	shalt  }
0x57: {  	_ =	shalt  }
0x58: {  	_ =	shalt  }
0x59: {  	_ =	shalt  }
0x5a: {  	_ =	shalt  }
0x5b: {  	_ =	shalt  }
0x5c: {  	_ =	shalt  }
0x5d: {  	_ =	shalt  }
0x5e: {  	_ =	shalt  }
0x5f: {  	_ =	shalt  }
0x60: {  	_ =	shalt  }
0x61: {  	_ =	shalt  }
0x62: {  	_ =	shalt  }
0x63: {  	_ =	shalt  }
0x64: {  	_ =	shalt  }
0x65: {  	_ =	shalt  }
0x66: {  	_ =	shalt  }
0x67: {  	_ =	shalt  }
0x68: {  	_ =	shalt  }
0x69: {  	_ =	shalt  }
0x6a: {  	_ =	shalt  }
0x6b: {  	_ =	shalt  }
0x6c: {  	_ =	shalt  }
0x6d: {  	_ =	shalt  }
0x6e: {  	_ =	shalt  }
0x6f: {  	_ =	shalt  }
0x70: {  	_ =	shalt  }
0x71: {  	_ =	shalt  }
0x72: {  	_ =	shalt  }
0x73: {  	_ =	shalt  }
0x74: {  	_ =	shalt  }
0x75: {  	_ =	shalt  }
0x76: {  	_ =	shalt  }
0x77: {  	_ =	shalt  }
0x78: {  	_ =	shalt  }
0x79: {  	_ =	shalt  }
0x7a: {  	_ =	shalt  }
0x7b: {  	_ =	shalt  }
0x7c: {  	_ =	shalt  }
0x7d: {  	_ =	shalt  }
0x7e: {  	_ =	shalt  }
0x7f: {  	_ =	shalt  }
0x80: {  	_ =	shalt  }
0x81: {  	_ =	shalt  }
0x82: {  	_ =	shalt  }
0x83: {  	_ =	shalt  }
0x84: {  	_ =	shalt  }
0x85: {  	_ =	shalt  }
0x86: {  	_ =	shalt  }
0x87: {  	_ =	shalt  }
.Lfunc_end0:
.L_simem_size_0:
called_computation_lowered:
.L_overlay_start_0:
0x88: {  	s2 =	sld [smem:$0x3FD9]  }
0x89: {  	s3 =	sld [smem:$0x3FFE];
	_ =	sdelay $0x1  }
0x8a: {  	s1 =	srdreg.scid  }
0x8b: {  	s0 =	sand.u32 $0x1, s1  }
0x8c: {  	s16 =	sshll.u32 s0, $0xA;
	s2 =	sadd.s32 s3, s2  }
0x8d: {  	s2 =	sadd.s32 s2, s16  }
0x8e: {  	[smem:$0x3FAA] =	sst s2  }
0x8f: {  	_ = 	snop  }
0x90: {  	(tm) =	ssettm $0x1  }
0x91: {  	s17 =	sld [smem:$0x3FFB];
	_ =	sdelay $0x3  }
0x92: {  	_ =	strace s17  }
0x93: {  	s2 =	sld [smem:$0x3FFC];
	_ =	sdelay $0x3  }
0x94: {  	_ =	strace s2  }
0x95: {  	s2 =	sld [smem:$0x3FFD];
	_ =	sdelay $0x3  }
0x96: {  	_ =	strace s2  }
0x97: {  	_ =	strace $0x8FFFFFFF  }
0x98: {  	s18 =	sld [smem:$0x3FDB];
	_ =	sdelay $0x1  }
0x99: {  	s19 =	simm.s32 $_scs_section_size  }
0x9a: {  	s4 =	simm.s32 $_size__tile_overlayer_lowered;
	s5 =	simm.s32 $_tile_overlayer_lowered  }
0x9b: {  	s22 =	simm.s32 $0x1BFF;
	s21 =	sshll.u32 s5, $0x1;
	s2 =	sadd.s32 s19, s18  }
0x9c: {  	s6 =	simm.s32 $0x0;
	s20 =	sshll.u32 s4, $0x1;
	s4 =	sadd.s32 s21, s2  }
0x9d: {  	[timem:s6], [sflag:s22] =	dma.local [hbm:s4], s20  }
0x9e: {  	_ =	swait.ge [sflag:s22], s20  }
0x9f: {  	s3 =	ssub.s32 $0x0, s20;
	[sflag:s22] =	ssyncset.done $0x0  }
0xa0: {  	[sflag:s22] =	ssyncadd.s32 s3;
	_ =	sdelay $0x1  }
0xa1: {  	s23 =	simm.s32 $0x1B8B  }
0xa2: {  	_ =	swait.ge [sflag:s23], $0x1  }
0xa3: {  	[sflag:s23] =	ssyncset.done $0x0  }
0xa4: {  	s25 =	simm.s32 $0x1B8E;
	s24 =	sld [smem:$0x3FFE];
	[sflag:s23] =	ssyncadd.s32 $0xFFFFFFFF  }
0xa5: {  	s26 =	simm.s32 $execute0_lowered;
	[smem:$0x3FD2] =	sst s25  }
0xa6: {  	s4 =	sshll.u32 s26, $0x1;
	_ =	strace $0x80000046;
	[dreg:$0x1] =	wrdreg $0xFFFFFFFF  }
0xa7: {  	s28 =	simm.s32 $_size_execute0_lowered;
	s2 =	sadd.s32 s2, s4;
	[dreg:$0x0] =	wrdreg $0x0  }
0xa8: {  	s4 =	sshll.u32 s28, $0x1;
	[dreg:$0x2] =	wrdreg s2  }
0xa9: {  	[dreg:$0x3] =	wrdreg s4  }
0xaa: {  	[dreg:$0x4] =	wrdreg $0xC0  }
0xab: {  	_ =	task [dreg:s6], $0x5FFFF  }
0xac: {  	[dreg:$0x1] =	wrdreg $0xFFFFFFFF  }
0xad: {  	[dreg:$0x0] =	wrdreg $0x60  }
0xae: {  	[dreg:$0x2] =	wrdreg s24  }
0xaf: {  	[dreg:$0x3] =	wrdreg $0x40800  }
0xb0: {  	[dreg:$0x4] =	wrdreg $0x9  }
0xb1: {  	_ =	task.clear_ibuf [dreg:s6], $0x5FFFF;
	_ =	strace $0x90000046  }
0xb2: {  	s29 =	simm.s32 $0x9;
	_ =	strace $0x80000048  }
0xb3: {  	_ =	swait.ge [sflag:s29], $0x1  }
0xb4: {  	[sflag:s29] =	ssyncadd.s32 $0xFFFFFFFF  }
0xb5: {  	_ =	strace $0x90000048  }
0xb6: {  	_ =	sfence  }
0xb7: {  	s30 =	sld [smem:$0x0];
	_ =	sdelay $0x2  }
0xb8: {  	s31 =	sshll.u32 s1, $0xD;
	s1 =	sshrl.u32 s1, $0x2  }
0xb9: {  	s3 =	sand.u32 $0x4000, s31;
	s1 =	sadd.s32 s1, s30  }
0xba: {  	s0 =	sor.u32 s3, s0;
	s1 =	sshll.u32 s1, $0x11  }
0xbb: {  	s0 =	sor.u32 s1, s0  }
0xbc: {  	s0 =	sadd.s32 $0x8F2B, s0  }
0xbd: {  	[sflag:s0] =	ssyncadd.remote.s32 $0x1  }
0xbe: {  	_ =	sfence.sel $0xFFFF  }
0xbf: {  	[dreg:$0x0] =	wrdreg $0xFFFFFFFF;
	(pc) =	sbr.abs _section_cstart, $3  }
0xc0: {  	[dreg:$0x1] =	wrdreg $0xFFFFFFFF  }
0xc1: {  	_ =	task.clear_ibuf [dreg:s6], $0x2FFFF;
	_ =	strace $0x9FFFFFFF  }
0xc2: {  	(tm) =	ssettm $0x7FFFFFFF  }
0xc3: {  	_ =	shalt  }
tec
execute0_lowered:
.L_overlay_start_1:
0x0: {  	(tag) =	ssettag $0x1  }
0x1: {  	s4 =	rddreg [dreg:$0x0]  }
0x2: {  	s2 =	rddreg [dreg:$0x1]  }
0x3: {  	s0 =	rddreg [dreg:$0x2];
	s1 =	stileid.u32  }
0x4: {  	s6 =	srdreg.scid;
	s5 =	smul.u32 $0xA20, s1  }
0x5: {  	s3 =	simm.s32 $0x0;
	s12 =	simm.s32 $0x0;
	s7 =	smul.u32 $0x14000, s1  }
0x6: {  	s6 =	sand.u32 $0x1, s6;
	[smem:$0x7FF] =	sst s3;
	s10 =	smul.u32 $0x50000, s1  }
0x7: {  	s31 =	sshll.u32 s1, $0x6;
	s8 =	smul.u32 $0x140000, s6;
	_ =	strace $0x80000047  }
0x8: {  	s26 =	ssub.s32 $0x2, s6;
	s30 =	smul.u32 $0x510, s6;
	s9 =	sadd.s32 s5, s4  }
0x9: {  	s25 =	sshrl.u32 s7, $0x3;
	s28 =	sshrl.u32 s26, $0x1;
	s29 =	sshrl.u32 s10, $0x2  }
0xa: {  	s10 =	simm.s32 $0x1;
	s7 =	sadd.s32 s7, s8;
	s5 =	sadd.s32 s25, s4  }
0xb: {  	s8 =	ssub.s32 s26, s28;
	s11 =	sadd.s32 s29, s2;
	s7 =	sshrl.u32 s7, $0x3  }
0xc: {  	s9 =	sadd.s32 s30, s9;
	s7 =	sadd.s32 s7, s4;
	s4 =	sadd.s32 $0xEE00, s5  }
0xd: {  	s5 =	sor.u32 $0x1C01, s31;
	s6 =	sadd.s32 $0x36E00, s7;
	s7 =	smax.u32 s8, $0x1  }
0xe: {  	v0 =	vimm.f32 $1.000000000e+00;
	s8 =	sadd.s32 $0x4C00, s9;
	s9 =	sshrl.u32 s11, $0x3;
	s11 =	simm.s32 $0x80  }
.LBB2_1:
0xf: {  	[spmem:s9], [sflag:s5] =	dma.local [hbm:s4], $0x2800  }
0x10: {  	_ =	swait.ge [sflag:s10], $0x2800  }
0x11: {  	[sflag:s10] =	ssyncset.done $0x0  }
0x12: {  	s13 =	simm.s32 $0x0;
	s14 =	simm.s32 $0x200;
	[sflag:s10] =	ssyncadd.s32 $0xFFFFD800  }
.LBB2_2:
0x13: {  	p0 =	sne.s32 s14, $0xFE00;
	[tilespmem:s13+$0xF0] =	vst v0  }
0x14: {  	[tilespmem:s13+$0x80] =	vst v0  }
0x15: {  	[tilespmem:s13+$0x90] =	vst v0  }
.Ltmp0:
0x16: {  	[tilespmem:s13+$0xA0] =	vst v0;
	(pc) =	sbr.rel @p0 .LBB2_2-.Ltmp0, $4  }
0x17: {  	[tilespmem:s13+$0xB0] =	vst v0  }
0x18: {  	[tilespmem:s13+$0xC0] =	vst v0  }
0x19: {  	[tilespmem:s13+$0xD0] =	vst v0  }
0x1a: {  	[tilespmem:s13+$0xE0] =	vst v0;
	s13 =	sshra.s32 s14, $0x2;
	s14 =	sadd.s32 $0x200, s14  }
0x1b: {  	[tilespmem:s13+$0xF0] =	vst v0  }
0x1c: {  	[tilespmem:s13+$0x80] =	vst v0  }
0x1d: {  	[tilespmem:s13+$0x90] =	vst v0  }
0x1e: {  	[tilespmem:s13+$0xA0] =	vst v0  }
0x1f: {  	[tilespmem:s13+$0xB0] =	vst v0  }
0x20: {  	[tilespmem:s13+$0xC0] =	vst v0  }
0x21: {  	[tilespmem:s13+$0xD0] =	vst v0  }
0x22: {  	[tilespmem:s13+$0xE0] =	vst v0  }
0x23: {  	s31 =	sadd.s32 $0x0, s8;
	[bflag:$0x0] =	sbarrier.arrive $0xFFFF  }
0x24: {  	[tilespmem:s3], [sflag:$0x1] =	stream.linear.gather [hbm4b:s31+s3], $0x80, $0x38;
	[tilespmem:$0x18080] =	vst v63  }
0x25: {  	_ =	swait.ge [sflag:s10], $0x80  }
0x26: {  	[sflag:s10] =	ssyncset.done $0x0  }
0x27: {  	[sflag:s10] =	ssyncadd.s32 $0xFFFFFF80  }
0x28: {  	[spmem:s2] =	stream.indirect.scatter.add.f32 [tilespmem:s11], [sflag:$0x1], $0x80, s3, s11, $0xb8;
	[tilespmem:$0x18080] =	vst v63  }
0x29: {  	_ =	swait.ge [sflag:s10], $0x4000  }
0x2a: {  	s13 =	simm.s32 $0x10;
	s14 =	simm.s32 $0x20;
	[sflag:s10] =	ssyncset.done $0x0  }
.LBB2_4:
0x2b: {  	s15 =	sadd.s32 s13, s8  }
0x2c: {  	[sflag:s10] =	ssyncadd.s32 $0xFFFFC000;
	s13 =	smov.u32 s14;
	s16 =	sadd.s32 $0x10, s14  }
0x2d: {  	[tilespmem:s3], [sflag:$0x1] =	stream.linear.gather [hbm4b:s15+s3], $0x80, $0x38;
	[tilespmem:$0x18080] =	vst v63  }
0x2e: {  	p0 =	sne.s32 s14, $0x500;
	_ =	swait.ge [sflag:s10], $0x80  }
.Ltmp1:
0x2f: {  	[sflag:s10] =	ssyncset.done $0x0;
	(pc) =	sbr.rel @p0 .LBB2_4-.Ltmp1, $4  }
0x30: {  	[sflag:s10] =	ssyncadd.s32 $0xFFFFFF80  }
0x31: {  	[spmem:s2] =	stream.indirect.scatter.add.f32 [tilespmem:s11], [sflag:$0x1], $0x80, s3, s11, $0xb8;
	[tilespmem:$0x18080] =	vst v63  }
0x32: {  	_ =	swait.ge [sflag:s10], $0x4000  }
0x33: {  	s14 =	smov.u32 s16;
	[sflag:s10] =	ssyncset.done $0x0  }
0x34: {  	s13 =	sadd.s32 s13, s8;
	[sflag:s10] =	ssyncadd.s32 $0xFFFFC000  }
0x35: {  	[tilespmem:s3], [sflag:$0x1] =	stream.linear.gather [hbm4b:s13+s3], $0x80, $0x38;
	[tilespmem:$0x18080] =	vst v63  }
0x36: {  	_ =	swait.ge [sflag:s10], $0x80  }
0x37: {  	[sflag:s10] =	ssyncset.done $0x0  }
0x38: {  	[sflag:s10] =	ssyncadd.s32 $0xFFFFFF80  }
0x39: {  	[spmem:s2] =	stream.indirect.scatter.add.f32 [tilespmem:s11], [sflag:$0x1], $0x80, s3, s11, $0xb8;
	[tilespmem:$0x18080] =	vst v63  }
0x3a: {  	_ =	swait.ge [sflag:s10], $0x4000  }
0x3b: {  	s12 =	sadd.s32 $0x1, s12;
	[sflag:s10] =	ssyncset.done $0x0  }
0x3c: {  	p0 =	sne.s32 s12, s7;
	[sflag:s10] =	ssyncadd.s32 $0xFFFFC000  }
.Ltmp2:
0x3d: {  	[bflag:$0x0] =	sbarrier.arrive $0xFFFF;
	(pc) =	sbr.rel @p0 .LBB2_1-.Ltmp2, $4  }
0x3e: {  	[hbm:s6], [sflag:s5] =	dma.local [spmem:s9], $0x2800  }
0x3f: {  	_ =	swait.ge [sflag:s10], $0x2800  }
0x40: {  	[sflag:s10] =	ssyncset.done $0x0  }
0x41: {  	[sflag:s10] =	ssyncadd.s32 $0xFFFFD800  }
0x42: {  	_ =	sfence.sel $0x180000  }
0x43: {  	[bflag:$0x0] =	sbarrier.arrive $0xFFFF  }
0x44: {  	p0 =	sne.s32 s1, $0x0;
	_ =	strace $0x90000047  }
0x45: {  	s0 =	sadd.s32 @!p0 $0x100000, s0;
	[bflag:$0x2] =	sbarrier.arrive $0xFFFF  }
0x46: {  	[sflag:s0] =	ssyncadd.tile.s32 @!p0 $0x1;
	_ =	shalt  }
.Lfunc_end2:
_tile_overlayer_lowered:
.L_overlay_start_2:
0x47: {  	(tag) =	ssettag $0x2  }
0x48: {  	s0 =	rddreg [dreg:$0x0];
	s2 =	stileid.u32  }
0x49: {  	s1 =	rddreg [dreg:$0x1];
	p0 =	sne.s32 s2, $0x0  }
0x4a: {  	s3 =	rddreg [dreg:$0x2];
	[bflag:$0x3] =	sbarrier.arrive $0xFFFF;
	s2 =	simm.s32 @!p0 $0x1C01  }
0x4b: {  	[timem:s3], [sflag:s2] =	dma.local @!p0 [hbm:s0], s1  }
0x4c: {  	s0 =	simm.s32 @!p0 $0x1  }
0x4d: {  	_ =	swait.ge @!p0 [sflag:s0], s1  }
0x4e: {  	s1 =	ssub.s32 @!p0 $0x0, s1;
	[sflag:s0] =	ssyncset.done @!p0 $0x0  }
0x4f: {  	[sflag:s0] =	ssyncadd.s32 @!p0 s1  }
0x50: {  	[bflag:$0x3] =	sbarrier.arrive $0xFFFF  }
0x51: {  	_ =	shalt  }

// kernel: kernel.18.cloned.1.call-start
scs
__scs_entry_jumppad:
0x0: {  	(pc) =	sbr.rel $0x88, $3  }
0x1: {  	(tag) =	ssettag $0x0;
	lr =	simm.s32 $0x1  }
0x2: {  	[smem:$0x3F83] =	sst lr;
	_ =	strace $0xD0000000  }
0x3: {  	_ = 	snop  }
0x4: {  	_ = 	snop  }
0x5: {  	_ = 	snop  }
0x6: {  	_ = 	snop  }
0x7: {  	_ = 	snop  }
__scs_overlays_trampoline_lowered:
0x8: {  	[smem:$0x3F92] =	sst s0  }
0x9: {  	[smem:$0x3F93] =	sst s1  }
0xa: {  	[smem:$0x3F94] =	sst s2  }
0xb: {  	[smem:$0x3F95] =	sst s3  }
0xc: {  	[smem:$0x3F96] =	sst s4  }
0xd: {  	[smem:$0x3F97] =	sst s5  }
0xe: {  	[smem:$0x3F98] =	sst s6  }
0xf: {  	[smem:$0x3F99] =	sst s7  }
0x10: {  	[smem:$0x3F9A] =	sst s8  }
0x11: {  	[smem:$0x3F9B] =	sst s9;
	s0 =	simm.s32 @!p0 $0x0  }
0x12: {  	s1 =	sld [smem:$0x3F81];
	s0 =	simm.s32 @p0 $0x1  }
0x13: {  	[smem:$0x3F9C] =	sst s0;
	s0 =	simm.s32 @!p1 $0x0  }
0x14: {  	s2 =	sld [smem:$0x3F80];
	s0 =	simm.s32 @p1 $0x1  }
0x15: {  	[smem:$0x3F9D] =	sst s0;
	s0 =	simm.s32 @!p2 $0x0  }
0x16: {  	s3 =	sld [smem:$0x3FDB];
	s0 =	simm.s32 @p2 $0x1  }
0x17: {  	s4 =	simm.s32 $0x1BF5;
	[smem:$0x3F9F] =	sst s0  }
0x18: {  	s0 =	sld [smem:$0x3F82];
	_ =	swait.ge [sflag:s4], $0x0  }
0x19: {  	s7 =	sld [smem:$0x3F83]  }
0x1a: {  	s8 =	sadd.s32 $0xFFFFE003, lr  }
0x1b: {  	s9 =	sadd.s32 $0xFFFFFEF7, lr;
	s5 =	simm.s32 $0xFFFFFFFF;
	p2 =	slt.u32 s8, $0xFFFFF086  }
0x1c: {  	p1 =	slt.u32 s9, $0xF7A;
	s5 =	simm.s32 @!p2 $0x0  }
0x1d: {  	s5 =	simm.s32 @p1 $0x1;
	p0 =	seq.s32 s7, s2  }
0x1e: {  	s7 =	smul.u32 @!p0 $0xF7A, s2;
	p2 =	seq.s32 @!p0 s5, $0x0  }
0x1f: {  	s9 =	smul.u32 $0xF7A, s1;
	s8 =	simm.s32 @!p0 $0x1BF5;
	p2 =	por !p2, p0  }
0x20: {  	[sflag:s8] =	ssyncset.s32 @!p0 $0xFFFFF086;
	s6 =	sadd.s32 @!p0 s3, s7;
	s7 =	simm.s32 @!p0 $0x108  }
0x21: {  	s3 =	sadd.s32 s3, s9;
	s6 =	sadd.s32 @!p0 $0x88, s6;
	s7 =	simm.s32 @p2 $0x1082  }
0x22: {  	[simem:s7], [sflag:s8] =	dma.local @!p0 [hbm:s6], $0xF7A  }
0x23: {  	s9 =	sor.u32 $0xD0000000, s2;
	s6 =	simm.s32 $0x108;
	_ =	swait.ge @!p0 [sflag:s8], $0x0  }
0x24: {  	s3 =	sadd.s32 $0x88, s3;
	s6 =	simm.s32 @!p1 $0x1082;
	[sflag:s4] =	ssyncset.s32 $0xFFFFF086  }
0x25: {  	[simem:s6], [sflag:s4] =	dma.local [hbm:s3], $0xF7A  }
0x26: {  	[smem:$0x3F83] =	sst s1;
	(tag) =	ssettag s2;
	_ =	strace s9  }
0x27: {  	s1 =	sld [smem:$0x3F93]  }
0x28: {  	s2 =	sld [smem:$0x3F94]  }
0x29: {  	s4 =	sld [smem:$0x3F96]  }
0x2a: {  	p0 =	seq.s32 s5, $0x0;
	s5 =	sld [smem:$0x3F97]  }
0x2b: {  	s6 =	sld [smem:$0x3F98]  }
0x2c: {  	s7 =	sld [smem:$0x3F99]  }
0x2d: {  	s3 =	simm.s32 $0x108;
	s8 =	sld [smem:$0x3F9A]  }
0x2e: {  	s3 =	simm.s32 @!p0 $0x1082;
	s9 =	sld [smem:$0x3F9B]  }
0x2f: {  	lr =	sadd.s32 s0, s3;
	s0 =	sld [smem:$0x3F92]  }
0x30: {  	s3 =	sld [smem:$0x3F95]  }
0x31: {  	[smem:$0x3F9E] =	sst s10  }
0x32: {  	s10 =	sld [smem:$0x3F9C];
	_ =	sdelay $0x3  }
0x33: {  	p0 =	seq.s32 s10, $0x1;
	s10 =	sld [smem:$0x3F9E];
	_ =	sdelay $0x3  }
0x34: {  	[smem:$0x3F9E] =	sst s10  }
0x35: {  	s10 =	sld [smem:$0x3F9D];
	_ =	sdelay $0x3  }
0x36: {  	p1 =	seq.s32 s10, $0x1;
	s10 =	sld [smem:$0x3F9E];
	_ =	sdelay $0x3  }
0x37: {  	[smem:$0x3F9E] =	sst s10  }
0x38: {  	s10 =	sld [smem:$0x3F9F]  }
0x39: {  	_ = 	snop;
	(pc) =	sbr.ind lr, $3  }
0x3a: {  	_ = 	snop  }
0x3b: {  	_ = 	snop  }
0x3c: {  	p2 =	seq.s32 s10, $0x1;
	s10 =	sld [smem:$0x3F9E]  }
0x3d: {  	_ =	shalt  }
0x3e: {  	_ =	shalt  }
0x3f: {  	_ =	shalt  }
0x40: {  	_ =	shalt  }
0x41: {  	_ =	shalt  }
0x42: {  	_ =	shalt  }
0x43: {  	_ =	shalt  }
0x44: {  	_ =	shalt  }
0x45: {  	_ =	shalt  }
0x46: {  	_ =	shalt  }
0x47: {  	_ =	shalt  }
0x48: {  	_ =	shalt  }
0x49: {  	_ =	shalt  }
0x4a: {  	_ =	shalt  }
0x4b: {  	_ =	shalt  }
0x4c: {  	_ =	shalt  }
0x4d: {  	_ =	shalt  }
0x4e: {  	_ =	shalt  }
0x4f: {  	_ =	shalt  }
0x50: {  	_ =	shalt  }
0x51: {  	_ =	shalt  }
0x52: {  	_ =	shalt  }
0x53: {  	_ =	shalt  }
0x54: {  	_ =	shalt  }
0x55: {  	_ =	shalt  }
0x56: {  	_ =	shalt  }
0x57: {  	_ =	shalt  }
0x58: {  	_ =	shalt  }
0x59: {  	_ =	shalt  }
0x5a: {  	_ =	shalt  }
0x5b: {  	_ =	shalt  }
0x5c: {  	_ =	shalt  }
0x5d: {  	_ =	shalt  }
0x5e: {  	_ =	shalt  }
0x5f: {  	_ =	shalt  }
0x60: {  	_ =	shalt  }
0x61: {  	_ =	shalt  }
0x62: {  	_ =	shalt  }
0x63: {  	_ =	shalt  }
0x64: {  	_ =	shalt  }
0x65: {  	_ =	shalt  }
0x66: {  	_ =	shalt  }
0x67: {  	_ =	shalt  }
0x68: {  	_ =	shalt  }
0x69: {  	_ =	shalt  }
0x6a: {  	_ =	shalt  }
0x6b: {  	_ =	shalt  }
0x6c: {  	_ =	shalt  }
0x6d: {  	_ =	shalt  }
0x6e: {  	_ =	shalt  }
0x6f: {  	_ =	shalt  }
0x70: {  	_ =	shalt  }
0x71: {  	_ =	shalt  }
0x72: {  	_ =	shalt  }
0x73: {  	_ =	shalt  }
0x74: {  	_ =	shalt  }
0x75: {  	_ =	shalt  }
0x76: {  	_ =	shalt  }
0x77: {  	_ =	shalt  }
0x78: {  	_ =	shalt  }
0x79: {  	_ =	shalt  }
0x7a: {  	_ =	shalt  }
0x7b: {  	_ =	shalt  }
0x7c: {  	_ =	shalt  }
0x7d: {  	_ =	shalt  }
0x7e: {  	_ =	shalt  }
0x7f: {  	_ =	shalt  }
0x80: {  	_ =	shalt  }
0x81: {  	_ =	shalt  }
0x82: {  	_ =	shalt  }
0x83: {  	_ =	shalt  }
0x84: {  	_ =	shalt  }
0x85: {  	_ =	shalt  }
0x86: {  	_ =	shalt  }
0x87: {  	_ =	shalt  }
.Lfunc_end0:
.L_simem_size_0:
called_computation.1_lowered:
.L_overlay_start_0:
0x88: {  	s2 =	sld [smem:$0x3FD9]  }
0x89: {  	s3 =	sld [smem:$0x3FFE];
	_ =	sdelay $0x1  }
0x8a: {  	s1 =	srdreg.scid  }
0x8b: {  	s0 =	sand.u32 $0x1, s1  }
0x8c: {  	s16 =	sshll.u32 s0, $0xA;
	s2 =	sadd.s32 s3, s2  }
0x8d: {  	s2 =	sadd.s32 s2, s16  }
0x8e: {  	[smem:$0x3FAA] =	sst s2  }
0x8f: {  	_ = 	snop  }
0x90: {  	(tm) =	ssettm $0x1  }
0x91: {  	s17 =	sld [smem:$0x3FFB];
	_ =	sdelay $0x3  }
0x92: {  	_ =	strace s17  }
0x93: {  	s2 =	sld [smem:$0x3FFC];
	_ =	sdelay $0x3  }
0x94: {  	_ =	strace s2  }
0x95: {  	s2 =	sld [smem:$0x3FFD];
	_ =	sdelay $0x3  }
0x96: {  	_ =	strace s2  }
0x97: {  	_ =	strace $0x8FFFFFFF  }
0x98: {  	s18 =	sld [smem:$0x3FDB];
	_ =	sdelay $0x1  }
0x99: {  	s19 =	simm.s32 $_scs_section_size  }
0x9a: {  	s4 =	simm.s32 $_size__tile_overlayer_lowered;
	s5 =	simm.s32 $_tile_overlayer_lowered  }
0x9b: {  	s22 =	simm.s32 $0x1BFF;
	s21 =	sshll.u32 s5, $0x1;
	s2 =	sadd.s32 s19, s18  }
0x9c: {  	s6 =	simm.s32 $0x0;
	s20 =	sshll.u32 s4, $0x1;
	s4 =	sadd.s32 s21, s2  }
0x9d: {  	[timem:s6], [sflag:s22] =	dma.local [hbm:s4], s20  }
0x9e: {  	_ =	swait.ge [sflag:s22], s20  }
0x9f: {  	s3 =	ssub.s32 $0x0, s20;
	[sflag:s22] =	ssyncset.done $0x0  }
0xa0: {  	[sflag:s22] =	ssyncadd.s32 s3;
	_ =	sdelay $0x1  }
0xa1: {  	s23 =	simm.s32 $0x1B8B  }
0xa2: {  	_ =	swait.ge [sflag:s23], $0x1  }
0xa3: {  	[sflag:s23] =	ssyncset.done $0x0  }
0xa4: {  	s25 =	simm.s32 $0x1B8E;
	s24 =	sld [smem:$0x3FFE];
	[sflag:s23] =	ssyncadd.s32 $0xFFFFFFFF  }
0xa5: {  	s26 =	simm.s32 $execute0_lowered;
	[smem:$0x3FD2] =	sst s25  }
0xa6: {  	s4 =	sshll.u32 s26, $0x1;
	_ =	strace $0x80000049;
	[dreg:$0x1] =	wrdreg $0xFFFFFFFF  }
0xa7: {  	s28 =	simm.s32 $_size_execute0_lowered;
	s2 =	sadd.s32 s2, s4;
	[dreg:$0x0] =	wrdreg $0x0  }
0xa8: {  	s4 =	sshll.u32 s28, $0x1;
	[dreg:$0x2] =	wrdreg s2  }
0xa9: {  	[dreg:$0x3] =	wrdreg s4  }
0xaa: {  	[dreg:$0x4] =	wrdreg $0xC0  }
0xab: {  	_ =	task [dreg:s6], $0x5FFFF  }
0xac: {  	[dreg:$0x1] =	wrdreg $0xFFFFFFFF  }
0xad: {  	[dreg:$0x0] =	wrdreg $0x60  }
0xae: {  	[dreg:$0x2] =	wrdreg s24  }
0xaf: {  	[dreg:$0x3] =	wrdreg $0x91800  }
0xb0: {  	[dreg:$0x4] =	wrdreg $0x9  }
0xb1: {  	_ =	task.clear_ibuf [dreg:s6], $0x5FFFF;
	_ =	strace $0x90000049  }
0xb2: {  	s29 =	simm.s32 $0x9;
	_ =	strace $0x8000004B  }
0xb3: {  	_ =	swait.ge [sflag:s29], $0x1  }
0xb4: {  	[sflag:s29] =	ssyncadd.s32 $0xFFFFFFFF  }
0xb5: {  	_ =	strace $0x9000004B  }
0xb6: {  	_ =	sfence  }
0xb7: {  	s30 =	sld [smem:$0x0];
	_ =	sdelay $0x2  }
0xb8: {  	s31 =	sshll.u32 s1, $0xD;
	s1 =	sshrl.u32 s1, $0x2  }
0xb9: {  	s3 =	sand.u32 $0x4000, s31;
	s1 =	sadd.s32 s1, s30  }
0xba: {  	s0 =	sor.u32 s3, s0;
	s1 =	sshll.u32 s1, $0x11  }
0xbb: {  	s0 =	sor.u32 s1, s0  }
0xbc: {  	s0 =	sadd.s32 $0x8F2B, s0  }
0xbd: {  	[sflag:s0] =	ssyncadd.remote.s32 $0x1  }
0xbe: {  	_ =	sfence.sel $0xFFFF  }
0xbf: {  	[dreg:$0x0] =	wrdreg $0xFFFFFFFF;
	(pc) =	sbr.abs _section_cstart, $3  }
0xc0: {  	[dreg:$0x1] =	wrdreg $0xFFFFFFFF  }
0xc1: {  	_ =	task.clear_ibuf [dreg:s6], $0x2FFFF;
	_ =	strace $0x9FFFFFFF  }
0xc2: {  	(tm) =	ssettm $0x7FFFFFFF  }
0xc3: {  	_ =	shalt  }
tec
execute0_lowered:
.L_overlay_start_1:
0x0: {  	(tag) =	ssettag $0x1  }
0x1: {  	s9 =	rddreg [dreg:$0x0]  }
0x2: {  	s1 =	rddreg [dreg:$0x1]  }
0x3: {  	s0 =	rddreg [dreg:$0x2];
	s3 =	simm.s32 $0x0;
	s2 =	stileid.u32  }
0x4: {  	s5 =	srdreg.scid;
	s17 =	simm.s32 $0x6980;
	s18 =	simm.s32 $0x80  }
0x5: {  	s19 =	simm.s32 $0x180;
	s20 =	simm.s32 $0x1;
	s21 =	simm.s32 $0x100  }
0x6: {  	s22 =	simm.s32 $0x0;
	[smem:$0x7FF] =	sst s3;
	s4 =	sadd.s32 $0x86E00, s9  }
0x7: {  	s10 =	smul.u32 $0x14000, s2;
	s11 =	sand.u32 $0x1, s5;
	s5 =	sadd.s32 $0xAE600, s9  }
0x8: {  	s6 =	sadd.s32 $0x4C00, s9;
	s7 =	sadd.s32 $0x36E00, s9;
	s8 =	sadd.s32 $0xAE000, s9  }
0x9: {  	s15 =	smul.u32 $0x50000, s2;
	s29 =	sshll.u32 s2, $0x1;
	s31 =	sshll.u32 s2, $0x6  }
0xa: {  	_ =	strace $0x8000004A;
	s12 =	smul.u32 $0x140000, s11;
	s28 =	ssub.s32 $0x2, s11  }
0xb: {  	s11 =	sor.u32 s11, s29;
	s13 =	sshrl.u32 s10, $0x3;
	s14 =	sshrl.u32 s28, $0x1  }
0xc: {  	s30 =	sshrl.u32 s15, $0x2;
	s11 =	smul.u32 $0x51, s11;
	s10 =	sadd.s32 s10, s12  }
0xd: {  	s13 =	sadd.s32 s13, s9;
	s14 =	ssub.s32 s28, s14;
	s10 =	sshrl.u32 s10, $0x3  }
0xe: {  	s15 =	sadd.s32 s30, s1;
	s16 =	sadd.s32 s10, s9;
	s9 =	sadd.s32 $0xEE00, s13  }
0xf: {  	s10 =	sor.u32 $0x1C02, s31;
	s13 =	smax.u32 s14, $0x1;
	s14 =	sshrl.u32 s15, $0x3  }
0x10: {  	s15 =	simm.s32 $0x2;
	s12 =	sadd.s32 $0xB8800, s16;
	s16 =	simm.s32 $0x4180  }
.LBB2_1:
0x11: {  	[spmem:s14], [sflag:s10] =	dma.local [hbm:s9], $0x2800  }
0x12: {  	_ =	swait.ge [sflag:s15], $0x2800  }
0x13: {  	[sflag:s15] =	ssyncset.done $0x0  }
0x14: {  	[sflag:s15] =	ssyncadd.s32 $0xFFFFD800  }
0x15: {  	[tilespmem:s16], [sflag:$0x2] =	stream.linear.gather [hbm4b:s7+s3], $0x2800, $0x38;
	[tilespmem:$0x1D180] =	vst v63  }
0x16: {  	_ =	swait.ge [sflag:s15], $0x2800  }
0x17: {  	[sflag:s15] =	ssyncset.done $0x0  }
0x18: {  	[sflag:s15] =	ssyncadd.s32 $0xFFFFD800  }
0x19: {  	[tilespmem:s17], [sflag:$0x2] =	stream.linear.gather [hbm4b:s8+s3], $0x2710, $0x38;
	[tilespmem:$0x1D180] =	vst v63  }
0x1a: {  	_ =	swait.ge [sflag:s15], $0x2710  }
0x1b: {  	[sflag:s15] =	ssyncset.done $0x0  }
0x1c: {  	[sflag:s15] =	ssyncadd.s32 $0xFFFFD8F0  }
0x1d: {  	s23 =	simm.s32 $0x0;
	[bflag:$0x0] =	sbarrier.arrive $0xFFFF  }
.LBB2_2:
0x1e: {  	s24 =	sadd.s32 s11, s23  }
0x1f: {  	s24 =	sshll.u32 s24, $0x4  }
0x20: {  	s25 =	simm.s32 $0x0;
	s26 =	sadd.s32 s5, s24  }
0x21: {  	[tilespmem:s25], [sflag:$0x2] =	stream.linear.gather [hbm4b:s26+s25], $0x80, $0x38;
	[tilespmem:$0x1D180] =	vst v63  }
0x22: {  	_ =	swait.ge [sflag:s15], $0x80  }
0x23: {  	[sflag:s15] =	ssyncset.done $0x0  }
0x24: {  	s24 =	sadd.s32 s6, s24;
	[sflag:s15] =	ssyncadd.s32 $0xFFFFFF80  }
0x25: {  	[tilespmem:s18], [sflag:$0x2] =	stream.linear.gather [hbm4b:s24+s25], $0x80, $0x38;
	[tilespmem:$0x1D180] =	vst v63  }
0x26: {  	_ =	swait.ge [sflag:s15], $0x80  }
0x27: {  	[sflag:s15] =	ssyncset.done $0x0  }
0x28: {  	[sflag:s15] =	ssyncadd.s32 $0xFFFFFF80  }
0x29: {  	[tilespmem:s19], [sflag:$0x1] =	stream.indirect.gather [hbm4b:s4+s18], $0x80, s25, s18, $0xb8;
	[tilespmem:$0x1D180] =	vst v63  }
0x2a: {  	_ =	swait.ge [sflag:s20], $0x4000  }
0x2b: {  	[sflag:s20] =	ssyncset.done $0x0  }
0x2c: {  	[sflag:s20] =	ssyncadd.s32 $0xFFFFC000  }
0x2d: {  	v0 =	vld [tilespmem:$0x80]  }
0x2e: {  	v1 =	vld [tilespmem:$0x0];
	_ =	sdelay $0x6  }
0x2f: {  	v2 =	vld.idx.msk [tilespmem:v0+s16+$0x0], $0xffff  }
0x30: {  	v1 =	vld.idx.msk [tilespmem:v1+s16+$0x0], $0xffff  }
0x31: {  	v3 =	vld [tilespmem:$0x90]  }
0x32: {  	v0 =	vld.idx.msk [tilespmem:v0+s17+$0x0], $0xffff  }
0x33: {  	v4 =	vld [tilespmem:$0x10];
	_ =	sdelay $0x1  }
0x34: {  	v1 =	vmul.f32 v1, v2;
	_ =	sdelay $0x1  }
0x35: {  	v0 =	vadd.f32 v0, v1;
	_ =	sdelay $0x1  }
0x36: {  	[tilespmem:$0x100] =	vst v0  }
0x37: {  	v0 =	vld.idx.msk [tilespmem:v3+s16+$0x0], $0xffff  }
0x38: {  	v1 =	vld.idx.msk [tilespmem:v4+s16+$0x0], $0xffff  }
0x39: {  	v2 =	vld.idx.msk [tilespmem:v3+s17+$0x0], $0xffff  }
0x3a: {  	v3 =	vld [tilespmem:$0xA0]  }
0x3b: {  	v4 =	vld [tilespmem:$0x20];
	_ =	sdelay $0x1  }
0x3c: {  	v0 =	vmul.f32 v1, v0;
	_ =	sdelay $0x1  }
0x3d: {  	v0 =	vadd.f32 v2, v0;
	_ =	sdelay $0x1  }
0x3e: {  	[tilespmem:$0x110] =	vst v0  }
0x3f: {  	v0 =	vld.idx.msk [tilespmem:v3+s16+$0x0], $0xffff  }
0x40: {  	v1 =	vld.idx.msk [tilespmem:v4+s16+$0x0], $0xffff  }
0x41: {  	v2 =	vld.idx.msk [tilespmem:v3+s17+$0x0], $0xffff  }
0x42: {  	v3 =	vld [tilespmem:$0xB0]  }
0x43: {  	v4 =	vld [tilespmem:$0x30];
	_ =	sdelay $0x1  }
0x44: {  	v0 =	vmul.f32 v1, v0;
	_ =	sdelay $0x1  }
0x45: {  	v0 =	vadd.f32 v2, v0;
	_ =	sdelay $0x1  }
0x46: {  	[tilespmem:$0x120] =	vst v0  }
0x47: {  	v0 =	vld.idx.msk [tilespmem:v3+s16+$0x0], $0xffff  }
0x48: {  	v1 =	vld.idx.msk [tilespmem:v4+s16+$0x0], $0xffff  }
0x49: {  	v2 =	vld.idx.msk [tilespmem:v3+s17+$0x0], $0xffff  }
0x4a: {  	v3 =	vld [tilespmem:$0xC0]  }
0x4b: {  	v4 =	vld [tilespmem:$0x40];
	_ =	sdelay $0x1  }
0x4c: {  	v0 =	vmul.f32 v1, v0;
	_ =	sdelay $0x1  }
0x4d: {  	v0 =	vadd.f32 v2, v0;
	_ =	sdelay $0x1  }
0x4e: {  	[tilespmem:$0x130] =	vst v0  }
0x4f: {  	v0 =	vld.idx.msk [tilespmem:v3+s16+$0x0], $0xffff  }
0x50: {  	v1 =	vld.idx.msk [tilespmem:v4+s16+$0x0], $0xffff  }
0x51: {  	v2 =	vld.idx.msk [tilespmem:v3+s17+$0x0], $0xffff  }
0x52: {  	v3 =	vld [tilespmem:$0xD0]  }
0x53: {  	v4 =	vld [tilespmem:$0x50];
	_ =	sdelay $0x1  }
0x54: {  	v0 =	vmul.f32 v1, v0;
	_ =	sdelay $0x1  }
0x55: {  	v0 =	vadd.f32 v2, v0;
	_ =	sdelay $0x1  }
0x56: {  	[tilespmem:$0x140] =	vst v0  }
0x57: {  	v0 =	vld.idx.msk [tilespmem:v3+s16+$0x0], $0xffff  }
0x58: {  	v1 =	vld.idx.msk [tilespmem:v4+s16+$0x0], $0xffff  }
0x59: {  	v2 =	vld.idx.msk [tilespmem:v3+s17+$0x0], $0xffff  }
0x5a: {  	v3 =	vld [tilespmem:$0xE0]  }
0x5b: {  	v4 =	vld [tilespmem:$0x60];
	_ =	sdelay $0x1  }
0x5c: {  	v0 =	vmul.f32 v1, v0;
	_ =	sdelay $0x1  }
0x5d: {  	v0 =	vadd.f32 v2, v0;
	_ =	sdelay $0x1  }
0x5e: {  	[tilespmem:$0x150] =	vst v0  }
0x5f: {  	v0 =	vld.idx.msk [tilespmem:v3+s16+$0x0], $0xffff  }
0x60: {  	v1 =	vld.idx.msk [tilespmem:v4+s16+$0x0], $0xffff  }
0x61: {  	v2 =	vld.idx.msk [tilespmem:v3+s17+$0x0], $0xffff  }
0x62: {  	v3 =	vld [tilespmem:$0xF0]  }
0x63: {  	v4 =	vld [tilespmem:$0x70];
	_ =	sdelay $0x1  }
0x64: {  	v0 =	vmul.f32 v1, v0;
	_ =	sdelay $0x1  }
0x65: {  	v0 =	vadd.f32 v2, v0;
	_ =	sdelay $0x1  }
0x66: {  	[tilespmem:$0x160] =	vst v0  }
0x67: {  	v0 =	vld.idx.msk [tilespmem:v3+s16+$0x0], $0xffff  }
0x68: {  	v1 =	vld.idx.msk [tilespmem:v4+s16+$0x0], $0xffff;
	_ =	sdelay $0x1  }
0x69: {  	v2 =	vld.idx.msk [tilespmem:v3+s17+$0x0], $0xffff;
	_ =	sdelay $0x2  }
0x6a: {  	v0 =	vmul.f32 v1, v0;
	_ =	sdelay $0x1  }
0x6b: {  	v0 =	vadd.f32 v2, v0;
	_ =	sdelay $0x1  }
0x6c: {  	s24 =	simm.s32 $0x380;
	[tilespmem:$0x170] =	vst v0  }
0x6d: {  	v3 =	vmov s25;
	v9 =	vld [tilespmem:s24+$0x1F0]  }
0x6e: {  	v1 =	vor.u32 $0x1, v3;
	v6 =	vld [tilespmem:s24+$0x170]  }
0x6f: {  	v4 =	vor.u32 $0x2, v3;
	v10 =	vld [tilespmem:s24+$0xF0]  }
0x70: {  	v5 =	vor.u32 $0x3, v3;
	v11 =	vld [tilespmem:s24+$0x70]  }
0x71: {  	v7 =	vor.u32 $0x4, v3;
	v12 =	vld [tilespmem:s24+$0xFFFFFFF0]  }
0x72: {  	v8 =	vor.u32 $0x5, v3;
	v0 =	vld.idx.msk [tilespmem:v3+s21+$0x0], $0xffff  }
0x73: {  	v13 =	vor.u32 $0x6, v3;
	v2 =	vld.idx.msk [tilespmem:v1+s21+$0x0], $0xffff  }
0x74: {  	v14 =	vor.u32 $0x7, v3;
	v1 =	vld.idx.msk [tilespmem:v4+s21+$0x0], $0xffff  }
0x75: {  	v3 =	vld.idx.msk [tilespmem:v5+s21+$0x0], $0xffff  }
0x76: {  	v4 =	vld.idx.msk [tilespmem:v7+s21+$0x0], $0xffff  }
0x77: {  	v5 =	vld.idx.msk [tilespmem:v8+s21+$0x0], $0xffff  }
0x78: {  	v7 =	vld.idx.msk [tilespmem:v13+s21+$0x0], $0xffff  }
0x79: {  	v8 =	vld.idx.msk [tilespmem:v14+s21+$0x0], $0xffff  }
0x7a: {  	v51 =	vld [tilespmem:s24+$0xFFFFFEF0];
	v12 =	vmul.f32 v12, v3  }
0x7b: {  	v52 =	vld [tilespmem:s24+$0xFFFFFE70];
	v11 =	vmul.f32 v11, v4  }
0x7c: {  	v15 =	vld [tilespmem:s24+$0x1E0];
	v10 =	vmul.f32 v10, v5;
	[tilespmem:s24+$0xFFFFFFF0] =	vst v12  }
0x7d: {  	v16 =	vld [tilespmem:s24+$0xE0];
	v54 =	vmul.f32 v6, v7;
	[tilespmem:s24+$0x70] =	vst v11  }
0x7e: {  	v53 =	vld [tilespmem:s24+$0x160];
	v9 =	vmul.f32 v9, v8;
	[tilespmem:s24+$0xF0] =	vst v10  }
0x7f: {  	v55 =	vld [tilespmem:s24+$0x60];
	v13 =	vmul.f32 v51, v2;
	[tilespmem:s24+$0x170] =	vst v54  }
0x80: {  	v56 =	vld [tilespmem:s24+$0xFFFFFFE0];
	v14 =	vmul.f32 v52, v0;
	[tilespmem:s24+$0x1F0] =	vst v9  }
0x81: {  	v57 =	vld [tilespmem:s24+$0xFFFFFF60];
	v15 =	vmul.f32 v15, v8;
	[tilespmem:s24+$0xFFFFFEF0] =	vst v13  }
0x82: {  	v58 =	vld [tilespmem:s24+$0xFFFFFEE0];
	v16 =	vmul.f32 v16, v5;
	[tilespmem:s24+$0xFFFFFE70] =	vst v14  }
0x83: {  	v59 =	vld [tilespmem:s24+$0xFFFFFE60];
	v12 =	vmul.f32 v53, v7;
	[tilespmem:s24+$0x1E0] =	vst v15  }
0x84: {  	v60 =	vld [tilespmem:s24+$0x1D0];
	v10 =	vmul.f32 v55, v4;
	[tilespmem:s24+$0xE0] =	vst v16  }
0x85: {  	v62 =	vld [tilespmem:s24+$0xD0];
	v11 =	vmul.f32 v56, v3;
	[tilespmem:s24+$0x160] =	vst v12  }
0x86: {  	v61 =	vld [tilespmem:s24+$0x150];
	v9 =	vmul.f32 v57, v1;
	[tilespmem:s24+$0x60] =	vst v10  }
0x87: {  	v63 =	vld [tilespmem:s24+$0x50];
	v13 =	vmul.f32 v58, v2;
	[tilespmem:s24+$0xFFFFFFE0] =	vst v11  }
0x88: {  	v20 =	vld [tilespmem:s24+$0xFFFFFFD0];
	v14 =	vmul.f32 v59, v0;
	[tilespmem:s24+$0xFFFFFF60] =	vst v9  }
0x89: {  	v21 =	vld [tilespmem:s24+$0xFFFFFF50];
	v15 =	vmul.f32 v60, v8;
	[tilespmem:s24+$0xFFFFFEE0] =	vst v13  }
0x8a: {  	v22 =	vld [tilespmem:s24+$0xFFFFFED0];
	v16 =	vmul.f32 v62, v5;
	[tilespmem:s24+$0xFFFFFE60] =	vst v14  }
0x8b: {  	v23 =	vld [tilespmem:s24+$0xFFFFFE50];
	v12 =	vmul.f32 v61, v7;
	[tilespmem:s24+$0x1D0] =	vst v15  }
0x8c: {  	v24 =	vld [tilespmem:s24+$0x1C0];
	v10 =	vmul.f32 v63, v4;
	[tilespmem:s24+$0xD0] =	vst v16  }
0x8d: {  	v26 =	vld [tilespmem:s24+$0xC0];
	v11 =	vmul.f32 v20, v3;
	[tilespmem:s24+$0x150] =	vst v12  }
0x8e: {  	v25 =	vld [tilespmem:s24+$0x140];
	v9 =	vmul.f32 v21, v1;
	[tilespmem:s24+$0x50] =	vst v10  }
0x8f: {  	v27 =	vld [tilespmem:s24+$0x40];
	v13 =	vmul.f32 v22, v2;
	[tilespmem:s24+$0xFFFFFFD0] =	vst v11  }
0x90: {  	v28 =	vld [tilespmem:s24+$0xFFFFFFC0];
	v14 =	vmul.f32 v23, v0;
	[tilespmem:s24+$0xFFFFFF50] =	vst v9  }
0x91: {  	v29 =	vld [tilespmem:s24+$0xFFFFFF40];
	v15 =	vmul.f32 v24, v8;
	[tilespmem:s24+$0xFFFFFED0] =	vst v13  }
0x92: {  	v30 =	vld [tilespmem:s24+$0xFFFFFEC0];
	v16 =	vmul.f32 v26, v5;
	[tilespmem:s24+$0xFFFFFE50] =	vst v14  }
0x93: {  	v31 =	vld [tilespmem:s24+$0xFFFFFE40];
	v12 =	vmul.f32 v25, v7;
	[tilespmem:s24+$0x1C0] =	vst v15  }
0x94: {  	v32 =	vld [tilespmem:s24+$0x1B0];
	v10 =	vmul.f32 v27, v4;
	[tilespmem:s24+$0xC0] =	vst v16  }
0x95: {  	v34 =	vld [tilespmem:s24+$0xB0];
	v11 =	vmul.f32 v28, v3;
	[tilespmem:s24+$0x140] =	vst v12  }
0x96: {  	v33 =	vld [tilespmem:s24+$0x130];
	v9 =	vmul.f32 v29, v1;
	[tilespmem:s24+$0x40] =	vst v10  }
0x97: {  	v35 =	vld [tilespmem:s24+$0x30];
	v13 =	vmul.f32 v30, v2;
	[tilespmem:s24+$0xFFFFFFC0] =	vst v11  }
0x98: {  	v36 =	vld [tilespmem:s24+$0xFFFFFFB0];
	v14 =	vmul.f32 v31, v0;
	[tilespmem:s24+$0xFFFFFF40] =	vst v9  }
0x99: {  	v37 =	vld [tilespmem:s24+$0xFFFFFF30];
	v15 =	vmul.f32 v32, v8;
	[tilespmem:s24+$0xFFFFFEC0] =	vst v13  }
0x9a: {  	v38 =	vld [tilespmem:s24+$0xFFFFFEB0];
	v16 =	vmul.f32 v34, v5;
	[tilespmem:s24+$0xFFFFFE40] =	vst v14  }
0x9b: {  	v39 =	vld [tilespmem:s24+$0xFFFFFE30];
	v12 =	vmul.f32 v33, v7;
	[tilespmem:s24+$0x1B0] =	vst v15  }
0x9c: {  	v40 =	vld [tilespmem:s24+$0x1A0];
	v10 =	vmul.f32 v35, v4;
	[tilespmem:s24+$0xB0] =	vst v16  }
0x9d: {  	v42 =	vld [tilespmem:s24+$0xA0];
	v11 =	vmul.f32 v36, v3;
	[tilespmem:s24+$0x130] =	vst v12  }
0x9e: {  	v41 =	vld [tilespmem:s24+$0x120];
	v9 =	vmul.f32 v37, v1;
	[tilespmem:s24+$0x30] =	vst v10  }
0x9f: {  	v43 =	vld [tilespmem:s24+$0x20];
	v13 =	vmul.f32 v38, v2;
	[tilespmem:s24+$0xFFFFFFB0] =	vst v11  }
0xa0: {  	v44 =	vld [tilespmem:s24+$0xFFFFFFA0];
	v14 =	vmul.f32 v39, v0;
	[tilespmem:s24+$0xFFFFFF30] =	vst v9  }
0xa1: {  	v45 =	vld [tilespmem:s24+$0xFFFFFF20];
	v15 =	vmul.f32 v40, v8;
	[tilespmem:s24+$0xFFFFFEB0] =	vst v13  }
0xa2: {  	v46 =	vld [tilespmem:s24+$0xFFFFFEA0];
	v16 =	vmul.f32 v42, v5;
	[tilespmem:s24+$0xFFFFFE30] =	vst v14  }
0xa3: {  	v47 =	vld [tilespmem:s24+$0xFFFFFE20];
	v12 =	vmul.f32 v41, v7;
	[tilespmem:s24+$0x1A0] =	vst v15  }
0xa4: {  	v48 =	vld [tilespmem:s24+$0x190];
	v10 =	vmul.f32 v43, v4;
	[tilespmem:s24+$0xA0] =	vst v16  }
0xa5: {  	v50 =	vld [tilespmem:s24+$0x90];
	v11 =	vmul.f32 v44, v3;
	[tilespmem:s24+$0x120] =	vst v12  }
0xa6: {  	v56 =	vld [tilespmem:s24+$0x180];
	v9 =	vmul.f32 v45, v1;
	[tilespmem:s24+$0x20] =	vst v10  }
0xa7: {  	v58 =	vld [tilespmem:s24+$0x80];
	v13 =	vmul.f32 v46, v2;
	[tilespmem:s24+$0xFFFFFFA0] =	vst v11  }
0xa8: {  	v49 =	vld [tilespmem:s24+$0x110];
	v14 =	vmul.f32 v47, v0;
	[tilespmem:s24+$0xFFFFFF20] =	vst v9  }
0xa9: {  	v51 =	vld [tilespmem:s24+$0x10];
	v15 =	vmul.f32 v48, v8;
	[tilespmem:s24+$0xFFFFFEA0] =	vst v13  }
0xaa: {  	v52 =	vld [tilespmem:s24+$0xFFFFFF90];
	v16 =	vmul.f32 v50, v5;
	[tilespmem:s24+$0xFFFFFE20] =	vst v14  }
0xab: {  	v53 =	vld [tilespmem:s24+$0xFFFFFF10];
	v8 =	vmul.f32 v56, v8;
	[tilespmem:s24+$0x190] =	vst v15  }
0xac: {  	v54 =	vld [tilespmem:s24+$0xFFFFFE90];
	v5 =	vmul.f32 v58, v5;
	[tilespmem:s24+$0x90] =	vst v16  }
0xad: {  	v55 =	vld [tilespmem:s24+$0xFFFFFE10];
	v12 =	vmul.f32 v49, v7;
	[tilespmem:s24+$0x180] =	vst v8  }
0xae: {  	v57 =	vld [tilespmem:s24+$0x100];
	v10 =	vmul.f32 v51, v4;
	[tilespmem:s24+$0x80] =	vst v5  }
0xaf: {  	v59 =	vld [tilespmem:s24+$0x0];
	v11 =	vmul.f32 v52, v3;
	[tilespmem:s24+$0x110] =	vst v12  }
0xb0: {  	v60 =	vld [tilespmem:s24+$0xFFFFFF80];
	v9 =	vmul.f32 v53, v1;
	[tilespmem:s24+$0x10] =	vst v10  }
0xb1: {  	v61 =	vld [tilespmem:s24+$0xFFFFFF00];
	v13 =	vmul.f32 v54, v2;
	[tilespmem:s24+$0xFFFFFF90] =	vst v11  }
0xb2: {  	v62 =	vld [tilespmem:s24+$0xFFFFFE80];
	v14 =	vmul.f32 v55, v0;
	[tilespmem:s24+$0xFFFFFF10] =	vst v9  }
0xb3: {  	v63 =	vld [tilespmem:s24+$0xFFFFFE00];
	v7 =	vmul.f32 v57, v7;
	[tilespmem:s24+$0xFFFFFE90] =	vst v13  }
0xb4: {  	v6 =	vld [tilespmem:s24+$0xFFFFFF70];
	v4 =	vmul.f32 v59, v4;
	[tilespmem:s24+$0xFFFFFE10] =	vst v14  }
0xb5: {  	v3 =	vmul.f32 v60, v3;
	[tilespmem:s24+$0x100] =	vst v7  }
0xb6: {  	v5 =	vmul.f32 v61, v1;
	[tilespmem:s24+$0x0] =	vst v4  }
0xb7: {  	v2 =	vmul.f32 v62, v2;
	[tilespmem:s24+$0xFFFFFF80] =	vst v3  }
0xb8: {  	v0 =	vmul.f32 v63, v0;
	[tilespmem:s24+$0xFFFFFF00] =	vst v5  }
0xb9: {  	s26 =	simm.s32 $0x780;
	s25 =	simm.s32 $0x8;
	v3 =	vmul.f32 v6, v1;
	[tilespmem:s24+$0xFFFFFE80] =	vst v2  }
.LBB2_3:
0xba: {  	v4 =	vmov s25;
	v9 =	vld [tilespmem:s26+$0x1F0];
	p0 =	sne.s32 s25, $0x78;
	s25 =	sadd.s32 $0x8, s25;
	[tilespmem:s24+$0xFFFFFE00] =	vst v0  }
0xbb: {  	v1 =	vor.u32 $0x1, v4;
	v10 =	vld [tilespmem:s26+$0x170];
	[tilespmem:s24+$0xFFFFFF70] =	vst v3;
	s24 =	smov.u32 s26  }
0xbc: {  	v2 =	vor.u32 $0x2, v4;
	v3 =	vld [tilespmem:s26+$0xF0]  }
0xbd: {  	v5 =	vor.u32 $0x3, v4;
	v11 =	vld [tilespmem:s26+$0x70]  }
0xbe: {  	v6 =	vor.u32 $0x4, v4;
	v12 =	vld [tilespmem:s26+$0xFFFFFFF0]  }
0xbf: {  	v7 =	vor.u32 $0x5, v4;
	v0 =	vld.idx.msk [tilespmem:v4+s21+$0x0], $0xffff  }
0xc0: {  	v8 =	vor.u32 $0x6, v4;
	v1 =	vld.idx.msk [tilespmem:v1+s21+$0x0], $0xffff  }
0xc1: {  	v13 =	vor.u32 $0x7, v4;
	v2 =	vld.idx.msk [tilespmem:v2+s21+$0x0], $0xffff  }
0xc2: {  	v4 =	vld.idx.msk [tilespmem:v5+s21+$0x0], $0xffff  }
0xc3: {  	v5 =	vld.idx.msk [tilespmem:v6+s21+$0x0], $0xffff  }
0xc4: {  	v6 =	vld.idx.msk [tilespmem:v7+s21+$0x0], $0xffff  }
0xc5: {  	v7 =	vld.idx.msk [tilespmem:v8+s21+$0x0], $0xffff  }
0xc6: {  	v8 =	vld.idx.msk [tilespmem:v13+s21+$0x0], $0xffff  }
0xc7: {  	v13 =	vld [tilespmem:s26+$0xFFFFFF70]  }
0xc8: {  	v12 =	vmul.f32 v12, v4;
	v14 =	vld [tilespmem:s26+$0xFFFFFEF0]  }
0xc9: {  	v11 =	vmul.f32 v11, v5;
	v15 =	vld [tilespmem:s26+$0xFFFFFE70]  }
0xca: {  	v16 =	vld [tilespmem:s26+$0x1E0];
	[tilespmem:s26+$0xFFFFFFF0] =	vst v12;
	v12 =	vmul.f32 v3, v6  }
0xcb: {  	v10 =	vmul.f32 v10, v7;
	v17 =	vld [tilespmem:s26+$0x160];
	[tilespmem:s26+$0x70] =	vst v11  }
0xcc: {  	v9 =	vmul.f32 v9, v8;
	v11 =	vld [tilespmem:s26+$0xE0];
	v3 =	vmul.f32 v13, v2;
	[tilespmem:s26+$0xF0] =	vst v12  }
0xcd: {  	v12 =	vld [tilespmem:s26+$0x60];
	v13 =	vmul.f32 v14, v1;
	[tilespmem:s26+$0x170] =	vst v10  }
0xce: {  	v10 =	vld [tilespmem:s26+$0xFFFFFFE0];
	v14 =	vmul.f32 v15, v0;
	[tilespmem:s26+$0x1F0] =	vst v9  }
0xcf: {  	v9 =	vld [tilespmem:s26+$0xFFFFFF60];
	v15 =	vmul.f32 v16, v8;
	[tilespmem:s26+$0xFFFFFEF0] =	vst v13  }
0xd0: {  	v13 =	vld [tilespmem:s26+$0xFFFFFEE0];
	v16 =	vmul.f32 v17, v7;
	[tilespmem:s26+$0xFFFFFE70] =	vst v14  }
0xd1: {  	v14 =	vld [tilespmem:s26+$0xFFFFFE60];
	v11 =	vmul.f32 v11, v6;
	[tilespmem:s26+$0x1E0] =	vst v15  }
0xd2: {  	v15 =	vld [tilespmem:s26+$0x1D0];
	v12 =	vmul.f32 v12, v5;
	[tilespmem:s26+$0x160] =	vst v16  }
0xd3: {  	v16 =	vld [tilespmem:s26+$0x150];
	v10 =	vmul.f32 v10, v4;
	[tilespmem:s26+$0xE0] =	vst v11  }
0xd4: {  	v11 =	vld [tilespmem:s26+$0xD0];
	v9 =	vmul.f32 v9, v2;
	[tilespmem:s26+$0x60] =	vst v12  }
0xd5: {  	v12 =	vld [tilespmem:s26+$0x50];
	v13 =	vmul.f32 v13, v1;
	[tilespmem:s26+$0xFFFFFFE0] =	vst v10  }
0xd6: {  	v10 =	vld [tilespmem:s26+$0xFFFFFFD0];
	v14 =	vmul.f32 v14, v0;
	[tilespmem:s26+$0xFFFFFF60] =	vst v9  }
0xd7: {  	v9 =	vld [tilespmem:s26+$0xFFFFFF50];
	v15 =	vmul.f32 v15, v8;
	[tilespmem:s26+$0xFFFFFEE0] =	vst v13  }
0xd8: {  	v13 =	vld [tilespmem:s26+$0xFFFFFED0];
	v16 =	vmul.f32 v16, v7;
	[tilespmem:s26+$0xFFFFFE60] =	vst v14  }
0xd9: {  	v14 =	vld [tilespmem:s26+$0xFFFFFE50];
	v11 =	vmul.f32 v11, v6;
	[tilespmem:s26+$0x1D0] =	vst v15  }
0xda: {  	v15 =	vld [tilespmem:s26+$0x1C0];
	v12 =	vmul.f32 v12, v5;
	[tilespmem:s26+$0x150] =	vst v16  }
0xdb: {  	v16 =	vld [tilespmem:s26+$0x140];
	v10 =	vmul.f32 v10, v4;
	[tilespmem:s26+$0xD0] =	vst v11  }
0xdc: {  	v11 =	vld [tilespmem:s26+$0xC0];
	v9 =	vmul.f32 v9, v2;
	[tilespmem:s26+$0x50] =	vst v12  }
0xdd: {  	v12 =	vld [tilespmem:s26+$0x40];
	v13 =	vmul.f32 v13, v1;
	[tilespmem:s26+$0xFFFFFFD0] =	vst v10  }
0xde: {  	v10 =	vld [tilespmem:s26+$0xFFFFFFC0];
	v14 =	vmul.f32 v14, v0;
	[tilespmem:s26+$0xFFFFFF50] =	vst v9  }
0xdf: {  	v9 =	vld [tilespmem:s26+$0xFFFFFF40];
	v15 =	vmul.f32 v15, v8;
	[tilespmem:s26+$0xFFFFFED0] =	vst v13  }
0xe0: {  	v13 =	vld [tilespmem:s26+$0xFFFFFEC0];
	v16 =	vmul.f32 v16, v7;
	[tilespmem:s26+$0xFFFFFE50] =	vst v14  }
0xe1: {  	v14 =	vld [tilespmem:s26+$0xFFFFFE40];
	v11 =	vmul.f32 v11, v6;
	[tilespmem:s26+$0x1C0] =	vst v15  }
0xe2: {  	v15 =	vld [tilespmem:s26+$0x1B0];
	v12 =	vmul.f32 v12, v5;
	[tilespmem:s26+$0x140] =	vst v16  }
0xe3: {  	v16 =	vld [tilespmem:s26+$0x130];
	v10 =	vmul.f32 v10, v4;
	[tilespmem:s26+$0xC0] =	vst v11  }
0xe4: {  	v11 =	vld [tilespmem:s26+$0xB0];
	v9 =	vmul.f32 v9, v2;
	[tilespmem:s26+$0x40] =	vst v12  }
0xe5: {  	v12 =	vld [tilespmem:s26+$0x30];
	v13 =	vmul.f32 v13, v1;
	[tilespmem:s26+$0xFFFFFFC0] =	vst v10  }
0xe6: {  	v10 =	vld [tilespmem:s26+$0xFFFFFFB0];
	v14 =	vmul.f32 v14, v0;
	[tilespmem:s26+$0xFFFFFF40] =	vst v9  }
0xe7: {  	v9 =	vld [tilespmem:s26+$0xFFFFFF30];
	v15 =	vmul.f32 v15, v8;
	[tilespmem:s26+$0xFFFFFEC0] =	vst v13  }
0xe8: {  	v13 =	vld [tilespmem:s26+$0xFFFFFEB0];
	v16 =	vmul.f32 v16, v7;
	[tilespmem:s26+$0xFFFFFE40] =	vst v14  }
0xe9: {  	v14 =	vld [tilespmem:s26+$0xFFFFFE30];
	v11 =	vmul.f32 v11, v6;
	[tilespmem:s26+$0x1B0] =	vst v15  }
0xea: {  	v15 =	vld [tilespmem:s26+$0x1A0];
	v12 =	vmul.f32 v12, v5;
	[tilespmem:s26+$0x130] =	vst v16  }
0xeb: {  	v16 =	vld [tilespmem:s26+$0x120];
	v10 =	vmul.f32 v10, v4;
	[tilespmem:s26+$0xB0] =	vst v11  }
0xec: {  	v11 =	vld [tilespmem:s26+$0xA0];
	v9 =	vmul.f32 v9, v2;
	[tilespmem:s26+$0x30] =	vst v12  }
0xed: {  	v12 =	vld [tilespmem:s26+$0x20];
	v13 =	vmul.f32 v13, v1;
	[tilespmem:s26+$0xFFFFFFB0] =	vst v10  }
0xee: {  	v10 =	vld [tilespmem:s26+$0xFFFFFFA0];
	v14 =	vmul.f32 v14, v0;
	[tilespmem:s26+$0xFFFFFF30] =	vst v9  }
0xef: {  	v9 =	vld [tilespmem:s26+$0xFFFFFF20];
	v15 =	vmul.f32 v15, v8;
	[tilespmem:s26+$0xFFFFFEB0] =	vst v13  }
0xf0: {  	v13 =	vld [tilespmem:s26+$0xFFFFFEA0];
	v16 =	vmul.f32 v16, v7;
	[tilespmem:s26+$0xFFFFFE30] =	vst v14  }
0xf1: {  	v14 =	vld [tilespmem:s26+$0xFFFFFE20];
	v11 =	vmul.f32 v11, v6;
	[tilespmem:s26+$0x1A0] =	vst v15  }
0xf2: {  	v15 =	vld [tilespmem:s26+$0x190];
	v12 =	vmul.f32 v12, v5;
	[tilespmem:s26+$0x120] =	vst v16  }
0xf3: {  	v16 =	vld [tilespmem:s26+$0x110];
	v10 =	vmul.f32 v10, v4;
	[tilespmem:s26+$0xA0] =	vst v11  }
0xf4: {  	v11 =	vld [tilespmem:s26+$0x90];
	v9 =	vmul.f32 v9, v2;
	[tilespmem:s26+$0x20] =	vst v12  }
0xf5: {  	v12 =	vld [tilespmem:s26+$0x10];
	v13 =	vmul.f32 v13, v1;
	[tilespmem:s26+$0xFFFFFFA0] =	vst v10  }
0xf6: {  	v10 =	vld [tilespmem:s26+$0xFFFFFF90];
	v14 =	vmul.f32 v14, v0;
	[tilespmem:s26+$0xFFFFFF20] =	vst v9  }
0xf7: {  	v9 =	vld [tilespmem:s26+$0xFFFFFF10];
	v15 =	vmul.f32 v15, v8;
	[tilespmem:s26+$0xFFFFFEA0] =	vst v13  }
0xf8: {  	v13 =	vld [tilespmem:s26+$0xFFFFFE90];
	v16 =	vmul.f32 v16, v7;
	[tilespmem:s26+$0xFFFFFE20] =	vst v14  }
0xf9: {  	v14 =	vld [tilespmem:s26+$0xFFFFFE10];
	v11 =	vmul.f32 v11, v6;
	[tilespmem:s26+$0x190] =	vst v15  }
0xfa: {  	v15 =	vld [tilespmem:s26+$0x180];
	v12 =	vmul.f32 v12, v5;
	[tilespmem:s26+$0x110] =	vst v16  }
0xfb: {  	v16 =	vld [tilespmem:s26+$0x100];
	v10 =	vmul.f32 v10, v4;
	[tilespmem:s26+$0x90] =	vst v11  }
0xfc: {  	v11 =	vld [tilespmem:s26+$0x80];
	v9 =	vmul.f32 v9, v2;
	[tilespmem:s26+$0x10] =	vst v12  }
0xfd: {  	v12 =	vld [tilespmem:s26+$0x0];
	v13 =	vmul.f32 v13, v1;
	[tilespmem:s26+$0xFFFFFF90] =	vst v10  }
0xfe: {  	v10 =	vld [tilespmem:s26+$0xFFFFFF80];
	v14 =	vmul.f32 v14, v0;
	[tilespmem:s26+$0xFFFFFF10] =	vst v9  }
0xff: {  	v9 =	vld [tilespmem:s26+$0xFFFFFF00];
	v8 =	vmul.f32 v15, v8;
	[tilespmem:s26+$0xFFFFFE90] =	vst v13  }
0x100: {  	v13 =	vld [tilespmem:s26+$0xFFFFFE80];
	v7 =	vmul.f32 v16, v7;
	[tilespmem:s26+$0xFFFFFE10] =	vst v14  }
0x101: {  	v14 =	vld [tilespmem:s26+$0xFFFFFE00];
	v6 =	vmul.f32 v11, v6;
	[tilespmem:s26+$0x180] =	vst v8  }
0x102: {  	v5 =	vmul.f32 v12, v5;
	[tilespmem:s26+$0x100] =	vst v7  }
.Ltmp0:
0x103: {  	v4 =	vmul.f32 v10, v4;
	[tilespmem:s26+$0x80] =	vst v6;
	(pc) =	sbr.rel @p0 .LBB2_3-.Ltmp0, $4  }
0x104: {  	v2 =	vmul.f32 v9, v2;
	[tilespmem:s26+$0x0] =	vst v5  }
0x105: {  	v1 =	vmul.f32 v13, v1;
	[tilespmem:s26+$0xFFFFFF80] =	vst v4  }
0x106: {  	v0 =	vmul.f32 v14, v0;
	[tilespmem:s26+$0xFFFFFF00] =	vst v2  }
0x107: {  	s26 =	sadd.s32 $0x400, s26;
	[tilespmem:s24+$0xFFFFFE80] =	vst v1  }
0x108: {  	s23 =	sadd.s32 $0x1, s23  }
0x109: {  	[tilespmem:s24+$0xFFFFFE00] =	vst v0;
	p0 =	sne.s32 s23, $0x51  }
.Ltmp1:
0x10a: {  	[tilespmem:s24+$0xFFFFFF70] =	vst v3;
	(pc) =	sbr.rel @p0 .LBB2_2-.Ltmp1, $4  }
0x10b: {  	[spmem:s1] =	stream.indirect.scatter.add.f32 [tilespmem:s19], [sflag:$0x2], $0x80, s18, s18, $0xb8;
	[tilespmem:$0x1D180] =	vst v63  }
0x10c: {  	_ =	swait.ge [sflag:s15], $0x4000  }
0x10d: {  	[sflag:s15] =	ssyncset.done $0x0  }
0x10e: {  	[sflag:s15] =	ssyncadd.s32 $0xFFFFC000  }
0x10f: {  	s22 =	sadd.s32 $0x1, s22  }
0x110: {  	p0 =	sne.s32 s22, s13  }
.Ltmp2:
0x111: {  	[bflag:$0x0] =	sbarrier.arrive $0xFFFF;
	(pc) =	sbr.rel @p0 .LBB2_1-.Ltmp2, $4  }
0x112: {  	[hbm:s12], [sflag:s10] =	dma.local [spmem:s14], $0x2800  }
0x113: {  	_ =	swait.ge [sflag:s15], $0x2800  }
0x114: {  	[sflag:s15] =	ssyncset.done $0x0  }
0x115: {  	[sflag:s15] =	ssyncadd.s32 $0xFFFFD800  }
0x116: {  	_ =	sfence.sel $0x180000  }
0x117: {  	[bflag:$0x0] =	sbarrier.arrive $0xFFFF  }
0x118: {  	p0 =	sne.s32 s2, $0x0;
	_ =	strace $0x9000004A  }
0x119: {  	s0 =	sadd.s32 @!p0 $0x100000, s0;
	[bflag:$0x2] =	sbarrier.arrive $0xFFFF  }
0x11a: {  	[sflag:s0] =	ssyncadd.tile.s32 @!p0 $0x1;
	_ =	shalt  }
.Lfunc_end2:
_tile_overlayer_lowered:
.L_overlay_start_2:
0x11b: {  	(tag) =	ssettag $0x2  }
0x11c: {  	s0 =	rddreg [dreg:$0x0];
	s2 =	stileid.u32  }
0x11d: {  	s1 =	rddreg [dreg:$0x1];
	p0 =	sne.s32 s2, $0x0  }
0x11e: {  	s3 =	rddreg [dreg:$0x2];
	[bflag:$0x3] =	sbarrier.arrive $0xFFFF;
	s2 =	simm.s32 @!p0 $0x1C02  }
0x11f: {  	[timem:s3], [sflag:s2] =	dma.local @!p0 [hbm:s0], s1  }
0x120: {  	s0 =	simm.s32 @!p0 $0x2  }
0x121: {  	_ =	swait.ge @!p0 [sflag:s0], s1  }
0x122: {  	s1 =	ssub.s32 @!p0 $0x0, s1;
	[sflag:s0] =	ssyncset.done @!p0 $0x0  }
0x123: {  	[sflag:s0] =	ssyncadd.s32 @!p0 s1  }
0x124: {  	[bflag:$0x3] =	sbarrier.arrive $0xFFFF  }
0x125: {  	_ =	shalt  }

// kernel: kernel.21.cloned.1.call-start
scs
__scs_entry_jumppad:
0x0: {  	(pc) =	sbr.rel $0x88, $3  }
0x1: {  	(tag) =	ssettag $0x0;
	lr =	simm.s32 $0x1  }
0x2: {  	[smem:$0x3F83] =	sst lr;
	_ =	strace $0xD0000000  }
0x3: {  	_ = 	snop  }
0x4: {  	_ = 	snop  }
0x5: {  	_ = 	snop  }
0x6: {  	_ = 	snop  }
0x7: {  	_ = 	snop  }
__scs_overlays_trampoline_lowered:
0x8: {  	[smem:$0x3F92] =	sst s0  }
0x9: {  	[smem:$0x3F93] =	sst s1  }
0xa: {  	[smem:$0x3F94] =	sst s2  }
0xb: {  	[smem:$0x3F95] =	sst s3  }
0xc: {  	[smem:$0x3F96] =	sst s4  }
0xd: {  	[smem:$0x3F97] =	sst s5  }
0xe: {  	[smem:$0x3F98] =	sst s6  }
0xf: {  	[smem:$0x3F99] =	sst s7  }
0x10: {  	[smem:$0x3F9A] =	sst s8  }
0x11: {  	[smem:$0x3F9B] =	sst s9;
	s0 =	simm.s32 @!p0 $0x0  }
0x12: {  	s1 =	sld [smem:$0x3F81];
	s0 =	simm.s32 @p0 $0x1  }
0x13: {  	[smem:$0x3F9C] =	sst s0;
	s0 =	simm.s32 @!p1 $0x0  }
0x14: {  	s2 =	sld [smem:$0x3F80];
	s0 =	simm.s32 @p1 $0x1  }
0x15: {  	[smem:$0x3F9D] =	sst s0;
	s0 =	simm.s32 @!p2 $0x0  }
0x16: {  	s3 =	sld [smem:$0x3FDB];
	s0 =	simm.s32 @p2 $0x1  }
0x17: {  	s4 =	simm.s32 $0x1BF5;
	[smem:$0x3F9F] =	sst s0  }
0x18: {  	s0 =	sld [smem:$0x3F82];
	_ =	swait.ge [sflag:s4], $0x0  }
0x19: {  	s7 =	sld [smem:$0x3F83]  }
0x1a: {  	s8 =	sadd.s32 $0xFFFFE003, lr  }
0x1b: {  	s9 =	sadd.s32 $0xFFFFFEF7, lr;
	s5 =	simm.s32 $0xFFFFFFFF;
	p2 =	slt.u32 s8, $0xFFFFF086  }
0x1c: {  	p1 =	slt.u32 s9, $0xF7A;
	s5 =	simm.s32 @!p2 $0x0  }
0x1d: {  	s5 =	simm.s32 @p1 $0x1;
	p0 =	seq.s32 s7, s2  }
0x1e: {  	s7 =	smul.u32 @!p0 $0xF7A, s2;
	p2 =	seq.s32 @!p0 s5, $0x0  }
0x1f: {  	s9 =	smul.u32 $0xF7A, s1;
	s8 =	simm.s32 @!p0 $0x1BF5;
	p2 =	por !p2, p0  }
0x20: {  	[sflag:s8] =	ssyncset.s32 @!p0 $0xFFFFF086;
	s6 =	sadd.s32 @!p0 s3, s7;
	s7 =	simm.s32 @!p0 $0x108  }
0x21: {  	s3 =	sadd.s32 s3, s9;
	s6 =	sadd.s32 @!p0 $0x88, s6;
	s7 =	simm.s32 @p2 $0x1082  }
0x22: {  	[simem:s7], [sflag:s8] =	dma.local @!p0 [hbm:s6], $0xF7A  }
0x23: {  	s9 =	sor.u32 $0xD0000000, s2;
	s6 =	simm.s32 $0x108;
	_ =	swait.ge @!p0 [sflag:s8], $0x0  }
0x24: {  	s3 =	sadd.s32 $0x88, s3;
	s6 =	simm.s32 @!p1 $0x1082;
	[sflag:s4] =	ssyncset.s32 $0xFFFFF086  }
0x25: {  	[simem:s6], [sflag:s4] =	dma.local [hbm:s3], $0xF7A  }
0x26: {  	[smem:$0x3F83] =	sst s1;
	(tag) =	ssettag s2;
	_ =	strace s9  }
0x27: {  	s1 =	sld [smem:$0x3F93]  }
0x28: {  	s2 =	sld [smem:$0x3F94]  }
0x29: {  	s4 =	sld [smem:$0x3F96]  }
0x2a: {  	p0 =	seq.s32 s5, $0x0;
	s5 =	sld [smem:$0x3F97]  }
0x2b: {  	s6 =	sld [smem:$0x3F98]  }
0x2c: {  	s7 =	sld [smem:$0x3F99]  }
0x2d: {  	s3 =	simm.s32 $0x108;
	s8 =	sld [smem:$0x3F9A]  }
0x2e: {  	s3 =	simm.s32 @!p0 $0x1082;
	s9 =	sld [smem:$0x3F9B]  }
0x2f: {  	lr =	sadd.s32 s0, s3;
	s0 =	sld [smem:$0x3F92]  }
0x30: {  	s3 =	sld [smem:$0x3F95]  }
0x31: {  	[smem:$0x3F9E] =	sst s10  }
0x32: {  	s10 =	sld [smem:$0x3F9C];
	_ =	sdelay $0x3  }
0x33: {  	p0 =	seq.s32 s10, $0x1;
	s10 =	sld [smem:$0x3F9E];
	_ =	sdelay $0x3  }
0x34: {  	[smem:$0x3F9E] =	sst s10  }
0x35: {  	s10 =	sld [smem:$0x3F9D];
	_ =	sdelay $0x3  }
0x36: {  	p1 =	seq.s32 s10, $0x1;
	s10 =	sld [smem:$0x3F9E];
	_ =	sdelay $0x3  }
0x37: {  	[smem:$0x3F9E] =	sst s10  }
0x38: {  	s10 =	sld [smem:$0x3F9F]  }
0x39: {  	_ = 	snop;
	(pc) =	sbr.ind lr, $3  }
0x3a: {  	_ = 	snop  }
0x3b: {  	_ = 	snop  }
0x3c: {  	p2 =	seq.s32 s10, $0x1;
	s10 =	sld [smem:$0x3F9E]  }
0x3d: {  	_ =	shalt  }
0x3e: {  	_ =	shalt  }
0x3f: {  	_ =	shalt  }
0x40: {  	_ =	shalt  }
0x41: {  	_ =	shalt  }
0x42: {  	_ =	shalt  }
0x43: {  	_ =	shalt  }
0x44: {  	_ =	shalt  }
0x45: {  	_ =	shalt  }
0x46: {  	_ =	shalt  }
0x47: {  	_ =	shalt  }
0x48: {  	_ =	shalt  }
0x49: {  	_ =	shalt  }
0x4a: {  	_ =	shalt  }
0x4b: {  	_ =	shalt  }
0x4c: {  	_ =	shalt  }
0x4d: {  	_ =	shalt  }
0x4e: {  	_ =	shalt  }
0x4f: {  	_ =	shalt  }
0x50: {  	_ =	shalt  }
0x51: {  	_ =	shalt  }
0x52: {  	_ =	shalt  }
0x53: {  	_ =	shalt  }
0x54: {  	_ =	shalt  }
0x55: {  	_ =	shalt  }
0x56: {  	_ =	shalt  }
0x57: {  	_ =	shalt  }
0x58: {  	_ =	shalt  }
0x59: {  	_ =	shalt  }
0x5a: {  	_ =	shalt  }
0x5b: {  	_ =	shalt  }
0x5c: {  	_ =	shalt  }
0x5d: {  	_ =	shalt  }
0x5e: {  	_ =	shalt  }
0x5f: {  	_ =	shalt  }
0x60: {  	_ =	shalt  }
0x61: {  	_ =	shalt  }
0x62: {  	_ =	shalt  }
0x63: {  	_ =	shalt  }
0x64: {  	_ =	shalt  }
0x65: {  	_ =	shalt  }
0x66: {  	_ =	shalt  }
0x67: {  	_ =	shalt  }
0x68: {  	_ =	shalt  }
0x69: {  	_ =	shalt  }
0x6a: {  	_ =	shalt  }
0x6b: {  	_ =	shalt  }
0x6c: {  	_ =	shalt  }
0x6d: {  	_ =	shalt  }
0x6e: {  	_ =	shalt  }
0x6f: {  	_ =	shalt  }
0x70: {  	_ =	shalt  }
0x71: {  	_ =	shalt  }
0x72: {  	_ =	shalt  }
0x73: {  	_ =	shalt  }
0x74: {  	_ =	shalt  }
0x75: {  	_ =	shalt  }
0x76: {  	_ =	shalt  }
0x77: {  	_ =	shalt  }
0x78: {  	_ =	shalt  }
0x79: {  	_ =	shalt  }
0x7a: {  	_ =	shalt  }
0x7b: {  	_ =	shalt  }
0x7c: {  	_ =	shalt  }
0x7d: {  	_ =	shalt  }
0x7e: {  	_ =	shalt  }
0x7f: {  	_ =	shalt  }
0x80: {  	_ =	shalt  }
0x81: {  	_ =	shalt  }
0x82: {  	_ =	shalt  }
0x83: {  	_ =	shalt  }
0x84: {  	_ =	shalt  }
0x85: {  	_ =	shalt  }
0x86: {  	_ =	shalt  }
0x87: {  	_ =	shalt  }
.Lfunc_end0:
.L_simem_size_0:
called_computation.2_lowered:
.L_overlay_start_0:
0x88: {  	s2 =	sld [smem:$0x3FD9]  }
0x89: {  	s3 =	sld [smem:$0x3FFE];
	_ =	sdelay $0x1  }
0x8a: {  	s1 =	srdreg.scid  }
0x8b: {  	s0 =	sand.u32 $0x1, s1  }
0x8c: {  	s16 =	sshll.u32 s0, $0xA;
	s2 =	sadd.s32 s3, s2  }
0x8d: {  	s2 =	sadd.s32 s2, s16  }
0x8e: {  	[smem:$0x3FAA] =	sst s2  }
0x8f: {  	_ = 	snop  }
0x90: {  	(tm) =	ssettm $0x1  }
0x91: {  	s17 =	sld [smem:$0x3FFB];
	_ =	sdelay $0x3  }
0x92: {  	_ =	strace s17  }
0x93: {  	s2 =	sld [smem:$0x3FFC];
	_ =	sdelay $0x3  }
0x94: {  	_ =	strace s2  }
0x95: {  	s2 =	sld [smem:$0x3FFD];
	_ =	sdelay $0x3  }
0x96: {  	_ =	strace s2  }
0x97: {  	_ =	strace $0x8FFFFFFF  }
0x98: {  	s18 =	sld [smem:$0x3FDB];
	_ =	sdelay $0x1  }
0x99: {  	s19 =	simm.s32 $_scs_section_size  }
0x9a: {  	s4 =	simm.s32 $_size__tile_overlayer_lowered;
	s5 =	simm.s32 $_tile_overlayer_lowered  }
0x9b: {  	s22 =	simm.s32 $0x1BFF;
	s21 =	sshll.u32 s5, $0x1;
	s2 =	sadd.s32 s19, s18  }
0x9c: {  	s6 =	simm.s32 $0x0;
	s20 =	sshll.u32 s4, $0x1;
	s4 =	sadd.s32 s21, s2  }
0x9d: {  	[timem:s6], [sflag:s22] =	dma.local [hbm:s4], s20  }
0x9e: {  	_ =	swait.ge [sflag:s22], s20  }
0x9f: {  	s3 =	ssub.s32 $0x0, s20;
	[sflag:s22] =	ssyncset.done $0x0  }
0xa0: {  	[sflag:s22] =	ssyncadd.s32 s3;
	_ =	sdelay $0x1  }
0xa1: {  	s23 =	simm.s32 $0x1B8B  }
0xa2: {  	_ =	swait.ge [sflag:s23], $0x1  }
0xa3: {  	[sflag:s23] =	ssyncset.done $0x0  }
0xa4: {  	s25 =	simm.s32 $0x1B8E;
	s24 =	sld [smem:$0x3FFE];
	[sflag:s23] =	ssyncadd.s32 $0xFFFFFFFF  }
0xa5: {  	s26 =	simm.s32 $execute0_lowered;
	[smem:$0x3FD2] =	sst s25  }
0xa6: {  	s4 =	sshll.u32 s26, $0x1;
	_ =	strace $0x8000004C;
	[dreg:$0x1] =	wrdreg $0xFFFFFFFF  }
0xa7: {  	s28 =	simm.s32 $_size_execute0_lowered;
	s2 =	sadd.s32 s2, s4;
	[dreg:$0x0] =	wrdreg $0x0  }
0xa8: {  	s4 =	sshll.u32 s28, $0x1;
	[dreg:$0x2] =	wrdreg s2  }
0xa9: {  	[dreg:$0x3] =	wrdreg s4  }
0xaa: {  	[dreg:$0x4] =	wrdreg $0xC0  }
0xab: {  	_ =	task [dreg:s6], $0x5FFFF  }
0xac: {  	[dreg:$0x1] =	wrdreg $0xFFFFFFFF  }
0xad: {  	[dreg:$0x0] =	wrdreg $0x60  }
0xae: {  	[dreg:$0x2] =	wrdreg s24  }
0xaf: {  	[dreg:$0x3] =	wrdreg $0x91800  }
0xb0: {  	[dreg:$0x4] =	wrdreg $0x9  }
0xb1: {  	_ =	task.clear_ibuf [dreg:s6], $0x5FFFF;
	_ =	strace $0x9000004C  }
0xb2: {  	s29 =	simm.s32 $0x9;
	_ =	strace $0x8000004E  }
0xb3: {  	_ =	swait.ge [sflag:s29], $0x1  }
0xb4: {  	[sflag:s29] =	ssyncadd.s32 $0xFFFFFFFF  }
0xb5: {  	_ =	strace $0x9000004E  }
0xb6: {  	_ =	sfence  }
0xb7: {  	s30 =	sld [smem:$0x0];
	_ =	sdelay $0x2  }
0xb8: {  	s31 =	sshll.u32 s1, $0xD;
	s1 =	sshrl.u32 s1, $0x2  }
0xb9: {  	s3 =	sand.u32 $0x4000, s31;
	s1 =	sadd.s32 s1, s30  }
0xba: {  	s0 =	sor.u32 s3, s0;
	s1 =	sshll.u32 s1, $0x11  }
0xbb: {  	s0 =	sor.u32 s1, s0  }
0xbc: {  	s0 =	sadd.s32 $0x8F2B, s0  }
0xbd: {  	[sflag:s0] =	ssyncadd.remote.s32 $0x1  }
0xbe: {  	_ =	sfence.sel $0xFFFF  }
0xbf: {  	[dreg:$0x0] =	wrdreg $0xFFFFFFFF;
	(pc) =	sbr.abs _section_cstart, $3  }
0xc0: {  	[dreg:$0x1] =	wrdreg $0xFFFFFFFF  }
0xc1: {  	_ =	task.clear_ibuf [dreg:s6], $0x2FFFF;
	_ =	strace $0x9FFFFFFF  }
0xc2: {  	(tm) =	ssettm $0x7FFFFFFF  }
0xc3: {  	_ =	shalt  }
tec
execute0_lowered:
.L_overlay_start_1:
0x0: {  	(tag) =	ssettag $0x1  }
0x1: {  	s9 =	rddreg [dreg:$0x0]  }
0x2: {  	s1 =	rddreg [dreg:$0x1]  }
0x3: {  	s0 =	rddreg [dreg:$0x2];
	s3 =	simm.s32 $0x0;
	s2 =	stileid.u32  }
0x4: {  	s5 =	srdreg.scid;
	s17 =	simm.s32 $0x6980;
	s18 =	simm.s32 $0x80  }
0x5: {  	s19 =	simm.s32 $0x180;
	s20 =	simm.s32 $0x1;
	s21 =	simm.s32 $0x100  }
0x6: {  	s22 =	simm.s32 $0x0;
	[smem:$0x7FF] =	sst s3;
	s4 =	sadd.s32 $0x37400, s9  }
0x7: {  	s10 =	smul.u32 $0x14000, s2;
	s11 =	sand.u32 $0x1, s5;
	s5 =	sadd.s32 $0xAE600, s9  }
0x8: {  	s6 =	sadd.s32 $0x4C00, s9;
	s7 =	sadd.s32 $0x36E00, s9;
	s8 =	sadd.s32 $0x5E600, s9  }
0x9: {  	s15 =	smul.u32 $0x50000, s2;
	s29 =	sshll.u32 s2, $0x1;
	s31 =	sshll.u32 s2, $0x6  }
0xa: {  	_ =	strace $0x8000004D;
	s12 =	smul.u32 $0x140000, s11;
	s28 =	ssub.s32 $0x2, s11  }
0xb: {  	s11 =	sor.u32 s11, s29;
	s13 =	sshrl.u32 s10, $0x3;
	s14 =	sshrl.u32 s28, $0x1  }
0xc: {  	s30 =	sshrl.u32 s15, $0x2;
	s11 =	smul.u32 $0x51, s11;
	s10 =	sadd.s32 s10, s12  }
0xd: {  	s13 =	sadd.s32 s13, s9;
	s14 =	ssub.s32 s28, s14;
	s10 =	sshrl.u32 s10, $0x3  }
0xe: {  	s15 =	sadd.s32 s30, s1;
	s16 =	sadd.s32 s10, s9;
	s9 =	sadd.s32 $0xEE00, s13  }
0xf: {  	s10 =	sor.u32 $0x1C02, s31;
	s13 =	smax.u32 s14, $0x1;
	s14 =	sshrl.u32 s15, $0x3  }
0x10: {  	s15 =	simm.s32 $0x2;
	s12 =	sadd.s32 $0xB8800, s16;
	s16 =	simm.s32 $0x4180  }
.LBB2_1:
0x11: {  	[spmem:s14], [sflag:s10] =	dma.local [hbm:s9], $0x2800  }
0x12: {  	_ =	swait.ge [sflag:s15], $0x2800  }
0x13: {  	[sflag:s15] =	ssyncset.done $0x0  }
0x14: {  	[sflag:s15] =	ssyncadd.s32 $0xFFFFD800  }
0x15: {  	[tilespmem:s16], [sflag:$0x2] =	stream.linear.gather [hbm4b:s7+s3], $0x2800, $0x38;
	[tilespmem:$0x1D180] =	vst v63  }
0x16: {  	_ =	swait.ge [sflag:s15], $0x2800  }
0x17: {  	[sflag:s15] =	ssyncset.done $0x0  }
0x18: {  	[sflag:s15] =	ssyncadd.s32 $0xFFFFD800  }
0x19: {  	[tilespmem:s17], [sflag:$0x2] =	stream.linear.gather [hbm4b:s8+s3], $0x2710, $0x38;
	[tilespmem:$0x1D180] =	vst v63  }
0x1a: {  	_ =	swait.ge [sflag:s15], $0x2710  }
0x1b: {  	[sflag:s15] =	ssyncset.done $0x0  }
0x1c: {  	[sflag:s15] =	ssyncadd.s32 $0xFFFFD8F0  }
0x1d: {  	s23 =	simm.s32 $0x0;
	[bflag:$0x0] =	sbarrier.arrive $0xFFFF  }
.LBB2_2:
0x1e: {  	s24 =	sadd.s32 s11, s23  }
0x1f: {  	s24 =	sshll.u32 s24, $0x4  }
0x20: {  	s25 =	simm.s32 $0x0;
	s26 =	sadd.s32 s5, s24  }
0x21: {  	[tilespmem:s25], [sflag:$0x2] =	stream.linear.gather [hbm4b:s26+s25], $0x80, $0x38;
	[tilespmem:$0x1D180] =	vst v63  }
0x22: {  	_ =	swait.ge [sflag:s15], $0x80  }
0x23: {  	[sflag:s15] =	ssyncset.done $0x0  }
0x24: {  	s24 =	sadd.s32 s6, s24;
	[sflag:s15] =	ssyncadd.s32 $0xFFFFFF80  }
0x25: {  	[tilespmem:s18], [sflag:$0x2] =	stream.linear.gather [hbm4b:s24+s25], $0x80, $0x38;
	[tilespmem:$0x1D180] =	vst v63  }
0x26: {  	_ =	swait.ge [sflag:s15], $0x80  }
0x27: {  	[sflag:s15] =	ssyncset.done $0x0  }
0x28: {  	[sflag:s15] =	ssyncadd.s32 $0xFFFFFF80  }
0x29: {  	[tilespmem:s19], [sflag:$0x1] =	stream.indirect.gather [hbm4b:s4+s18], $0x80, s25, s18, $0xb8;
	[tilespmem:$0x1D180] =	vst v63  }
0x2a: {  	_ =	swait.ge [sflag:s20], $0x4000  }
0x2b: {  	[sflag:s20] =	ssyncset.done $0x0  }
0x2c: {  	[sflag:s20] =	ssyncadd.s32 $0xFFFFC000  }
0x2d: {  	v0 =	vld [tilespmem:$0x80]  }
0x2e: {  	v1 =	vld [tilespmem:$0x0];
	_ =	sdelay $0x6  }
0x2f: {  	v2 =	vld.idx.msk [tilespmem:v0+s16+$0x0], $0xffff  }
0x30: {  	v1 =	vld.idx.msk [tilespmem:v1+s16+$0x0], $0xffff  }
0x31: {  	v3 =	vld [tilespmem:$0x90]  }
0x32: {  	v0 =	vld.idx.msk [tilespmem:v0+s17+$0x0], $0xffff  }
0x33: {  	v4 =	vld [tilespmem:$0x10];
	_ =	sdelay $0x1  }
0x34: {  	v1 =	vmul.f32 v1, v2;
	_ =	sdelay $0x1  }
0x35: {  	v0 =	vadd.f32 v0, v1;
	_ =	sdelay $0x1  }
0x36: {  	[tilespmem:$0x100] =	vst v0  }
0x37: {  	v0 =	vld.idx.msk [tilespmem:v3+s16+$0x0], $0xffff  }
0x38: {  	v1 =	vld.idx.msk [tilespmem:v4+s16+$0x0], $0xffff  }
0x39: {  	v2 =	vld.idx.msk [tilespmem:v3+s17+$0x0], $0xffff  }
0x3a: {  	v3 =	vld [tilespmem:$0xA0]  }
0x3b: {  	v4 =	vld [tilespmem:$0x20];
	_ =	sdelay $0x1  }
0x3c: {  	v0 =	vmul.f32 v1, v0;
	_ =	sdelay $0x1  }
0x3d: {  	v0 =	vadd.f32 v2, v0;
	_ =	sdelay $0x1  }
0x3e: {  	[tilespmem:$0x110] =	vst v0  }
0x3f: {  	v0 =	vld.idx.msk [tilespmem:v3+s16+$0x0], $0xffff  }
0x40: {  	v1 =	vld.idx.msk [tilespmem:v4+s16+$0x0], $0xffff  }
0x41: {  	v2 =	vld.idx.msk [tilespmem:v3+s17+$0x0], $0xffff  }
0x42: {  	v3 =	vld [tilespmem:$0xB0]  }
0x43: {  	v4 =	vld [tilespmem:$0x30];
	_ =	sdelay $0x1  }
0x44: {  	v0 =	vmul.f32 v1, v0;
	_ =	sdelay $0x1  }
0x45: {  	v0 =	vadd.f32 v2, v0;
	_ =	sdelay $0x1  }
0x46: {  	[tilespmem:$0x120] =	vst v0  }
0x47: {  	v0 =	vld.idx.msk [tilespmem:v3+s16+$0x0], $0xffff  }
0x48: {  	v1 =	vld.idx.msk [tilespmem:v4+s16+$0x0], $0xffff  }
0x49: {  	v2 =	vld.idx.msk [tilespmem:v3+s17+$0x0], $0xffff  }
0x4a: {  	v3 =	vld [tilespmem:$0xC0]  }
0x4b: {  	v4 =	vld [tilespmem:$0x40];
	_ =	sdelay $0x1  }
0x4c: {  	v0 =	vmul.f32 v1, v0;
	_ =	sdelay $0x1  }
0x4d: {  	v0 =	vadd.f32 v2, v0;
	_ =	sdelay $0x1  }
0x4e: {  	[tilespmem:$0x130] =	vst v0  }
0x4f: {  	v0 =	vld.idx.msk [tilespmem:v3+s16+$0x0], $0xffff  }
0x50: {  	v1 =	vld.idx.msk [tilespmem:v4+s16+$0x0], $0xffff  }
0x51: {  	v2 =	vld.idx.msk [tilespmem:v3+s17+$0x0], $0xffff  }
0x52: {  	v3 =	vld [tilespmem:$0xD0]  }
0x53: {  	v4 =	vld [tilespmem:$0x50];
	_ =	sdelay $0x1  }
0x54: {  	v0 =	vmul.f32 v1, v0;
	_ =	sdelay $0x1  }
0x55: {  	v0 =	vadd.f32 v2, v0;
	_ =	sdelay $0x1  }
0x56: {  	[tilespmem:$0x140] =	vst v0  }
0x57: {  	v0 =	vld.idx.msk [tilespmem:v3+s16+$0x0], $0xffff  }
0x58: {  	v1 =	vld.idx.msk [tilespmem:v4+s16+$0x0], $0xffff  }
0x59: {  	v2 =	vld.idx.msk [tilespmem:v3+s17+$0x0], $0xffff  }
0x5a: {  	v3 =	vld [tilespmem:$0xE0]  }
0x5b: {  	v4 =	vld [tilespmem:$0x60];
	_ =	sdelay $0x1  }
0x5c: {  	v0 =	vmul.f32 v1, v0;
	_ =	sdelay $0x1  }
0x5d: {  	v0 =	vadd.f32 v2, v0;
	_ =	sdelay $0x1  }
0x5e: {  	[tilespmem:$0x150] =	vst v0  }
0x5f: {  	v0 =	vld.idx.msk [tilespmem:v3+s16+$0x0], $0xffff  }
0x60: {  	v1 =	vld.idx.msk [tilespmem:v4+s16+$0x0], $0xffff  }
0x61: {  	v2 =	vld.idx.msk [tilespmem:v3+s17+$0x0], $0xffff  }
0x62: {  	v3 =	vld [tilespmem:$0xF0]  }
0x63: {  	v4 =	vld [tilespmem:$0x70];
	_ =	sdelay $0x1  }
0x64: {  	v0 =	vmul.f32 v1, v0;
	_ =	sdelay $0x1  }
0x65: {  	v0 =	vadd.f32 v2, v0;
	_ =	sdelay $0x1  }
0x66: {  	[tilespmem:$0x160] =	vst v0  }
0x67: {  	v0 =	vld.idx.msk [tilespmem:v3+s16+$0x0], $0xffff  }
0x68: {  	v1 =	vld.idx.msk [tilespmem:v4+s16+$0x0], $0xffff;
	_ =	sdelay $0x1  }
0x69: {  	v2 =	vld.idx.msk [tilespmem:v3+s17+$0x0], $0xffff;
	_ =	sdelay $0x2  }
0x6a: {  	v0 =	vmul.f32 v1, v0;
	_ =	sdelay $0x1  }
0x6b: {  	v0 =	vadd.f32 v2, v0;
	_ =	sdelay $0x1  }
0x6c: {  	s24 =	simm.s32 $0x380;
	[tilespmem:$0x170] =	vst v0  }
0x6d: {  	v3 =	vmov s25;
	v9 =	vld [tilespmem:s24+$0x1F0]  }
0x6e: {  	v1 =	vor.u32 $0x1, v3;
	v6 =	vld [tilespmem:s24+$0x170]  }
0x6f: {  	v4 =	vor.u32 $0x2, v3;
	v10 =	vld [tilespmem:s24+$0xF0]  }
0x70: {  	v5 =	vor.u32 $0x3, v3;
	v11 =	vld [tilespmem:s24+$0x70]  }
0x71: {  	v7 =	vor.u32 $0x4, v3;
	v12 =	vld [tilespmem:s24+$0xFFFFFFF0]  }
0x72: {  	v8 =	vor.u32 $0x5, v3;
	v0 =	vld.idx.msk [tilespmem:v3+s21+$0x0], $0xffff  }
0x73: {  	v13 =	vor.u32 $0x6, v3;
	v2 =	vld.idx.msk [tilespmem:v1+s21+$0x0], $0xffff  }
0x74: {  	v14 =	vor.u32 $0x7, v3;
	v1 =	vld.idx.msk [tilespmem:v4+s21+$0x0], $0xffff  }
0x75: {  	v3 =	vld.idx.msk [tilespmem:v5+s21+$0x0], $0xffff  }
0x76: {  	v4 =	vld.idx.msk [tilespmem:v7+s21+$0x0], $0xffff  }
0x77: {  	v5 =	vld.idx.msk [tilespmem:v8+s21+$0x0], $0xffff  }
0x78: {  	v7 =	vld.idx.msk [tilespmem:v13+s21+$0x0], $0xffff  }
0x79: {  	v8 =	vld.idx.msk [tilespmem:v14+s21+$0x0], $0xffff  }
0x7a: {  	v51 =	vld [tilespmem:s24+$0xFFFFFEF0];
	v12 =	vmul.f32 v12, v3  }
0x7b: {  	v52 =	vld [tilespmem:s24+$0xFFFFFE70];
	v11 =	vmul.f32 v11, v4  }
0x7c: {  	v15 =	vld [tilespmem:s24+$0x1E0];
	v10 =	vmul.f32 v10, v5;
	[tilespmem:s24+$0xFFFFFFF0] =	vst v12  }
0x7d: {  	v16 =	vld [tilespmem:s24+$0xE0];
	v54 =	vmul.f32 v6, v7;
	[tilespmem:s24+$0x70] =	vst v11  }
0x7e: {  	v53 =	vld [tilespmem:s24+$0x160];
	v9 =	vmul.f32 v9, v8;
	[tilespmem:s24+$0xF0] =	vst v10  }
0x7f: {  	v55 =	vld [tilespmem:s24+$0x60];
	v13 =	vmul.f32 v51, v2;
	[tilespmem:s24+$0x170] =	vst v54  }
0x80: {  	v56 =	vld [tilespmem:s24+$0xFFFFFFE0];
	v14 =	vmul.f32 v52, v0;
	[tilespmem:s24+$0x1F0] =	vst v9  }
0x81: {  	v57 =	vld [tilespmem:s24+$0xFFFFFF60];
	v15 =	vmul.f32 v15, v8;
	[tilespmem:s24+$0xFFFFFEF0] =	vst v13  }
0x82: {  	v58 =	vld [tilespmem:s24+$0xFFFFFEE0];
	v16 =	vmul.f32 v16, v5;
	[tilespmem:s24+$0xFFFFFE70] =	vst v14  }
0x83: {  	v59 =	vld [tilespmem:s24+$0xFFFFFE60];
	v12 =	vmul.f32 v53, v7;
	[tilespmem:s24+$0x1E0] =	vst v15  }
0x84: {  	v60 =	vld [tilespmem:s24+$0x1D0];
	v10 =	vmul.f32 v55, v4;
	[tilespmem:s24+$0xE0] =	vst v16  }
0x85: {  	v62 =	vld [tilespmem:s24+$0xD0];
	v11 =	vmul.f32 v56, v3;
	[tilespmem:s24+$0x160] =	vst v12  }
0x86: {  	v61 =	vld [tilespmem:s24+$0x150];
	v9 =	vmul.f32 v57, v1;
	[tilespmem:s24+$0x60] =	vst v10  }
0x87: {  	v63 =	vld [tilespmem:s24+$0x50];
	v13 =	vmul.f32 v58, v2;
	[tilespmem:s24+$0xFFFFFFE0] =	vst v11  }
0x88: {  	v20 =	vld [tilespmem:s24+$0xFFFFFFD0];
	v14 =	vmul.f32 v59, v0;
	[tilespmem:s24+$0xFFFFFF60] =	vst v9  }
0x89: {  	v21 =	vld [tilespmem:s24+$0xFFFFFF50];
	v15 =	vmul.f32 v60, v8;
	[tilespmem:s24+$0xFFFFFEE0] =	vst v13  }
0x8a: {  	v22 =	vld [tilespmem:s24+$0xFFFFFED0];
	v16 =	vmul.f32 v62, v5;
	[tilespmem:s24+$0xFFFFFE60] =	vst v14  }
0x8b: {  	v23 =	vld [tilespmem:s24+$0xFFFFFE50];
	v12 =	vmul.f32 v61, v7;
	[tilespmem:s24+$0x1D0] =	vst v15  }
0x8c: {  	v24 =	vld [tilespmem:s24+$0x1C0];
	v10 =	vmul.f32 v63, v4;
	[tilespmem:s24+$0xD0] =	vst v16  }
0x8d: {  	v26 =	vld [tilespmem:s24+$0xC0];
	v11 =	vmul.f32 v20, v3;
	[tilespmem:s24+$0x150] =	vst v12  }
0x8e: {  	v25 =	vld [tilespmem:s24+$0x140];
	v9 =	vmul.f32 v21, v1;
	[tilespmem:s24+$0x50] =	vst v10  }
0x8f: {  	v27 =	vld [tilespmem:s24+$0x40];
	v13 =	vmul.f32 v22, v2;
	[tilespmem:s24+$0xFFFFFFD0] =	vst v11  }
0x90: {  	v28 =	vld [tilespmem:s24+$0xFFFFFFC0];
	v14 =	vmul.f32 v23, v0;
	[tilespmem:s24+$0xFFFFFF50] =	vst v9  }
0x91: {  	v29 =	vld [tilespmem:s24+$0xFFFFFF40];
	v15 =	vmul.f32 v24, v8;
	[tilespmem:s24+$0xFFFFFED0] =	vst v13  }
0x92: {  	v30 =	vld [tilespmem:s24+$0xFFFFFEC0];
	v16 =	vmul.f32 v26, v5;
	[tilespmem:s24+$0xFFFFFE50] =	vst v14  }
0x93: {  	v31 =	vld [tilespmem:s24+$0xFFFFFE40];
	v12 =	vmul.f32 v25, v7;
	[tilespmem:s24+$0x1C0] =	vst v15  }
0x94: {  	v32 =	vld [tilespmem:s24+$0x1B0];
	v10 =	vmul.f32 v27, v4;
	[tilespmem:s24+$0xC0] =	vst v16  }
0x95: {  	v34 =	vld [tilespmem:s24+$0xB0];
	v11 =	vmul.f32 v28, v3;
	[tilespmem:s24+$0x140] =	vst v12  }
0x96: {  	v33 =	vld [tilespmem:s24+$0x130];
	v9 =	vmul.f32 v29, v1;
	[tilespmem:s24+$0x40] =	vst v10  }
0x97: {  	v35 =	vld [tilespmem:s24+$0x30];
	v13 =	vmul.f32 v30, v2;
	[tilespmem:s24+$0xFFFFFFC0] =	vst v11  }
0x98: {  	v36 =	vld [tilespmem:s24+$0xFFFFFFB0];
	v14 =	vmul.f32 v31, v0;
	[tilespmem:s24+$0xFFFFFF40] =	vst v9  }
0x99: {  	v37 =	vld [tilespmem:s24+$0xFFFFFF30];
	v15 =	vmul.f32 v32, v8;
	[tilespmem:s24+$0xFFFFFEC0] =	vst v13  }
0x9a: {  	v38 =	vld [tilespmem:s24+$0xFFFFFEB0];
	v16 =	vmul.f32 v34, v5;
	[tilespmem:s24+$0xFFFFFE40] =	vst v14  }
0x9b: {  	v39 =	vld [tilespmem:s24+$0xFFFFFE30];
	v12 =	vmul.f32 v33, v7;
	[tilespmem:s24+$0x1B0] =	vst v15  }
0x9c: {  	v40 =	vld [tilespmem:s24+$0x1A0];
	v10 =	vmul.f32 v35, v4;
	[tilespmem:s24+$0xB0] =	vst v16  }
0x9d: {  	v42 =	vld [tilespmem:s24+$0xA0];
	v11 =	vmul.f32 v36, v3;
	[tilespmem:s24+$0x130] =	vst v12  }
0x9e: {  	v41 =	vld [tilespmem:s24+$0x120];
	v9 =	vmul.f32 v37, v1;
	[tilespmem:s24+$0x30] =	vst v10  }
0x9f: {  	v43 =	vld [tilespmem:s24+$0x20];
	v13 =	vmul.f32 v38, v2;
	[tilespmem:s24+$0xFFFFFFB0] =	vst v11  }
0xa0: {  	v44 =	vld [tilespmem:s24+$0xFFFFFFA0];
	v14 =	vmul.f32 v39, v0;
	[tilespmem:s24+$0xFFFFFF30] =	vst v9  }
0xa1: {  	v45 =	vld [tilespmem:s24+$0xFFFFFF20];
	v15 =	vmul.f32 v40, v8;
	[tilespmem:s24+$0xFFFFFEB0] =	vst v13  }
0xa2: {  	v46 =	vld [tilespmem:s24+$0xFFFFFEA0];
	v16 =	vmul.f32 v42, v5;
	[tilespmem:s24+$0xFFFFFE30] =	vst v14  }
0xa3: {  	v47 =	vld [tilespmem:s24+$0xFFFFFE20];
	v12 =	vmul.f32 v41, v7;
	[tilespmem:s24+$0x1A0] =	vst v15  }
0xa4: {  	v48 =	vld [tilespmem:s24+$0x190];
	v10 =	vmul.f32 v43, v4;
	[tilespmem:s24+$0xA0] =	vst v16  }
0xa5: {  	v50 =	vld [tilespmem:s24+$0x90];
	v11 =	vmul.f32 v44, v3;
	[tilespmem:s24+$0x120] =	vst v12  }
0xa6: {  	v56 =	vld [tilespmem:s24+$0x180];
	v9 =	vmul.f32 v45, v1;
	[tilespmem:s24+$0x20] =	vst v10  }
0xa7: {  	v58 =	vld [tilespmem:s24+$0x80];
	v13 =	vmul.f32 v46, v2;
	[tilespmem:s24+$0xFFFFFFA0] =	vst v11  }
0xa8: {  	v49 =	vld [tilespmem:s24+$0x110];
	v14 =	vmul.f32 v47, v0;
	[tilespmem:s24+$0xFFFFFF20] =	vst v9  }
0xa9: {  	v51 =	vld [tilespmem:s24+$0x10];
	v15 =	vmul.f32 v48, v8;
	[tilespmem:s24+$0xFFFFFEA0] =	vst v13  }
0xaa: {  	v52 =	vld [tilespmem:s24+$0xFFFFFF90];
	v16 =	vmul.f32 v50, v5;
	[tilespmem:s24+$0xFFFFFE20] =	vst v14  }
0xab: {  	v53 =	vld [tilespmem:s24+$0xFFFFFF10];
	v8 =	vmul.f32 v56, v8;
	[tilespmem:s24+$0x190] =	vst v15  }
0xac: {  	v54 =	vld [tilespmem:s24+$0xFFFFFE90];
	v5 =	vmul.f32 v58, v5;
	[tilespmem:s24+$0x90] =	vst v16  }
0xad: {  	v55 =	vld [tilespmem:s24+$0xFFFFFE10];
	v12 =	vmul.f32 v49, v7;
	[tilespmem:s24+$0x180] =	vst v8  }
0xae: {  	v57 =	vld [tilespmem:s24+$0x100];
	v10 =	vmul.f32 v51, v4;
	[tilespmem:s24+$0x80] =	vst v5  }
0xaf: {  	v59 =	vld [tilespmem:s24+$0x0];
	v11 =	vmul.f32 v52, v3;
	[tilespmem:s24+$0x110] =	vst v12  }
0xb0: {  	v60 =	vld [tilespmem:s24+$0xFFFFFF80];
	v9 =	vmul.f32 v53, v1;
	[tilespmem:s24+$0x10] =	vst v10  }
0xb1: {  	v61 =	vld [tilespmem:s24+$0xFFFFFF00];
	v13 =	vmul.f32 v54, v2;
	[tilespmem:s24+$0xFFFFFF90] =	vst v11  }
0xb2: {  	v62 =	vld [tilespmem:s24+$0xFFFFFE80];
	v14 =	vmul.f32 v55, v0;
	[tilespmem:s24+$0xFFFFFF10] =	vst v9  }
0xb3: {  	v63 =	vld [tilespmem:s24+$0xFFFFFE00];
	v7 =	vmul.f32 v57, v7;
	[tilespmem:s24+$0xFFFFFE90] =	vst v13  }
0xb4: {  	v6 =	vld [tilespmem:s24+$0xFFFFFF70];
	v4 =	vmul.f32 v59, v4;
	[tilespmem:s24+$0xFFFFFE10] =	vst v14  }
0xb5: {  	v3 =	vmul.f32 v60, v3;
	[tilespmem:s24+$0x100] =	vst v7  }
0xb6: {  	v5 =	vmul.f32 v61, v1;
	[tilespmem:s24+$0x0] =	vst v4  }
0xb7: {  	v2 =	vmul.f32 v62, v2;
	[tilespmem:s24+$0xFFFFFF80] =	vst v3  }
0xb8: {  	v0 =	vmul.f32 v63, v0;
	[tilespmem:s24+$0xFFFFFF00] =	vst v5  }
0xb9: {  	s26 =	simm.s32 $0x780;
	s25 =	simm.s32 $0x8;
	v3 =	vmul.f32 v6, v1;
	[tilespmem:s24+$0xFFFFFE80] =	vst v2  }
.LBB2_3:
0xba: {  	v4 =	vmov s25;
	v9 =	vld [tilespmem:s26+$0x1F0];
	p0 =	sne.s32 s25, $0x78;
	s25 =	sadd.s32 $0x8, s25;
	[tilespmem:s24+$0xFFFFFE00] =	vst v0  }
0xbb: {  	v1 =	vor.u32 $0x1, v4;
	v10 =	vld [tilespmem:s26+$0x170];
	[tilespmem:s24+$0xFFFFFF70] =	vst v3;
	s24 =	smov.u32 s26  }
0xbc: {  	v2 =	vor.u32 $0x2, v4;
	v3 =	vld [tilespmem:s26+$0xF0]  }
0xbd: {  	v5 =	vor.u32 $0x3, v4;
	v11 =	vld [tilespmem:s26+$0x70]  }
0xbe: {  	v6 =	vor.u32 $0x4, v4;
	v12 =	vld [tilespmem:s26+$0xFFFFFFF0]  }
0xbf: {  	v7 =	vor.u32 $0x5, v4;
	v0 =	vld.idx.msk [tilespmem:v4+s21+$0x0], $0xffff  }
0xc0: {  	v8 =	vor.u32 $0x6, v4;
	v1 =	vld.idx.msk [tilespmem:v1+s21+$0x0], $0xffff  }
0xc1: {  	v13 =	vor.u32 $0x7, v4;
	v2 =	vld.idx.msk [tilespmem:v2+s21+$0x0], $0xffff  }
0xc2: {  	v4 =	vld.idx.msk [tilespmem:v5+s21+$0x0], $0xffff  }
0xc3: {  	v5 =	vld.idx.msk [tilespmem:v6+s21+$0x0], $0xffff  }
0xc4: {  	v6 =	vld.idx.msk [tilespmem:v7+s21+$0x0], $0xffff  }
0xc5: {  	v7 =	vld.idx.msk [tilespmem:v8+s21+$0x0], $0xffff  }
0xc6: {  	v8 =	vld.idx.msk [tilespmem:v13+s21+$0x0], $0xffff  }
0xc7: {  	v13 =	vld [tilespmem:s26+$0xFFFFFF70]  }
0xc8: {  	v12 =	vmul.f32 v12, v4;
	v14 =	vld [tilespmem:s26+$0xFFFFFEF0]  }
0xc9: {  	v11 =	vmul.f32 v11, v5;
	v15 =	vld [tilespmem:s26+$0xFFFFFE70]  }
0xca: {  	v16 =	vld [tilespmem:s26+$0x1E0];
	[tilespmem:s26+$0xFFFFFFF0] =	vst v12;
	v12 =	vmul.f32 v3, v6  }
0xcb: {  	v10 =	vmul.f32 v10, v7;
	v17 =	vld [tilespmem:s26+$0x160];
	[tilespmem:s26+$0x70] =	vst v11  }
0xcc: {  	v9 =	vmul.f32 v9, v8;
	v11 =	vld [tilespmem:s26+$0xE0];
	v3 =	vmul.f32 v13, v2;
	[tilespmem:s26+$0xF0] =	vst v12  }
0xcd: {  	v12 =	vld [tilespmem:s26+$0x60];
	v13 =	vmul.f32 v14, v1;
	[tilespmem:s26+$0x170] =	vst v10  }
0xce: {  	v10 =	vld [tilespmem:s26+$0xFFFFFFE0];
	v14 =	vmul.f32 v15, v0;
	[tilespmem:s26+$0x1F0] =	vst v9  }
0xcf: {  	v9 =	vld [tilespmem:s26+$0xFFFFFF60];
	v15 =	vmul.f32 v16, v8;
	[tilespmem:s26+$0xFFFFFEF0] =	vst v13  }
0xd0: {  	v13 =	vld [tilespmem:s26+$0xFFFFFEE0];
	v16 =	vmul.f32 v17, v7;
	[tilespmem:s26+$0xFFFFFE70] =	vst v14  }
0xd1: {  	v14 =	vld [tilespmem:s26+$0xFFFFFE60];
	v11 =	vmul.f32 v11, v6;
	[tilespmem:s26+$0x1E0] =	vst v15  }
0xd2: {  	v15 =	vld [tilespmem:s26+$0x1D0];
	v12 =	vmul.f32 v12, v5;
	[tilespmem:s26+$0x160] =	vst v16  }
0xd3: {  	v16 =	vld [tilespmem:s26+$0x150];
	v10 =	vmul.f32 v10, v4;
	[tilespmem:s26+$0xE0] =	vst v11  }
0xd4: {  	v11 =	vld [tilespmem:s26+$0xD0];
	v9 =	vmul.f32 v9, v2;
	[tilespmem:s26+$0x60] =	vst v12  }
0xd5: {  	v12 =	vld [tilespmem:s26+$0x50];
	v13 =	vmul.f32 v13, v1;
	[tilespmem:s26+$0xFFFFFFE0] =	vst v10  }
0xd6: {  	v10 =	vld [tilespmem:s26+$0xFFFFFFD0];
	v14 =	vmul.f32 v14, v0;
	[tilespmem:s26+$0xFFFFFF60] =	vst v9  }
0xd7: {  	v9 =	vld [tilespmem:s26+$0xFFFFFF50];
	v15 =	vmul.f32 v15, v8;
	[tilespmem:s26+$0xFFFFFEE0] =	vst v13  }
0xd8: {  	v13 =	vld [tilespmem:s26+$0xFFFFFED0];
	v16 =	vmul.f32 v16, v7;
	[tilespmem:s26+$0xFFFFFE60] =	vst v14  }
0xd9: {  	v14 =	vld [tilespmem:s26+$0xFFFFFE50];
	v11 =	vmul.f32 v11, v6;
	[tilespmem:s26+$0x1D0] =	vst v15  }
0xda: {  	v15 =	vld [tilespmem:s26+$0x1C0];
	v12 =	vmul.f32 v12, v5;
	[tilespmem:s26+$0x150] =	vst v16  }
0xdb: {  	v16 =	vld [tilespmem:s26+$0x140];
	v10 =	vmul.f32 v10, v4;
	[tilespmem:s26+$0xD0] =	vst v11  }
0xdc: {  	v11 =	vld [tilespmem:s26+$0xC0];
	v9 =	vmul.f32 v9, v2;
	[tilespmem:s26+$0x50] =	vst v12  }
0xdd: {  	v12 =	vld [tilespmem:s26+$0x40];
	v13 =	vmul.f32 v13, v1;
	[tilespmem:s26+$0xFFFFFFD0] =	vst v10  }
0xde: {  	v10 =	vld [tilespmem:s26+$0xFFFFFFC0];
	v14 =	vmul.f32 v14, v0;
	[tilespmem:s26+$0xFFFFFF50] =	vst v9  }
0xdf: {  	v9 =	vld [tilespmem:s26+$0xFFFFFF40];
	v15 =	vmul.f32 v15, v8;
	[tilespmem:s26+$0xFFFFFED0] =	vst v13  }
0xe0: {  	v13 =	vld [tilespmem:s26+$0xFFFFFEC0];
	v16 =	vmul.f32 v16, v7;
	[tilespmem:s26+$0xFFFFFE50] =	vst v14  }
0xe1: {  	v14 =	vld [tilespmem:s26+$0xFFFFFE40];
	v11 =	vmul.f32 v11, v6;
	[tilespmem:s26+$0x1C0] =	vst v15  }
0xe2: {  	v15 =	vld [tilespmem:s26+$0x1B0];
	v12 =	vmul.f32 v12, v5;
	[tilespmem:s26+$0x140] =	vst v16  }
0xe3: {  	v16 =	vld [tilespmem:s26+$0x130];
	v10 =	vmul.f32 v10, v4;
	[tilespmem:s26+$0xC0] =	vst v11  }
0xe4: {  	v11 =	vld [tilespmem:s26+$0xB0];
	v9 =	vmul.f32 v9, v2;
	[tilespmem:s26+$0x40] =	vst v12  }
0xe5: {  	v12 =	vld [tilespmem:s26+$0x30];
	v13 =	vmul.f32 v13, v1;
	[tilespmem:s26+$0xFFFFFFC0] =	vst v10  }
0xe6: {  	v10 =	vld [tilespmem:s26+$0xFFFFFFB0];
	v14 =	vmul.f32 v14, v0;
	[tilespmem:s26+$0xFFFFFF40] =	vst v9  }
0xe7: {  	v9 =	vld [tilespmem:s26+$0xFFFFFF30];
	v15 =	vmul.f32 v15, v8;
	[tilespmem:s26+$0xFFFFFEC0] =	vst v13  }
0xe8: {  	v13 =	vld [tilespmem:s26+$0xFFFFFEB0];
	v16 =	vmul.f32 v16, v7;
	[tilespmem:s26+$0xFFFFFE40] =	vst v14  }
0xe9: {  	v14 =	vld [tilespmem:s26+$0xFFFFFE30];
	v11 =	vmul.f32 v11, v6;
	[tilespmem:s26+$0x1B0] =	vst v15  }
0xea: {  	v15 =	vld [tilespmem:s26+$0x1A0];
	v12 =	vmul.f32 v12, v5;
	[tilespmem:s26+$0x130] =	vst v16  }
0xeb: {  	v16 =	vld [tilespmem:s26+$0x120];
	v10 =	vmul.f32 v10, v4;
	[tilespmem:s26+$0xB0] =	vst v11  }
0xec: {  	v11 =	vld [tilespmem:s26+$0xA0];
	v9 =	vmul.f32 v9, v2;
	[tilespmem:s26+$0x30] =	vst v12  }
0xed: {  	v12 =	vld [tilespmem:s26+$0x20];
	v13 =	vmul.f32 v13, v1;
	[tilespmem:s26+$0xFFFFFFB0] =	vst v10  }
0xee: {  	v10 =	vld [tilespmem:s26+$0xFFFFFFA0];
	v14 =	vmul.f32 v14, v0;
	[tilespmem:s26+$0xFFFFFF30] =	vst v9  }
0xef: {  	v9 =	vld [tilespmem:s26+$0xFFFFFF20];
	v15 =	vmul.f32 v15, v8;
	[tilespmem:s26+$0xFFFFFEB0] =	vst v13  }
0xf0: {  	v13 =	vld [tilespmem:s26+$0xFFFFFEA0];
	v16 =	vmul.f32 v16, v7;
	[tilespmem:s26+$0xFFFFFE30] =	vst v14  }
0xf1: {  	v14 =	vld [tilespmem:s26+$0xFFFFFE20];
	v11 =	vmul.f32 v11, v6;
	[tilespmem:s26+$0x1A0] =	vst v15  }
0xf2: {  	v15 =	vld [tilespmem:s26+$0x190];
	v12 =	vmul.f32 v12, v5;
	[tilespmem:s26+$0x120] =	vst v16  }
0xf3: {  	v16 =	vld [tilespmem:s26+$0x110];
	v10 =	vmul.f32 v10, v4;
	[tilespmem:s26+$0xA0] =	vst v11  }
0xf4: {  	v11 =	vld [tilespmem:s26+$0x90];
	v9 =	vmul.f32 v9, v2;
	[tilespmem:s26+$0x20] =	vst v12  }
0xf5: {  	v12 =	vld [tilespmem:s26+$0x10];
	v13 =	vmul.f32 v13, v1;
	[tilespmem:s26+$0xFFFFFFA0] =	vst v10  }
0xf6: {  	v10 =	vld [tilespmem:s26+$0xFFFFFF90];
	v14 =	vmul.f32 v14, v0;
	[tilespmem:s26+$0xFFFFFF20] =	vst v9  }
0xf7: {  	v9 =	vld [tilespmem:s26+$0xFFFFFF10];
	v15 =	vmul.f32 v15, v8;
	[tilespmem:s26+$0xFFFFFEA0] =	vst v13  }
0xf8: {  	v13 =	vld [tilespmem:s26+$0xFFFFFE90];
	v16 =	vmul.f32 v16, v7;
	[tilespmem:s26+$0xFFFFFE20] =	vst v14  }
0xf9: {  	v14 =	vld [tilespmem:s26+$0xFFFFFE10];
	v11 =	vmul.f32 v11, v6;
	[tilespmem:s26+$0x190] =	vst v15  }
0xfa: {  	v15 =	vld [tilespmem:s26+$0x180];
	v12 =	vmul.f32 v12, v5;
	[tilespmem:s26+$0x110] =	vst v16  }
0xfb: {  	v16 =	vld [tilespmem:s26+$0x100];
	v10 =	vmul.f32 v10, v4;
	[tilespmem:s26+$0x90] =	vst v11  }
0xfc: {  	v11 =	vld [tilespmem:s26+$0x80];
	v9 =	vmul.f32 v9, v2;
	[tilespmem:s26+$0x10] =	vst v12  }
0xfd: {  	v12 =	vld [tilespmem:s26+$0x0];
	v13 =	vmul.f32 v13, v1;
	[tilespmem:s26+$0xFFFFFF90] =	vst v10  }
0xfe: {  	v10 =	vld [tilespmem:s26+$0xFFFFFF80];
	v14 =	vmul.f32 v14, v0;
	[tilespmem:s26+$0xFFFFFF10] =	vst v9  }
0xff: {  	v9 =	vld [tilespmem:s26+$0xFFFFFF00];
	v8 =	vmul.f32 v15, v8;
	[tilespmem:s26+$0xFFFFFE90] =	vst v13  }
0x100: {  	v13 =	vld [tilespmem:s26+$0xFFFFFE80];
	v7 =	vmul.f32 v16, v7;
	[tilespmem:s26+$0xFFFFFE10] =	vst v14  }
0x101: {  	v14 =	vld [tilespmem:s26+$0xFFFFFE00];
	v6 =	vmul.f32 v11, v6;
	[tilespmem:s26+$0x180] =	vst v8  }
0x102: {  	v5 =	vmul.f32 v12, v5;
	[tilespmem:s26+$0x100] =	vst v7  }
.Ltmp0:
0x103: {  	v4 =	vmul.f32 v10, v4;
	[tilespmem:s26+$0x80] =	vst v6;
	(pc) =	sbr.rel @p0 .LBB2_3-.Ltmp0, $4  }
0x104: {  	v2 =	vmul.f32 v9, v2;
	[tilespmem:s26+$0x0] =	vst v5  }
0x105: {  	v1 =	vmul.f32 v13, v1;
	[tilespmem:s26+$0xFFFFFF80] =	vst v4  }
0x106: {  	v0 =	vmul.f32 v14, v0;
	[tilespmem:s26+$0xFFFFFF00] =	vst v2  }
0x107: {  	s26 =	sadd.s32 $0x400, s26;
	[tilespmem:s24+$0xFFFFFE80] =	vst v1  }
0x108: {  	s23 =	sadd.s32 $0x1, s23  }
0x109: {  	[tilespmem:s24+$0xFFFFFE00] =	vst v0;
	p0 =	sne.s32 s23, $0x51  }
.Ltmp1:
0x10a: {  	[tilespmem:s24+$0xFFFFFF70] =	vst v3;
	(pc) =	sbr.rel @p0 .LBB2_2-.Ltmp1, $4  }
0x10b: {  	[spmem:s1] =	stream.indirect.scatter.add.f32 [tilespmem:s19], [sflag:$0x2], $0x80, s18, s18, $0xb8;
	[tilespmem:$0x1D180] =	vst v63  }
0x10c: {  	_ =	swait.ge [sflag:s15], $0x4000  }
0x10d: {  	[sflag:s15] =	ssyncset.done $0x0  }
0x10e: {  	[sflag:s15] =	ssyncadd.s32 $0xFFFFC000  }
0x10f: {  	s22 =	sadd.s32 $0x1, s22  }
0x110: {  	p0 =	sne.s32 s22, s13  }
.Ltmp2:
0x111: {  	[bflag:$0x0] =	sbarrier.arrive $0xFFFF;
	(pc) =	sbr.rel @p0 .LBB2_1-.Ltmp2, $4  }
0x112: {  	[hbm:s12], [sflag:s10] =	dma.local [spmem:s14], $0x2800  }
0x113: {  	_ =	swait.ge [sflag:s15], $0x2800  }
0x114: {  	[sflag:s15] =	ssyncset.done $0x0  }
0x115: {  	[sflag:s15] =	ssyncadd.s32 $0xFFFFD800  }
0x116: {  	_ =	sfence.sel $0x180000  }
0x117: {  	[bflag:$0x0] =	sbarrier.arrive $0xFFFF  }
0x118: {  	p0 =	sne.s32 s2, $0x0;
	_ =	strace $0x9000004D  }
0x119: {  	s0 =	sadd.s32 @!p0 $0x100000, s0;
	[bflag:$0x2] =	sbarrier.arrive $0xFFFF  }
0x11a: {  	[sflag:s0] =	ssyncadd.tile.s32 @!p0 $0x1;
	_ =	shalt  }
.Lfunc_end2:
_tile_overlayer_lowered:
.L_overlay_start_2:
0x11b: {  	(tag) =	ssettag $0x2  }
0x11c: {  	s0 =	rddreg [dreg:$0x0];
	s2 =	stileid.u32  }
0x11d: {  	s1 =	rddreg [dreg:$0x1];
	p0 =	sne.s32 s2, $0x0  }
0x11e: {  	s3 =	rddreg [dreg:$0x2];
	[bflag:$0x3] =	sbarrier.arrive $0xFFFF;
	s2 =	simm.s32 @!p0 $0x1C02  }
0x11f: {  	[timem:s3], [sflag:s2] =	dma.local @!p0 [hbm:s0], s1  }
0x120: {  	s0 =	simm.s32 @!p0 $0x2  }
0x121: {  	_ =	swait.ge @!p0 [sflag:s0], s1  }
0x122: {  	s1 =	ssub.s32 @!p0 $0x0, s1;
	[sflag:s0] =	ssyncset.done @!p0 $0x0  }
0x123: {  	[sflag:s0] =	ssyncadd.s32 @!p0 s1  }
0x124: {  	[bflag:$0x3] =	sbarrier.arrive $0xFFFF  }
0x125: {  	_ =	shalt  }

</sc_bundles>
